<compile_context>
chip_gen: v7x
topology: tpu7x:2x2x1
jax: 0.10.2.dev20260603
libtpu: 0.0.44.dev20260713+nightly
codegen_flags: <defaults>
</compile_context>

<pallas_src>
import functools

import jax
import jax.numpy as jnp
import numpy as np
from jax import lax
from jax.experimental import pallas as pl
from jax.experimental.pallas import tpu as pltpu
from jax.experimental.pallas import tpu_sc as plsc

N = 10000
NPAD = 10112
NC = 2
NS = 16
LG = 128
NW = NC * NS
E_TOT = 320000 + N
NR = -(-E_TOT // (NW * LG))
NR = NR + (NR % 2)
E_PAD = NW * NR * LG

BM = 1000



def _sc_degree(dst_r, zeros16, ones16):
    mesh = plsc.VectorSubcoreMesh(core_axis_name="c", subcore_axis_name="s")

    @functools.partial(
        pl.kernel,
        out_type=jax.ShapeDtypeStruct((NC, NPAD, 16), jnp.float32),
        mesh=mesh,
        scratch_types=[
            pltpu.VMEM((NR, 128), jnp.int32),
            pltpu.VMEM((128, 16), jnp.float32),
            pltpu.VMEM_SHARED((NPAD, 16), jnp.float32),
        ],
    )
    def k(dst_hbm, zero_hbm, ones_hbm, out_hbm, dst_v, ones_v, acc):
        c = lax.axis_index("c")
        s = lax.axis_index("s")
        wid = c * NS + s
        pltpu.sync_copy(dst_hbm.at[wid], dst_v)
        pltpu.sync_copy(ones_hbm, ones_v)
        rz = NPAD // NS
        pltpu.sync_copy(zero_hbm.at[pl.ds(s * rz, rz)], acc.at[pl.ds(s * rz, rz)])
        plsc.subcore_barrier()

        @pl.loop(0, NR)
        def _(r):
            pltpu.sync_copy(ones_v, acc.at[dst_v.at[r]], add=True)

        plsc.subcore_barrier()
        pltpu.sync_copy(acc.at[pl.ds(s * rz, rz)],
                        out_hbm.at[c, pl.ds(s * rz, rz)])

    return k(dst_r, zeros16, ones16)


_SC_KERNEL_CACHE = {}


def _sc_aggregate(xs, idx_p, zeros, feat, feat_out=None):
    fo = feat if feat_out is None else feat_out
    if (feat, fo) in _SC_KERNEL_CACHE:
        return _SC_KERNEL_CACHE[(feat, fo)](xs, idx_p, zeros)

    mesh = plsc.VectorSubcoreMesh(core_axis_name="c", subcore_axis_name="s")

    @functools.partial(
        pl.kernel,
        out_type=jax.ShapeDtypeStruct((NC, NPAD, fo), jnp.float32),
        mesh=mesh,
        scratch_types=[
            pltpu.VMEM((NR, 128), jnp.int32),
            pltpu.VMEM((1, 128), jnp.int32),
            pltpu.VMEM((1, 128), jnp.int32),
            pltpu.VMEM((1, 128), jnp.int32),
            pltpu.VMEM((1, 128), jnp.int32),
            pltpu.VMEM((LG, feat), jnp.float32),
            pltpu.VMEM((LG, feat), jnp.float32),
            pltpu.VMEM_SHARED((NPAD, fo), jnp.float32),
            pltpu.SemaphoreType.DMA,
            pltpu.SemaphoreType.DMA,
        ],
    )
    def k(xs_hbm, idx_hbm, zero_hbm, out_hbm,
          idx_v, sia, sib, dia, dib, buf_a, buf_b, acc,
          sem_a, sem_b):
        c = lax.axis_index("c")
        s = lax.axis_index("s")
        wid = c * NS + s
        pltpu.sync_copy(idx_hbm.at[wid], idx_v)
        rz = NPAD // NS
        pltpu.sync_copy(zero_hbm.at[pl.ds(s * rz, rz)], acc.at[pl.ds(s * rz, rz)])
        plsc.subcore_barrier()

        def unpack(r, si, di):
            for l in range(8):
                w = idx_v[r, pl.ds(l * 16, 16)]
                si[0, pl.ds(l * 16, 16)] = w & 0xFFFF
                di[0, pl.ds(l * 16, 16)] = lax.shift_right_logical(w, 16)

        def start(si, buf, sem):
            pltpu.async_copy(xs_hbm.at[si.at[0]], buf, sem)

        def wait(buf, sem):
            pltpu.make_async_copy(xs_hbm.at[pl.ds(0, LG)], buf, sem).wait()

        def scat(di, buf):
            src = buf if fo == feat else buf.at[:, pl.ds(0, fo)]
            pltpu.sync_copy(src, acc.at[di.at[0]], add=True)

        unpack(0, sia, dia)
        start(sia, buf_a, sem_a)

        @pl.loop(0, NR, step=2)
        def _(r):
            unpack(r + 1, sib, dib)
            start(sib, buf_b, sem_b)
            wait(buf_a, sem_a)
            scat(dia, buf_a)

            @pl.when(r + 2 < NR)
            def _():
                unpack(r + 2, sia, dia)
                start(sia, buf_a, sem_a)

            wait(buf_b, sem_b)
            scat(dib, buf_b)

        plsc.subcore_barrier()
        pltpu.sync_copy(acc.at[pl.ds(s * rz, rz)],
                        out_hbm.at[c, pl.ds(s * rz, rz)])

    _SC_KERNEL_CACHE[(feat, fo)] = k
    return k(xs, idx_p, zeros)



def _tc_prescale(degp, x):
    def body(degp_ref, x_ref, dinv_ref, xs_ref):
        d = degp_ref[0] + degp_ref[1]
        dinv = lax.rsqrt(d[:, 0:1])
        dinv_ref[...] = jnp.broadcast_to(dinv, (BM, 128))
        xs_ref[...] = x_ref[...] * dinv

    return pl.pallas_call(
        body,
        grid=(N // BM,),
        in_specs=[pl.BlockSpec((NC, BM, 16), lambda i: (0, i, 0)),
                  pl.BlockSpec((BM, 128), lambda i: (i, 0))],
        out_specs=[pl.BlockSpec((BM, 128), lambda i: (i, 0)),
                   pl.BlockSpec((BM, 128), lambda i: (i, 0))],
        out_shape=[jax.ShapeDtypeStruct((N, 128), jnp.float32),
                   jax.ShapeDtypeStruct((N, 128), jnp.float32)],
    )(degp, x)


def _mm(a, w):
    return lax.dot_general(a, w, (((1,), (0,)), ((), ())),
                           preferred_element_type=jnp.float32)


def _tc_layer1(p, dinv, W1, b1, W2):
    def body(p_ref, dinv_ref, w1_ref, b1_ref, w2_ref, o_ref):
        dv = dinv_ref[...]
        t = (p_ref[0] + p_ref[1]) * dv
        h = jnp.maximum(_mm(t, w1_ref[...]) + b1_ref[...], 0.0)
        o_ref[...] = _mm(h, w2_ref[...]) * dv

    return pl.pallas_call(
        body,
        grid=(N // BM,),
        in_specs=[pl.BlockSpec((NC, BM, 128), lambda i: (0, i, 0)),
                  pl.BlockSpec((BM, 128), lambda i: (i, 0)),
                  pl.BlockSpec((128, 256), lambda i: (0, 0)),
                  pl.BlockSpec((1, 256), lambda i: (0, 0)),
                  pl.BlockSpec((256, 128), lambda i: (0, 0))],
        out_specs=pl.BlockSpec((BM, 128), lambda i: (i, 0)),
        out_shape=jax.ShapeDtypeStruct((N, 128), jnp.float32),
    )(p, dinv, W1, b1, W2)


def _tc_layer2(p, dinv, b2, W3p):
    def body(p_ref, dinv_ref, b2_ref, w3_ref, o_ref):
        dv = dinv_ref[...]
        h = jnp.maximum((p_ref[0] + p_ref[1]) * dv + b2_ref[...], 0.0)
        o_ref[...] = _mm(h, w3_ref[...]) * dv

    return pl.pallas_call(
        body,
        grid=(N // BM,),
        in_specs=[pl.BlockSpec((NC, BM, 128), lambda i: (0, i, 0)),
                  pl.BlockSpec((BM, 128), lambda i: (i, 0)),
                  pl.BlockSpec((1, 128), lambda i: (0, 0)),
                  pl.BlockSpec((128, 128), lambda i: (0, 0))],
        out_specs=pl.BlockSpec((BM, 128), lambda i: (i, 0)),
        out_shape=jax.ShapeDtypeStruct((N, 128), jnp.float32),
    )(p, dinv, b2, W3p)


def _tc_layer3(p, dinv, b3):
    def body(p_ref, dinv_ref, b3_ref, o_ref):
        t = ((p_ref[0] + p_ref[1]) * dinv_ref[...])[:, 0:64] + b3_ref[...]
        m = jnp.max(t, axis=1, keepdims=True)
        e = jnp.exp(t - m)
        o_ref[...] = t - m - jnp.log(jnp.sum(e, axis=1, keepdims=True))

    return pl.pallas_call(
        body,
        grid=(N // BM,),
        in_specs=[pl.BlockSpec((NC, BM, 128), lambda i: (0, i, 0)),
                  pl.BlockSpec((BM, 128), lambda i: (i, 0)),
                  pl.BlockSpec((1, 64), lambda i: (0, 0))],
        out_specs=pl.BlockSpec((BM, 64), lambda i: (i, 0)),
        out_shape=jax.ShapeDtypeStruct((N, 64), jnp.float32),
    )(p, dinv, b3)



def kernel(x, edge_index, W1, b1, W2, b2, W3, b3):
    ei = edge_index.astype(jnp.int32)
    pad = E_PAD - E_TOT
    loop = np.arange(N, dtype=np.int32)
    pad_src = np.arange(pad, dtype=np.int32) * 997 % N
    pad_dst = N + np.arange(pad, dtype=np.int32) % (NPAD - N)
    src = jnp.concatenate([ei[0], jnp.asarray(np.concatenate([loop, pad_src]))])
    dst = jnp.concatenate([ei[1], jnp.asarray(np.concatenate([loop, pad_dst]))])
    idx_p = (src | (dst << 16)).reshape(NW, NR, 128)
    dst_r = dst.reshape(NW, NR, 128)

    zeros128 = jnp.asarray(np.zeros((NPAD, 128), np.float32))
    zeros16 = jnp.asarray(np.zeros((NPAD, 16), np.float32))
    ones16 = jnp.asarray(np.ones((128, 16), np.float32))
    W3p = jnp.pad(W3, ((0, 0), (0, 64)))

    degp = _sc_degree(dst_r, zeros16, ones16)
    dinv, xs = _tc_prescale(degp, x)
    p1 = _sc_aggregate(xs, idx_p, zeros128, 128)
    u2 = _tc_layer1(p1, dinv, W1, b1.reshape(1, -1), W2)
    p2 = _sc_aggregate(u2, idx_p, zeros128, 128)
    u3 = _tc_layer2(p2, dinv, b2.reshape(1, -1), W3p)
    p3 = _sc_aggregate(u3, idx_p, zeros128, 128)
    return _tc_layer3(p3, dinv, b3.reshape(1, -1))

# --- scband reference (transcript-rebuilt; emitter-appended) ---
"""Pipeline reference for scband-gcn-h2-14766097563939 (READ-ONLY COPY).

The authoritative reference and input builder live on the scoring server;
editing this copy changes nothing except your own understanding.
"""

import jax, jax.numpy as jnp
import numpy as np

N_NODES = 10000
N_EDGES = 320000
IN_CH = 128
H1 = 256
H2 = 128
OUT_CH = 64


def glorot(key, shape):
    limit = np.sqrt(6.0 / (shape[0] + shape[1]))
    return jax.random.uniform(key, shape, dtype=jnp.float32, minval=-limit, maxval=limit)


def setup_inputs(seed: int = 0) -> dict:
    key = jax.random.key(seed)
    ks = jax.random.split(key, 8)
    x = jax.random.normal(ks[0], (N_NODES, IN_CH), dtype=jnp.float32)
    edge_index = jax.random.randint(ks[1], (2, N_EDGES), 0, N_NODES, dtype=jnp.int64)
    W1 = glorot(ks[2], (IN_CH, H1))
    b1 = jnp.zeros((H1,), dtype=jnp.float32)
    W2 = glorot(ks[3], (H1, H2))
    b2 = jnp.zeros((H2,), dtype=jnp.float32)
    W3 = glorot(ks[4], (H2, OUT_CH))
    b3 = jnp.zeros((OUT_CH,), dtype=jnp.float32)
    return {"x": x, "edge_index": edge_index, "W1": W1, "b1": b1, "W2": W2, "b2": b2, "W3": W3, "b3": b3}


def gcn_conv(x, src, dst, norm, W, b):
    # x' = W x, then symmetric-normalized scatter-add aggregation (with self-loops
    # already included in src/dst/norm), plus bias. Matches PyG GCNConv defaults.
    h = x @ W
    msg = jnp.take(h, src, axis=0) * norm[:, None]
    out = jnp.zeros((x.shape[0], h.shape[1]), dtype=h.dtype).at[dst].add(msg)
    return out + b


def build_norm(edge_index, n_nodes):
    loop = jnp.arange(n_nodes, dtype=edge_index.dtype)
    src = jnp.concatenate([edge_index[0], loop])
    dst = jnp.concatenate([edge_index[1], loop])
    deg = jnp.zeros((n_nodes,), dtype=jnp.float32).at[dst].add(1.0)
    dinv = jnp.where(deg > 0, deg ** -0.5, 0.0)
    norm = dinv[src] * dinv[dst]
    return src, dst, norm


def reference(x, edge_index, W1, b1, W2, b2, W3, b3):
    src, dst, norm = build_norm(edge_index, x.shape[0])
    h = gcn_conv(x, src, dst, norm, W1, b1)
    h = jax.nn.relu(h)  # dropout is identity in eval mode
    h = gcn_conv(h, src, dst, norm, W2, b2)
    h = jax.nn.relu(h)
    h = gcn_conv(h, src, dst, norm, W3, b3)
    return jax.nn.log_softmax(h, axis=1)

if __name__ == "__main__":
    import jax
    _d = setup_inputs()
    print(jax.jit(kernel)(*tuple(_d.values())))

</pallas_src>

<mosaic_0001>
#map = affine_map<(d0, d1) -> (0, 0)>
#map1 = affine_map<(d0, d1) -> (0, 0, 0)>
module attributes {stable_mosaic.version = 14 : i64} {
  func.func @k(%arg0: i32, %arg1: i32, %arg2: memref<10000x128xf32, #tpu.memory_space<hbm>>, %arg3: memref<32x82x128xi32, #tpu.memory_space<hbm>>, %arg4: memref<10112x128xf32, #tpu.memory_space<hbm>>, %arg5: memref<2x10112x128xf32, #tpu.memory_space<hbm>>, %arg6: memref<82x128xi32, #tpu.memory_space<vmem>>, %arg7: memref<1x128xi32, #tpu.memory_space<vmem>>, %arg8: memref<1x128xi32, #tpu.memory_space<vmem>>, %arg9: memref<1x128xi32, #tpu.memory_space<vmem>>, %arg10: memref<1x128xi32, #tpu.memory_space<vmem>>, %arg11: memref<128x128xf32, #tpu.memory_space<vmem>>, %arg12: memref<128x128xf32, #tpu.memory_space<vmem>>, %arg13: memref<10112x128xf32, #tpu.memory_space<vmem_shared>>, %arg14: memref<!tpu.dma_semaphore, #tpu.memory_space<semaphore_mem>>, %arg15: memref<!tpu.dma_semaphore, #tpu.memory_space<semaphore_mem>>) attributes {dimension_semantics = [#tpu.dimension_semantics<core_parallel>, #tpu.dimension_semantics<subcore_parallel>], iteration_bounds = array<i64: 2, 16>, scalar_prefetch = 0 : i64, scratch_operands = 10 : i64, tpu.core_type = #tpu.core_type<sc_vector_subcore>, window_params = [{transform_indices = #map}, {transform_indices = #map1}, {transform_indices = #map}, {transform_indices = #map1}]} {
    %mul3A = arith.constant 16 : i32
    %mul3A_0 = arith.muli %arg0, %mul3A : i32
    %add3A = arith.addi %mul3A_0, %arg1 : i32
    "tpu.region"() ({
      %run_scoped3A = tpu.sem_alloc : memref<!tpu.dma_semaphore, #tpu.memory_space<semaphore_mem>>
      %dma_start3A_200 = arith.constant 0 : i32
      %dma_start3A_201 = arith.constant 0 : i32
      %dma_start3A_202 = tpu.memref_slice %arg3[%add3A, %dma_start3A_200, %dma_start3A_201] : memref<32x82x128xi32, #tpu.memory_space<hbm>> -> memref<1x82x128xi32, #tpu.memory_space<hbm>>
      %dma_start3A_203 = tpu.memref_squeeze %dma_start3A_202 : memref<1x82x128xi32, #tpu.memory_space<hbm>> -> memref<82x128xi32, #tpu.memory_space<hbm>>
      %dma_start3A_204 = arith.constant 0 : i32
      %dma_start3A_205 = arith.constant 0 : i32
      %dma_start3A_206 = tpu.memref_slice %arg3[%add3A, %dma_start3A_204, %dma_start3A_205] : memref<32x82x128xi32, #tpu.memory_space<hbm>> -> memref<1x82x128xi32, #tpu.memory_space<hbm>>
      %dma_start3A_207 = tpu.memref_squeeze %dma_start3A_206 : memref<1x82x128xi32, #tpu.memory_space<hbm>> -> memref<82x128xi32, #tpu.memory_space<hbm>>
      tpu.enqueue_dma source(%dma_start3A_207 : memref<82x128xi32, #tpu.memory_space<hbm>>) target(%arg6 : memref<82x128xi32, #tpu.memory_space<vmem>>) target_semaphore(%run_scoped3A : memref<!tpu.dma_semaphore, #tpu.memory_space<semaphore_mem>>)
      %dma_wait3A = arith.constant 0 : i32
      %dma_wait3A_208 = arith.constant 0 : i32
      %dma_wait3A_209 = tpu.memref_slice %arg3[%add3A, %dma_wait3A, %dma_wait3A_208] : memref<32x82x128xi32, #tpu.memory_space<hbm>> -> memref<1x82x128xi32, #tpu.memory_space<hbm>>
      %dma_wait3A_210 = tpu.memref_squeeze %dma_wait3A_209 : memref<1x82x128xi32, #tpu.memory_space<hbm>> -> memref<82x128xi32, #tpu.memory_space<hbm>>
      %dma_wait3A_211 = arith.constant 0 : i32
      %dma_wait3A_212 = arith.constant 0 : i32
      %dma_wait3A_213 = tpu.memref_slice %arg3[%add3A, %dma_wait3A_211, %dma_wait3A_212] : memref<32x82x128xi32, #tpu.memory_space<hbm>> -> memref<1x82x128xi32, #tpu.memory_space<hbm>>
      %dma_wait3A_214 = tpu.memref_squeeze %dma_wait3A_213 : memref<1x82x128xi32, #tpu.memory_space<hbm>> -> memref<82x128xi32, #tpu.memory_space<hbm>>
      tpu.wait_dma2 semaphore(%run_scoped3A : memref<!tpu.dma_semaphore, #tpu.memory_space<semaphore_mem>>) src(%dma_wait3A_214 : memref<82x128xi32, #tpu.memory_space<hbm>>) dst(%arg6 : memref<82x128xi32, #tpu.memory_space<vmem>>)
      tpu.yield
    }) : () -> ()
    %mul3A_1 = arith.constant 632 : i32
    %mul3A_2 = arith.muli %arg1, %mul3A_1 : i32
    %mul3A_3 = arith.constant 632 : i32
    %mul3A_4 = arith.muli %arg1, %mul3A_3 : i32
    "tpu.region"() ({
      %run_scoped3A = tpu.sem_alloc : memref<!tpu.dma_semaphore, #tpu.memory_space<semaphore_mem>>
      %dma_start3A_200 = arith.constant 0 : i32
      %dma_start3A_201 = tpu.memref_slice %arg13[%mul3A_4, %dma_start3A_200] : memref<10112x128xf32, #tpu.memory_space<vmem_shared>> -> memref<632x128xf32, #tpu.memory_space<vmem_shared>>
      %dma_start3A_202 = arith.constant 0 : i32
      %dma_start3A_203 = tpu.memref_slice %arg4[%mul3A_2, %dma_start3A_202] : memref<10112x128xf32, #tpu.memory_space<hbm>> -> memref<632x128xf32, #tpu.memory_space<hbm>>
      tpu.enqueue_dma source(%dma_start3A_203 : memref<632x128xf32, #tpu.memory_space<hbm>>) target(%dma_start3A_201 : memref<632x128xf32, #tpu.memory_space<vmem_shared>>) target_semaphore(%run_scoped3A : memref<!tpu.dma_semaphore, #tpu.memory_space<semaphore_mem>>)
      %dma_wait3A = arith.constant 0 : i32
      %dma_wait3A_204 = tpu.memref_slice %arg13[%mul3A_4, %dma_wait3A] : memref<10112x128xf32, #tpu.memory_space<vmem_shared>> -> memref<632x128xf32, #tpu.memory_space<vmem_shared>>
      %dma_wait3A_205 = arith.constant 0 : i32
      %dma_wait3A_206 = tpu.memref_slice %arg4[%mul3A_2, %dma_wait3A_205] : memref<10112x128xf32, #tpu.memory_space<hbm>> -> memref<632x128xf32, #tpu.memory_space<hbm>>
      tpu.wait_dma2 semaphore(%run_scoped3A : memref<!tpu.dma_semaphore, #tpu.memory_space<semaphore_mem>>) src(%dma_wait3A_206 : memref<632x128xf32, #tpu.memory_space<hbm>>) dst(%dma_wait3A_204 : memref<632x128xf32, #tpu.memory_space<vmem_shared>>)
      tpu.yield
    }) : () -> ()
    %barrier3A = arith.constant 0 : index
    tpu.barrier barrier_id(%barrier3A)
    %get3A = arith.constant 0 : i32
    %get3A_5 = arith.index_cast %get3A : i32 to index
    %get3A_6 = arith.constant 0 : index
    %get3A_7 = tpu.vector_load %arg6[%get3A_5, %get3A_6] {strides = array<i32>} : memref<82x128xi32, #tpu.memory_space<vmem>>, vector<1x16xi32>,
    %get3A_8 = vector.shape_cast %get3A_7 : vector<1x16xi32> to vector<16xi32>
    %and3A = arith.constant 65535 : i32
    %and3A_9 = vector.broadcast %and3A : i32 to vector<16xi32>
    %and3A_10 = arith.andi %get3A_8, %and3A_9 : vector<16xi32>
    %swap3A = arith.constant 0 : i32
    %swap3A_11 = arith.index_cast %swap3A : i32 to index
    %swap3A_12 = arith.constant 0 : index
    %swap3A_13 = tpu.vector_load %arg7[%swap3A_11, %swap3A_12] {strides = array<i32>} : memref<1x128xi32, #tpu.memory_space<vmem>>, vector<1x16xi32>,
    %swap3A_14 = vector.shape_cast %swap3A_13 : vector<1x16xi32> to vector<16xi32>
    %swap3A_15 = vector.shape_cast %and3A_10 : vector<16xi32> to vector<1x16xi32>
    tpu.vector_store %arg7[%swap3A_11, %swap3A_12], %swap3A_15 {strides = array<i32>} : memref<1x128xi32, #tpu.memory_space<vmem>>, vector<1x16xi32>,
    %shift_right_logical3A = arith.constant 16 : i32
    %shift_right_logical3A_16 = vector.broadcast %shift_right_logical3A : i32 to vector<16xi32>
    %shift_right_logical3A_17 = arith.shrui %get3A_8, %shift_right_logical3A_16 : vector<16xi32>
    %swap3A_18 = arith.constant 0 : i32
    %swap3A_19 = arith.index_cast %swap3A_18 : i32 to index
    %swap3A_20 = arith.constant 0 : index
    %swap3A_21 = tpu.vector_load %arg9[%swap3A_19, %swap3A_20] {strides = array<i32>} : memref<1x128xi32, #tpu.memory_space<vmem>>, vector<1x16xi32>,
    %swap3A_22 = vector.shape_cast %swap3A_21 : vector<1x16xi32> to vector<16xi32>
    %swap3A_23 = vector.shape_cast %shift_right_logical3A_17 : vector<16xi32> to vector<1x16xi32>
    tpu.vector_store %arg9[%swap3A_19, %swap3A_20], %swap3A_23 {strides = array<i32>} : memref<1x128xi32, #tpu.memory_space<vmem>>, vector<1x16xi32>,
    %get3A_24 = arith.constant 0 : i32
    %get3A_25 = arith.index_cast %get3A_24 : i32 to index
    %get3A_26 = arith.constant 16 : index
    %get3A_27 = tpu.vector_load %arg6[%get3A_25, %get3A_26] {strides = array<i32>} : memref<82x128xi32, #tpu.memory_space<vmem>>, vector<1x16xi32>,
    %get3A_28 = vector.shape_cast %get3A_27 : vector<1x16xi32> to vector<16xi32>
    %and3A_29 = arith.constant 65535 : i32
    %and3A_30 = vector.broadcast %and3A_29 : i32 to vector<16xi32>
    %and3A_31 = arith.andi %get3A_28, %and3A_30 : vector<16xi32>
    %swap3A_32 = arith.constant 0 : i32
    %swap3A_33 = arith.index_cast %swap3A_32 : i32 to index
    %swap3A_34 = arith.constant 16 : index
    %swap3A_35 = tpu.vector_load %arg7[%swap3A_33, %swap3A_34] {strides = array<i32>} : memref<1x128xi32, #tpu.memory_space<vmem>>, vector<1x16xi32>,
    %swap3A_36 = vector.shape_cast %swap3A_35 : vector<1x16xi32> to vector<16xi32>
    %swap3A_37 = vector.shape_cast %and3A_31 : vector<16xi32> to vector<1x16xi32>
    tpu.vector_store %arg7[%swap3A_33, %swap3A_34], %swap3A_37 {strides = array<i32>} : memref<1x128xi32, #tpu.memory_space<vmem>>, vector<1x16xi32>,
    %shift_right_logical3A_38 = arith.constant 16 : i32
    %shift_right_logical3A_39 = vector.broadcast %shift_right_logical3A_38 : i32 to vector<16xi32>
    %shift_right_logical3A_40 = arith.shrui %get3A_28, %shift_right_logical3A_39 : vector<16xi32>
    %swap3A_41 = arith.constant 0 : i32
    %swap3A_42 = arith.index_cast %swap3A_41 : i32 to index
    %swap3A_43 = arith.constant 16 : index
    %swap3A_44 = tpu.vector_load %arg9[%swap3A_42, %swap3A_43] {strides = array<i32>} : memref<1x128xi32, #tpu.memory_space<vmem>>, vector<1x16xi32>,
    %swap3A_45 = vector.shape_cast %swap3A_44 : vector<1x16xi32> to vector<16xi32>
    %swap3A_46 = vector.shape_cast %shift_right_logical3A_40 : vector<16xi32> to vector<1x16xi32>
    tpu.vector_store %arg9[%swap3A_42, %swap3A_43], %swap3A_46 {strides = array<i32>} : memref<1x128xi32, #tpu.memory_space<vmem>>, vector<1x16xi32>,
    %get3A_47 = arith.constant 0 : i32
    %get3A_48 = arith.index_cast %get3A_47 : i32 to index
    %get3A_49 = arith.constant 32 : index
    %get3A_50 = tpu.vector_load %arg6[%get3A_48, %get3A_49] {strides = array<i32>} : memref<82x128xi32, #tpu.memory_space<vmem>>, vector<1x16xi32>,
    %get3A_51 = vector.shape_cast %get3A_50 : vector<1x16xi32> to vector<16xi32>
    %and3A_52 = arith.constant 65535 : i32
    %and3A_53 = vector.broadcast %and3A_52 : i32 to vector<16xi32>
    %and3A_54 = arith.andi %get3A_51, %and3A_53 : vector<16xi32>
    %swap3A_55 = arith.constant 0 : i32
    %swap3A_56 = arith.index_cast %swap3A_55 : i32 to index
    %swap3A_57 = arith.constant 32 : index
    %swap3A_58 = tpu.vector_load %arg7[%swap3A_56, %swap3A_57] {strides = array<i32>} : memref<1x128xi32, #tpu.memory_space<vmem>>, vector<1x16xi32>,
    %swap3A_59 = vector.shape_cast %swap3A_58 : vector<1x16xi32> to vector<16xi32>
    %swap3A_60 = vector.shape_cast %and3A_54 : vector<16xi32> to vector<1x16xi32>
    tpu.vector_store %arg7[%swap3A_56, %swap3A_57], %swap3A_60 {strides = array<i32>} : memref<1x128xi32, #tpu.memory_space<vmem>>, vector<1x16xi32>,
    %shift_right_logical3A_61 = arith.constant 16 : i32
    %shift_right_logical3A_62 = vector.broadcast %shift_right_logical3A_61 : i32 to vector<16xi32>
    %shift_right_logical3A_63 = arith.shrui %get3A_51, %shift_right_logical3A_62 : vector<16xi32>
    %swap3A_64 = arith.constant 0 : i32
    %swap3A_65 = arith.index_cast %swap3A_64 : i32 to index
    %swap3A_66 = arith.constant 32 : index
    %swap3A_67 = tpu.vector_load %arg9[%swap3A_65, %swap3A_66] {strides = array<i32>} : memref<1x128xi32, #tpu.memory_space<vmem>>, vector<1x16xi32>,
    %swap3A_68 = vector.shape_cast %swap3A_67 : vector<1x16xi32> to vector<16xi32>
    %swap3A_69 = vector.shape_cast %shift_right_logical3A_63 : vector<16xi32> to vector<1x16xi32>
    tpu.vector_store %arg9[%swap3A_65, %swap3A_66], %swap3A_69 {strides = array<i32>} : memref<1x128xi32, #tpu.memory_space<vmem>>, vector<1x16xi32>,
    %get3A_70 = arith.constant 0 : i32
    %get3A_71 = arith.index_cast %get3A_70 : i32 to index
    %get3A_72 = arith.constant 48 : index
    %get3A_73 = tpu.vector_load %arg6[%get3A_71, %get3A_72] {strides = array<i32>} : memref<82x128xi32, #tpu.memory_space<vmem>>, vector<1x16xi32>,
    %get3A_74 = vector.shape_cast %get3A_73 : vector<1x16xi32> to vector<16xi32>
    %and3A_75 = arith.constant 65535 : i32
    %and3A_76 = vector.broadcast %and3A_75 : i32 to vector<16xi32>
    %and3A_77 = arith.andi %get3A_74, %and3A_76 : vector<16xi32>
    %swap3A_78 = arith.constant 0 : i32
    %swap3A_79 = arith.index_cast %swap3A_78 : i32 to index
    %swap3A_80 = arith.constant 48 : index
    %swap3A_81 = tpu.vector_load %arg7[%swap3A_79, %swap3A_80] {strides = array<i32>} : memref<1x128xi32, #tpu.memory_space<vmem>>, vector<1x16xi32>,
    %swap3A_82 = vector.shape_cast %swap3A_81 : vector<1x16xi32> to vector<16xi32>
    %swap3A_83 = vector.shape_cast %and3A_77 : vector<16xi32> to vector<1x16xi32>
    tpu.vector_store %arg7[%swap3A_79, %swap3A_80], %swap3A_83 {strides = array<i32>} : memref<1x128xi32, #tpu.memory_space<vmem>>, vector<1x16xi32>,
    %shift_right_logical3A_84 = arith.constant 16 : i32
    %shift_right_logical3A_85 = vector.broadcast %shift_right_logical3A_84 : i32 to vector<16xi32>
    %shift_right_logical3A_86 = arith.shrui %get3A_74, %shift_right_logical3A_85 : vector<16xi32>
    %swap3A_87 = arith.constant 0 : i32
    %swap3A_88 = arith.index_cast %swap3A_87 : i32 to index
    %swap3A_89 = arith.constant 48 : index
    %swap3A_90 = tpu.vector_load %arg9[%swap3A_88, %swap3A_89] {strides = array<i32>} : memref<1x128xi32, #tpu.memory_space<vmem>>, vector<1x16xi32>,
    %swap3A_91 = vector.shape_cast %swap3A_90 : vector<1x16xi32> to vector<16xi32>
    %swap3A_92 = vector.shape_cast %shift_right_logical3A_86 : vector<16xi32> to vector<1x16xi32>
    tpu.vector_store %arg9[%swap3A_88, %swap3A_89], %swap3A_92 {strides = array<i32>} : memref<1x128xi32, #tpu.memory_space<vmem>>, vector<1x16xi32>,
    %get3A_93 = arith.constant 0 : i32
    %get3A_94 = arith.index_cast %get3A_93 : i32 to index
    %get3A_95 = arith.constant 64 : index
    %get3A_96 = tpu.vector_load %arg6[%get3A_94, %get3A_95] {strides = array<i32>} : memref<82x128xi32, #tpu.memory_space<vmem>>, vector<1x16xi32>,
    %get3A_97 = vector.shape_cast %get3A_96 : vector<1x16xi32> to vector<16xi32>
    %and3A_98 = arith.constant 65535 : i32
    %and3A_99 = vector.broadcast %and3A_98 : i32 to vector<16xi32>
    %and3A_100 = arith.andi %get3A_97, %and3A_99 : vector<16xi32>
    %swap3A_101 = arith.constant 0 : i32
    %swap3A_102 = arith.index_cast %swap3A_101 : i32 to index
    %swap3A_103 = arith.constant 64 : index
    %swap3A_104 = tpu.vector_load %arg7[%swap3A_102, %swap3A_103] {strides = array<i32>} : memref<1x128xi32, #tpu.memory_space<vmem>>, vector<1x16xi32>,
    %swap3A_105 = vector.shape_cast %swap3A_104 : vector<1x16xi32> to vector<16xi32>
    %swap3A_106 = vector.shape_cast %and3A_100 : vector<16xi32> to vector<1x16xi32>
    tpu.vector_store %arg7[%swap3A_102, %swap3A_103], %swap3A_106 {strides = array<i32>} : memref<1x128xi32, #tpu.memory_space<vmem>>, vector<1x16xi32>,
    %shift_right_logical3A_107 = arith.constant 16 : i32
    %shift_right_logical3A_108 = vector.broadcast %shift_right_logical3A_107 : i32 to vector<16xi32>
    %shift_right_logical3A_109 = arith.shrui %get3A_97, %shift_right_logical3A_108 : vector<16xi32>
    %swap3A_110 = arith.constant 0 : i32
    %swap3A_111 = arith.index_cast %swap3A_110 : i32 to index
    %swap3A_112 = arith.constant 64 : index
    %swap3A_113 = tpu.vector_load %arg9[%swap3A_111, %swap3A_112] {strides = array<i32>} : memref<1x128xi32, #tpu.memory_space<vmem>>, vector<1x16xi32>,
    %swap3A_114 = vector.shape_cast %swap3A_113 : vector<1x16xi32> to vector<16xi32>
    %swap3A_115 = vector.shape_cast %shift_right_logical3A_109 : vector<16xi32> to vector<1x16xi32>
    tpu.vector_store %arg9[%swap3A_111, %swap3A_112], %swap3A_115 {strides = array<i32>} : memref<1x128xi32, #tpu.memory_space<vmem>>, vector<1x16xi32>,
    %get3A_116 = arith.constant 0 : i32
    %get3A_117 = arith.index_cast %get3A_116 : i32 to index
    %get3A_118 = arith.constant 80 : index
    %get3A_119 = tpu.vector_load %arg6[%get3A_117, %get3A_118] {strides = array<i32>} : memref<82x128xi32, #tpu.memory_space<vmem>>, vector<1x16xi32>,
    %get3A_120 = vector.shape_cast %get3A_119 : vector<1x16xi32> to vector<16xi32>
    %and3A_121 = arith.constant 65535 : i32
    %and3A_122 = vector.broadcast %and3A_121 : i32 to vector<16xi32>
    %and3A_123 = arith.andi %get3A_120, %and3A_122 : vector<16xi32>
    %swap3A_124 = arith.constant 0 : i32
    %swap3A_125 = arith.index_cast %swap3A_124 : i32 to index
    %swap3A_126 = arith.constant 80 : index
    %swap3A_127 = tpu.vector_load %arg7[%swap3A_125, %swap3A_126] {strides = array<i32>} : memref<1x128xi32, #tpu.memory_space<vmem>>, vector<1x16xi32>,
    %swap3A_128 = vector.shape_cast %swap3A_127 : vector<1x16xi32> to vector<16xi32>
    %swap3A_129 = vector.shape_cast %and3A_123 : vector<16xi32> to vector<1x16xi32>
    tpu.vector_store %arg7[%swap3A_125, %swap3A_126], %swap3A_129 {strides = array<i32>} : memref<1x128xi32, #tpu.memory_space<vmem>>, vector<1x16xi32>,
    %shift_right_logical3A_130 = arith.constant 16 : i32
    %shift_right_logical3A_131 = vector.broadcast %shift_right_logical3A_130 : i32 to vector<16xi32>
    %shift_right_logical3A_132 = arith.shrui %get3A_120, %shift_right_logical3A_131 : vector<16xi32>
    %swap3A_133 = arith.constant 0 : i32
    %swap3A_134 = arith.index_cast %swap3A_133 : i32 to index
    %swap3A_135 = arith.constant 80 : index
    %swap3A_136 = tpu.vector_load %arg9[%swap3A_134, %swap3A_135] {strides = array<i32>} : memref<1x128xi32, #tpu.memory_space<vmem>>, vector<1x16xi32>,
    %swap3A_137 = vector.shape_cast %swap3A_136 : vector<1x16xi32> to vector<16xi32>
    %swap3A_138 = vector.shape_cast %shift_right_logical3A_132 : vector<16xi32> to vector<1x16xi32>
    tpu.vector_store %arg9[%swap3A_134, %swap3A_135], %swap3A_138 {strides = array<i32>} : memref<1x128xi32, #tpu.memory_space<vmem>>, vector<1x16xi32>,
    %get3A_139 = arith.constant 0 : i32
    %get3A_140 = arith.index_cast %get3A_139 : i32 to index
    %get3A_141 = arith.constant 96 : index
    %get3A_142 = tpu.vector_load %arg6[%get3A_140, %get3A_141] {strides = array<i32>} : memref<82x128xi32, #tpu.memory_space<vmem>>, vector<1x16xi32>,
    %get3A_143 = vector.shape_cast %get3A_142 : vector<1x16xi32> to vector<16xi32>
    %and3A_144 = arith.constant 65535 : i32
    %and3A_145 = vector.broadcast %and3A_144 : i32 to vector<16xi32>
    %and3A_146 = arith.andi %get3A_143, %and3A_145 : vector<16xi32>
    %swap3A_147 = arith.constant 0 : i32
    %swap3A_148 = arith.index_cast %swap3A_147 : i32 to index
    %swap3A_149 = arith.constant 96 : index
    %swap3A_150 = tpu.vector_load %arg7[%swap3A_148, %swap3A_149] {strides = array<i32>} : memref<1x128xi32, #tpu.memory_space<vmem>>, vector<1x16xi32>,
    %swap3A_151 = vector.shape_cast %swap3A_150 : vector<1x16xi32> to vector<16xi32>
    %swap3A_152 = vector.shape_cast %and3A_146 : vector<16xi32> to vector<1x16xi32>
    tpu.vector_store %arg7[%swap3A_148, %swap3A_149], %swap3A_152 {strides = array<i32>} : memref<1x128xi32, #tpu.memory_space<vmem>>, vector<1x16xi32>,
    %shift_right_logical3A_153 = arith.constant 16 : i32
    %shift_right_logical3A_154 = vector.broadcast %shift_right_logical3A_153 : i32 to vector<16xi32>
    %shift_right_logical3A_155 = arith.shrui %get3A_143, %shift_right_logical3A_154 : vector<16xi32>
    %swap3A_156 = arith.constant 0 : i32
    %swap3A_157 = arith.index_cast %swap3A_156 : i32 to index
    %swap3A_158 = arith.constant 96 : index
    %swap3A_159 = tpu.vector_load %arg9[%swap3A_157, %swap3A_158] {strides = array<i32>} : memref<1x128xi32, #tpu.memory_space<vmem>>, vector<1x16xi32>,
    %swap3A_160 = vector.shape_cast %swap3A_159 : vector<1x16xi32> to vector<16xi32>
    %swap3A_161 = vector.shape_cast %shift_right_logical3A_155 : vector<16xi32> to vector<1x16xi32>
    tpu.vector_store %arg9[%swap3A_157, %swap3A_158], %swap3A_161 {strides = array<i32>} : memref<1x128xi32, #tpu.memory_space<vmem>>, vector<1x16xi32>,
    %get3A_162 = arith.constant 0 : i32
    %get3A_163 = arith.index_cast %get3A_162 : i32 to index
    %get3A_164 = arith.constant 112 : index
    %get3A_165 = tpu.vector_load %arg6[%get3A_163, %get3A_164] {strides = array<i32>} : memref<82x128xi32, #tpu.memory_space<vmem>>, vector<1x16xi32>,
    %get3A_166 = vector.shape_cast %get3A_165 : vector<1x16xi32> to vector<16xi32>
    %and3A_167 = arith.constant 65535 : i32
    %and3A_168 = vector.broadcast %and3A_167 : i32 to vector<16xi32>
    %and3A_169 = arith.andi %get3A_166, %and3A_168 : vector<16xi32>
    %swap3A_170 = arith.constant 0 : i32
    %swap3A_171 = arith.index_cast %swap3A_170 : i32 to index
    %swap3A_172 = arith.constant 112 : index
    %swap3A_173 = tpu.vector_load %arg7[%swap3A_171, %swap3A_172] {strides = array<i32>} : memref<1x128xi32, #tpu.memory_space<vmem>>, vector<1x16xi32>,
    %swap3A_174 = vector.shape_cast %swap3A_173 : vector<1x16xi32> to vector<16xi32>
    %swap3A_175 = vector.shape_cast %and3A_169 : vector<16xi32> to vector<1x16xi32>
    tpu.vector_store %arg7[%swap3A_171, %swap3A_172], %swap3A_175 {strides = array<i32>} : memref<1x128xi32, #tpu.memory_space<vmem>>, vector<1x16xi32>,
    %shift_right_logical3A_176 = arith.constant 16 : i32
    %shift_right_logical3A_177 = vector.broadcast %shift_right_logical3A_176 : i32 to vector<16xi32>
    %shift_right_logical3A_178 = arith.shrui %get3A_166, %shift_right_logical3A_177 : vector<16xi32>
    %swap3A_179 = arith.constant 0 : i32
    %swap3A_180 = arith.index_cast %swap3A_179 : i32 to index
    %swap3A_181 = arith.constant 112 : index
    %swap3A_182 = tpu.vector_load %arg9[%swap3A_180, %swap3A_181] {strides = array<i32>} : memref<1x128xi32, #tpu.memory_space<vmem>>, vector<1x16xi32>,
    %swap3A_183 = vector.shape_cast %swap3A_182 : vector<1x16xi32> to vector<16xi32>
    %swap3A_184 = vector.shape_cast %shift_right_logical3A_178 : vector<16xi32> to vector<1x16xi32>
    tpu.vector_store %arg9[%swap3A_180, %swap3A_181], %swap3A_184 {strides = array<i32>} : memref<1x128xi32, #tpu.memory_space<vmem>>, vector<1x16xi32>,
    %dma_start3A = arith.constant 0 : i32
    %dma_start3A_185 = arith.constant 0 : i32
    %dma_start3A_186 = tpu.memref_slice %arg7[%dma_start3A, %dma_start3A_185] : memref<1x128xi32, #tpu.memory_space<vmem>> -> memref<1x128xi32, #tpu.memory_space<vmem>>
    %dma_start3A_187 = tpu.memref_squeeze %dma_start3A_186 : memref<1x128xi32, #tpu.memory_space<vmem>> -> memref<128xi32, #tpu.memory_space<vmem>>
    %dma_start3A_188 = arith.constant 0 : i32
    %dma_start3A_189 = arith.constant 0 : i32
    %dma_start3A_190 = tpu.memref_slice %arg2[%dma_start3A_188, %dma_start3A_189] : memref<10000x128xf32, #tpu.memory_space<hbm>> -> memref<10000x128xf32, #tpu.memory_space<hbm>>
    tpu.enqueue_indirect_dma source(%dma_start3A_190 : memref<10000x128xf32, #tpu.memory_space<hbm>>) target(%arg11 : memref<128x128xf32, #tpu.memory_space<vmem>>) offsets(%dma_start3A_187 : memref<128xi32, #tpu.memory_space<vmem>>) semaphore(%arg14 : memref<!tpu.dma_semaphore, #tpu.memory_space<semaphore_mem>>)
    %scan3A = arith.constant 0 : i32
    %scan3A_191 = arith.constant 41 : i32
    %scan3A_192 = arith.addi %scan3A, %scan3A_191 : i32
    %scan3A_193 = arith.constant 1 : i32
    scf.for %scan3A_200 = %scan3A to %scan3A_192 step %scan3A_193  : i32 {
      %mul3A_201 = arith.constant 2 : i32
      %mul3A_202 = arith.muli %scan3A_200, %mul3A_201 : i32
      %add3A_203 = arith.constant 0 : i32
      %add3A_204 = arith.addi %add3A_203, %mul3A_202 : i32
      %add3A_205 = arith.constant 1 : i32
      %add3A_206 = arith.addi %add3A_204, %add3A_205 : i32
      %get3A_207 = arith.index_cast %add3A_206 : i32 to index
      %get3A_208 = arith.constant 0 : index
      %get3A_209 = tpu.vector_load %arg6[%get3A_207, %get3A_208] {strides = array<i32>} : memref<82x128xi32, #tpu.memory_space<vmem>>, vector<1x16xi32>,
      %get3A_210 = vector.shape_cast %get3A_209 : vector<1x16xi32> to vector<16xi32>
      %and3A_211 = arith.constant 65535 : i32
      %and3A_212 = vector.broadcast %and3A_211 : i32 to vector<16xi32>
      %and3A_213 = arith.andi %get3A_210, %and3A_212 : vector<16xi32>
      %swap3A_214 = arith.constant 0 : i32
      %swap3A_215 = arith.index_cast %swap3A_214 : i32 to index
      %swap3A_216 = arith.constant 0 : index
      %swap3A_217 = tpu.vector_load %arg8[%swap3A_215, %swap3A_216] {strides = array<i32>} : memref<1x128xi32, #tpu.memory_space<vmem>>, vector<1x16xi32>,
      %swap3A_218 = vector.shape_cast %swap3A_217 : vector<1x16xi32> to vector<16xi32>
      %swap3A_219 = vector.shape_cast %and3A_213 : vector<16xi32> to vector<1x16xi32>
      tpu.vector_store %arg8[%swap3A_215, %swap3A_216], %swap3A_219 {strides = array<i32>} : memref<1x128xi32, #tpu.memory_space<vmem>>, vector<1x16xi32>,
      %shift_right_logical3A_220 = arith.constant 16 : i32
      %shift_right_logical3A_221 = vector.broadcast %shift_right_logical3A_220 : i32 to vector<16xi32>
      %shift_right_logical3A_222 = arith.shrui %get3A_210, %shift_right_logical3A_221 : vector<16xi32>
      %swap3A_223 = arith.constant 0 : i32
      %swap3A_224 = arith.index_cast %swap3A_223 : i32 to index
      %swap3A_225 = arith.constant 0 : index
      %swap3A_226 = tpu.vector_load %arg10[%swap3A_224, %swap3A_225] {strides = array<i32>} : memref<1x128xi32, #tpu.memory_space<vmem>>, vector<1x16xi32>,
      %swap3A_227 = vector.shape_cast %swap3A_226 : vector<1x16xi32> to vector<16xi32>
      %swap3A_228 = vector.shape_cast %shift_right_logical3A_222 : vector<16xi32> to vector<1x16xi32>
      tpu.vector_store %arg10[%swap3A_224, %swap3A_225], %swap3A_228 {strides = array<i32>} : memref<1x128xi32, #tpu.memory_space<vmem>>, vector<1x16xi32>,
      %get3A_229 = arith.index_cast %add3A_206 : i32 to index
      %get3A_230 = arith.constant 16 : index
      %get3A_231 = tpu.vector_load %arg6[%get3A_229, %get3A_230] {strides = array<i32>} : memref<82x128xi32, #tpu.memory_space<vmem>>, vector<1x16xi32>,
      %get3A_232 = vector.shape_cast %get3A_231 : vector<1x16xi32> to vector<16xi32>
      %and3A_233 = arith.constant 65535 : i32
      %and3A_234 = vector.broadcast %and3A_233 : i32 to vector<16xi32>
      %and3A_235 = arith.andi %get3A_232, %and3A_234 : vector<16xi32>
      %swap3A_236 = arith.constant 0 : i32
      %swap3A_237 = arith.index_cast %swap3A_236 : i32 to index
      %swap3A_238 = arith.constant 16 : index
      %swap3A_239 = tpu.vector_load %arg8[%swap3A_237, %swap3A_238] {strides = array<i32>} : memref<1x128xi32, #tpu.memory_space<vmem>>, vector<1x16xi32>,
      %swap3A_240 = vector.shape_cast %swap3A_239 : vector<1x16xi32> to vector<16xi32>
      %swap3A_241 = vector.shape_cast %and3A_235 : vector<16xi32> to vector<1x16xi32>
      tpu.vector_store %arg8[%swap3A_237, %swap3A_238], %swap3A_241 {strides = array<i32>} : memref<1x128xi32, #tpu.memory_space<vmem>>, vector<1x16xi32>,
      %shift_right_logical3A_242 = arith.constant 16 : i32
      %shift_right_logical3A_243 = vector.broadcast %shift_right_logical3A_242 : i32 to vector<16xi32>
      %shift_right_logical3A_244 = arith.shrui %get3A_232, %shift_right_logical3A_243 : vector<16xi32>
      %swap3A_245 = arith.constant 0 : i32
      %swap3A_246 = arith.index_cast %swap3A_245 : i32 to index
      %swap3A_247 = arith.constant 16 : index
      %swap3A_248 = tpu.vector_load %arg10[%swap3A_246, %swap3A_247] {strides = array<i32>} : memref<1x128xi32, #tpu.memory_space<vmem>>, vector<1x16xi32>,
      %swap3A_249 = vector.shape_cast %swap3A_248 : vector<1x16xi32> to vector<16xi32>
      %swap3A_250 = vector.shape_cast %shift_right_logical3A_244 : vector<16xi32> to vector<1x16xi32>
      tpu.vector_store %arg10[%swap3A_246, %swap3A_247], %swap3A_250 {strides = array<i32>} : memref<1x128xi32, #tpu.memory_space<vmem>>, vector<1x16xi32>,
      %get3A_251 = arith.index_cast %add3A_206 : i32 to index
      %get3A_252 = arith.constant 32 : index
      %get3A_253 = tpu.vector_load %arg6[%get3A_251, %get3A_252] {strides = array<i32>} : memref<82x128xi32, #tpu.memory_space<vmem>>, vector<1x16xi32>,
      %get3A_254 = vector.shape_cast %get3A_253 : vector<1x16xi32> to vector<16xi32>
      %and3A_255 = arith.constant 65535 : i32
      %and3A_256 = vector.broadcast %and3A_255 : i32 to vector<16xi32>
      %and3A_257 = arith.andi %get3A_254, %and3A_256 : vector<16xi32>
      %swap3A_258 = arith.constant 0 : i32
      %swap3A_259 = arith.index_cast %swap3A_258 : i32 to index
      %swap3A_260 = arith.constant 32 : index
      %swap3A_261 = tpu.vector_load %arg8[%swap3A_259, %swap3A_260] {strides = array<i32>} : memref<1x128xi32, #tpu.memory_space<vmem>>, vector<1x16xi32>,
      %swap3A_262 = vector.shape_cast %swap3A_261 : vector<1x16xi32> to vector<16xi32>
      %swap3A_263 = vector.shape_cast %and3A_257 : vector<16xi32> to vector<1x16xi32>
      tpu.vector_store %arg8[%swap3A_259, %swap3A_260], %swap3A_263 {strides = array<i32>} : memref<1x128xi32, #tpu.memory_space<vmem>>, vector<1x16xi32>,
      %shift_right_logical3A_264 = arith.constant 16 : i32
      %shift_right_logical3A_265 = vector.broadcast %shift_right_logical3A_264 : i32 to vector<16xi32>
      %shift_right_logical3A_266 = arith.shrui %get3A_254, %shift_right_logical3A_265 : vector<16xi32>
      %swap3A_267 = arith.constant 0 : i32
      %swap3A_268 = arith.index_cast %swap3A_267 : i32 to index
      %swap3A_269 = arith.constant 32 : index
      %swap3A_270 = tpu.vector_load %arg10[%swap3A_268, %swap3A_269] {strides = array<i32>} : memref<1x128xi32, #tpu.memory_space<vmem>>, vector<1x16xi32>,
      %swap3A_271 = vector.shape_cast %swap3A_270 : vector<1x16xi32> to vector<16xi32>
      %swap3A_272 = vector.shape_cast %shift_right_logical3A_266 : vector<16xi32> to vector<1x16xi32>
      tpu.vector_store %arg10[%swap3A_268, %swap3A_269], %swap3A_272 {strides = array<i32>} : memref<1x128xi32, #tpu.memory_space<vmem>>, vector<1x16xi32>,
      %get3A_273 = arith.index_cast %add3A_206 : i32 to index
      %get3A_274 = arith.constant 48 : index
      %get3A_275 = tpu.vector_load %arg6[%get3A_273, %get3A_274] {strides = array<i32>} : memref<82x128xi32, #tpu.memory_space<vmem>>, vector<1x16xi32>,
      %get3A_276 = vector.shape_cast %get3A_275 : vector<1x16xi32> to vector<16xi32>
      %and3A_277 = arith.constant 65535 : i32
      %and3A_278 = vector.broadcast %and3A_277 : i32 to vector<16xi32>
      %and3A_279 = arith.andi %get3A_276, %and3A_278 : vector<16xi32>
      %swap3A_280 = arith.constant 0 : i32
      %swap3A_281 = arith.index_cast %swap3A_280 : i32 to index
      %swap3A_282 = arith.constant 48 : index
      %swap3A_283 = tpu.vector_load %arg8[%swap3A_281, %swap3A_282] {strides = array<i32>} : memref<1x128xi32, #tpu.memory_space<vmem>>, vector<1x16xi32>,
      %swap3A_284 = vector.shape_cast %swap3A_283 : vector<1x16xi32> to vector<16xi32>
      %swap3A_285 = vector.shape_cast %and3A_279 : vector<16xi32> to vector<1x16xi32>
      tpu.vector_store %arg8[%swap3A_281, %swap3A_282], %swap3A_285 {strides = array<i32>} : memref<1x128xi32, #tpu.memory_space<vmem>>, vector<1x16xi32>,
      %shift_right_logical3A_286 = arith.constant 16 : i32
      %shift_right_logical3A_287 = vector.broadcast %shift_right_logical3A_286 : i32 to vector<16xi32>
      %shift_right_logical3A_288 = arith.shrui %get3A_276, %shift_right_logical3A_287 : vector<16xi32>
      %swap3A_289 = arith.constant 0 : i32
      %swap3A_290 = arith.index_cast %swap3A_289 : i32 to index
      %swap3A_291 = arith.constant 48 : index
      %swap3A_292 = tpu.vector_load %arg10[%swap3A_290, %swap3A_291] {strides = array<i32>} : memref<1x128xi32, #tpu.memory_space<vmem>>, vector<1x16xi32>,
      %swap3A_293 = vector.shape_cast %swap3A_292 : vector<1x16xi32> to vector<16xi32>
      %swap3A_294 = vector.shape_cast %shift_right_logical3A_288 : vector<16xi32> to vector<1x16xi32>
      tpu.vector_store %arg10[%swap3A_290, %swap3A_291], %swap3A_294 {strides = array<i32>} : memref<1x128xi32, #tpu.memory_space<vmem>>, vector<1x16xi32>,
      %get3A_295 = arith.index_cast %add3A_206 : i32 to index
      %get3A_296 = arith.constant 64 : index
      %get3A_297 = tpu.vector_load %arg6[%get3A_295, %get3A_296] {strides = array<i32>} : memref<82x128xi32, #tpu.memory_space<vmem>>, vector<1x16xi32>,
      %get3A_298 = vector.shape_cast %get3A_297 : vector<1x16xi32> to vector<16xi32>
      %and3A_299 = arith.constant 65535 : i32
      %and3A_300 = vector.broadcast %and3A_299 : i32 to vector<16xi32>
      %and3A_301 = arith.andi %get3A_298, %and3A_300 : vector<16xi32>
      %swap3A_302 = arith.constant 0 : i32
      %swap3A_303 = arith.index_cast %swap3A_302 : i32 to index
      %swap3A_304 = arith.constant 64 : index
      %swap3A_305 = tpu.vector_load %arg8[%swap3A_303, %swap3A_304] {strides = array<i32>} : memref<1x128xi32, #tpu.memory_space<vmem>>, vector<1x16xi32>,
      %swap3A_306 = vector.shape_cast %swap3A_305 : vector<1x16xi32> to vector<16xi32>
      %swap3A_307 = vector.shape_cast %and3A_301 : vector<16xi32> to vector<1x16xi32>
      tpu.vector_store %arg8[%swap3A_303, %swap3A_304], %swap3A_307 {strides = array<i32>} : memref<1x128xi32, #tpu.memory_space<vmem>>, vector<1x16xi32>,
      %shift_right_logical3A_308 = arith.constant 16 : i32
      %shift_right_logical3A_309 = vector.broadcast %shift_right_logical3A_308 : i32 to vector<16xi32>
      %shift_right_logical3A_310 = arith.shrui %get3A_298, %shift_right_logical3A_309 : vector<16xi32>
      %swap3A_311 = arith.constant 0 : i32
      %swap3A_312 = arith.index_cast %swap3A_311 : i32 to index
      %swap3A_313 = arith.constant 64 : index
      %swap3A_314 = tpu.vector_load %arg10[%swap3A_312, %swap3A_313] {strides = array<i32>} : memref<1x128xi32, #tpu.memory_space<vmem>>, vector<1x16xi32>,
      %swap3A_315 = vector.shape_cast %swap3A_314 : vector<1x16xi32> to vector<16xi32>
      %swap3A_316 = vector.shape_cast %shift_right_logical3A_310 : vector<16xi32> to vector<1x16xi32>
      tpu.vector_store %arg10[%swap3A_312, %swap3A_313], %swap3A_316 {strides = array<i32>} : memref<1x128xi32, #tpu.memory_space<vmem>>, vector<1x16xi32>,
      %get3A_317 = arith.index_cast %add3A_206 : i32 to index
      %get3A_318 = arith.constant 80 : index
      %get3A_319 = tpu.vector_load %arg6[%get3A_317, %get3A_318] {strides = array<i32>} : memref<82x128xi32, #tpu.memory_space<vmem>>, vector<1x16xi32>,
      %get3A_320 = vector.shape_cast %get3A_319 : vector<1x16xi32> to vector<16xi32>
      %and3A_321 = arith.constant 65535 : i32
      %and3A_322 = vector.broadcast %and3A_321 : i32 to vector<16xi32>
      %and3A_323 = arith.andi %get3A_320, %and3A_322 : vector<16xi32>
      %swap3A_324 = arith.constant 0 : i32
      %swap3A_325 = arith.index_cast %swap3A_324 : i32 to index
      %swap3A_326 = arith.constant 80 : index
      %swap3A_327 = tpu.vector_load %arg8[%swap3A_325, %swap3A_326] {strides = array<i32>} : memref<1x128xi32, #tpu.memory_space<vmem>>, vector<1x16xi32>,
      %swap3A_328 = vector.shape_cast %swap3A_327 : vector<1x16xi32> to vector<16xi32>
      %swap3A_329 = vector.shape_cast %and3A_323 : vector<16xi32> to vector<1x16xi32>
      tpu.vector_store %arg8[%swap3A_325, %swap3A_326], %swap3A_329 {strides = array<i32>} : memref<1x128xi32, #tpu.memory_space<vmem>>, vector<1x16xi32>,
      %shift_right_logical3A_330 = arith.constant 16 : i32
      %shift_right_logical3A_331 = vector.broadcast %shift_right_logical3A_330 : i32 to vector<16xi32>
      %shift_right_logical3A_332 = arith.shrui %get3A_320, %shift_right_logical3A_331 : vector<16xi32>
      %swap3A_333 = arith.constant 0 : i32
      %swap3A_334 = arith.index_cast %swap3A_333 : i32 to index
      %swap3A_335 = arith.constant 80 : index
      %swap3A_336 = tpu.vector_load %arg10[%swap3A_334, %swap3A_335] {strides = array<i32>} : memref<1x128xi32, #tpu.memory_space<vmem>>, vector<1x16xi32>,
      %swap3A_337 = vector.shape_cast %swap3A_336 : vector<1x16xi32> to vector<16xi32>
      %swap3A_338 = vector.shape_cast %shift_right_logical3A_332 : vector<16xi32> to vector<1x16xi32>
      tpu.vector_store %arg10[%swap3A_334, %swap3A_335], %swap3A_338 {strides = array<i32>} : memref<1x128xi32, #tpu.memory_space<vmem>>, vector<1x16xi32>,
      %get3A_339 = arith.index_cast %add3A_206 : i32 to index
      %get3A_340 = arith.constant 96 : index
      %get3A_341 = tpu.vector_load %arg6[%get3A_339, %get3A_340] {strides = array<i32>} : memref<82x128xi32, #tpu.memory_space<vmem>>, vector<1x16xi32>,
      %get3A_342 = vector.shape_cast %get3A_341 : vector<1x16xi32> to vector<16xi32>
      %and3A_343 = arith.constant 65535 : i32
      %and3A_344 = vector.broadcast %and3A_343 : i32 to vector<16xi32>
      %and3A_345 = arith.andi %get3A_342, %and3A_344 : vector<16xi32>
      %swap3A_346 = arith.constant 0 : i32
      %swap3A_347 = arith.index_cast %swap3A_346 : i32 to index
      %swap3A_348 = arith.constant 96 : index
      %swap3A_349 = tpu.vector_load %arg8[%swap3A_347, %swap3A_348] {strides = array<i32>} : memref<1x128xi32, #tpu.memory_space<vmem>>, vector<1x16xi32>,
      %swap3A_350 = vector.shape_cast %swap3A_349 : vector<1x16xi32> to vector<16xi32>
      %swap3A_351 = vector.shape_cast %and3A_345 : vector<16xi32> to vector<1x16xi32>
      tpu.vector_store %arg8[%swap3A_347, %swap3A_348], %swap3A_351 {strides = array<i32>} : memref<1x128xi32, #tpu.memory_space<vmem>>, vector<1x16xi32>,
      %shift_right_logical3A_352 = arith.constant 16 : i32
      %shift_right_logical3A_353 = vector.broadcast %shift_right_logical3A_352 : i32 to vector<16xi32>
      %shift_right_logical3A_354 = arith.shrui %get3A_342, %shift_right_logical3A_353 : vector<16xi32>
      %swap3A_355 = arith.constant 0 : i32
      %swap3A_356 = arith.index_cast %swap3A_355 : i32 to index
      %swap3A_357 = arith.constant 96 : index
      %swap3A_358 = tpu.vector_load %arg10[%swap3A_356, %swap3A_357] {strides = array<i32>} : memref<1x128xi32, #tpu.memory_space<vmem>>, vector<1x16xi32>,
      %swap3A_359 = vector.shape_cast %swap3A_358 : vector<1x16xi32> to vector<16xi32>
      %swap3A_360 = vector.shape_cast %shift_right_logical3A_354 : vector<16xi32> to vector<1x16xi32>
      tpu.vector_store %arg10[%swap3A_356, %swap3A_357], %swap3A_360 {strides = array<i32>} : memref<1x128xi32, #tpu.memory_space<vmem>>, vector<1x16xi32>,
      %get3A_361 = arith.index_cast %add3A_206 : i32 to index
      %get3A_362 = arith.constant 112 : index
      %get3A_363 = tpu.vector_load %arg6[%get3A_361, %get3A_362] {strides = array<i32>} : memref<82x128xi32, #tpu.memory_space<vmem>>, vector<1x16xi32>,
      %get3A_364 = vector.shape_cast %get3A_363 : vector<1x16xi32> to vector<16xi32>
      %and3A_365 = arith.constant 65535 : i32
      %and3A_366 = vector.broadcast %and3A_365 : i32 to vector<16xi32>
      %and3A_367 = arith.andi %get3A_364, %and3A_366 : vector<16xi32>
      %swap3A_368 = arith.constant 0 : i32
      %swap3A_369 = arith.index_cast %swap3A_368 : i32 to index
      %swap3A_370 = arith.constant 112 : index
      %swap3A_371 = tpu.vector_load %arg8[%swap3A_369, %swap3A_370] {strides = array<i32>} : memref<1x128xi32, #tpu.memory_space<vmem>>, vector<1x16xi32>,
      %swap3A_372 = vector.shape_cast %swap3A_371 : vector<1x16xi32> to vector<16xi32>
      %swap3A_373 = vector.shape_cast %and3A_367 : vector<16xi32> to vector<1x16xi32>
      tpu.vector_store %arg8[%swap3A_369, %swap3A_370], %swap3A_373 {strides = array<i32>} : memref<1x128xi32, #tpu.memory_space<vmem>>, vector<1x16xi32>,
      %shift_right_logical3A_374 = arith.constant 16 : i32
      %shift_right_logical3A_375 = vector.broadcast %shift_right_logical3A_374 : i32 to vector<16xi32>
      %shift_right_logical3A_376 = arith.shrui %get3A_364, %shift_right_logical3A_375 : vector<16xi32>
      %swap3A_377 = arith.constant 0 : i32
      %swap3A_378 = arith.index_cast %swap3A_377 : i32 to index
      %swap3A_379 = arith.constant 112 : index
      %swap3A_380 = tpu.vector_load %arg10[%swap3A_378, %swap3A_379] {strides = array<i32>} : memref<1x128xi32, #tpu.memory_space<vmem>>, vector<1x16xi32>,
      %swap3A_381 = vector.shape_cast %swap3A_380 : vector<1x16xi32> to vector<16xi32>
      %swap3A_382 = vector.shape_cast %shift_right_logical3A_376 : vector<16xi32> to vector<1x16xi32>
      tpu.vector_store %arg10[%swap3A_378, %swap3A_379], %swap3A_382 {strides = array<i32>} : memref<1x128xi32, #tpu.memory_space<vmem>>, vector<1x16xi32>,
      %dma_start3A_383 = arith.constant 0 : i32
      %dma_start3A_384 = arith.constant 0 : i32
      %dma_start3A_385 = tpu.memref_slice %arg8[%dma_start3A_383, %dma_start3A_384] : memref<1x128xi32, #tpu.memory_space<vmem>> -> memref<1x128xi32, #tpu.memory_space<vmem>>
      %dma_start3A_386 = tpu.memref_squeeze %dma_start3A_385 : memref<1x128xi32, #tpu.memory_space<vmem>> -> memref<128xi32, #tpu.memory_space<vmem>>
      %dma_start3A_387 = arith.constant 0 : i32
      %dma_start3A_388 = arith.constant 0 : i32
      %dma_start3A_389 = tpu.memref_slice %arg2[%dma_start3A_387, %dma_start3A_388] : memref<10000x128xf32, #tpu.memory_space<hbm>> -> memref<10000x128xf32, #tpu.memory_space<hbm>>
      tpu.enqueue_indirect_dma source(%dma_start3A_389 : memref<10000x128xf32, #tpu.memory_space<hbm>>) target(%arg12 : memref<128x128xf32, #tpu.memory_space<vmem>>) offsets(%dma_start3A_386 : memref<128xi32, #tpu.memory_space<vmem>>) semaphore(%arg15 : memref<!tpu.dma_semaphore, #tpu.memory_space<semaphore_mem>>)
      %dma_wait3A = arith.constant 0 : i32
      %dma_wait3A_390 = arith.constant 0 : i32
      %dma_wait3A_391 = tpu.memref_slice %arg2[%dma_wait3A, %dma_wait3A_390] : memref<10000x128xf32, #tpu.memory_space<hbm>> -> memref<128x128xf32, #tpu.memory_space<hbm>>
      %dma_wait3A_392 = arith.constant 0 : i32
      %dma_wait3A_393 = arith.constant 0 : i32
      %dma_wait3A_394 = tpu.memref_slice %arg2[%dma_wait3A_392, %dma_wait3A_393] : memref<10000x128xf32, #tpu.memory_space<hbm>> -> memref<128x128xf32, #tpu.memory_space<hbm>>
      tpu.wait_dma2 semaphore(%arg14 : memref<!tpu.dma_semaphore, #tpu.memory_space<semaphore_mem>>) src(%dma_wait3A_394 : memref<128x128xf32, #tpu.memory_space<hbm>>) dst(%arg11 : memref<128x128xf32, #tpu.memory_space<vmem>>)
      %run_scoped3A = arith.constant 0 : i32
      "tpu.region"() ({
        %run_scoped3A_406 = tpu.sem_alloc : memref<!tpu.dma_semaphore, #tpu.memory_space<semaphore_mem>>
        %dma_start3A_407 = arith.constant 0 : i32
        %dma_start3A_408 = tpu.memref_slice %arg9[%run_scoped3A, %dma_start3A_407] : memref<1x128xi32, #tpu.memory_space<vmem>> -> memref<1x128xi32, #tpu.memory_space<vmem>>
        %dma_start3A_409 = tpu.memref_squeeze %dma_start3A_408 : memref<1x128xi32, #tpu.memory_space<vmem>> -> memref<128xi32, #tpu.memory_space<vmem>>
        %dma_start3A_410 = arith.constant 0 : i32
        %dma_start3A_411 = arith.constant 0 : i32
        %dma_start3A_412 = tpu.memref_slice %arg13[%dma_start3A_410, %dma_start3A_411] : memref<10112x128xf32, #tpu.memory_space<vmem_shared>> -> memref<10112x128xf32, #tpu.memory_space<vmem_shared>>
        tpu.enqueue_indirect_dma source(%arg11 : memref<128x128xf32, #tpu.memory_space<vmem>>) target(%dma_start3A_412 : memref<10112x128xf32, #tpu.memory_space<vmem_shared>>) offsets(%dma_start3A_409 : memref<128xi32, #tpu.memory_space<vmem>>) semaphore(%run_scoped3A_406 : memref<!tpu.dma_semaphore, #tpu.memory_space<semaphore_mem>>) {add = true}
        %dma_wait3A_413 = arith.constant 0 : i32
        %dma_wait3A_414 = tpu.memref_slice %arg9[%run_scoped3A, %dma_wait3A_413] : memref<1x128xi32, #tpu.memory_space<vmem>> -> memref<1x128xi32, #tpu.memory_space<vmem>>
        %dma_wait3A_415 = tpu.memref_squeeze %dma_wait3A_414 : memref<1x128xi32, #tpu.memory_space<vmem>> -> memref<128xi32, #tpu.memory_space<vmem>>
        %dma_wait3A_416 = arith.constant 0 : i32
        %dma_wait3A_417 = arith.constant 0 : i32
        %dma_wait3A_418 = tpu.memref_slice %arg13[%dma_wait3A_416, %dma_wait3A_417] : memref<10112x128xf32, #tpu.memory_space<vmem_shared>> -> memref<10112x128xf32, #tpu.memory_space<vmem_shared>>
        tpu.wait_indirect_dma semaphore(%run_scoped3A_406 : memref<!tpu.dma_semaphore, #tpu.memory_space<semaphore_mem>>) src(%arg11 : memref<128x128xf32, #tpu.memory_space<vmem>>) dst(%dma_wait3A_418 : memref<10112x128xf32, #tpu.memory_space<vmem_shared>>)
        tpu.yield
      }) : () -> ()
      %add3A_395 = arith.constant 2 : i32
      %add3A_396 = arith.addi %add3A_204, %add3A_395 : i32
      %lt3A = arith.constant 82 : i32
      %lt3A_397 = arith.cmpi slt, %add3A_396, %lt3A : i32
      %convert_element_type3A = arith.extui %lt3A_397 : i1 to i32
      %cond3A = arith.constant 0 : i32
      %cond3A_398 = arith.cmpi ne, %convert_element_type3A, %cond3A : i32
      scf.if %cond3A_398 {
        %add3A_406 = arith.constant 2 : i32
        %add3A_407 = arith.addi %add3A_204, %add3A_406 : i32
        %get3A_408 = arith.index_cast %add3A_407 : i32 to index
        %get3A_409 = arith.constant 0 : index
        %get3A_410 = tpu.vector_load %arg6[%get3A_408, %get3A_409] {strides = array<i32>} : memref<82x128xi32, #tpu.memory_space<vmem>>, vector<1x16xi32>,
        %get3A_411 = vector.shape_cast %get3A_410 : vector<1x16xi32> to vector<16xi32>
        %and3A_412 = arith.constant 65535 : i32
        %and3A_413 = vector.broadcast %and3A_412 : i32 to vector<16xi32>
        %and3A_414 = arith.andi %get3A_411, %and3A_413 : vector<16xi32>
        %swap3A_415 = arith.constant 0 : i32
        %swap3A_416 = arith.index_cast %swap3A_415 : i32 to index
        %swap3A_417 = arith.constant 0 : index
        %swap3A_418 = tpu.vector_load %arg7[%swap3A_416, %swap3A_417] {strides = array<i32>} : memref<1x128xi32, #tpu.memory_space<vmem>>, vector<1x16xi32>,
        %swap3A_419 = vector.shape_cast %swap3A_418 : vector<1x16xi32> to vector<16xi32>
        %swap3A_420 = vector.shape_cast %and3A_414 : vector<16xi32> to vector<1x16xi32>
        tpu.vector_store %arg7[%swap3A_416, %swap3A_417], %swap3A_420 {strides = array<i32>} : memref<1x128xi32, #tpu.memory_space<vmem>>, vector<1x16xi32>,
        %shift_right_logical3A_421 = arith.constant 16 : i32
        %shift_right_logical3A_422 = vector.broadcast %shift_right_logical3A_421 : i32 to vector<16xi32>
        %shift_right_logical3A_423 = arith.shrui %get3A_411, %shift_right_logical3A_422 : vector<16xi32>
        %swap3A_424 = arith.constant 0 : i32
        %swap3A_425 = arith.index_cast %swap3A_424 : i32 to index
        %swap3A_426 = arith.constant 0 : index
        %swap3A_427 = tpu.vector_load %arg9[%swap3A_425, %swap3A_426] {strides = array<i32>} : memref<1x128xi32, #tpu.memory_space<vmem>>, vector<1x16xi32>,
        %swap3A_428 = vector.shape_cast %swap3A_427 : vector<1x16xi32> to vector<16xi32>
        %swap3A_429 = vector.shape_cast %shift_right_logical3A_423 : vector<16xi32> to vector<1x16xi32>
        tpu.vector_store %arg9[%swap3A_425, %swap3A_426], %swap3A_429 {strides = array<i32>} : memref<1x128xi32, #tpu.memory_space<vmem>>, vector<1x16xi32>,
        %get3A_430 = arith.index_cast %add3A_407 : i32 to index
        %get3A_431 = arith.constant 16 : index
        %get3A_432 = tpu.vector_load %arg6[%get3A_430, %get3A_431] {strides = array<i32>} : memref<82x128xi32, #tpu.memory_space<vmem>>, vector<1x16xi32>,
        %get3A_433 = vector.shape_cast %get3A_432 : vector<1x16xi32> to vector<16xi32>
        %and3A_434 = arith.constant 65535 : i32
        %and3A_435 = vector.broadcast %and3A_434 : i32 to vector<16xi32>
        %and3A_436 = arith.andi %get3A_433, %and3A_435 : vector<16xi32>
        %swap3A_437 = arith.constant 0 : i32
        %swap3A_438 = arith.index_cast %swap3A_437 : i32 to index
        %swap3A_439 = arith.constant 16 : index
        %swap3A_440 = tpu.vector_load %arg7[%swap3A_438, %swap3A_439] {strides = array<i32>} : memref<1x128xi32, #tpu.memory_space<vmem>>, vector<1x16xi32>,
        %swap3A_441 = vector.shape_cast %swap3A_440 : vector<1x16xi32> to vector<16xi32>
        %swap3A_442 = vector.shape_cast %and3A_436 : vector<16xi32> to vector<1x16xi32>
        tpu.vector_store %arg7[%swap3A_438, %swap3A_439], %swap3A_442 {strides = array<i32>} : memref<1x128xi32, #tpu.memory_space<vmem>>, vector<1x16xi32>,
        %shift_right_logical3A_443 = arith.constant 16 : i32
        %shift_right_logical3A_444 = vector.broadcast %shift_right_logical3A_443 : i32 to vector<16xi32>
        %shift_right_logical3A_445 = arith.shrui %get3A_433, %shift_right_logical3A_444 : vector<16xi32>
        %swap3A_446 = arith.constant 0 : i32
        %swap3A_447 = arith.index_cast %swap3A_446 : i32 to index
        %swap3A_448 = arith.constant 16 : index
        %swap3A_449 = tpu.vector_load %arg9[%swap3A_447, %swap3A_448] {strides = array<i32>} : memref<1x128xi32, #tpu.memory_space<vmem>>, vector<1x16xi32>,
        %swap3A_450 = vector.shape_cast %swap3A_449 : vector<1x16xi32> to vector<16xi32>
        %swap3A_451 = vector.shape_cast %shift_right_logical3A_445 : vector<16xi32> to vector<1x16xi32>
        tpu.vector_store %arg9[%swap3A_447, %swap3A_448], %swap3A_451 {strides = array<i32>} : memref<1x128xi32, #tpu.memory_space<vmem>>, vector<1x16xi32>,
        %get3A_452 = arith.index_cast %add3A_407 : i32 to index
        %get3A_453 = arith.constant 32 : index
        %get3A_454 = tpu.vector_load %arg6[%get3A_452, %get3A_453] {strides = array<i32>} : memref<82x128xi32, #tpu.memory_space<vmem>>, vector<1x16xi32>,
        %get3A_455 = vector.shape_cast %get3A_454 : vector<1x16xi32> to vector<16xi32>
        %and3A_456 = arith.constant 65535 : i32
        %and3A_457 = vector.broadcast %and3A_456 : i32 to vector<16xi32>
        %and3A_458 = arith.andi %get3A_455, %and3A_457 : vector<16xi32>
        %swap3A_459 = arith.constant 0 : i32
        %swap3A_460 = arith.index_cast %swap3A_459 : i32 to index
        %swap3A_461 = arith.constant 32 : index
        %swap3A_462 = tpu.vector_load %arg7[%swap3A_460, %swap3A_461] {strides = array<i32>} : memref<1x128xi32, #tpu.memory_space<vmem>>, vector<1x16xi32>,
        %swap3A_463 = vector.shape_cast %swap3A_462 : vector<1x16xi32> to vector<16xi32>
        %swap3A_464 = vector.shape_cast %and3A_458 : vector<16xi32> to vector<1x16xi32>
        tpu.vector_store %arg7[%swap3A_460, %swap3A_461], %swap3A_464 {strides = array<i32>} : memref<1x128xi32, #tpu.memory_space<vmem>>, vector<1x16xi32>,
        %shift_right_logical3A_465 = arith.constant 16 : i32
        %shift_right_logical3A_466 = vector.broadcast %shift_right_logical3A_465 : i32 to vector<16xi32>
        %shift_right_logical3A_467 = arith.shrui %get3A_455, %shift_right_logical3A_466 : vector<16xi32>
        %swap3A_468 = arith.constant 0 : i32
        %swap3A_469 = arith.index_cast %swap3A_468 : i32 to index
        %swap3A_470 = arith.constant 32 : index
        %swap3A_471 = tpu.vector_load %arg9[%swap3A_469, %swap3A_470] {strides = array<i32>} : memref<1x128xi32, #tpu.memory_space<vmem>>, vector<1x16xi32>,
        %swap3A_472 = vector.shape_cast %swap3A_471 : vector<1x16xi32> to vector<16xi32>
        %swap3A_473 = vector.shape_cast %shift_right_logical3A_467 : vector<16xi32> to vector<1x16xi32>
        tpu.vector_store %arg9[%swap3A_469, %swap3A_470], %swap3A_473 {strides = array<i32>} : memref<1x128xi32, #tpu.memory_space<vmem>>, vector<1x16xi32>,
        %get3A_474 = arith.index_cast %add3A_407 : i32 to index
        %get3A_475 = arith.constant 48 : index
        %get3A_476 = tpu.vector_load %arg6[%get3A_474, %get3A_475] {strides = array<i32>} : memref<82x128xi32, #tpu.memory_space<vmem>>, vector<1x16xi32>,
        %get3A_477 = vector.shape_cast %get3A_476 : vector<1x16xi32> to vector<16xi32>
        %and3A_478 = arith.constant 65535 : i32
        %and3A_479 = vector.broadcast %and3A_478 : i32 to vector<16xi32>
        %and3A_480 = arith.andi %get3A_477, %and3A_479 : vector<16xi32>
        %swap3A_481 = arith.constant 0 : i32
        %swap3A_482 = arith.index_cast %swap3A_481 : i32 to index
        %swap3A_483 = arith.constant 48 : index
        %swap3A_484 = tpu.vector_load %arg7[%swap3A_482, %swap3A_483] {strides = array<i32>} : memref<1x128xi32, #tpu.memory_space<vmem>>, vector<1x16xi32>,
        %swap3A_485 = vector.shape_cast %swap3A_484 : vector<1x16xi32> to vector<16xi32>
        %swap3A_486 = vector.shape_cast %and3A_480 : vector<16xi32> to vector<1x16xi32>
        tpu.vector_store %arg7[%swap3A_482, %swap3A_483], %swap3A_486 {strides = array<i32>} : memref<1x128xi32, #tpu.memory_space<vmem>>, vector<1x16xi32>,
        %shift_right_logical3A_487 = arith.constant 16 : i32
        %shift_right_logical3A_488 = vector.broadcast %shift_right_logical3A_487 : i32 to vector<16xi32>
        %shift_right_logical3A_489 = arith.shrui %get3A_477, %shift_right_logical3A_488 : vector<16xi32>
        %swap3A_490 = arith.constant 0 : i32
        %swap3A_491 = arith.index_cast %swap3A_490 : i32 to index
        %swap3A_492 = arith.constant 48 : index
        %swap3A_493 = tpu.vector_load %arg9[%swap3A_491, %swap3A_492] {strides = array<i32>} : memref<1x128xi32, #tpu.memory_space<vmem>>, vector<1x16xi32>,
        %swap3A_494 = vector.shape_cast %swap3A_493 : vector<1x16xi32> to vector<16xi32>
        %swap3A_495 = vector.shape_cast %shift_right_logical3A_489 : vector<16xi32> to vector<1x16xi32>
        tpu.vector_store %arg9[%swap3A_491, %swap3A_492], %swap3A_495 {strides = array<i32>} : memref<1x128xi32, #tpu.memory_space<vmem>>, vector<1x16xi32>,
        %get3A_496 = arith.index_cast %add3A_407 : i32 to index
        %get3A_497 = arith.constant 64 : index
        %get3A_498 = tpu.vector_load %arg6[%get3A_496, %get3A_497] {strides = array<i32>} : memref<82x128xi32, #tpu.memory_space<vmem>>, vector<1x16xi32>,
        %get3A_499 = vector.shape_cast %get3A_498 : vector<1x16xi32> to vector<16xi32>
        %and3A_500 = arith.constant 65535 : i32
        %and3A_501 = vector.broadcast %and3A_500 : i32 to vector<16xi32>
        %and3A_502 = arith.andi %get3A_499, %and3A_501 : vector<16xi32>
        %swap3A_503 = arith.constant 0 : i32
        %swap3A_504 = arith.index_cast %swap3A_503 : i32 to index
        %swap3A_505 = arith.constant 64 : index
        %swap3A_506 = tpu.vector_load %arg7[%swap3A_504, %swap3A_505] {strides = array<i32>} : memref<1x128xi32, #tpu.memory_space<vmem>>, vector<1x16xi32>,
        %swap3A_507 = vector.shape_cast %swap3A_506 : vector<1x16xi32> to vector<16xi32>
        %swap3A_508 = vector.shape_cast %and3A_502 : vector<16xi32> to vector<1x16xi32>
        tpu.vector_store %arg7[%swap3A_504, %swap3A_505], %swap3A_508 {strides = array<i32>} : memref<1x128xi32, #tpu.memory_space<vmem>>, vector<1x16xi32>,
        %shift_right_logical3A_509 = arith.constant 16 : i32
        %shift_right_logical3A_510 = vector.broadcast %shift_right_logical3A_509 : i32 to vector<16xi32>
        %shift_right_logical3A_511 = arith.shrui %get3A_499, %shift_right_logical3A_510 : vector<16xi32>
        %swap3A_512 = arith.constant 0 : i32
        %swap3A_513 = arith.index_cast %swap3A_512 : i32 to index
        %swap3A_514 = arith.constant 64 : index
        %swap3A_515 = tpu.vector_load %arg9[%swap3A_513, %swap3A_514] {strides = array<i32>} : memref<1x128xi32, #tpu.memory_space<vmem>>, vector<1x16xi32>,
        %swap3A_516 = vector.shape_cast %swap3A_515 : vector<1x16xi32> to vector<16xi32>
        %swap3A_517 = vector.shape_cast %shift_right_logical3A_511 : vector<16xi32> to vector<1x16xi32>
        tpu.vector_store %arg9[%swap3A_513, %swap3A_514], %swap3A_517 {strides = array<i32>} : memref<1x128xi32, #tpu.memory_space<vmem>>, vector<1x16xi32>,
        %get3A_518 = arith.index_cast %add3A_407 : i32 to index
        %get3A_519 = arith.constant 80 : index
        %get3A_520 = tpu.vector_load %arg6[%get3A_518, %get3A_519] {strides = array<i32>} : memref<82x128xi32, #tpu.memory_space<vmem>>, vector<1x16xi32>,
        %get3A_521 = vector.shape_cast %get3A_520 : vector<1x16xi32> to vector<16xi32>
        %and3A_522 = arith.constant 65535 : i32
        %and3A_523 = vector.broadcast %and3A_522 : i32 to vector<16xi32>
        %and3A_524 = arith.andi %get3A_521, %and3A_523 : vector<16xi32>
        %swap3A_525 = arith.constant 0 : i32
        %swap3A_526 = arith.index_cast %swap3A_525 : i32 to index
        %swap3A_527 = arith.constant 80 : index
        %swap3A_528 = tpu.vector_load %arg7[%swap3A_526, %swap3A_527] {strides = array<i32>} : memref<1x128xi32, #tpu.memory_space<vmem>>, vector<1x16xi32>,
        %swap3A_529 = vector.shape_cast %swap3A_528 : vector<1x16xi32> to vector<16xi32>
        %swap3A_530 = vector.shape_cast %and3A_524 : vector<16xi32> to vector<1x16xi32>
        tpu.vector_store %arg7[%swap3A_526, %swap3A_527], %swap3A_530 {strides = array<i32>} : memref<1x128xi32, #tpu.memory_space<vmem>>, vector<1x16xi32>,
        %shift_right_logical3A_531 = arith.constant 16 : i32
        %shift_right_logical3A_532 = vector.broadcast %shift_right_logical3A_531 : i32 to vector<16xi32>
        %shift_right_logical3A_533 = arith.shrui %get3A_521, %shift_right_logical3A_532 : vector<16xi32>
        %swap3A_534 = arith.constant 0 : i32
        %swap3A_535 = arith.index_cast %swap3A_534 : i32 to index
        %swap3A_536 = arith.constant 80 : index
        %swap3A_537 = tpu.vector_load %arg9[%swap3A_535, %swap3A_536] {strides = array<i32>} : memref<1x128xi32, #tpu.memory_space<vmem>>, vector<1x16xi32>,
        %swap3A_538 = vector.shape_cast %swap3A_537 : vector<1x16xi32> to vector<16xi32>
        %swap3A_539 = vector.shape_cast %shift_right_logical3A_533 : vector<16xi32> to vector<1x16xi32>
        tpu.vector_store %arg9[%swap3A_535, %swap3A_536], %swap3A_539 {strides = array<i32>} : memref<1x128xi32, #tpu.memory_space<vmem>>, vector<1x16xi32>,
        %get3A_540 = arith.index_cast %add3A_407 : i32 to index
        %get3A_541 = arith.constant 96 : index
        %get3A_542 = tpu.vector_load %arg6[%get3A_540, %get3A_541] {strides = array<i32>} : memref<82x128xi32, #tpu.memory_space<vmem>>, vector<1x16xi32>,
        %get3A_543 = vector.shape_cast %get3A_542 : vector<1x16xi32> to vector<16xi32>
        %and3A_544 = arith.constant 65535 : i32
        %and3A_545 = vector.broadcast %and3A_544 : i32 to vector<16xi32>
        %and3A_546 = arith.andi %get3A_543, %and3A_545 : vector<16xi32>
        %swap3A_547 = arith.constant 0 : i32
        %swap3A_548 = arith.index_cast %swap3A_547 : i32 to index
        %swap3A_549 = arith.constant 96 : index
        %swap3A_550 = tpu.vector_load %arg7[%swap3A_548, %swap3A_549] {strides = array<i32>} : memref<1x128xi32, #tpu.memory_space<vmem>>, vector<1x16xi32>,
        %swap3A_551 = vector.shape_cast %swap3A_550 : vector<1x16xi32> to vector<16xi32>
        %swap3A_552 = vector.shape_cast %and3A_546 : vector<16xi32> to vector<1x16xi32>
        tpu.vector_store %arg7[%swap3A_548, %swap3A_549], %swap3A_552 {strides = array<i32>} : memref<1x128xi32, #tpu.memory_space<vmem>>, vector<1x16xi32>,
        %shift_right_logical3A_553 = arith.constant 16 : i32
        %shift_right_logical3A_554 = vector.broadcast %shift_right_logical3A_553 : i32 to vector<16xi32>
        %shift_right_logical3A_555 = arith.shrui %get3A_543, %shift_right_logical3A_554 : vector<16xi32>
        %swap3A_556 = arith.constant 0 : i32
        %swap3A_557 = arith.index_cast %swap3A_556 : i32 to index
        %swap3A_558 = arith.constant 96 : index
        %swap3A_559 = tpu.vector_load %arg9[%swap3A_557, %swap3A_558] {strides = array<i32>} : memref<1x128xi32, #tpu.memory_space<vmem>>, vector<1x16xi32>,
        %swap3A_560 = vector.shape_cast %swap3A_559 : vector<1x16xi32> to vector<16xi32>
        %swap3A_561 = vector.shape_cast %shift_right_logical3A_555 : vector<16xi32> to vector<1x16xi32>
        tpu.vector_store %arg9[%swap3A_557, %swap3A_558], %swap3A_561 {strides = array<i32>} : memref<1x128xi32, #tpu.memory_space<vmem>>, vector<1x16xi32>,
        %get3A_562 = arith.index_cast %add3A_407 : i32 to index
        %get3A_563 = arith.constant 112 : index
        %get3A_564 = tpu.vector_load %arg6[%get3A_562, %get3A_563] {strides = array<i32>} : memref<82x128xi32, #tpu.memory_space<vmem>>, vector<1x16xi32>,
        %get3A_565 = vector.shape_cast %get3A_564 : vector<1x16xi32> to vector<16xi32>
        %and3A_566 = arith.constant 65535 : i32
        %and3A_567 = vector.broadcast %and3A_566 : i32 to vector<16xi32>
        %and3A_568 = arith.andi %get3A_565, %and3A_567 : vector<16xi32>
        %swap3A_569 = arith.constant 0 : i32
        %swap3A_570 = arith.index_cast %swap3A_569 : i32 to index
        %swap3A_571 = arith.constant 112 : index
        %swap3A_572 = tpu.vector_load %arg7[%swap3A_570, %swap3A_571] {strides = array<i32>} : memref<1x128xi32, #tpu.memory_space<vmem>>, vector<1x16xi32>,
        %swap3A_573 = vector.shape_cast %swap3A_572 : vector<1x16xi32> to vector<16xi32>
        %swap3A_574 = vector.shape_cast %and3A_568 : vector<16xi32> to vector<1x16xi32>
        tpu.vector_store %arg7[%swap3A_570, %swap3A_571], %swap3A_574 {strides = array<i32>} : memref<1x128xi32, #tpu.memory_space<vmem>>, vector<1x16xi32>,
        %shift_right_logical3A_575 = arith.constant 16 : i32
        %shift_right_logical3A_576 = vector.broadcast %shift_right_logical3A_575 : i32 to vector<16xi32>
        %shift_right_logical3A_577 = arith.shrui %get3A_565, %shift_right_logical3A_576 : vector<16xi32>
        %swap3A_578 = arith.constant 0 : i32
        %swap3A_579 = arith.index_cast %swap3A_578 : i32 to index
        %swap3A_580 = arith.constant 112 : index
        %swap3A_581 = tpu.vector_load %arg9[%swap3A_579, %swap3A_580] {strides = array<i32>} : memref<1x128xi32, #tpu.memory_space<vmem>>, vector<1x16xi32>,
        %swap3A_582 = vector.shape_cast %swap3A_581 : vector<1x16xi32> to vector<16xi32>
        %swap3A_583 = vector.shape_cast %shift_right_logical3A_577 : vector<16xi32> to vector<1x16xi32>
        tpu.vector_store %arg9[%swap3A_579, %swap3A_580], %swap3A_583 {strides = array<i32>} : memref<1x128xi32, #tpu.memory_space<vmem>>, vector<1x16xi32>,
        %dma_start3A_584 = arith.constant 0 : i32
        %dma_start3A_585 = arith.constant 0 : i32
        %dma_start3A_586 = tpu.memref_slice %arg7[%dma_start3A_584, %dma_start3A_585] : memref<1x128xi32, #tpu.memory_space<vmem>> -> memref<1x128xi32, #tpu.memory_space<vmem>>
        %dma_start3A_587 = tpu.memref_squeeze %dma_start3A_586 : memref<1x128xi32, #tpu.memory_space<vmem>> -> memref<128xi32, #tpu.memory_space<vmem>>
        %dma_start3A_588 = arith.constant 0 : i32
        %dma_start3A_589 = arith.constant 0 : i32
        %dma_start3A_590 = tpu.memref_slice %arg2[%dma_start3A_588, %dma_start3A_589] : memref<10000x128xf32, #tpu.memory_space<hbm>> -> memref<10000x128xf32, #tpu.memory_space<hbm>>
        tpu.enqueue_indirect_dma source(%dma_start3A_590 : memref<10000x128xf32, #tpu.memory_space<hbm>>) target(%arg11 : memref<128x128xf32, #tpu.memory_space<vmem>>) offsets(%dma_start3A_587 : memref<128xi32, #tpu.memory_space<vmem>>) semaphore(%arg14 : memref<!tpu.dma_semaphore, #tpu.memory_space<semaphore_mem>>)
      } else {
      }
      %dma_wait3A_399 = arith.constant 0 : i32
      %dma_wait3A_400 = arith.constant 0 : i32
      %dma_wait3A_401 = tpu.memref_slice %arg2[%dma_wait3A_399, %dma_wait3A_400] : memref<10000x128xf32, #tpu.memory_space<hbm>> -> memref<128x128xf32, #tpu.memory_space<hbm>>
      %dma_wait3A_402 = arith.constant 0 : i32
      %dma_wait3A_403 = arith.constant 0 : i32
      %dma_wait3A_404 = tpu.memref_slice %arg2[%dma_wait3A_402, %dma_wait3A_403] : memref<10000x128xf32, #tpu.memory_space<hbm>> -> memref<128x128xf32, #tpu.memory_space<hbm>>
      tpu.wait_dma2 semaphore(%arg15 : memref<!tpu.dma_semaphore, #tpu.memory_space<semaphore_mem>>) src(%dma_wait3A_404 : memref<128x128xf32, #tpu.memory_space<hbm>>) dst(%arg12 : memref<128x128xf32, #tpu.memory_space<vmem>>)
      %run_scoped3A_405 = arith.constant 0 : i32
      "tpu.region"() ({
        %run_scoped3A_406 = tpu.sem_alloc : memref<!tpu.dma_semaphore, #tpu.memory_space<semaphore_mem>>
        %dma_start3A_407 = arith.constant 0 : i32
        %dma_start3A_408 = tpu.memref_slice %arg10[%run_scoped3A_405, %dma_start3A_407] : memref<1x128xi32, #tpu.memory_space<vmem>> -> memref<1x128xi32, #tpu.memory_space<vmem>>
        %dma_start3A_409 = tpu.memref_squeeze %dma_start3A_408 : memref<1x128xi32, #tpu.memory_space<vmem>> -> memref<128xi32, #tpu.memory_space<vmem>>
        %dma_start3A_410 = arith.constant 0 : i32
        %dma_start3A_411 = arith.constant 0 : i32
        %dma_start3A_412 = tpu.memref_slice %arg13[%dma_start3A_410, %dma_start3A_411] : memref<10112x128xf32, #tpu.memory_space<vmem_shared>> -> memref<10112x128xf32, #tpu.memory_space<vmem_shared>>
        tpu.enqueue_indirect_dma source(%arg12 : memref<128x128xf32, #tpu.memory_space<vmem>>) target(%dma_start3A_412 : memref<10112x128xf32, #tpu.memory_space<vmem_shared>>) offsets(%dma_start3A_409 : memref<128xi32, #tpu.memory_space<vmem>>) semaphore(%run_scoped3A_406 : memref<!tpu.dma_semaphore, #tpu.memory_space<semaphore_mem>>) {add = true}
        %dma_wait3A_413 = arith.constant 0 : i32
        %dma_wait3A_414 = tpu.memref_slice %arg10[%run_scoped3A_405, %dma_wait3A_413] : memref<1x128xi32, #tpu.memory_space<vmem>> -> memref<1x128xi32, #tpu.memory_space<vmem>>
        %dma_wait3A_415 = tpu.memref_squeeze %dma_wait3A_414 : memref<1x128xi32, #tpu.memory_space<vmem>> -> memref<128xi32, #tpu.memory_space<vmem>>
        %dma_wait3A_416 = arith.constant 0 : i32
        %dma_wait3A_417 = arith.constant 0 : i32
        %dma_wait3A_418 = tpu.memref_slice %arg13[%dma_wait3A_416, %dma_wait3A_417] : memref<10112x128xf32, #tpu.memory_space<vmem_shared>> -> memref<10112x128xf32, #tpu.memory_space<vmem_shared>>
        tpu.wait_indirect_dma semaphore(%run_scoped3A_406 : memref<!tpu.dma_semaphore, #tpu.memory_space<semaphore_mem>>) src(%arg12 : memref<128x128xf32, #tpu.memory_space<vmem>>) dst(%dma_wait3A_418 : memref<10112x128xf32, #tpu.memory_space<vmem_shared>>)
        tpu.yield
      }) : () -> ()
    }
    %scan3A_194 = arith.constant 41 : i32
    %barrier3A_195 = arith.constant 0 : index
    tpu.barrier barrier_id(%barrier3A_195)
    %mul3A_196 = arith.constant 632 : i32
    %mul3A_197 = arith.muli %arg1, %mul3A_196 : i32
    %mul3A_198 = arith.constant 632 : i32
    %mul3A_199 = arith.muli %arg1, %mul3A_198 : i32
    "tpu.region"() ({
      %run_scoped3A = tpu.sem_alloc : memref<!tpu.dma_semaphore, #tpu.memory_space<semaphore_mem>>
      %dma_start3A_200 = arith.constant 0 : i32
      %dma_start3A_201 = tpu.memref_slice %arg5[%arg0, %mul3A_199, %dma_start3A_200] : memref<2x10112x128xf32, #tpu.memory_space<hbm>> -> memref<1x632x128xf32, #tpu.memory_space<hbm>>
      %dma_start3A_202 = tpu.memref_squeeze %dma_start3A_201 : memref<1x632x128xf32, #tpu.memory_space<hbm>> -> memref<632x128xf32, #tpu.memory_space<hbm>>
      %dma_start3A_203 = arith.constant 0 : i32
      %dma_start3A_204 = tpu.memref_slice %arg13[%mul3A_197, %dma_start3A_203] : memref<10112x128xf32, #tpu.memory_space<vmem_shared>> -> memref<632x128xf32, #tpu.memory_space<vmem_shared>>
      tpu.enqueue_dma source(%dma_start3A_204 : memref<632x128xf32, #tpu.memory_space<vmem_shared>>) target(%dma_start3A_202 : memref<632x128xf32, #tpu.memory_space<hbm>>) target_semaphore(%run_scoped3A : memref<!tpu.dma_semaphore, #tpu.memory_space<semaphore_mem>>)
      %dma_wait3A = arith.constant 0 : i32
      %dma_wait3A_205 = tpu.memref_slice %arg5[%arg0, %mul3A_199, %dma_wait3A] : memref<2x10112x128xf32, #tpu.memory_space<hbm>> -> memref<1x632x128xf32, #tpu.memory_space<hbm>>
      %dma_wait3A_206 = tpu.memref_squeeze %dma_wait3A_205 : memref<1x632x128xf32, #tpu.memory_space<hbm>> -> memref<632x128xf32, #tpu.memory_space<hbm>>
      %dma_wait3A_207 = arith.constant 0 : i32
      %dma_wait3A_208 = tpu.memref_slice %arg13[%mul3A_197, %dma_wait3A_207] : memref<10112x128xf32, #tpu.memory_space<vmem_shared>> -> memref<632x128xf32, #tpu.memory_space<vmem_shared>>
      tpu.wait_dma2 semaphore(%run_scoped3A : memref<!tpu.dma_semaphore, #tpu.memory_space<semaphore_mem>>) src(%dma_wait3A_208 : memref<632x128xf32, #tpu.memory_space<vmem_shared>>) dst(%dma_wait3A_206 : memref<632x128xf32, #tpu.memory_space<hbm>>)
      tpu.yield
    }) : () -> ()
    return
  }
}

#map = affine_map<(d0, d1) -> (0, 0, 0)>
#map1 = affine_map<(d0, d1) -> (0, 0)>
module attributes {stable_mosaic.version = 14 : i64} {
  func.func @k(%arg0: i32, %arg1: i32, %arg2: memref<32x82x128xi32, #tpu.memory_space<hbm>>, %arg3: memref<10112x16xf32, #tpu.memory_space<hbm>>, %arg4: memref<128x16xf32, #tpu.memory_space<hbm>>, %arg5: memref<2x10112x16xf32, #tpu.memory_space<hbm>>, %arg6: memref<82x128xi32, #tpu.memory_space<vmem>>, %arg7: memref<128x16xf32, #tpu.memory_space<vmem>>, %arg8: memref<10112x16xf32, #tpu.memory_space<vmem_shared>>) attributes {dimension_semantics = [#tpu.dimension_semantics<core_parallel>, #tpu.dimension_semantics<subcore_parallel>], iteration_bounds = array<i64: 2, 16>, scalar_prefetch = 0 : i64, scratch_operands = 3 : i64, tpu.core_type = #tpu.core_type<sc_vector_subcore>, window_params = [{transform_indices = #map}, {transform_indices = #map1}, {transform_indices = #map1}, {transform_indices = #map}]} {
    %mul3A = arith.constant 16 : i32
    %mul3A_0 = arith.muli %arg0, %mul3A : i32
    %add3A = arith.addi %mul3A_0, %arg1 : i32
    "tpu.region"() ({
      %run_scoped3A = tpu.sem_alloc : memref<!tpu.dma_semaphore, #tpu.memory_space<semaphore_mem>>
      %dma_start3A = arith.constant 0 : i32
      %dma_start3A_14 = arith.constant 0 : i32
      %dma_start3A_15 = tpu.memref_slice %arg2[%add3A, %dma_start3A, %dma_start3A_14] : memref<32x82x128xi32, #tpu.memory_space<hbm>> -> memref<1x82x128xi32, #tpu.memory_space<hbm>>
      %dma_start3A_16 = tpu.memref_squeeze %dma_start3A_15 : memref<1x82x128xi32, #tpu.memory_space<hbm>> -> memref<82x128xi32, #tpu.memory_space<hbm>>
      %dma_start3A_17 = arith.constant 0 : i32
      %dma_start3A_18 = arith.constant 0 : i32
      %dma_start3A_19 = tpu.memref_slice %arg2[%add3A, %dma_start3A_17, %dma_start3A_18] : memref<32x82x128xi32, #tpu.memory_space<hbm>> -> memref<1x82x128xi32, #tpu.memory_space<hbm>>
      %dma_start3A_20 = tpu.memref_squeeze %dma_start3A_19 : memref<1x82x128xi32, #tpu.memory_space<hbm>> -> memref<82x128xi32, #tpu.memory_space<hbm>>
      tpu.enqueue_dma source(%dma_start3A_20 : memref<82x128xi32, #tpu.memory_space<hbm>>) target(%arg6 : memref<82x128xi32, #tpu.memory_space<vmem>>) target_semaphore(%run_scoped3A : memref<!tpu.dma_semaphore, #tpu.memory_space<semaphore_mem>>)
      %dma_wait3A = arith.constant 0 : i32
      %dma_wait3A_21 = arith.constant 0 : i32
      %dma_wait3A_22 = tpu.memref_slice %arg2[%add3A, %dma_wait3A, %dma_wait3A_21] : memref<32x82x128xi32, #tpu.memory_space<hbm>> -> memref<1x82x128xi32, #tpu.memory_space<hbm>>
      %dma_wait3A_23 = tpu.memref_squeeze %dma_wait3A_22 : memref<1x82x128xi32, #tpu.memory_space<hbm>> -> memref<82x128xi32, #tpu.memory_space<hbm>>
      %dma_wait3A_24 = arith.constant 0 : i32
      %dma_wait3A_25 = arith.constant 0 : i32
      %dma_wait3A_26 = tpu.memref_slice %arg2[%add3A, %dma_wait3A_24, %dma_wait3A_25] : memref<32x82x128xi32, #tpu.memory_space<hbm>> -> memref<1x82x128xi32, #tpu.memory_space<hbm>>
      %dma_wait3A_27 = tpu.memref_squeeze %dma_wait3A_26 : memref<1x82x128xi32, #tpu.memory_space<hbm>> -> memref<82x128xi32, #tpu.memory_space<hbm>>
      tpu.wait_dma2 semaphore(%run_scoped3A : memref<!tpu.dma_semaphore, #tpu.memory_space<semaphore_mem>>) src(%dma_wait3A_27 : memref<82x128xi32, #tpu.memory_space<hbm>>) dst(%arg6 : memref<82x128xi32, #tpu.memory_space<vmem>>)
      tpu.yield
    }) : () -> ()
    "tpu.region"() ({
      %run_scoped3A = tpu.sem_alloc : memref<!tpu.dma_semaphore, #tpu.memory_space<semaphore_mem>>
      tpu.enqueue_dma source(%arg4 : memref<128x16xf32, #tpu.memory_space<hbm>>) target(%arg7 : memref<128x16xf32, #tpu.memory_space<vmem>>) target_semaphore(%run_scoped3A : memref<!tpu.dma_semaphore, #tpu.memory_space<semaphore_mem>>)
      tpu.wait_dma2 semaphore(%run_scoped3A : memref<!tpu.dma_semaphore, #tpu.memory_space<semaphore_mem>>) src(%arg4 : memref<128x16xf32, #tpu.memory_space<hbm>>) dst(%arg7 : memref<128x16xf32, #tpu.memory_space<vmem>>)
      tpu.yield
    }) : () -> ()
    %mul3A_1 = arith.constant 632 : i32
    %mul3A_2 = arith.muli %arg1, %mul3A_1 : i32
    %mul3A_3 = arith.constant 632 : i32
    %mul3A_4 = arith.muli %arg1, %mul3A_3 : i32
    "tpu.region"() ({
      %run_scoped3A = tpu.sem_alloc : memref<!tpu.dma_semaphore, #tpu.memory_space<semaphore_mem>>
      %dma_start3A = arith.constant 0 : i32
      %dma_start3A_14 = tpu.memref_slice %arg8[%mul3A_4, %dma_start3A] : memref<10112x16xf32, #tpu.memory_space<vmem_shared>> -> memref<632x16xf32, #tpu.memory_space<vmem_shared>>
      %dma_start3A_15 = arith.constant 0 : i32
      %dma_start3A_16 = tpu.memref_slice %arg3[%mul3A_2, %dma_start3A_15] : memref<10112x16xf32, #tpu.memory_space<hbm>> -> memref<632x16xf32, #tpu.memory_space<hbm>>
      tpu.enqueue_dma source(%dma_start3A_16 : memref<632x16xf32, #tpu.memory_space<hbm>>) target(%dma_start3A_14 : memref<632x16xf32, #tpu.memory_space<vmem_shared>>) target_semaphore(%run_scoped3A : memref<!tpu.dma_semaphore, #tpu.memory_space<semaphore_mem>>)
      %dma_wait3A = arith.constant 0 : i32
      %dma_wait3A_17 = tpu.memref_slice %arg8[%mul3A_4, %dma_wait3A] : memref<10112x16xf32, #tpu.memory_space<vmem_shared>> -> memref<632x16xf32, #tpu.memory_space<vmem_shared>>
      %dma_wait3A_18 = arith.constant 0 : i32
      %dma_wait3A_19 = tpu.memref_slice %arg3[%mul3A_2, %dma_wait3A_18] : memref<10112x16xf32, #tpu.memory_space<hbm>> -> memref<632x16xf32, #tpu.memory_space<hbm>>
      tpu.wait_dma2 semaphore(%run_scoped3A : memref<!tpu.dma_semaphore, #tpu.memory_space<semaphore_mem>>) src(%dma_wait3A_19 : memref<632x16xf32, #tpu.memory_space<hbm>>) dst(%dma_wait3A_17 : memref<632x16xf32, #tpu.memory_space<vmem_shared>>)
      tpu.yield
    }) : () -> ()
    %barrier3A = arith.constant 0 : index
    tpu.barrier barrier_id(%barrier3A)
    %scan3A = arith.constant 0 : i32
    %scan3A_5 = arith.constant 82 : i32
    %scan3A_6 = arith.addi %scan3A, %scan3A_5 : i32
    %scan3A_7 = arith.constant 1 : i32
    scf.for %scan3A_14 = %scan3A to %scan3A_6 step %scan3A_7  : i32 {
      %mul3A_15 = arith.constant 1 : i32
      %mul3A_16 = arith.muli %scan3A_14, %mul3A_15 : i32
      %add3A_17 = arith.constant 0 : i32
      %add3A_18 = arith.addi %add3A_17, %mul3A_16 : i32
      "tpu.region"() ({
        %run_scoped3A = tpu.sem_alloc : memref<!tpu.dma_semaphore, #tpu.memory_space<semaphore_mem>>
        %dma_start3A = arith.constant 0 : i32
        %dma_start3A_19 = tpu.memref_slice %arg6[%add3A_18, %dma_start3A] : memref<82x128xi32, #tpu.memory_space<vmem>> -> memref<1x128xi32, #tpu.memory_space<vmem>>
        %dma_start3A_20 = tpu.memref_squeeze %dma_start3A_19 : memref<1x128xi32, #tpu.memory_space<vmem>> -> memref<128xi32, #tpu.memory_space<vmem>>
        %dma_start3A_21 = arith.constant 0 : i32
        %dma_start3A_22 = arith.constant 0 : i32
        %dma_start3A_23 = tpu.memref_slice %arg8[%dma_start3A_21, %dma_start3A_22] : memref<10112x16xf32, #tpu.memory_space<vmem_shared>> -> memref<10112x16xf32, #tpu.memory_space<vmem_shared>>
        tpu.enqueue_indirect_dma source(%arg7 : memref<128x16xf32, #tpu.memory_space<vmem>>) target(%dma_start3A_23 : memref<10112x16xf32, #tpu.memory_space<vmem_shared>>) offsets(%dma_start3A_20 : memref<128xi32, #tpu.memory_space<vmem>>) semaphore(%run_scoped3A : memref<!tpu.dma_semaphore, #tpu.memory_space<semaphore_mem>>) {add = true}
        %dma_wait3A = arith.constant 0 : i32
        %dma_wait3A_24 = tpu.memref_slice %arg6[%add3A_18, %dma_wait3A] : memref<82x128xi32, #tpu.memory_space<vmem>> -> memref<1x128xi32, #tpu.memory_space<vmem>>
        %dma_wait3A_25 = tpu.memref_squeeze %dma_wait3A_24 : memref<1x128xi32, #tpu.memory_space<vmem>> -> memref<128xi32, #tpu.memory_space<vmem>>
        %dma_wait3A_26 = arith.constant 0 : i32
        %dma_wait3A_27 = arith.constant 0 : i32
        %dma_wait3A_28 = tpu.memref_slice %arg8[%dma_wait3A_26, %dma_wait3A_27] : memref<10112x16xf32, #tpu.memory_space<vmem_shared>> -> memref<10112x16xf32, #tpu.memory_space<vmem_shared>>
        tpu.wait_indirect_dma semaphore(%run_scoped3A : memref<!tpu.dma_semaphore, #tpu.memory_space<semaphore_mem>>) src(%arg7 : memref<128x16xf32, #tpu.memory_space<vmem>>) dst(%dma_wait3A_28 : memref<10112x16xf32, #tpu.memory_space<vmem_shared>>)
        tpu.yield
      }) : () -> ()
    }
    %scan3A_8 = arith.constant 82 : i32
    %barrier3A_9 = arith.constant 0 : index
    tpu.barrier barrier_id(%barrier3A_9)
    %mul3A_10 = arith.constant 632 : i32
    %mul3A_11 = arith.muli %arg1, %mul3A_10 : i32
    %mul3A_12 = arith.constant 632 : i32
    %mul3A_13 = arith.muli %arg1, %mul3A_12 : i32
    "tpu.region"() ({
      %run_scoped3A = tpu.sem_alloc : memref<!tpu.dma_semaphore, #tpu.memory_space<semaphore_mem>>
      %dma_start3A = arith.constant 0 : i32
      %dma_start3A_14 = tpu.memref_slice %arg5[%arg0, %mul3A_13, %dma_start3A] : memref<2x10112x16xf32, #tpu.memory_space<hbm>> -> memref<1x632x16xf32, #tpu.memory_space<hbm>>
      %dma_start3A_15 = tpu.memref_squeeze %dma_start3A_14 : memref<1x632x16xf32, #tpu.memory_space<hbm>> -> memref<632x16xf32, #tpu.memory_space<hbm>>
      %dma_start3A_16 = arith.constant 0 : i32
      %dma_start3A_17 = tpu.memref_slice %arg8[%mul3A_11, %dma_start3A_16] : memref<10112x16xf32, #tpu.memory_space<vmem_shared>> -> memref<632x16xf32, #tpu.memory_space<vmem_shared>>
      tpu.enqueue_dma source(%dma_start3A_17 : memref<632x16xf32, #tpu.memory_space<vmem_shared>>) target(%dma_start3A_15 : memref<632x16xf32, #tpu.memory_space<hbm>>) target_semaphore(%run_scoped3A : memref<!tpu.dma_semaphore, #tpu.memory_space<semaphore_mem>>)
      %dma_wait3A = arith.constant 0 : i32
      %dma_wait3A_18 = tpu.memref_slice %arg5[%arg0, %mul3A_13, %dma_wait3A] : memref<2x10112x16xf32, #tpu.memory_space<hbm>> -> memref<1x632x16xf32, #tpu.memory_space<hbm>>
      %dma_wait3A_19 = tpu.memref_squeeze %dma_wait3A_18 : memref<1x632x16xf32, #tpu.memory_space<hbm>> -> memref<632x16xf32, #tpu.memory_space<hbm>>
      %dma_wait3A_20 = arith.constant 0 : i32
      %dma_wait3A_21 = tpu.memref_slice %arg8[%mul3A_11, %dma_wait3A_20] : memref<10112x16xf32, #tpu.memory_space<vmem_shared>> -> memref<632x16xf32, #tpu.memory_space<vmem_shared>>
      tpu.wait_dma2 semaphore(%run_scoped3A : memref<!tpu.dma_semaphore, #tpu.memory_space<semaphore_mem>>) src(%dma_wait3A_21 : memref<632x16xf32, #tpu.memory_space<vmem_shared>>) dst(%dma_wait3A_19 : memref<632x16xf32, #tpu.memory_space<hbm>>)
      tpu.yield
    }) : () -> ()
    return
  }
}

#map = affine_map<(d0, d1) -> (0, 0)>
#map1 = affine_map<(d0, d1) -> (0, 0, 0)>
module attributes {stable_mosaic.version = 14 : i64} {
  func.func @k(%arg0: i32, %arg1: i32, %arg2: memref<10000x128xf32, #tpu.memory_space<hbm>>, %arg3: memref<32x82x128xi32, #tpu.memory_space<hbm>>, %arg4: memref<10112x128xf32, #tpu.memory_space<hbm>>, %arg5: memref<2x10112x128xf32, #tpu.memory_space<hbm>>, %arg6: memref<82x128xi32, #tpu.memory_space<vmem>>, %arg7: memref<1x128xi32, #tpu.memory_space<vmem>>, %arg8: memref<1x128xi32, #tpu.memory_space<vmem>>, %arg9: memref<1x128xi32, #tpu.memory_space<vmem>>, %arg10: memref<1x128xi32, #tpu.memory_space<vmem>>, %arg11: memref<128x128xf32, #tpu.memory_space<vmem>>, %arg12: memref<128x128xf32, #tpu.memory_space<vmem>>, %arg13: memref<10112x128xf32, #tpu.memory_space<vmem_shared>>, %arg14: memref<!tpu.dma_semaphore, #tpu.memory_space<semaphore_mem>>, %arg15: memref<!tpu.dma_semaphore, #tpu.memory_space<semaphore_mem>>) attributes {dimension_semantics = [#tpu.dimension_semantics<core_parallel>, #tpu.dimension_semantics<subcore_parallel>], iteration_bounds = array<i64: 2, 16>, scalar_prefetch = 0 : i64, scratch_operands = 10 : i64, tpu.core_type = #tpu.core_type<sc_vector_subcore>, window_params = [{transform_indices = #map}, {transform_indices = #map1}, {transform_indices = #map}, {transform_indices = #map1}]} {
    %mul3A = arith.constant 16 : i32
    %mul3A_0 = arith.muli %arg0, %mul3A : i32
    %add3A = arith.addi %mul3A_0, %arg1 : i32
    "tpu.region"() ({
      %run_scoped3A = tpu.sem_alloc : memref<!tpu.dma_semaphore, #tpu.memory_space<semaphore_mem>>
      %dma_start3A_200 = arith.constant 0 : i32
      %dma_start3A_201 = arith.constant 0 : i32
      %dma_start3A_202 = tpu.memref_slice %arg3[%add3A, %dma_start3A_200, %dma_start3A_201] : memref<32x82x128xi32, #tpu.memory_space<hbm>> -> memref<1x82x128xi32, #tpu.memory_space<hbm>>
      %dma_start3A_203 = tpu.memref_squeeze %dma_start3A_202 : memref<1x82x128xi32, #tpu.memory_space<hbm>> -> memref<82x128xi32, #tpu.memory_space<hbm>>
      %dma_start3A_204 = arith.constant 0 : i32
      %dma_start3A_205 = arith.constant 0 : i32
      %dma_start3A_206 = tpu.memref_slice %arg3[%add3A, %dma_start3A_204, %dma_start3A_205] : memref<32x82x128xi32, #tpu.memory_space<hbm>> -> memref<1x82x128xi32, #tpu.memory_space<hbm>>
      %dma_start3A_207 = tpu.memref_squeeze %dma_start3A_206 : memref<1x82x128xi32, #tpu.memory_space<hbm>> -> memref<82x128xi32, #tpu.memory_space<hbm>>
      tpu.enqueue_dma source(%dma_start3A_207 : memref<82x128xi32, #tpu.memory_space<hbm>>) target(%arg6 : memref<82x128xi32, #tpu.memory_space<vmem>>) target_semaphore(%run_scoped3A : memref<!tpu.dma_semaphore, #tpu.memory_space<semaphore_mem>>)
      %dma_wait3A = arith.constant 0 : i32
      %dma_wait3A_208 = arith.constant 0 : i32
      %dma_wait3A_209 = tpu.memref_slice %arg3[%add3A, %dma_wait3A, %dma_wait3A_208] : memref<32x82x128xi32, #tpu.memory_space<hbm>> -> memref<1x82x128xi32, #tpu.memory_space<hbm>>
      %dma_wait3A_210 = tpu.memref_squeeze %dma_wait3A_209 : memref<1x82x128xi32, #tpu.memory_space<hbm>> -> memref<82x128xi32, #tpu.memory_space<hbm>>
      %dma_wait3A_211 = arith.constant 0 : i32
      %dma_wait3A_212 = arith.constant 0 : i32
      %dma_wait3A_213 = tpu.memref_slice %arg3[%add3A, %dma_wait3A_211, %dma_wait3A_212] : memref<32x82x128xi32, #tpu.memory_space<hbm>> -> memref<1x82x128xi32, #tpu.memory_space<hbm>>
      %dma_wait3A_214 = tpu.memref_squeeze %dma_wait3A_213 : memref<1x82x128xi32, #tpu.memory_space<hbm>> -> memref<82x128xi32, #tpu.memory_space<hbm>>
      tpu.wait_dma2 semaphore(%run_scoped3A : memref<!tpu.dma_semaphore, #tpu.memory_space<semaphore_mem>>) src(%dma_wait3A_214 : memref<82x128xi32, #tpu.memory_space<hbm>>) dst(%arg6 : memref<82x128xi32, #tpu.memory_space<vmem>>)
      tpu.yield
    }) : () -> ()
    %mul3A_1 = arith.constant 632 : i32
    %mul3A_2 = arith.muli %arg1, %mul3A_1 : i32
    %mul3A_3 = arith.constant 632 : i32
    %mul3A_4 = arith.muli %arg1, %mul3A_3 : i32
    "tpu.region"() ({
      %run_scoped3A = tpu.sem_alloc : memref<!tpu.dma_semaphore, #tpu.memory_space<semaphore_mem>>
      %dma_start3A_200 = arith.constant 0 : i32
      %dma_start3A_201 = tpu.memref_slice %arg13[%mul3A_4, %dma_start3A_200] : memref<10112x128xf32, #tpu.memory_space<vmem_shared>> -> memref<632x128xf32, #tpu.memory_space<vmem_shared>>
      %dma_start3A_202 = arith.constant 0 : i32
      %dma_start3A_203 = tpu.memref_slice %arg4[%mul3A_2, %dma_start3A_202] : memref<10112x128xf32, #tpu.memory_space<hbm>> -> memref<632x128xf32, #tpu.memory_space<hbm>>
      tpu.enqueue_dma source(%dma_start3A_203 : memref<632x128xf32, #tpu.memory_space<hbm>>) target(%dma_start3A_201 : memref<632x128xf32, #tpu.memory_space<vmem_shared>>) target_semaphore(%run_scoped3A : memref<!tpu.dma_semaphore, #tpu.memory_space<semaphore_mem>>)
      %dma_wait3A = arith.constant 0 : i32
      %dma_wait3A_204 = tpu.memref_slice %arg13[%mul3A_4, %dma_wait3A] : memref<10112x128xf32, #tpu.memory_space<vmem_shared>> -> memref<632x128xf32, #tpu.memory_space<vmem_shared>>
      %dma_wait3A_205 = arith.constant 0 : i32
      %dma_wait3A_206 = tpu.memref_slice %arg4[%mul3A_2, %dma_wait3A_205] : memref<10112x128xf32, #tpu.memory_space<hbm>> -> memref<632x128xf32, #tpu.memory_space<hbm>>
      tpu.wait_dma2 semaphore(%run_scoped3A : memref<!tpu.dma_semaphore, #tpu.memory_space<semaphore_mem>>) src(%dma_wait3A_206 : memref<632x128xf32, #tpu.memory_space<hbm>>) dst(%dma_wait3A_204 : memref<632x128xf32, #tpu.memory_space<vmem_shared>>)
      tpu.yield
    }) : () -> ()
    %barrier3A = arith.constant 0 : index
    tpu.barrier barrier_id(%barrier3A)
    %get3A = arith.constant 0 : i32
    %get3A_5 = arith.index_cast %get3A : i32 to index
    %get3A_6 = arith.constant 0 : index
    %get3A_7 = tpu.vector_load %arg6[%get3A_5, %get3A_6] {strides = array<i32>} : memref<82x128xi32, #tpu.memory_space<vmem>>, vector<1x16xi32>,
    %get3A_8 = vector.shape_cast %get3A_7 : vector<1x16xi32> to vector<16xi32>
    %and3A = arith.constant 65535 : i32
    %and3A_9 = vector.broadcast %and3A : i32 to vector<16xi32>
    %and3A_10 = arith.andi %get3A_8, %and3A_9 : vector<16xi32>
    %swap3A = arith.constant 0 : i32
    %swap3A_11 = arith.index_cast %swap3A : i32 to index
    %swap3A_12 = arith.constant 0 : index
    %swap3A_13 = tpu.vector_load %arg7[%swap3A_11, %swap3A_12] {strides = array<i32>} : memref<1x128xi32, #tpu.memory_space<vmem>>, vector<1x16xi32>,
    %swap3A_14 = vector.shape_cast %swap3A_13 : vector<1x16xi32> to vector<16xi32>
    %swap3A_15 = vector.shape_cast %and3A_10 : vector<16xi32> to vector<1x16xi32>
    tpu.vector_store %arg7[%swap3A_11, %swap3A_12], %swap3A_15 {strides = array<i32>} : memref<1x128xi32, #tpu.memory_space<vmem>>, vector<1x16xi32>,
    %shift_right_logical3A = arith.constant 16 : i32
    %shift_right_logical3A_16 = vector.broadcast %shift_right_logical3A : i32 to vector<16xi32>
    %shift_right_logical3A_17 = arith.shrui %get3A_8, %shift_right_logical3A_16 : vector<16xi32>
    %swap3A_18 = arith.constant 0 : i32
    %swap3A_19 = arith.index_cast %swap3A_18 : i32 to index
    %swap3A_20 = arith.constant 0 : index
    %swap3A_21 = tpu.vector_load %arg9[%swap3A_19, %swap3A_20] {strides = array<i32>} : memref<1x128xi32, #tpu.memory_space<vmem>>, vector<1x16xi32>,
    %swap3A_22 = vector.shape_cast %swap3A_21 : vector<1x16xi32> to vector<16xi32>
    %swap3A_23 = vector.shape_cast %shift_right_logical3A_17 : vector<16xi32> to vector<1x16xi32>
    tpu.vector_store %arg9[%swap3A_19, %swap3A_20], %swap3A_23 {strides = array<i32>} : memref<1x128xi32, #tpu.memory_space<vmem>>, vector<1x16xi32>,
    %get3A_24 = arith.constant 0 : i32
    %get3A_25 = arith.index_cast %get3A_24 : i32 to index
    %get3A_26 = arith.constant 16 : index
    %get3A_27 = tpu.vector_load %arg6[%get3A_25, %get3A_26] {strides = array<i32>} : memref<82x128xi32, #tpu.memory_space<vmem>>, vector<1x16xi32>,
    %get3A_28 = vector.shape_cast %get3A_27 : vector<1x16xi32> to vector<16xi32>
    %and3A_29 = arith.constant 65535 : i32
    %and3A_30 = vector.broadcast %and3A_29 : i32 to vector<16xi32>
    %and3A_31 = arith.andi %get3A_28, %and3A_30 : vector<16xi32>
    %swap3A_32 = arith.constant 0 : i32
    %swap3A_33 = arith.index_cast %swap3A_32 : i32 to index
    %swap3A_34 = arith.constant 16 : index
    %swap3A_35 = tpu.vector_load %arg7[%swap3A_33, %swap3A_34] {strides = array<i32>} : memref<1x128xi32, #tpu.memory_space<vmem>>, vector<1x16xi32>,
    %swap3A_36 = vector.shape_cast %swap3A_35 : vector<1x16xi32> to vector<16xi32>
    %swap3A_37 = vector.shape_cast %and3A_31 : vector<16xi32> to vector<1x16xi32>
    tpu.vector_store %arg7[%swap3A_33, %swap3A_34], %swap3A_37 {strides = array<i32>} : memref<1x128xi32, #tpu.memory_space<vmem>>, vector<1x16xi32>,
    %shift_right_logical3A_38 = arith.constant 16 : i32
    %shift_right_logical3A_39 = vector.broadcast %shift_right_logical3A_38 : i32 to vector<16xi32>
    %shift_right_logical3A_40 = arith.shrui %get3A_28, %shift_right_logical3A_39 : vector<16xi32>
    %swap3A_41 = arith.constant 0 : i32
    %swap3A_42 = arith.index_cast %swap3A_41 : i32 to index
    %swap3A_43 = arith.constant 16 : index
    %swap3A_44 = tpu.vector_load %arg9[%swap3A_42, %swap3A_43] {strides = array<i32>} : memref<1x128xi32, #tpu.memory_space<vmem>>, vector<1x16xi32>,
    %swap3A_45 = vector.shape_cast %swap3A_44 : vector<1x16xi32> to vector<16xi32>
    %swap3A_46 = vector.shape_cast %shift_right_logical3A_40 : vector<16xi32> to vector<1x16xi32>
    tpu.vector_store %arg9[%swap3A_42, %swap3A_43], %swap3A_46 {strides = array<i32>} : memref<1x128xi32, #tpu.memory_space<vmem>>, vector<1x16xi32>,
    %get3A_47 = arith.constant 0 : i32
    %get3A_48 = arith.index_cast %get3A_47 : i32 to index
    %get3A_49 = arith.constant 32 : index
    %get3A_50 = tpu.vector_load %arg6[%get3A_48, %get3A_49] {strides = array<i32>} : memref<82x128xi32, #tpu.memory_space<vmem>>, vector<1x16xi32>,
    %get3A_51 = vector.shape_cast %get3A_50 : vector<1x16xi32> to vector<16xi32>
    %and3A_52 = arith.constant 65535 : i32
    %and3A_53 = vector.broadcast %and3A_52 : i32 to vector<16xi32>
    %and3A_54 = arith.andi %get3A_51, %and3A_53 : vector<16xi32>
    %swap3A_55 = arith.constant 0 : i32
    %swap3A_56 = arith.index_cast %swap3A_55 : i32 to index
    %swap3A_57 = arith.constant 32 : index
    %swap3A_58 = tpu.vector_load %arg7[%swap3A_56, %swap3A_57] {strides = array<i32>} : memref<1x128xi32, #tpu.memory_space<vmem>>, vector<1x16xi32>,
    %swap3A_59 = vector.shape_cast %swap3A_58 : vector<1x16xi32> to vector<16xi32>
    %swap3A_60 = vector.shape_cast %and3A_54 : vector<16xi32> to vector<1x16xi32>
    tpu.vector_store %arg7[%swap3A_56, %swap3A_57], %swap3A_60 {strides = array<i32>} : memref<1x128xi32, #tpu.memory_space<vmem>>, vector<1x16xi32>,
    %shift_right_logical3A_61 = arith.constant 16 : i32
    %shift_right_logical3A_62 = vector.broadcast %shift_right_logical3A_61 : i32 to vector<16xi32>
    %shift_right_logical3A_63 = arith.shrui %get3A_51, %shift_right_logical3A_62 : vector<16xi32>
    %swap3A_64 = arith.constant 0 : i32
    %swap3A_65 = arith.index_cast %swap3A_64 : i32 to index
    %swap3A_66 = arith.constant 32 : index
    %swap3A_67 = tpu.vector_load %arg9[%swap3A_65, %swap3A_66] {strides = array<i32>} : memref<1x128xi32, #tpu.memory_space<vmem>>, vector<1x16xi32>,
    %swap3A_68 = vector.shape_cast %swap3A_67 : vector<1x16xi32> to vector<16xi32>
    %swap3A_69 = vector.shape_cast %shift_right_logical3A_63 : vector<16xi32> to vector<1x16xi32>
    tpu.vector_store %arg9[%swap3A_65, %swap3A_66], %swap3A_69 {strides = array<i32>} : memref<1x128xi32, #tpu.memory_space<vmem>>, vector<1x16xi32>,
    %get3A_70 = arith.constant 0 : i32
    %get3A_71 = arith.index_cast %get3A_70 : i32 to index
    %get3A_72 = arith.constant 48 : index
    %get3A_73 = tpu.vector_load %arg6[%get3A_71, %get3A_72] {strides = array<i32>} : memref<82x128xi32, #tpu.memory_space<vmem>>, vector<1x16xi32>,
    %get3A_74 = vector.shape_cast %get3A_73 : vector<1x16xi32> to vector<16xi32>
    %and3A_75 = arith.constant 65535 : i32
    %and3A_76 = vector.broadcast %and3A_75 : i32 to vector<16xi32>
    %and3A_77 = arith.andi %get3A_74, %and3A_76 : vector<16xi32>
    %swap3A_78 = arith.constant 0 : i32
    %swap3A_79 = arith.index_cast %swap3A_78 : i32 to index
    %swap3A_80 = arith.constant 48 : index
    %swap3A_81 = tpu.vector_load %arg7[%swap3A_79, %swap3A_80] {strides = array<i32>} : memref<1x128xi32, #tpu.memory_space<vmem>>, vector<1x16xi32>,
    %swap3A_82 = vector.shape_cast %swap3A_81 : vector<1x16xi32> to vector<16xi32>
    %swap3A_83 = vector.shape_cast %and3A_77 : vector<16xi32> to vector<1x16xi32>
    tpu.vector_store %arg7[%swap3A_79, %swap3A_80], %swap3A_83 {strides = array<i32>} : memref<1x128xi32, #tpu.memory_space<vmem>>, vector<1x16xi32>,
    %shift_right_logical3A_84 = arith.constant 16 : i32
    %shift_right_logical3A_85 = vector.broadcast %shift_right_logical3A_84 : i32 to vector<16xi32>
    %shift_right_logical3A_86 = arith.shrui %get3A_74, %shift_right_logical3A_85 : vector<16xi32>
    %swap3A_87 = arith.constant 0 : i32
    %swap3A_88 = arith.index_cast %swap3A_87 : i32 to index
    %swap3A_89 = arith.constant 48 : index
    %swap3A_90 = tpu.vector_load %arg9[%swap3A_88, %swap3A_89] {strides = array<i32>} : memref<1x128xi32, #tpu.memory_space<vmem>>, vector<1x16xi32>,
    %swap3A_91 = vector.shape_cast %swap3A_90 : vector<1x16xi32> to vector<16xi32>
    %swap3A_92 = vector.shape_cast %shift_right_logical3A_86 : vector<16xi32> to vector<1x16xi32>
    tpu.vector_store %arg9[%swap3A_88, %swap3A_89], %swap3A_92 {strides = array<i32>} : memref<1x128xi32, #tpu.memory_space<vmem>>, vector<1x16xi32>,
    %get3A_93 = arith.constant 0 : i32
    %get3A_94 = arith.index_cast %get3A_93 : i32 to index
    %get3A_95 = arith.constant 64 : index
    %get3A_96 = tpu.vector_load %arg6[%get3A_94, %get3A_95] {strides = array<i32>} : memref<82x128xi32, #tpu.memory_space<vmem>>, vector<1x16xi32>,
    %get3A_97 = vector.shape_cast %get3A_96 : vector<1x16xi32> to vector<16xi32>
    %and3A_98 = arith.constant 65535 : i32
    %and3A_99 = vector.broadcast %and3A_98 : i32 to vector<16xi32>
    %and3A_100 = arith.andi %get3A_97, %and3A_99 : vector<16xi32>
    %swap3A_101 = arith.constant 0 : i32
    %swap3A_102 = arith.index_cast %swap3A_101 : i32 to index
    %swap3A_103 = arith.constant 64 : index
    %swap3A_104 = tpu.vector_load %arg7[%swap3A_102, %swap3A_103] {strides = array<i32>} : memref<1x128xi32, #tpu.memory_space<vmem>>, vector<1x16xi32>,
    %swap3A_105 = vector.shape_cast %swap3A_104 : vector<1x16xi32> to vector<16xi32>
    %swap3A_106 = vector.shape_cast %and3A_100 : vector<16xi32> to vector<1x16xi32>
    tpu.vector_store %arg7[%swap3A_102, %swap3A_103], %swap3A_106 {strides = array<i32>} : memref<1x128xi32, #tpu.memory_space<vmem>>, vector<1x16xi32>,
    %shift_right_logical3A_107 = arith.constant 16 : i32
    %shift_right_logical3A_108 = vector.broadcast %shift_right_logical3A_107 : i32 to vector<16xi32>
    %shift_right_logical3A_109 = arith.shrui %get3A_97, %shift_right_logical3A_108 : vector<16xi32>
    %swap3A_110 = arith.constant 0 : i32
    %swap3A_111 = arith.index_cast %swap3A_110 : i32 to index
    %swap3A_112 = arith.constant 64 : index
    %swap3A_113 = tpu.vector_load %arg9[%swap3A_111, %swap3A_112] {strides = array<i32>} : memref<1x128xi32, #tpu.memory_space<vmem>>, vector<1x16xi32>,
    %swap3A_114 = vector.shape_cast %swap3A_113 : vector<1x16xi32> to vector<16xi32>
    %swap3A_115 = vector.shape_cast %shift_right_logical3A_109 : vector<16xi32> to vector<1x16xi32>
    tpu.vector_store %arg9[%swap3A_111, %swap3A_112], %swap3A_115 {strides = array<i32>} : memref<1x128xi32, #tpu.memory_space<vmem>>, vector<1x16xi32>,
    %get3A_116 = arith.constant 0 : i32
    %get3A_117 = arith.index_cast %get3A_116 : i32 to index
    %get3A_118 = arith.constant 80 : index
    %get3A_119 = tpu.vector_load %arg6[%get3A_117, %get3A_118] {strides = array<i32>} : memref<82x128xi32, #tpu.memory_space<vmem>>, vector<1x16xi32>,
    %get3A_120 = vector.shape_cast %get3A_119 : vector<1x16xi32> to vector<16xi32>
    %and3A_121 = arith.constant 65535 : i32
    %and3A_122 = vector.broadcast %and3A_121 : i32 to vector<16xi32>
    %and3A_123 = arith.andi %get3A_120, %and3A_122 : vector<16xi32>
    %swap3A_124 = arith.constant 0 : i32
    %swap3A_125 = arith.index_cast %swap3A_124 : i32 to index
    %swap3A_126 = arith.constant 80 : index
    %swap3A_127 = tpu.vector_load %arg7[%swap3A_125, %swap3A_126] {strides = array<i32>} : memref<1x128xi32, #tpu.memory_space<vmem>>, vector<1x16xi32>,
    %swap3A_128 = vector.shape_cast %swap3A_127 : vector<1x16xi32> to vector<16xi32>
    %swap3A_129 = vector.shape_cast %and3A_123 : vector<16xi32> to vector<1x16xi32>
    tpu.vector_store %arg7[%swap3A_125, %swap3A_126], %swap3A_129 {strides = array<i32>} : memref<1x128xi32, #tpu.memory_space<vmem>>, vector<1x16xi32>,
    %shift_right_logical3A_130 = arith.constant 16 : i32
    %shift_right_logical3A_131 = vector.broadcast %shift_right_logical3A_130 : i32 to vector<16xi32>
    %shift_right_logical3A_132 = arith.shrui %get3A_120, %shift_right_logical3A_131 : vector<16xi32>
    %swap3A_133 = arith.constant 0 : i32
    %swap3A_134 = arith.index_cast %swap3A_133 : i32 to index
    %swap3A_135 = arith.constant 80 : index
    %swap3A_136 = tpu.vector_load %arg9[%swap3A_134, %swap3A_135] {strides = array<i32>} : memref<1x128xi32, #tpu.memory_space<vmem>>, vector<1x16xi32>,
    %swap3A_137 = vector.shape_cast %swap3A_136 : vector<1x16xi32> to vector<16xi32>
    %swap3A_138 = vector.shape_cast %shift_right_logical3A_132 : vector<16xi32> to vector<1x16xi32>
    tpu.vector_store %arg9[%swap3A_134, %swap3A_135], %swap3A_138 {strides = array<i32>} : memref<1x128xi32, #tpu.memory_space<vmem>>, vector<1x16xi32>,
    %get3A_139 = arith.constant 0 : i32
    %get3A_140 = arith.index_cast %get3A_139 : i32 to index
    %get3A_141 = arith.constant 96 : index
    %get3A_142 = tpu.vector_load %arg6[%get3A_140, %get3A_141] {strides = array<i32>} : memref<82x128xi32, #tpu.memory_space<vmem>>, vector<1x16xi32>,
    %get3A_143 = vector.shape_cast %get3A_142 : vector<1x16xi32> to vector<16xi32>
    %and3A_144 = arith.constant 65535 : i32
    %and3A_145 = vector.broadcast %and3A_144 : i32 to vector<16xi32>
    %and3A_146 = arith.andi %get3A_143, %and3A_145 : vector<16xi32>
    %swap3A_147 = arith.constant 0 : i32
    %swap3A_148 = arith.index_cast %swap3A_147 : i32 to index
    %swap3A_149 = arith.constant 96 : index
    %swap3A_150 = tpu.vector_load %arg7[%swap3A_148, %swap3A_149] {strides = array<i32>} : memref<1x128xi32, #tpu.memory_space<vmem>>, vector<1x16xi32>,
    %swap3A_151 = vector.shape_cast %swap3A_150 : vector<1x16xi32> to vector<16xi32>
    %swap3A_152 = vector.shape_cast %and3A_146 : vector<16xi32> to vector<1x16xi32>
    tpu.vector_store %arg7[%swap3A_148, %swap3A_149], %swap3A_152 {strides = array<i32>} : memref<1x128xi32, #tpu.memory_space<vmem>>, vector<1x16xi32>,
    %shift_right_logical3A_153 = arith.constant 16 : i32
    %shift_right_logical3A_154 = vector.broadcast %shift_right_logical3A_153 : i32 to vector<16xi32>
    %shift_right_logical3A_155 = arith.shrui %get3A_143, %shift_right_logical3A_154 : vector<16xi32>
    %swap3A_156 = arith.constant 0 : i32
    %swap3A_157 = arith.index_cast %swap3A_156 : i32 to index
    %swap3A_158 = arith.constant 96 : index
    %swap3A_159 = tpu.vector_load %arg9[%swap3A_157, %swap3A_158] {strides = array<i32>} : memref<1x128xi32, #tpu.memory_space<vmem>>, vector<1x16xi32>,
    %swap3A_160 = vector.shape_cast %swap3A_159 : vector<1x16xi32> to vector<16xi32>
    %swap3A_161 = vector.shape_cast %shift_right_logical3A_155 : vector<16xi32> to vector<1x16xi32>
    tpu.vector_store %arg9[%swap3A_157, %swap3A_158], %swap3A_161 {strides = array<i32>} : memref<1x128xi32, #tpu.memory_space<vmem>>, vector<1x16xi32>,
    %get3A_162 = arith.constant 0 : i32
    %get3A_163 = arith.index_cast %get3A_162 : i32 to index
    %get3A_164 = arith.constant 112 : index
    %get3A_165 = tpu.vector_load %arg6[%get3A_163, %get3A_164] {strides = array<i32>} : memref<82x128xi32, #tpu.memory_space<vmem>>, vector<1x16xi32>,
    %get3A_166 = vector.shape_cast %get3A_165 : vector<1x16xi32> to vector<16xi32>
    %and3A_167 = arith.constant 65535 : i32
    %and3A_168 = vector.broadcast %and3A_167 : i32 to vector<16xi32>
    %and3A_169 = arith.andi %get3A_166, %and3A_168 : vector<16xi32>
    %swap3A_170 = arith.constant 0 : i32
    %swap3A_171 = arith.index_cast %swap3A_170 : i32 to index
    %swap3A_172 = arith.constant 112 : index
    %swap3A_173 = tpu.vector_load %arg7[%swap3A_171, %swap3A_172] {strides = array<i32>} : memref<1x128xi32, #tpu.memory_space<vmem>>, vector<1x16xi32>,
    %swap3A_174 = vector.shape_cast %swap3A_173 : vector<1x16xi32> to vector<16xi32>
    %swap3A_175 = vector.shape_cast %and3A_169 : vector<16xi32> to vector<1x16xi32>
    tpu.vector_store %arg7[%swap3A_171, %swap3A_172], %swap3A_175 {strides = array<i32>} : memref<1x128xi32, #tpu.memory_space<vmem>>, vector<1x16xi32>,
    %shift_right_logical3A_176 = arith.constant 16 : i32
    %shift_right_logical3A_177 = vector.broadcast %shift_right_logical3A_176 : i32 to vector<16xi32>
    %shift_right_logical3A_178 = arith.shrui %get3A_166, %shift_right_logical3A_177 : vector<16xi32>
    %swap3A_179 = arith.constant 0 : i32
    %swap3A_180 = arith.index_cast %swap3A_179 : i32 to index
    %swap3A_181 = arith.constant 112 : index
    %swap3A_182 = tpu.vector_load %arg9[%swap3A_180, %swap3A_181] {strides = array<i32>} : memref<1x128xi32, #tpu.memory_space<vmem>>, vector<1x16xi32>,
    %swap3A_183 = vector.shape_cast %swap3A_182 : vector<1x16xi32> to vector<16xi32>
    %swap3A_184 = vector.shape_cast %shift_right_logical3A_178 : vector<16xi32> to vector<1x16xi32>
    tpu.vector_store %arg9[%swap3A_180, %swap3A_181], %swap3A_184 {strides = array<i32>} : memref<1x128xi32, #tpu.memory_space<vmem>>, vector<1x16xi32>,
    %dma_start3A = arith.constant 0 : i32
    %dma_start3A_185 = arith.constant 0 : i32
    %dma_start3A_186 = tpu.memref_slice %arg7[%dma_start3A, %dma_start3A_185] : memref<1x128xi32, #tpu.memory_space<vmem>> -> memref<1x128xi32, #tpu.memory_space<vmem>>
    %dma_start3A_187 = tpu.memref_squeeze %dma_start3A_186 : memref<1x128xi32, #tpu.memory_space<vmem>> -> memref<128xi32, #tpu.memory_space<vmem>>
    %dma_start3A_188 = arith.constant 0 : i32
    %dma_start3A_189 = arith.constant 0 : i32
    %dma_start3A_190 = tpu.memref_slice %arg2[%dma_start3A_188, %dma_start3A_189] : memref<10000x128xf32, #tpu.memory_space<hbm>> -> memref<10000x128xf32, #tpu.memory_space<hbm>>
    tpu.enqueue_indirect_dma source(%dma_start3A_190 : memref<10000x128xf32, #tpu.memory_space<hbm>>) target(%arg11 : memref<128x128xf32, #tpu.memory_space<vmem>>) offsets(%dma_start3A_187 : memref<128xi32, #tpu.memory_space<vmem>>) semaphore(%arg14 : memref<!tpu.dma_semaphore, #tpu.memory_space<semaphore_mem>>)
    %scan3A = arith.constant 0 : i32
    %scan3A_191 = arith.constant 41 : i32
    %scan3A_192 = arith.addi %scan3A, %scan3A_191 : i32
    %scan3A_193 = arith.constant 1 : i32
    scf.for %scan3A_200 = %scan3A to %scan3A_192 step %scan3A_193  : i32 {
      %mul3A_201 = arith.constant 2 : i32
      %mul3A_202 = arith.muli %scan3A_200, %mul3A_201 : i32
      %add3A_203 = arith.constant 0 : i32
      %add3A_204 = arith.addi %add3A_203, %mul3A_202 : i32
      %add3A_205 = arith.constant 1 : i32
      %add3A_206 = arith.addi %add3A_204, %add3A_205 : i32
      %get3A_207 = arith.index_cast %add3A_206 : i32 to index
      %get3A_208 = arith.constant 0 : index
      %get3A_209 = tpu.vector_load %arg6[%get3A_207, %get3A_208] {strides = array<i32>} : memref<82x128xi32, #tpu.memory_space<vmem>>, vector<1x16xi32>,
      %get3A_210 = vector.shape_cast %get3A_209 : vector<1x16xi32> to vector<16xi32>
      %and3A_211 = arith.constant 65535 : i32
      %and3A_212 = vector.broadcast %and3A_211 : i32 to vector<16xi32>
      %and3A_213 = arith.andi %get3A_210, %and3A_212 : vector<16xi32>
      %swap3A_214 = arith.constant 0 : i32
      %swap3A_215 = arith.index_cast %swap3A_214 : i32 to index
      %swap3A_216 = arith.constant 0 : index
      %swap3A_217 = tpu.vector_load %arg8[%swap3A_215, %swap3A_216] {strides = array<i32>} : memref<1x128xi32, #tpu.memory_space<vmem>>, vector<1x16xi32>,
      %swap3A_218 = vector.shape_cast %swap3A_217 : vector<1x16xi32> to vector<16xi32>
      %swap3A_219 = vector.shape_cast %and3A_213 : vector<16xi32> to vector<1x16xi32>
      tpu.vector_store %arg8[%swap3A_215, %swap3A_216], %swap3A_219 {strides = array<i32>} : memref<1x128xi32, #tpu.memory_space<vmem>>, vector<1x16xi32>,
      %shift_right_logical3A_220 = arith.constant 16 : i32
      %shift_right_logical3A_221 = vector.broadcast %shift_right_logical3A_220 : i32 to vector<16xi32>
      %shift_right_logical3A_222 = arith.shrui %get3A_210, %shift_right_logical3A_221 : vector<16xi32>
      %swap3A_223 = arith.constant 0 : i32
      %swap3A_224 = arith.index_cast %swap3A_223 : i32 to index
      %swap3A_225 = arith.constant 0 : index
      %swap3A_226 = tpu.vector_load %arg10[%swap3A_224, %swap3A_225] {strides = array<i32>} : memref<1x128xi32, #tpu.memory_space<vmem>>, vector<1x16xi32>,
      %swap3A_227 = vector.shape_cast %swap3A_226 : vector<1x16xi32> to vector<16xi32>
      %swap3A_228 = vector.shape_cast %shift_right_logical3A_222 : vector<16xi32> to vector<1x16xi32>
      tpu.vector_store %arg10[%swap3A_224, %swap3A_225], %swap3A_228 {strides = array<i32>} : memref<1x128xi32, #tpu.memory_space<vmem>>, vector<1x16xi32>,
      %get3A_229 = arith.index_cast %add3A_206 : i32 to index
      %get3A_230 = arith.constant 16 : index
      %get3A_231 = tpu.vector_load %arg6[%get3A_229, %get3A_230] {strides = array<i32>} : memref<82x128xi32, #tpu.memory_space<vmem>>, vector<1x16xi32>,
      %get3A_232 = vector.shape_cast %get3A_231 : vector<1x16xi32> to vector<16xi32>
      %and3A_233 = arith.constant 65535 : i32
      %and3A_234 = vector.broadcast %and3A_233 : i32 to vector<16xi32>
      %and3A_235 = arith.andi %get3A_232, %and3A_234 : vector<16xi32>
      %swap3A_236 = arith.constant 0 : i32
      %swap3A_237 = arith.index_cast %swap3A_236 : i32 to index
      %swap3A_238 = arith.constant 16 : index
      %swap3A_239 = tpu.vector_load %arg8[%swap3A_237, %swap3A_238] {strides = array<i32>} : memref<1x128xi32, #tpu.memory_space<vmem>>, vector<1x16xi32>,
      %swap3A_240 = vector.shape_cast %swap3A_239 : vector<1x16xi32> to vector<16xi32>
      %swap3A_241 = vector.shape_cast %and3A_235 : vector<16xi32> to vector<1x16xi32>
      tpu.vector_store %arg8[%swap3A_237, %swap3A_238], %swap3A_241 {strides = array<i32>} : memref<1x128xi32, #tpu.memory_space<vmem>>, vector<1x16xi32>,
      %shift_right_logical3A_242 = arith.constant 16 : i32
      %shift_right_logical3A_243 = vector.broadcast %shift_right_logical3A_242 : i32 to vector<16xi32>
      %shift_right_logical3A_244 = arith.shrui %get3A_232, %shift_right_logical3A_243 : vector<16xi32>
      %swap3A_245 = arith.constant 0 : i32
      %swap3A_246 = arith.index_cast %swap3A_245 : i32 to index
      %swap3A_247 = arith.constant 16 : index
      %swap3A_248 = tpu.vector_load %arg10[%swap3A_246, %swap3A_247] {strides = array<i32>} : memref<1x128xi32, #tpu.memory_space<vmem>>, vector<1x16xi32>,
      %swap3A_249 = vector.shape_cast %swap3A_248 : vector<1x16xi32> to vector<16xi32>
      %swap3A_250 = vector.shape_cast %shift_right_logical3A_244 : vector<16xi32> to vector<1x16xi32>
      tpu.vector_store %arg10[%swap3A_246, %swap3A_247], %swap3A_250 {strides = array<i32>} : memref<1x128xi32, #tpu.memory_space<vmem>>, vector<1x16xi32>,
      %get3A_251 = arith.index_cast %add3A_206 : i32 to index
      %get3A_252 = arith.constant 32 : index
      %get3A_253 = tpu.vector_load %arg6[%get3A_251, %get3A_252] {strides = array<i32>} : memref<82x128xi32, #tpu.memory_space<vmem>>, vector<1x16xi32>,
      %get3A_254 = vector.shape_cast %get3A_253 : vector<1x16xi32> to vector<16xi32>
      %and3A_255 = arith.constant 65535 : i32
      %and3A_256 = vector.broadcast %and3A_255 : i32 to vector<16xi32>
      %and3A_257 = arith.andi %get3A_254, %and3A_256 : vector<16xi32>
      %swap3A_258 = arith.constant 0 : i32
      %swap3A_259 = arith.index_cast %swap3A_258 : i32 to index
      %swap3A_260 = arith.constant 32 : index
      %swap3A_261 = tpu.vector_load %arg8[%swap3A_259, %swap3A_260] {strides = array<i32>} : memref<1x128xi32, #tpu.memory_space<vmem>>, vector<1x16xi32>,
      %swap3A_262 = vector.shape_cast %swap3A_261 : vector<1x16xi32> to vector<16xi32>
      %swap3A_263 = vector.shape_cast %and3A_257 : vector<16xi32> to vector<1x16xi32>
      tpu.vector_store %arg8[%swap3A_259, %swap3A_260], %swap3A_263 {strides = array<i32>} : memref<1x128xi32, #tpu.memory_space<vmem>>, vector<1x16xi32>,
      %shift_right_logical3A_264 = arith.constant 16 : i32
      %shift_right_logical3A_265 = vector.broadcast %shift_right_logical3A_264 : i32 to vector<16xi32>
      %shift_right_logical3A_266 = arith.shrui %get3A_254, %shift_right_logical3A_265 : vector<16xi32>
      %swap3A_267 = arith.constant 0 : i32
      %swap3A_268 = arith.index_cast %swap3A_267 : i32 to index
      %swap3A_269 = arith.constant 32 : index
      %swap3A_270 = tpu.vector_load %arg10[%swap3A_268, %swap3A_269] {strides = array<i32>} : memref<1x128xi32, #tpu.memory_space<vmem>>, vector<1x16xi32>,
      %swap3A_271 = vector.shape_cast %swap3A_270 : vector<1x16xi32> to vector<16xi32>
      %swap3A_272 = vector.shape_cast %shift_right_logical3A_266 : vector<16xi32> to vector<1x16xi32>
      tpu.vector_store %arg10[%swap3A_268, %swap3A_269], %swap3A_272 {strides = array<i32>} : memref<1x128xi32, #tpu.memory_space<vmem>>, vector<1x16xi32>,
      %get3A_273 = arith.index_cast %add3A_206 : i32 to index
      %get3A_274 = arith.constant 48 : index
      %get3A_275 = tpu.vector_load %arg6[%get3A_273, %get3A_274] {strides = array<i32>} : memref<82x128xi32, #tpu.memory_space<vmem>>, vector<1x16xi32>,
      %get3A_276 = vector.shape_cast %get3A_275 : vector<1x16xi32> to vector<16xi32>
      %and3A_277 = arith.constant 65535 : i32
      %and3A_278 = vector.broadcast %and3A_277 : i32 to vector<16xi32>
      %and3A_279 = arith.andi %get3A_276, %and3A_278 : vector<16xi32>
      %swap3A_280 = arith.constant 0 : i32
      %swap3A_281 = arith.index_cast %swap3A_280 : i32 to index
      %swap3A_282 = arith.constant 48 : index
      %swap3A_283 = tpu.vector_load %arg8[%swap3A_281, %swap3A_282] {strides = array<i32>} : memref<1x128xi32, #tpu.memory_space<vmem>>, vector<1x16xi32>,
      %swap3A_284 = vector.shape_cast %swap3A_283 : vector<1x16xi32> to vector<16xi32>
      %swap3A_285 = vector.shape_cast %and3A_279 : vector<16xi32> to vector<1x16xi32>
      tpu.vector_store %arg8[%swap3A_281, %swap3A_282], %swap3A_285 {strides = array<i32>} : memref<1x128xi32, #tpu.memory_space<vmem>>, vector<1x16xi32>,
      %shift_right_logical3A_286 = arith.constant 16 : i32
      %shift_right_logical3A_287 = vector.broadcast %shift_right_logical3A_286 : i32 to vector<16xi32>
      %shift_right_logical3A_288 = arith.shrui %get3A_276, %shift_right_logical3A_287 : vector<16xi32>
      %swap3A_289 = arith.constant 0 : i32
      %swap3A_290 = arith.index_cast %swap3A_289 : i32 to index
      %swap3A_291 = arith.constant 48 : index
      %swap3A_292 = tpu.vector_load %arg10[%swap3A_290, %swap3A_291] {strides = array<i32>} : memref<1x128xi32, #tpu.memory_space<vmem>>, vector<1x16xi32>,
      %swap3A_293 = vector.shape_cast %swap3A_292 : vector<1x16xi32> to vector<16xi32>
      %swap3A_294 = vector.shape_cast %shift_right_logical3A_288 : vector<16xi32> to vector<1x16xi32>
      tpu.vector_store %arg10[%swap3A_290, %swap3A_291], %swap3A_294 {strides = array<i32>} : memref<1x128xi32, #tpu.memory_space<vmem>>, vector<1x16xi32>,
      %get3A_295 = arith.index_cast %add3A_206 : i32 to index
      %get3A_296 = arith.constant 64 : index
      %get3A_297 = tpu.vector_load %arg6[%get3A_295, %get3A_296] {strides = array<i32>} : memref<82x128xi32, #tpu.memory_space<vmem>>, vector<1x16xi32>,
      %get3A_298 = vector.shape_cast %get3A_297 : vector<1x16xi32> to vector<16xi32>
      %and3A_299 = arith.constant 65535 : i32
      %and3A_300 = vector.broadcast %and3A_299 : i32 to vector<16xi32>
      %and3A_301 = arith.andi %get3A_298, %and3A_300 : vector<16xi32>
      %swap3A_302 = arith.constant 0 : i32
      %swap3A_303 = arith.index_cast %swap3A_302 : i32 to index
      %swap3A_304 = arith.constant 64 : index
      %swap3A_305 = tpu.vector_load %arg8[%swap3A_303, %swap3A_304] {strides = array<i32>} : memref<1x128xi32, #tpu.memory_space<vmem>>, vector<1x16xi32>,
      %swap3A_306 = vector.shape_cast %swap3A_305 : vector<1x16xi32> to vector<16xi32>
      %swap3A_307 = vector.shape_cast %and3A_301 : vector<16xi32> to vector<1x16xi32>
      tpu.vector_store %arg8[%swap3A_303, %swap3A_304], %swap3A_307 {strides = array<i32>} : memref<1x128xi32, #tpu.memory_space<vmem>>, vector<1x16xi32>,
      %shift_right_logical3A_308 = arith.constant 16 : i32
      %shift_right_logical3A_309 = vector.broadcast %shift_right_logical3A_308 : i32 to vector<16xi32>
      %shift_right_logical3A_310 = arith.shrui %get3A_298, %shift_right_logical3A_309 : vector<16xi32>
      %swap3A_311 = arith.constant 0 : i32
      %swap3A_312 = arith.index_cast %swap3A_311 : i32 to index
      %swap3A_313 = arith.constant 64 : index
      %swap3A_314 = tpu.vector_load %arg10[%swap3A_312, %swap3A_313] {strides = array<i32>} : memref<1x128xi32, #tpu.memory_space<vmem>>, vector<1x16xi32>,
      %swap3A_315 = vector.shape_cast %swap3A_314 : vector<1x16xi32> to vector<16xi32>
      %swap3A_316 = vector.shape_cast %shift_right_logical3A_310 : vector<16xi32> to vector<1x16xi32>
      tpu.vector_store %arg10[%swap3A_312, %swap3A_313], %swap3A_316 {strides = array<i32>} : memref<1x128xi32, #tpu.memory_space<vmem>>, vector<1x16xi32>,
      %get3A_317 = arith.index_cast %add3A_206 : i32 to index
      %get3A_318 = arith.constant 80 : index
      %get3A_319 = tpu.vector_load %arg6[%get3A_317, %get3A_318] {strides = array<i32>} : memref<82x128xi32, #tpu.memory_space<vmem>>, vector<1x16xi32>,
      %get3A_320 = vector.shape_cast %get3A_319 : vector<1x16xi32> to vector<16xi32>
      %and3A_321 = arith.constant 65535 : i32
      %and3A_322 = vector.broadcast %and3A_321 : i32 to vector<16xi32>
      %and3A_323 = arith.andi %get3A_320, %and3A_322 : vector<16xi32>
      %swap3A_324 = arith.constant 0 : i32
      %swap3A_325 = arith.index_cast %swap3A_324 : i32 to index
      %swap3A_326 = arith.constant 80 : index
      %swap3A_327 = tpu.vector_load %arg8[%swap3A_325, %swap3A_326] {strides = array<i32>} : memref<1x128xi32, #tpu.memory_space<vmem>>, vector<1x16xi32>,
      %swap3A_328 = vector.shape_cast %swap3A_327 : vector<1x16xi32> to vector<16xi32>
      %swap3A_329 = vector.shape_cast %and3A_323 : vector<16xi32> to vector<1x16xi32>
      tpu.vector_store %arg8[%swap3A_325, %swap3A_326], %swap3A_329 {strides = array<i32>} : memref<1x128xi32, #tpu.memory_space<vmem>>, vector<1x16xi32>,
      %shift_right_logical3A_330 = arith.constant 16 : i32
      %shift_right_logical3A_331 = vector.broadcast %shift_right_logical3A_330 : i32 to vector<16xi32>
      %shift_right_logical3A_332 = arith.shrui %get3A_320, %shift_right_logical3A_331 : vector<16xi32>
      %swap3A_333 = arith.constant 0 : i32
      %swap3A_334 = arith.index_cast %swap3A_333 : i32 to index
      %swap3A_335 = arith.constant 80 : index
      %swap3A_336 = tpu.vector_load %arg10[%swap3A_334, %swap3A_335] {strides = array<i32>} : memref<1x128xi32, #tpu.memory_space<vmem>>, vector<1x16xi32>,
      %swap3A_337 = vector.shape_cast %swap3A_336 : vector<1x16xi32> to vector<16xi32>
      %swap3A_338 = vector.shape_cast %shift_right_logical3A_332 : vector<16xi32> to vector<1x16xi32>
      tpu.vector_store %arg10[%swap3A_334, %swap3A_335], %swap3A_338 {strides = array<i32>} : memref<1x128xi32, #tpu.memory_space<vmem>>, vector<1x16xi32>,
      %get3A_339 = arith.index_cast %add3A_206 : i32 to index
      %get3A_340 = arith.constant 96 : index
      %get3A_341 = tpu.vector_load %arg6[%get3A_339, %get3A_340] {strides = array<i32>} : memref<82x128xi32, #tpu.memory_space<vmem>>, vector<1x16xi32>,
      %get3A_342 = vector.shape_cast %get3A_341 : vector<1x16xi32> to vector<16xi32>
      %and3A_343 = arith.constant 65535 : i32
      %and3A_344 = vector.broadcast %and3A_343 : i32 to vector<16xi32>
      %and3A_345 = arith.andi %get3A_342, %and3A_344 : vector<16xi32>
      %swap3A_346 = arith.constant 0 : i32
      %swap3A_347 = arith.index_cast %swap3A_346 : i32 to index
      %swap3A_348 = arith.constant 96 : index
      %swap3A_349 = tpu.vector_load %arg8[%swap3A_347, %swap3A_348] {strides = array<i32>} : memref<1x128xi32, #tpu.memory_space<vmem>>, vector<1x16xi32>,
      %swap3A_350 = vector.shape_cast %swap3A_349 : vector<1x16xi32> to vector<16xi32>
      %swap3A_351 = vector.shape_cast %and3A_345 : vector<16xi32> to vector<1x16xi32>
      tpu.vector_store %arg8[%swap3A_347, %swap3A_348], %swap3A_351 {strides = array<i32>} : memref<1x128xi32, #tpu.memory_space<vmem>>, vector<1x16xi32>,
      %shift_right_logical3A_352 = arith.constant 16 : i32
      %shift_right_logical3A_353 = vector.broadcast %shift_right_logical3A_352 : i32 to vector<16xi32>
      %shift_right_logical3A_354 = arith.shrui %get3A_342, %shift_right_logical3A_353 : vector<16xi32>
      %swap3A_355 = arith.constant 0 : i32
      %swap3A_356 = arith.index_cast %swap3A_355 : i32 to index
      %swap3A_357 = arith.constant 96 : index
      %swap3A_358 = tpu.vector_load %arg10[%swap3A_356, %swap3A_357] {strides = array<i32>} : memref<1x128xi32, #tpu.memory_space<vmem>>, vector<1x16xi32>,
      %swap3A_359 = vector.shape_cast %swap3A_358 : vector<1x16xi32> to vector<16xi32>
      %swap3A_360 = vector.shape_cast %shift_right_logical3A_354 : vector<16xi32> to vector<1x16xi32>
      tpu.vector_store %arg10[%swap3A_356, %swap3A_357], %swap3A_360 {strides = array<i32>} : memref<1x128xi32, #tpu.memory_space<vmem>>, vector<1x16xi32>,
      %get3A_361 = arith.index_cast %add3A_206 : i32 to index
      %get3A_362 = arith.constant 112 : index
      %get3A_363 = tpu.vector_load %arg6[%get3A_361, %get3A_362] {strides = array<i32>} : memref<82x128xi32, #tpu.memory_space<vmem>>, vector<1x16xi32>,
      %get3A_364 = vector.shape_cast %get3A_363 : vector<1x16xi32> to vector<16xi32>
      %and3A_365 = arith.constant 65535 : i32
      %and3A_366 = vector.broadcast %and3A_365 : i32 to vector<16xi32>
      %and3A_367 = arith.andi %get3A_364, %and3A_366 : vector<16xi32>
      %swap3A_368 = arith.constant 0 : i32
      %swap3A_369 = arith.index_cast %swap3A_368 : i32 to index
      %swap3A_370 = arith.constant 112 : index
      %swap3A_371 = tpu.vector_load %arg8[%swap3A_369, %swap3A_370] {strides = array<i32>} : memref<1x128xi32, #tpu.memory_space<vmem>>, vector<1x16xi32>,
      %swap3A_372 = vector.shape_cast %swap3A_371 : vector<1x16xi32> to vector<16xi32>
      %swap3A_373 = vector.shape_cast %and3A_367 : vector<16xi32> to vector<1x16xi32>
      tpu.vector_store %arg8[%swap3A_369, %swap3A_370], %swap3A_373 {strides = array<i32>} : memref<1x128xi32, #tpu.memory_space<vmem>>, vector<1x16xi32>,
      %shift_right_logical3A_374 = arith.constant 16 : i32
      %shift_right_logical3A_375 = vector.broadcast %shift_right_logical3A_374 : i32 to vector<16xi32>
      %shift_right_logical3A_376 = arith.shrui %get3A_364, %shift_right_logical3A_375 : vector<16xi32>
      %swap3A_377 = arith.constant 0 : i32
      %swap3A_378 = arith.index_cast %swap3A_377 : i32 to index
      %swap3A_379 = arith.constant 112 : index
      %swap3A_380 = tpu.vector_load %arg10[%swap3A_378, %swap3A_379] {strides = array<i32>} : memref<1x128xi32, #tpu.memory_space<vmem>>, vector<1x16xi32>,
      %swap3A_381 = vector.shape_cast %swap3A_380 : vector<1x16xi32> to vector<16xi32>
      %swap3A_382 = vector.shape_cast %shift_right_logical3A_376 : vector<16xi32> to vector<1x16xi32>
      tpu.vector_store %arg10[%swap3A_378, %swap3A_379], %swap3A_382 {strides = array<i32>} : memref<1x128xi32, #tpu.memory_space<vmem>>, vector<1x16xi32>,
      %dma_start3A_383 = arith.constant 0 : i32
      %dma_start3A_384 = arith.constant 0 : i32
      %dma_start3A_385 = tpu.memref_slice %arg8[%dma_start3A_383, %dma_start3A_384] : memref<1x128xi32, #tpu.memory_space<vmem>> -> memref<1x128xi32, #tpu.memory_space<vmem>>
      %dma_start3A_386 = tpu.memref_squeeze %dma_start3A_385 : memref<1x128xi32, #tpu.memory_space<vmem>> -> memref<128xi32, #tpu.memory_space<vmem>>
      %dma_start3A_387 = arith.constant 0 : i32
      %dma_start3A_388 = arith.constant 0 : i32
      %dma_start3A_389 = tpu.memref_slice %arg2[%dma_start3A_387, %dma_start3A_388] : memref<10000x128xf32, #tpu.memory_space<hbm>> -> memref<10000x128xf32, #tpu.memory_space<hbm>>
      tpu.enqueue_indirect_dma source(%dma_start3A_389 : memref<10000x128xf32, #tpu.memory_space<hbm>>) target(%arg12 : memref<128x128xf32, #tpu.memory_space<vmem>>) offsets(%dma_start3A_386 : memref<128xi32, #tpu.memory_space<vmem>>) semaphore(%arg15 : memref<!tpu.dma_semaphore, #tpu.memory_space<semaphore_mem>>)
      %dma_wait3A = arith.constant 0 : i32
      %dma_wait3A_390 = arith.constant 0 : i32
      %dma_wait3A_391 = tpu.memref_slice %arg2[%dma_wait3A, %dma_wait3A_390] : memref<10000x128xf32, #tpu.memory_space<hbm>> -> memref<128x128xf32, #tpu.memory_space<hbm>>
      %dma_wait3A_392 = arith.constant 0 : i32
      %dma_wait3A_393 = arith.constant 0 : i32
      %dma_wait3A_394 = tpu.memref_slice %arg2[%dma_wait3A_392, %dma_wait3A_393] : memref<10000x128xf32, #tpu.memory_space<hbm>> -> memref<128x128xf32, #tpu.memory_space<hbm>>
      tpu.wait_dma2 semaphore(%arg14 : memref<!tpu.dma_semaphore, #tpu.memory_space<semaphore_mem>>) src(%dma_wait3A_394 : memref<128x128xf32, #tpu.memory_space<hbm>>) dst(%arg11 : memref<128x128xf32, #tpu.memory_space<vmem>>)
      %run_scoped3A = arith.constant 0 : i32
      "tpu.region"() ({
        %run_scoped3A_406 = tpu.sem_alloc : memref<!tpu.dma_semaphore, #tpu.memory_space<semaphore_mem>>
        %dma_start3A_407 = arith.constant 0 : i32
        %dma_start3A_408 = tpu.memref_slice %arg9[%run_scoped3A, %dma_start3A_407] : memref<1x128xi32, #tpu.memory_space<vmem>> -> memref<1x128xi32, #tpu.memory_space<vmem>>
        %dma_start3A_409 = tpu.memref_squeeze %dma_start3A_408 : memref<1x128xi32, #tpu.memory_space<vmem>> -> memref<128xi32, #tpu.memory_space<vmem>>
        %dma_start3A_410 = arith.constant 0 : i32
        %dma_start3A_411 = arith.constant 0 : i32
        %dma_start3A_412 = tpu.memref_slice %arg13[%dma_start3A_410, %dma_start3A_411] : memref<10112x128xf32, #tpu.memory_space<vmem_shared>> -> memref<10112x128xf32, #tpu.memory_space<vmem_shared>>
        tpu.enqueue_indirect_dma source(%arg11 : memref<128x128xf32, #tpu.memory_space<vmem>>) target(%dma_start3A_412 : memref<10112x128xf32, #tpu.memory_space<vmem_shared>>) offsets(%dma_start3A_409 : memref<128xi32, #tpu.memory_space<vmem>>) semaphore(%run_scoped3A_406 : memref<!tpu.dma_semaphore, #tpu.memory_space<semaphore_mem>>) {add = true}
        %dma_wait3A_413 = arith.constant 0 : i32
        %dma_wait3A_414 = tpu.memref_slice %arg9[%run_scoped3A, %dma_wait3A_413] : memref<1x128xi32, #tpu.memory_space<vmem>> -> memref<1x128xi32, #tpu.memory_space<vmem>>
        %dma_wait3A_415 = tpu.memref_squeeze %dma_wait3A_414 : memref<1x128xi32, #tpu.memory_space<vmem>> -> memref<128xi32, #tpu.memory_space<vmem>>
        %dma_wait3A_416 = arith.constant 0 : i32
        %dma_wait3A_417 = arith.constant 0 : i32
        %dma_wait3A_418 = tpu.memref_slice %arg13[%dma_wait3A_416, %dma_wait3A_417] : memref<10112x128xf32, #tpu.memory_space<vmem_shared>> -> memref<10112x128xf32, #tpu.memory_space<vmem_shared>>
        tpu.wait_indirect_dma semaphore(%run_scoped3A_406 : memref<!tpu.dma_semaphore, #tpu.memory_space<semaphore_mem>>) src(%arg11 : memref<128x128xf32, #tpu.memory_space<vmem>>) dst(%dma_wait3A_418 : memref<10112x128xf32, #tpu.memory_space<vmem_shared>>)
        tpu.yield
      }) : () -> ()
      %add3A_395 = arith.constant 2 : i32
      %add3A_396 = arith.addi %add3A_204, %add3A_395 : i32
      %lt3A = arith.constant 82 : i32
      %lt3A_397 = arith.cmpi slt, %add3A_396, %lt3A : i32
      %convert_element_type3A = arith.extui %lt3A_397 : i1 to i32
      %cond3A = arith.constant 0 : i32
      %cond3A_398 = arith.cmpi ne, %convert_element_type3A, %cond3A : i32
      scf.if %cond3A_398 {
        %add3A_406 = arith.constant 2 : i32
        %add3A_407 = arith.addi %add3A_204, %add3A_406 : i32
        %get3A_408 = arith.index_cast %add3A_407 : i32 to index
        %get3A_409 = arith.constant 0 : index
        %get3A_410 = tpu.vector_load %arg6[%get3A_408, %get3A_409] {strides = array<i32>} : memref<82x128xi32, #tpu.memory_space<vmem>>, vector<1x16xi32>,
        %get3A_411 = vector.shape_cast %get3A_410 : vector<1x16xi32> to vector<16xi32>
        %and3A_412 = arith.constant 65535 : i32
        %and3A_413 = vector.broadcast %and3A_412 : i32 to vector<16xi32>
        %and3A_414 = arith.andi %get3A_411, %and3A_413 : vector<16xi32>
        %swap3A_415 = arith.constant 0 : i32
        %swap3A_416 = arith.index_cast %swap3A_415 : i32 to index
        %swap3A_417 = arith.constant 0 : index
        %swap3A_418 = tpu.vector_load %arg7[%swap3A_416, %swap3A_417] {strides = array<i32>} : memref<1x128xi32, #tpu.memory_space<vmem>>, vector<1x16xi32>,
        %swap3A_419 = vector.shape_cast %swap3A_418 : vector<1x16xi32> to vector<16xi32>
        %swap3A_420 = vector.shape_cast %and3A_414 : vector<16xi32> to vector<1x16xi32>
        tpu.vector_store %arg7[%swap3A_416, %swap3A_417], %swap3A_420 {strides = array<i32>} : memref<1x128xi32, #tpu.memory_space<vmem>>, vector<1x16xi32>,
        %shift_right_logical3A_421 = arith.constant 16 : i32
        %shift_right_logical3A_422 = vector.broadcast %shift_right_logical3A_421 : i32 to vector<16xi32>
        %shift_right_logical3A_423 = arith.shrui %get3A_411, %shift_right_logical3A_422 : vector<16xi32>
        %swap3A_424 = arith.constant 0 : i32
        %swap3A_425 = arith.index_cast %swap3A_424 : i32 to index
        %swap3A_426 = arith.constant 0 : index
        %swap3A_427 = tpu.vector_load %arg9[%swap3A_425, %swap3A_426] {strides = array<i32>} : memref<1x128xi32, #tpu.memory_space<vmem>>, vector<1x16xi32>,
        %swap3A_428 = vector.shape_cast %swap3A_427 : vector<1x16xi32> to vector<16xi32>
        %swap3A_429 = vector.shape_cast %shift_right_logical3A_423 : vector<16xi32> to vector<1x16xi32>
        tpu.vector_store %arg9[%swap3A_425, %swap3A_426], %swap3A_429 {strides = array<i32>} : memref<1x128xi32, #tpu.memory_space<vmem>>, vector<1x16xi32>,
        %get3A_430 = arith.index_cast %add3A_407 : i32 to index
        %get3A_431 = arith.constant 16 : index
        %get3A_432 = tpu.vector_load %arg6[%get3A_430, %get3A_431] {strides = array<i32>} : memref<82x128xi32, #tpu.memory_space<vmem>>, vector<1x16xi32>,
        %get3A_433 = vector.shape_cast %get3A_432 : vector<1x16xi32> to vector<16xi32>
        %and3A_434 = arith.constant 65535 : i32
        %and3A_435 = vector.broadcast %and3A_434 : i32 to vector<16xi32>
        %and3A_436 = arith.andi %get3A_433, %and3A_435 : vector<16xi32>
        %swap3A_437 = arith.constant 0 : i32
        %swap3A_438 = arith.index_cast %swap3A_437 : i32 to index
        %swap3A_439 = arith.constant 16 : index
        %swap3A_440 = tpu.vector_load %arg7[%swap3A_438, %swap3A_439] {strides = array<i32>} : memref<1x128xi32, #tpu.memory_space<vmem>>, vector<1x16xi32>,
        %swap3A_441 = vector.shape_cast %swap3A_440 : vector<1x16xi32> to vector<16xi32>
        %swap3A_442 = vector.shape_cast %and3A_436 : vector<16xi32> to vector<1x16xi32>
        tpu.vector_store %arg7[%swap3A_438, %swap3A_439], %swap3A_442 {strides = array<i32>} : memref<1x128xi32, #tpu.memory_space<vmem>>, vector<1x16xi32>,
        %shift_right_logical3A_443 = arith.constant 16 : i32
        %shift_right_logical3A_444 = vector.broadcast %shift_right_logical3A_443 : i32 to vector<16xi32>
        %shift_right_logical3A_445 = arith.shrui %get3A_433, %shift_right_logical3A_444 : vector<16xi32>
        %swap3A_446 = arith.constant 0 : i32
        %swap3A_447 = arith.index_cast %swap3A_446 : i32 to index
        %swap3A_448 = arith.constant 16 : index
        %swap3A_449 = tpu.vector_load %arg9[%swap3A_447, %swap3A_448] {strides = array<i32>} : memref<1x128xi32, #tpu.memory_space<vmem>>, vector<1x16xi32>,
        %swap3A_450 = vector.shape_cast %swap3A_449 : vector<1x16xi32> to vector<16xi32>
        %swap3A_451 = vector.shape_cast %shift_right_logical3A_445 : vector<16xi32> to vector<1x16xi32>
        tpu.vector_store %arg9[%swap3A_447, %swap3A_448], %swap3A_451 {strides = array<i32>} : memref<1x128xi32, #tpu.memory_space<vmem>>, vector<1x16xi32>,
        %get3A_452 = arith.index_cast %add3A_407 : i32 to index
        %get3A_453 = arith.constant 32 : index
        %get3A_454 = tpu.vector_load %arg6[%get3A_452, %get3A_453] {strides = array<i32>} : memref<82x128xi32, #tpu.memory_space<vmem>>, vector<1x16xi32>,
        %get3A_455 = vector.shape_cast %get3A_454 : vector<1x16xi32> to vector<16xi32>
        %and3A_456 = arith.constant 65535 : i32
        %and3A_457 = vector.broadcast %and3A_456 : i32 to vector<16xi32>
        %and3A_458 = arith.andi %get3A_455, %and3A_457 : vector<16xi32>
        %swap3A_459 = arith.constant 0 : i32
        %swap3A_460 = arith.index_cast %swap3A_459 : i32 to index
        %swap3A_461 = arith.constant 32 : index
        %swap3A_462 = tpu.vector_load %arg7[%swap3A_460, %swap3A_461] {strides = array<i32>} : memref<1x128xi32, #tpu.memory_space<vmem>>, vector<1x16xi32>,
        %swap3A_463 = vector.shape_cast %swap3A_462 : vector<1x16xi32> to vector<16xi32>
        %swap3A_464 = vector.shape_cast %and3A_458 : vector<16xi32> to vector<1x16xi32>
        tpu.vector_store %arg7[%swap3A_460, %swap3A_461], %swap3A_464 {strides = array<i32>} : memref<1x128xi32, #tpu.memory_space<vmem>>, vector<1x16xi32>,
        %shift_right_logical3A_465 = arith.constant 16 : i32
        %shift_right_logical3A_466 = vector.broadcast %shift_right_logical3A_465 : i32 to vector<16xi32>
        %shift_right_logical3A_467 = arith.shrui %get3A_455, %shift_right_logical3A_466 : vector<16xi32>
        %swap3A_468 = arith.constant 0 : i32
        %swap3A_469 = arith.index_cast %swap3A_468 : i32 to index
        %swap3A_470 = arith.constant 32 : index
        %swap3A_471 = tpu.vector_load %arg9[%swap3A_469, %swap3A_470] {strides = array<i32>} : memref<1x128xi32, #tpu.memory_space<vmem>>, vector<1x16xi32>,
        %swap3A_472 = vector.shape_cast %swap3A_471 : vector<1x16xi32> to vector<16xi32>
        %swap3A_473 = vector.shape_cast %shift_right_logical3A_467 : vector<16xi32> to vector<1x16xi32>
        tpu.vector_store %arg9[%swap3A_469, %swap3A_470], %swap3A_473 {strides = array<i32>} : memref<1x128xi32, #tpu.memory_space<vmem>>, vector<1x16xi32>,
        %get3A_474 = arith.index_cast %add3A_407 : i32 to index
        %get3A_475 = arith.constant 48 : index
        %get3A_476 = tpu.vector_load %arg6[%get3A_474, %get3A_475] {strides = array<i32>} : memref<82x128xi32, #tpu.memory_space<vmem>>, vector<1x16xi32>,
        %get3A_477 = vector.shape_cast %get3A_476 : vector<1x16xi32> to vector<16xi32>
        %and3A_478 = arith.constant 65535 : i32
        %and3A_479 = vector.broadcast %and3A_478 : i32 to vector<16xi32>
        %and3A_480 = arith.andi %get3A_477, %and3A_479 : vector<16xi32>
        %swap3A_481 = arith.constant 0 : i32
        %swap3A_482 = arith.index_cast %swap3A_481 : i32 to index
        %swap3A_483 = arith.constant 48 : index
        %swap3A_484 = tpu.vector_load %arg7[%swap3A_482, %swap3A_483] {strides = array<i32>} : memref<1x128xi32, #tpu.memory_space<vmem>>, vector<1x16xi32>,
        %swap3A_485 = vector.shape_cast %swap3A_484 : vector<1x16xi32> to vector<16xi32>
        %swap3A_486 = vector.shape_cast %and3A_480 : vector<16xi32> to vector<1x16xi32>
        tpu.vector_store %arg7[%swap3A_482, %swap3A_483], %swap3A_486 {strides = array<i32>} : memref<1x128xi32, #tpu.memory_space<vmem>>, vector<1x16xi32>,
        %shift_right_logical3A_487 = arith.constant 16 : i32
        %shift_right_logical3A_488 = vector.broadcast %shift_right_logical3A_487 : i32 to vector<16xi32>
        %shift_right_logical3A_489 = arith.shrui %get3A_477, %shift_right_logical3A_488 : vector<16xi32>
        %swap3A_490 = arith.constant 0 : i32
        %swap3A_491 = arith.index_cast %swap3A_490 : i32 to index
        %swap3A_492 = arith.constant 48 : index
        %swap3A_493 = tpu.vector_load %arg9[%swap3A_491, %swap3A_492] {strides = array<i32>} : memref<1x128xi32, #tpu.memory_space<vmem>>, vector<1x16xi32>,
        %swap3A_494 = vector.shape_cast %swap3A_493 : vector<1x16xi32> to vector<16xi32>
        %swap3A_495 = vector.shape_cast %shift_right_logical3A_489 : vector<16xi32> to vector<1x16xi32>
        tpu.vector_store %arg9[%swap3A_491, %swap3A_492], %swap3A_495 {strides = array<i32>} : memref<1x128xi32, #tpu.memory_space<vmem>>, vector<1x16xi32>,
        %get3A_496 = arith.index_cast %add3A_407 : i32 to index
        %get3A_497 = arith.constant 64 : index
        %get3A_498 = tpu.vector_load %arg6[%get3A_496, %get3A_497] {strides = array<i32>} : memref<82x128xi32, #tpu.memory_space<vmem>>, vector<1x16xi32>,
        %get3A_499 = vector.shape_cast %get3A_498 : vector<1x16xi32> to vector<16xi32>
        %and3A_500 = arith.constant 65535 : i32
        %and3A_501 = vector.broadcast %and3A_500 : i32 to vector<16xi32>
        %and3A_502 = arith.andi %get3A_499, %and3A_501 : vector<16xi32>
        %swap3A_503 = arith.constant 0 : i32
        %swap3A_504 = arith.index_cast %swap3A_503 : i32 to index
        %swap3A_505 = arith.constant 64 : index
        %swap3A_506 = tpu.vector_load %arg7[%swap3A_504, %swap3A_505] {strides = array<i32>} : memref<1x128xi32, #tpu.memory_space<vmem>>, vector<1x16xi32>,
        %swap3A_507 = vector.shape_cast %swap3A_506 : vector<1x16xi32> to vector<16xi32>
        %swap3A_508 = vector.shape_cast %and3A_502 : vector<16xi32> to vector<1x16xi32>
        tpu.vector_store %arg7[%swap3A_504, %swap3A_505], %swap3A_508 {strides = array<i32>} : memref<1x128xi32, #tpu.memory_space<vmem>>, vector<1x16xi32>,
        %shift_right_logical3A_509 = arith.constant 16 : i32
        %shift_right_logical3A_510 = vector.broadcast %shift_right_logical3A_509 : i32 to vector<16xi32>
        %shift_right_logical3A_511 = arith.shrui %get3A_499, %shift_right_logical3A_510 : vector<16xi32>
        %swap3A_512 = arith.constant 0 : i32
        %swap3A_513 = arith.index_cast %swap3A_512 : i32 to index
        %swap3A_514 = arith.constant 64 : index
        %swap3A_515 = tpu.vector_load %arg9[%swap3A_513, %swap3A_514] {strides = array<i32>} : memref<1x128xi32, #tpu.memory_space<vmem>>, vector<1x16xi32>,
        %swap3A_516 = vector.shape_cast %swap3A_515 : vector<1x16xi32> to vector<16xi32>
        %swap3A_517 = vector.shape_cast %shift_right_logical3A_511 : vector<16xi32> to vector<1x16xi32>
        tpu.vector_store %arg9[%swap3A_513, %swap3A_514], %swap3A_517 {strides = array<i32>} : memref<1x128xi32, #tpu.memory_space<vmem>>, vector<1x16xi32>,
        %get3A_518 = arith.index_cast %add3A_407 : i32 to index
        %get3A_519 = arith.constant 80 : index
        %get3A_520 = tpu.vector_load %arg6[%get3A_518, %get3A_519] {strides = array<i32>} : memref<82x128xi32, #tpu.memory_space<vmem>>, vector<1x16xi32>,
        %get3A_521 = vector.shape_cast %get3A_520 : vector<1x16xi32> to vector<16xi32>
        %and3A_522 = arith.constant 65535 : i32
        %and3A_523 = vector.broadcast %and3A_522 : i32 to vector<16xi32>
        %and3A_524 = arith.andi %get3A_521, %and3A_523 : vector<16xi32>
        %swap3A_525 = arith.constant 0 : i32
        %swap3A_526 = arith.index_cast %swap3A_525 : i32 to index
        %swap3A_527 = arith.constant 80 : index
        %swap3A_528 = tpu.vector_load %arg7[%swap3A_526, %swap3A_527] {strides = array<i32>} : memref<1x128xi32, #tpu.memory_space<vmem>>, vector<1x16xi32>,
        %swap3A_529 = vector.shape_cast %swap3A_528 : vector<1x16xi32> to vector<16xi32>
        %swap3A_530 = vector.shape_cast %and3A_524 : vector<16xi32> to vector<1x16xi32>
        tpu.vector_store %arg7[%swap3A_526, %swap3A_527], %swap3A_530 {strides = array<i32>} : memref<1x128xi32, #tpu.memory_space<vmem>>, vector<1x16xi32>,
        %shift_right_logical3A_531 = arith.constant 16 : i32
        %shift_right_logical3A_532 = vector.broadcast %shift_right_logical3A_531 : i32 to vector<16xi32>
        %shift_right_logical3A_533 = arith.shrui %get3A_521, %shift_right_logical3A_532 : vector<16xi32>
        %swap3A_534 = arith.constant 0 : i32
        %swap3A_535 = arith.index_cast %swap3A_534 : i32 to index
        %swap3A_536 = arith.constant 80 : index
        %swap3A_537 = tpu.vector_load %arg9[%swap3A_535, %swap3A_536] {strides = array<i32>} : memref<1x128xi32, #tpu.memory_space<vmem>>, vector<1x16xi32>,
        %swap3A_538 = vector.shape_cast %swap3A_537 : vector<1x16xi32> to vector<16xi32>
        %swap3A_539 = vector.shape_cast %shift_right_logical3A_533 : vector<16xi32> to vector<1x16xi32>
        tpu.vector_store %arg9[%swap3A_535, %swap3A_536], %swap3A_539 {strides = array<i32>} : memref<1x128xi32, #tpu.memory_space<vmem>>, vector<1x16xi32>,
        %get3A_540 = arith.index_cast %add3A_407 : i32 to index
        %get3A_541 = arith.constant 96 : index
        %get3A_542 = tpu.vector_load %arg6[%get3A_540, %get3A_541] {strides = array<i32>} : memref<82x128xi32, #tpu.memory_space<vmem>>, vector<1x16xi32>,
        %get3A_543 = vector.shape_cast %get3A_542 : vector<1x16xi32> to vector<16xi32>
        %and3A_544 = arith.constant 65535 : i32
        %and3A_545 = vector.broadcast %and3A_544 : i32 to vector<16xi32>
        %and3A_546 = arith.andi %get3A_543, %and3A_545 : vector<16xi32>
        %swap3A_547 = arith.constant 0 : i32
        %swap3A_548 = arith.index_cast %swap3A_547 : i32 to index
        %swap3A_549 = arith.constant 96 : index
        %swap3A_550 = tpu.vector_load %arg7[%swap3A_548, %swap3A_549] {strides = array<i32>} : memref<1x128xi32, #tpu.memory_space<vmem>>, vector<1x16xi32>,
        %swap3A_551 = vector.shape_cast %swap3A_550 : vector<1x16xi32> to vector<16xi32>
        %swap3A_552 = vector.shape_cast %and3A_546 : vector<16xi32> to vector<1x16xi32>
        tpu.vector_store %arg7[%swap3A_548, %swap3A_549], %swap3A_552 {strides = array<i32>} : memref<1x128xi32, #tpu.memory_space<vmem>>, vector<1x16xi32>,
        %shift_right_logical3A_553 = arith.constant 16 : i32
        %shift_right_logical3A_554 = vector.broadcast %shift_right_logical3A_553 : i32 to vector<16xi32>
        %shift_right_logical3A_555 = arith.shrui %get3A_543, %shift_right_logical3A_554 : vector<16xi32>
        %swap3A_556 = arith.constant 0 : i32
        %swap3A_557 = arith.index_cast %swap3A_556 : i32 to index
        %swap3A_558 = arith.constant 96 : index
        %swap3A_559 = tpu.vector_load %arg9[%swap3A_557, %swap3A_558] {strides = array<i32>} : memref<1x128xi32, #tpu.memory_space<vmem>>, vector<1x16xi32>,
        %swap3A_560 = vector.shape_cast %swap3A_559 : vector<1x16xi32> to vector<16xi32>
        %swap3A_561 = vector.shape_cast %shift_right_logical3A_555 : vector<16xi32> to vector<1x16xi32>
        tpu.vector_store %arg9[%swap3A_557, %swap3A_558], %swap3A_561 {strides = array<i32>} : memref<1x128xi32, #tpu.memory_space<vmem>>, vector<1x16xi32>,
        %get3A_562 = arith.index_cast %add3A_407 : i32 to index
        %get3A_563 = arith.constant 112 : index
        %get3A_564 = tpu.vector_load %arg6[%get3A_562, %get3A_563] {strides = array<i32>} : memref<82x128xi32, #tpu.memory_space<vmem>>, vector<1x16xi32>,
        %get3A_565 = vector.shape_cast %get3A_564 : vector<1x16xi32> to vector<16xi32>
        %and3A_566 = arith.constant 65535 : i32
        %and3A_567 = vector.broadcast %and3A_566 : i32 to vector<16xi32>
        %and3A_568 = arith.andi %get3A_565, %and3A_567 : vector<16xi32>
        %swap3A_569 = arith.constant 0 : i32
        %swap3A_570 = arith.index_cast %swap3A_569 : i32 to index
        %swap3A_571 = arith.constant 112 : index
        %swap3A_572 = tpu.vector_load %arg7[%swap3A_570, %swap3A_571] {strides = array<i32>} : memref<1x128xi32, #tpu.memory_space<vmem>>, vector<1x16xi32>,
        %swap3A_573 = vector.shape_cast %swap3A_572 : vector<1x16xi32> to vector<16xi32>
        %swap3A_574 = vector.shape_cast %and3A_568 : vector<16xi32> to vector<1x16xi32>
        tpu.vector_store %arg7[%swap3A_570, %swap3A_571], %swap3A_574 {strides = array<i32>} : memref<1x128xi32, #tpu.memory_space<vmem>>, vector<1x16xi32>,
        %shift_right_logical3A_575 = arith.constant 16 : i32
        %shift_right_logical3A_576 = vector.broadcast %shift_right_logical3A_575 : i32 to vector<16xi32>
        %shift_right_logical3A_577 = arith.shrui %get3A_565, %shift_right_logical3A_576 : vector<16xi32>
        %swap3A_578 = arith.constant 0 : i32
        %swap3A_579 = arith.index_cast %swap3A_578 : i32 to index
        %swap3A_580 = arith.constant 112 : index
        %swap3A_581 = tpu.vector_load %arg9[%swap3A_579, %swap3A_580] {strides = array<i32>} : memref<1x128xi32, #tpu.memory_space<vmem>>, vector<1x16xi32>,
        %swap3A_582 = vector.shape_cast %swap3A_581 : vector<1x16xi32> to vector<16xi32>
        %swap3A_583 = vector.shape_cast %shift_right_logical3A_577 : vector<16xi32> to vector<1x16xi32>
        tpu.vector_store %arg9[%swap3A_579, %swap3A_580], %swap3A_583 {strides = array<i32>} : memref<1x128xi32, #tpu.memory_space<vmem>>, vector<1x16xi32>,
        %dma_start3A_584 = arith.constant 0 : i32
        %dma_start3A_585 = arith.constant 0 : i32
        %dma_start3A_586 = tpu.memref_slice %arg7[%dma_start3A_584, %dma_start3A_585] : memref<1x128xi32, #tpu.memory_space<vmem>> -> memref<1x128xi32, #tpu.memory_space<vmem>>
        %dma_start3A_587 = tpu.memref_squeeze %dma_start3A_586 : memref<1x128xi32, #tpu.memory_space<vmem>> -> memref<128xi32, #tpu.memory_space<vmem>>
        %dma_start3A_588 = arith.constant 0 : i32
        %dma_start3A_589 = arith.constant 0 : i32
        %dma_start3A_590 = tpu.memref_slice %arg2[%dma_start3A_588, %dma_start3A_589] : memref<10000x128xf32, #tpu.memory_space<hbm>> -> memref<10000x128xf32, #tpu.memory_space<hbm>>
        tpu.enqueue_indirect_dma source(%dma_start3A_590 : memref<10000x128xf32, #tpu.memory_space<hbm>>) target(%arg11 : memref<128x128xf32, #tpu.memory_space<vmem>>) offsets(%dma_start3A_587 : memref<128xi32, #tpu.memory_space<vmem>>) semaphore(%arg14 : memref<!tpu.dma_semaphore, #tpu.memory_space<semaphore_mem>>)
      } else {
      }
      %dma_wait3A_399 = arith.constant 0 : i32
      %dma_wait3A_400 = arith.constant 0 : i32
      %dma_wait3A_401 = tpu.memref_slice %arg2[%dma_wait3A_399, %dma_wait3A_400] : memref<10000x128xf32, #tpu.memory_space<hbm>> -> memref<128x128xf32, #tpu.memory_space<hbm>>
      %dma_wait3A_402 = arith.constant 0 : i32
      %dma_wait3A_403 = arith.constant 0 : i32
      %dma_wait3A_404 = tpu.memref_slice %arg2[%dma_wait3A_402, %dma_wait3A_403] : memref<10000x128xf32, #tpu.memory_space<hbm>> -> memref<128x128xf32, #tpu.memory_space<hbm>>
      tpu.wait_dma2 semaphore(%arg15 : memref<!tpu.dma_semaphore, #tpu.memory_space<semaphore_mem>>) src(%dma_wait3A_404 : memref<128x128xf32, #tpu.memory_space<hbm>>) dst(%arg12 : memref<128x128xf32, #tpu.memory_space<vmem>>)
      %run_scoped3A_405 = arith.constant 0 : i32
      "tpu.region"() ({
        %run_scoped3A_406 = tpu.sem_alloc : memref<!tpu.dma_semaphore, #tpu.memory_space<semaphore_mem>>
        %dma_start3A_407 = arith.constant 0 : i32
        %dma_start3A_408 = tpu.memref_slice %arg10[%run_scoped3A_405, %dma_start3A_407] : memref<1x128xi32, #tpu.memory_space<vmem>> -> memref<1x128xi32, #tpu.memory_space<vmem>>
        %dma_start3A_409 = tpu.memref_squeeze %dma_start3A_408 : memref<1x128xi32, #tpu.memory_space<vmem>> -> memref<128xi32, #tpu.memory_space<vmem>>
        %dma_start3A_410 = arith.constant 0 : i32
        %dma_start3A_411 = arith.constant 0 : i32
        %dma_start3A_412 = tpu.memref_slice %arg13[%dma_start3A_410, %dma_start3A_411] : memref<10112x128xf32, #tpu.memory_space<vmem_shared>> -> memref<10112x128xf32, #tpu.memory_space<vmem_shared>>
        tpu.enqueue_indirect_dma source(%arg12 : memref<128x128xf32, #tpu.memory_space<vmem>>) target(%dma_start3A_412 : memref<10112x128xf32, #tpu.memory_space<vmem_shared>>) offsets(%dma_start3A_409 : memref<128xi32, #tpu.memory_space<vmem>>) semaphore(%run_scoped3A_406 : memref<!tpu.dma_semaphore, #tpu.memory_space<semaphore_mem>>) {add = true}
        %dma_wait3A_413 = arith.constant 0 : i32
        %dma_wait3A_414 = tpu.memref_slice %arg10[%run_scoped3A_405, %dma_wait3A_413] : memref<1x128xi32, #tpu.memory_space<vmem>> -> memref<1x128xi32, #tpu.memory_space<vmem>>
        %dma_wait3A_415 = tpu.memref_squeeze %dma_wait3A_414 : memref<1x128xi32, #tpu.memory_space<vmem>> -> memref<128xi32, #tpu.memory_space<vmem>>
        %dma_wait3A_416 = arith.constant 0 : i32
        %dma_wait3A_417 = arith.constant 0 : i32
        %dma_wait3A_418 = tpu.memref_slice %arg13[%dma_wait3A_416, %dma_wait3A_417] : memref<10112x128xf32, #tpu.memory_space<vmem_shared>> -> memref<10112x128xf32, #tpu.memory_space<vmem_shared>>
        tpu.wait_indirect_dma semaphore(%run_scoped3A_406 : memref<!tpu.dma_semaphore, #tpu.memory_space<semaphore_mem>>) src(%arg12 : memref<128x128xf32, #tpu.memory_space<vmem>>) dst(%dma_wait3A_418 : memref<10112x128xf32, #tpu.memory_space<vmem_shared>>)
        tpu.yield
      }) : () -> ()
    }
    %scan3A_194 = arith.constant 41 : i32
    %barrier3A_195 = arith.constant 0 : index
    tpu.barrier barrier_id(%barrier3A_195)
    %mul3A_196 = arith.constant 632 : i32
    %mul3A_197 = arith.muli %arg1, %mul3A_196 : i32
    %mul3A_198 = arith.constant 632 : i32
    %mul3A_199 = arith.muli %arg1, %mul3A_198 : i32
    "tpu.region"() ({
      %run_scoped3A = tpu.sem_alloc : memref<!tpu.dma_semaphore, #tpu.memory_space<semaphore_mem>>
      %dma_start3A_200 = arith.constant 0 : i32
      %dma_start3A_201 = tpu.memref_slice %arg5[%arg0, %mul3A_199, %dma_start3A_200] : memref<2x10112x128xf32, #tpu.memory_space<hbm>> -> memref<1x632x128xf32, #tpu.memory_space<hbm>>
      %dma_start3A_202 = tpu.memref_squeeze %dma_start3A_201 : memref<1x632x128xf32, #tpu.memory_space<hbm>> -> memref<632x128xf32, #tpu.memory_space<hbm>>
      %dma_start3A_203 = arith.constant 0 : i32
      %dma_start3A_204 = tpu.memref_slice %arg13[%mul3A_197, %dma_start3A_203] : memref<10112x128xf32, #tpu.memory_space<vmem_shared>> -> memref<632x128xf32, #tpu.memory_space<vmem_shared>>
      tpu.enqueue_dma source(%dma_start3A_204 : memref<632x128xf32, #tpu.memory_space<vmem_shared>>) target(%dma_start3A_202 : memref<632x128xf32, #tpu.memory_space<hbm>>) target_semaphore(%run_scoped3A : memref<!tpu.dma_semaphore, #tpu.memory_space<semaphore_mem>>)
      %dma_wait3A = arith.constant 0 : i32
      %dma_wait3A_205 = tpu.memref_slice %arg5[%arg0, %mul3A_199, %dma_wait3A] : memref<2x10112x128xf32, #tpu.memory_space<hbm>> -> memref<1x632x128xf32, #tpu.memory_space<hbm>>
      %dma_wait3A_206 = tpu.memref_squeeze %dma_wait3A_205 : memref<1x632x128xf32, #tpu.memory_space<hbm>> -> memref<632x128xf32, #tpu.memory_space<hbm>>
      %dma_wait3A_207 = arith.constant 0 : i32
      %dma_wait3A_208 = tpu.memref_slice %arg13[%mul3A_197, %dma_wait3A_207] : memref<10112x128xf32, #tpu.memory_space<vmem_shared>> -> memref<632x128xf32, #tpu.memory_space<vmem_shared>>
      tpu.wait_dma2 semaphore(%run_scoped3A : memref<!tpu.dma_semaphore, #tpu.memory_space<semaphore_mem>>) src(%dma_wait3A_208 : memref<632x128xf32, #tpu.memory_space<vmem_shared>>) dst(%dma_wait3A_206 : memref<632x128xf32, #tpu.memory_space<hbm>>)
      tpu.yield
    }) : () -> ()
    return
  }
}

#map = affine_map<(d0, d1) -> (0, 0)>
#map1 = affine_map<(d0, d1) -> (0, 0, 0)>
module attributes {stable_mosaic.version = 14 : i64} {
  func.func @k(%arg0: i32, %arg1: i32, %arg2: memref<10000x128xf32, #tpu.memory_space<hbm>>, %arg3: memref<32x82x128xi32, #tpu.memory_space<hbm>>, %arg4: memref<10112x128xf32, #tpu.memory_space<hbm>>, %arg5: memref<2x10112x128xf32, #tpu.memory_space<hbm>>, %arg6: memref<82x128xi32, #tpu.memory_space<vmem>>, %arg7: memref<1x128xi32, #tpu.memory_space<vmem>>, %arg8: memref<1x128xi32, #tpu.memory_space<vmem>>, %arg9: memref<1x128xi32, #tpu.memory_space<vmem>>, %arg10: memref<1x128xi32, #tpu.memory_space<vmem>>, %arg11: memref<128x128xf32, #tpu.memory_space<vmem>>, %arg12: memref<128x128xf32, #tpu.memory_space<vmem>>, %arg13: memref<10112x128xf32, #tpu.memory_space<vmem_shared>>, %arg14: memref<!tpu.dma_semaphore, #tpu.memory_space<semaphore_mem>>, %arg15: memref<!tpu.dma_semaphore, #tpu.memory_space<semaphore_mem>>) attributes {dimension_semantics = [#tpu.dimension_semantics<core_parallel>, #tpu.dimension_semantics<subcore_parallel>], iteration_bounds = array<i64: 2, 16>, scalar_prefetch = 0 : i64, scratch_operands = 10 : i64, tpu.core_type = #tpu.core_type<sc_vector_subcore>, window_params = [{transform_indices = #map}, {transform_indices = #map1}, {transform_indices = #map}, {transform_indices = #map1}]} {
    %mul3A = arith.constant 16 : i32
    %mul3A_0 = arith.muli %arg0, %mul3A : i32
    %add3A = arith.addi %mul3A_0, %arg1 : i32
    "tpu.region"() ({
      %run_scoped3A = tpu.sem_alloc : memref<!tpu.dma_semaphore, #tpu.memory_space<semaphore_mem>>
      %dma_start3A_200 = arith.constant 0 : i32
      %dma_start3A_201 = arith.constant 0 : i32
      %dma_start3A_202 = tpu.memref_slice %arg3[%add3A, %dma_start3A_200, %dma_start3A_201] : memref<32x82x128xi32, #tpu.memory_space<hbm>> -> memref<1x82x128xi32, #tpu.memory_space<hbm>>
      %dma_start3A_203 = tpu.memref_squeeze %dma_start3A_202 : memref<1x82x128xi32, #tpu.memory_space<hbm>> -> memref<82x128xi32, #tpu.memory_space<hbm>>
      %dma_start3A_204 = arith.constant 0 : i32
      %dma_start3A_205 = arith.constant 0 : i32
      %dma_start3A_206 = tpu.memref_slice %arg3[%add3A, %dma_start3A_204, %dma_start3A_205] : memref<32x82x128xi32, #tpu.memory_space<hbm>> -> memref<1x82x128xi32, #tpu.memory_space<hbm>>
      %dma_start3A_207 = tpu.memref_squeeze %dma_start3A_206 : memref<1x82x128xi32, #tpu.memory_space<hbm>> -> memref<82x128xi32, #tpu.memory_space<hbm>>
      tpu.enqueue_dma source(%dma_start3A_207 : memref<82x128xi32, #tpu.memory_space<hbm>>) target(%arg6 : memref<82x128xi32, #tpu.memory_space<vmem>>) target_semaphore(%run_scoped3A : memref<!tpu.dma_semaphore, #tpu.memory_space<semaphore_mem>>)
      %dma_wait3A = arith.constant 0 : i32
      %dma_wait3A_208 = arith.constant 0 : i32
      %dma_wait3A_209 = tpu.memref_slice %arg3[%add3A, %dma_wait3A, %dma_wait3A_208] : memref<32x82x128xi32, #tpu.memory_space<hbm>> -> memref<1x82x128xi32, #tpu.memory_space<hbm>>
      %dma_wait3A_210 = tpu.memref_squeeze %dma_wait3A_209 : memref<1x82x128xi32, #tpu.memory_space<hbm>> -> memref<82x128xi32, #tpu.memory_space<hbm>>
      %dma_wait3A_211 = arith.constant 0 : i32
      %dma_wait3A_212 = arith.constant 0 : i32
      %dma_wait3A_213 = tpu.memref_slice %arg3[%add3A, %dma_wait3A_211, %dma_wait3A_212] : memref<32x82x128xi32, #tpu.memory_space<hbm>> -> memref<1x82x128xi32, #tpu.memory_space<hbm>>
      %dma_wait3A_214 = tpu.memref_squeeze %dma_wait3A_213 : memref<1x82x128xi32, #tpu.memory_space<hbm>> -> memref<82x128xi32, #tpu.memory_space<hbm>>
      tpu.wait_dma2 semaphore(%run_scoped3A : memref<!tpu.dma_semaphore, #tpu.memory_space<semaphore_mem>>) src(%dma_wait3A_214 : memref<82x128xi32, #tpu.memory_space<hbm>>) dst(%arg6 : memref<82x128xi32, #tpu.memory_space<vmem>>)
      tpu.yield
    }) : () -> ()
    %mul3A_1 = arith.constant 632 : i32
    %mul3A_2 = arith.muli %arg1, %mul3A_1 : i32
    %mul3A_3 = arith.constant 632 : i32
    %mul3A_4 = arith.muli %arg1, %mul3A_3 : i32
    "tpu.region"() ({
      %run_scoped3A = tpu.sem_alloc : memref<!tpu.dma_semaphore, #tpu.memory_space<semaphore_mem>>
      %dma_start3A_200 = arith.constant 0 : i32
      %dma_start3A_201 = tpu.memref_slice %arg13[%mul3A_4, %dma_start3A_200] : memref<10112x128xf32, #tpu.memory_space<vmem_shared>> -> memref<632x128xf32, #tpu.memory_space<vmem_shared>>
      %dma_start3A_202 = arith.constant 0 : i32
      %dma_start3A_203 = tpu.memref_slice %arg4[%mul3A_2, %dma_start3A_202] : memref<10112x128xf32, #tpu.memory_space<hbm>> -> memref<632x128xf32, #tpu.memory_space<hbm>>
      tpu.enqueue_dma source(%dma_start3A_203 : memref<632x128xf32, #tpu.memory_space<hbm>>) target(%dma_start3A_201 : memref<632x128xf32, #tpu.memory_space<vmem_shared>>) target_semaphore(%run_scoped3A : memref<!tpu.dma_semaphore, #tpu.memory_space<semaphore_mem>>)
      %dma_wait3A = arith.constant 0 : i32
      %dma_wait3A_204 = tpu.memref_slice %arg13[%mul3A_4, %dma_wait3A] : memref<10112x128xf32, #tpu.memory_space<vmem_shared>> -> memref<632x128xf32, #tpu.memory_space<vmem_shared>>
      %dma_wait3A_205 = arith.constant 0 : i32
      %dma_wait3A_206 = tpu.memref_slice %arg4[%mul3A_2, %dma_wait3A_205] : memref<10112x128xf32, #tpu.memory_space<hbm>> -> memref<632x128xf32, #tpu.memory_space<hbm>>
      tpu.wait_dma2 semaphore(%run_scoped3A : memref<!tpu.dma_semaphore, #tpu.memory_space<semaphore_mem>>) src(%dma_wait3A_206 : memref<632x128xf32, #tpu.memory_space<hbm>>) dst(%dma_wait3A_204 : memref<632x128xf32, #tpu.memory_space<vmem_shared>>)
      tpu.yield
    }) : () -> ()
    %barrier3A = arith.constant 0 : index
    tpu.barrier barrier_id(%barrier3A)
    %get3A = arith.constant 0 : i32
    %get3A_5 = arith.index_cast %get3A : i32 to index
    %get3A_6 = arith.constant 0 : index
    %get3A_7 = tpu.vector_load %arg6[%get3A_5, %get3A_6] {strides = array<i32>} : memref<82x128xi32, #tpu.memory_space<vmem>>, vector<1x16xi32>,
    %get3A_8 = vector.shape_cast %get3A_7 : vector<1x16xi32> to vector<16xi32>
    %and3A = arith.constant 65535 : i32
    %and3A_9 = vector.broadcast %and3A : i32 to vector<16xi32>
    %and3A_10 = arith.andi %get3A_8, %and3A_9 : vector<16xi32>
    %swap3A = arith.constant 0 : i32
    %swap3A_11 = arith.index_cast %swap3A : i32 to index
    %swap3A_12 = arith.constant 0 : index
    %swap3A_13 = tpu.vector_load %arg7[%swap3A_11, %swap3A_12] {strides = array<i32>} : memref<1x128xi32, #tpu.memory_space<vmem>>, vector<1x16xi32>,
    %swap3A_14 = vector.shape_cast %swap3A_13 : vector<1x16xi32> to vector<16xi32>
    %swap3A_15 = vector.shape_cast %and3A_10 : vector<16xi32> to vector<1x16xi32>
    tpu.vector_store %arg7[%swap3A_11, %swap3A_12], %swap3A_15 {strides = array<i32>} : memref<1x128xi32, #tpu.memory_space<vmem>>, vector<1x16xi32>,
    %shift_right_logical3A = arith.constant 16 : i32
    %shift_right_logical3A_16 = vector.broadcast %shift_right_logical3A : i32 to vector<16xi32>
    %shift_right_logical3A_17 = arith.shrui %get3A_8, %shift_right_logical3A_16 : vector<16xi32>
    %swap3A_18 = arith.constant 0 : i32
    %swap3A_19 = arith.index_cast %swap3A_18 : i32 to index
    %swap3A_20 = arith.constant 0 : index
    %swap3A_21 = tpu.vector_load %arg9[%swap3A_19, %swap3A_20] {strides = array<i32>} : memref<1x128xi32, #tpu.memory_space<vmem>>, vector<1x16xi32>,
    %swap3A_22 = vector.shape_cast %swap3A_21 : vector<1x16xi32> to vector<16xi32>
    %swap3A_23 = vector.shape_cast %shift_right_logical3A_17 : vector<16xi32> to vector<1x16xi32>
    tpu.vector_store %arg9[%swap3A_19, %swap3A_20], %swap3A_23 {strides = array<i32>} : memref<1x128xi32, #tpu.memory_space<vmem>>, vector<1x16xi32>,
    %get3A_24 = arith.constant 0 : i32
    %get3A_25 = arith.index_cast %get3A_24 : i32 to index
    %get3A_26 = arith.constant 16 : index
    %get3A_27 = tpu.vector_load %arg6[%get3A_25, %get3A_26] {strides = array<i32>} : memref<82x128xi32, #tpu.memory_space<vmem>>, vector<1x16xi32>,
    %get3A_28 = vector.shape_cast %get3A_27 : vector<1x16xi32> to vector<16xi32>
    %and3A_29 = arith.constant 65535 : i32
    %and3A_30 = vector.broadcast %and3A_29 : i32 to vector<16xi32>
    %and3A_31 = arith.andi %get3A_28, %and3A_30 : vector<16xi32>
    %swap3A_32 = arith.constant 0 : i32
    %swap3A_33 = arith.index_cast %swap3A_32 : i32 to index
    %swap3A_34 = arith.constant 16 : index
    %swap3A_35 = tpu.vector_load %arg7[%swap3A_33, %swap3A_34] {strides = array<i32>} : memref<1x128xi32, #tpu.memory_space<vmem>>, vector<1x16xi32>,
    %swap3A_36 = vector.shape_cast %swap3A_35 : vector<1x16xi32> to vector<16xi32>
    %swap3A_37 = vector.shape_cast %and3A_31 : vector<16xi32> to vector<1x16xi32>
    tpu.vector_store %arg7[%swap3A_33, %swap3A_34], %swap3A_37 {strides = array<i32>} : memref<1x128xi32, #tpu.memory_space<vmem>>, vector<1x16xi32>,
    %shift_right_logical3A_38 = arith.constant 16 : i32
    %shift_right_logical3A_39 = vector.broadcast %shift_right_logical3A_38 : i32 to vector<16xi32>
    %shift_right_logical3A_40 = arith.shrui %get3A_28, %shift_right_logical3A_39 : vector<16xi32>
    %swap3A_41 = arith.constant 0 : i32
    %swap3A_42 = arith.index_cast %swap3A_41 : i32 to index
    %swap3A_43 = arith.constant 16 : index
    %swap3A_44 = tpu.vector_load %arg9[%swap3A_42, %swap3A_43] {strides = array<i32>} : memref<1x128xi32, #tpu.memory_space<vmem>>, vector<1x16xi32>,
    %swap3A_45 = vector.shape_cast %swap3A_44 : vector<1x16xi32> to vector<16xi32>
    %swap3A_46 = vector.shape_cast %shift_right_logical3A_40 : vector<16xi32> to vector<1x16xi32>
    tpu.vector_store %arg9[%swap3A_42, %swap3A_43], %swap3A_46 {strides = array<i32>} : memref<1x128xi32, #tpu.memory_space<vmem>>, vector<1x16xi32>,
    %get3A_47 = arith.constant 0 : i32
    %get3A_48 = arith.index_cast %get3A_47 : i32 to index
    %get3A_49 = arith.constant 32 : index
    %get3A_50 = tpu.vector_load %arg6[%get3A_48, %get3A_49] {strides = array<i32>} : memref<82x128xi32, #tpu.memory_space<vmem>>, vector<1x16xi32>,
    %get3A_51 = vector.shape_cast %get3A_50 : vector<1x16xi32> to vector<16xi32>
    %and3A_52 = arith.constant 65535 : i32
    %and3A_53 = vector.broadcast %and3A_52 : i32 to vector<16xi32>
    %and3A_54 = arith.andi %get3A_51, %and3A_53 : vector<16xi32>
    %swap3A_55 = arith.constant 0 : i32
    %swap3A_56 = arith.index_cast %swap3A_55 : i32 to index
    %swap3A_57 = arith.constant 32 : index
    %swap3A_58 = tpu.vector_load %arg7[%swap3A_56, %swap3A_57] {strides = array<i32>} : memref<1x128xi32, #tpu.memory_space<vmem>>, vector<1x16xi32>,
    %swap3A_59 = vector.shape_cast %swap3A_58 : vector<1x16xi32> to vector<16xi32>
    %swap3A_60 = vector.shape_cast %and3A_54 : vector<16xi32> to vector<1x16xi32>
    tpu.vector_store %arg7[%swap3A_56, %swap3A_57], %swap3A_60 {strides = array<i32>} : memref<1x128xi32, #tpu.memory_space<vmem>>, vector<1x16xi32>,
    %shift_right_logical3A_61 = arith.constant 16 : i32
    %shift_right_logical3A_62 = vector.broadcast %shift_right_logical3A_61 : i32 to vector<16xi32>
    %shift_right_logical3A_63 = arith.shrui %get3A_51, %shift_right_logical3A_62 : vector<16xi32>
    %swap3A_64 = arith.constant 0 : i32
    %swap3A_65 = arith.index_cast %swap3A_64 : i32 to index
    %swap3A_66 = arith.constant 32 : index
    %swap3A_67 = tpu.vector_load %arg9[%swap3A_65, %swap3A_66] {strides = array<i32>} : memref<1x128xi32, #tpu.memory_space<vmem>>, vector<1x16xi32>,
    %swap3A_68 = vector.shape_cast %swap3A_67 : vector<1x16xi32> to vector<16xi32>
    %swap3A_69 = vector.shape_cast %shift_right_logical3A_63 : vector<16xi32> to vector<1x16xi32>
    tpu.vector_store %arg9[%swap3A_65, %swap3A_66], %swap3A_69 {strides = array<i32>} : memref<1x128xi32, #tpu.memory_space<vmem>>, vector<1x16xi32>,
    %get3A_70 = arith.constant 0 : i32
    %get3A_71 = arith.index_cast %get3A_70 : i32 to index
    %get3A_72 = arith.constant 48 : index
    %get3A_73 = tpu.vector_load %arg6[%get3A_71, %get3A_72] {strides = array<i32>} : memref<82x128xi32, #tpu.memory_space<vmem>>, vector<1x16xi32>,
    %get3A_74 = vector.shape_cast %get3A_73 : vector<1x16xi32> to vector<16xi32>
    %and3A_75 = arith.constant 65535 : i32
    %and3A_76 = vector.broadcast %and3A_75 : i32 to vector<16xi32>
    %and3A_77 = arith.andi %get3A_74, %and3A_76 : vector<16xi32>
    %swap3A_78 = arith.constant 0 : i32
    %swap3A_79 = arith.index_cast %swap3A_78 : i32 to index
    %swap3A_80 = arith.constant 48 : index
    %swap3A_81 = tpu.vector_load %arg7[%swap3A_79, %swap3A_80] {strides = array<i32>} : memref<1x128xi32, #tpu.memory_space<vmem>>, vector<1x16xi32>,
    %swap3A_82 = vector.shape_cast %swap3A_81 : vector<1x16xi32> to vector<16xi32>
    %swap3A_83 = vector.shape_cast %and3A_77 : vector<16xi32> to vector<1x16xi32>
    tpu.vector_store %arg7[%swap3A_79, %swap3A_80], %swap3A_83 {strides = array<i32>} : memref<1x128xi32, #tpu.memory_space<vmem>>, vector<1x16xi32>,
    %shift_right_logical3A_84 = arith.constant 16 : i32
    %shift_right_logical3A_85 = vector.broadcast %shift_right_logical3A_84 : i32 to vector<16xi32>
    %shift_right_logical3A_86 = arith.shrui %get3A_74, %shift_right_logical3A_85 : vector<16xi32>
    %swap3A_87 = arith.constant 0 : i32
    %swap3A_88 = arith.index_cast %swap3A_87 : i32 to index
    %swap3A_89 = arith.constant 48 : index
    %swap3A_90 = tpu.vector_load %arg9[%swap3A_88, %swap3A_89] {strides = array<i32>} : memref<1x128xi32, #tpu.memory_space<vmem>>, vector<1x16xi32>,
    %swap3A_91 = vector.shape_cast %swap3A_90 : vector<1x16xi32> to vector<16xi32>
    %swap3A_92 = vector.shape_cast %shift_right_logical3A_86 : vector<16xi32> to vector<1x16xi32>
    tpu.vector_store %arg9[%swap3A_88, %swap3A_89], %swap3A_92 {strides = array<i32>} : memref<1x128xi32, #tpu.memory_space<vmem>>, vector<1x16xi32>,
    %get3A_93 = arith.constant 0 : i32
    %get3A_94 = arith.index_cast %get3A_93 : i32 to index
    %get3A_95 = arith.constant 64 : index
    %get3A_96 = tpu.vector_load %arg6[%get3A_94, %get3A_95] {strides = array<i32>} : memref<82x128xi32, #tpu.memory_space<vmem>>, vector<1x16xi32>,
    %get3A_97 = vector.shape_cast %get3A_96 : vector<1x16xi32> to vector<16xi32>
    %and3A_98 = arith.constant 65535 : i32
    %and3A_99 = vector.broadcast %and3A_98 : i32 to vector<16xi32>
    %and3A_100 = arith.andi %get3A_97, %and3A_99 : vector<16xi32>
    %swap3A_101 = arith.constant 0 : i32
    %swap3A_102 = arith.index_cast %swap3A_101 : i32 to index
    %swap3A_103 = arith.constant 64 : index
    %swap3A_104 = tpu.vector_load %arg7[%swap3A_102, %swap3A_103] {strides = array<i32>} : memref<1x128xi32, #tpu.memory_space<vmem>>, vector<1x16xi32>,
    %swap3A_105 = vector.shape_cast %swap3A_104 : vector<1x16xi32> to vector<16xi32>
    %swap3A_106 = vector.shape_cast %and3A_100 : vector<16xi32> to vector<1x16xi32>
    tpu.vector_store %arg7[%swap3A_102, %swap3A_103], %swap3A_106 {strides = array<i32>} : memref<1x128xi32, #tpu.memory_space<vmem>>, vector<1x16xi32>,
    %shift_right_logical3A_107 = arith.constant 16 : i32
    %shift_right_logical3A_108 = vector.broadcast %shift_right_logical3A_107 : i32 to vector<16xi32>
    %shift_right_logical3A_109 = arith.shrui %get3A_97, %shift_right_logical3A_108 : vector<16xi32>
    %swap3A_110 = arith.constant 0 : i32
    %swap3A_111 = arith.index_cast %swap3A_110 : i32 to index
    %swap3A_112 = arith.constant 64 : index
    %swap3A_113 = tpu.vector_load %arg9[%swap3A_111, %swap3A_112] {strides = array<i32>} : memref<1x128xi32, #tpu.memory_space<vmem>>, vector<1x16xi32>,
    %swap3A_114 = vector.shape_cast %swap3A_113 : vector<1x16xi32> to vector<16xi32>
    %swap3A_115 = vector.shape_cast %shift_right_logical3A_109 : vector<16xi32> to vector<1x16xi32>
    tpu.vector_store %arg9[%swap3A_111, %swap3A_112], %swap3A_115 {strides = array<i32>} : memref<1x128xi32, #tpu.memory_space<vmem>>, vector<1x16xi32>,
    %get3A_116 = arith.constant 0 : i32
    %get3A_117 = arith.index_cast %get3A_116 : i32 to index
    %get3A_118 = arith.constant 80 : index
    %get3A_119 = tpu.vector_load %arg6[%get3A_117, %get3A_118] {strides = array<i32>} : memref<82x128xi32, #tpu.memory_space<vmem>>, vector<1x16xi32>,
    %get3A_120 = vector.shape_cast %get3A_119 : vector<1x16xi32> to vector<16xi32>
    %and3A_121 = arith.constant 65535 : i32
    %and3A_122 = vector.broadcast %and3A_121 : i32 to vector<16xi32>
    %and3A_123 = arith.andi %get3A_120, %and3A_122 : vector<16xi32>
    %swap3A_124 = arith.constant 0 : i32
    %swap3A_125 = arith.index_cast %swap3A_124 : i32 to index
    %swap3A_126 = arith.constant 80 : index
    %swap3A_127 = tpu.vector_load %arg7[%swap3A_125, %swap3A_126] {strides = array<i32>} : memref<1x128xi32, #tpu.memory_space<vmem>>, vector<1x16xi32>,
    %swap3A_128 = vector.shape_cast %swap3A_127 : vector<1x16xi32> to vector<16xi32>
    %swap3A_129 = vector.shape_cast %and3A_123 : vector<16xi32> to vector<1x16xi32>
    tpu.vector_store %arg7[%swap3A_125, %swap3A_126], %swap3A_129 {strides = array<i32>} : memref<1x128xi32, #tpu.memory_space<vmem>>, vector<1x16xi32>,
    %shift_right_logical3A_130 = arith.constant 16 : i32
    %shift_right_logical3A_131 = vector.broadcast %shift_right_logical3A_130 : i32 to vector<16xi32>
    %shift_right_logical3A_132 = arith.shrui %get3A_120, %shift_right_logical3A_131 : vector<16xi32>
    %swap3A_133 = arith.constant 0 : i32
    %swap3A_134 = arith.index_cast %swap3A_133 : i32 to index
    %swap3A_135 = arith.constant 80 : index
    %swap3A_136 = tpu.vector_load %arg9[%swap3A_134, %swap3A_135] {strides = array<i32>} : memref<1x128xi32, #tpu.memory_space<vmem>>, vector<1x16xi32>,
    %swap3A_137 = vector.shape_cast %swap3A_136 : vector<1x16xi32> to vector<16xi32>
    %swap3A_138 = vector.shape_cast %shift_right_logical3A_132 : vector<16xi32> to vector<1x16xi32>
    tpu.vector_store %arg9[%swap3A_134, %swap3A_135], %swap3A_138 {strides = array<i32>} : memref<1x128xi32, #tpu.memory_space<vmem>>, vector<1x16xi32>,
    %get3A_139 = arith.constant 0 : i32
    %get3A_140 = arith.index_cast %get3A_139 : i32 to index
    %get3A_141 = arith.constant 96 : index
    %get3A_142 = tpu.vector_load %arg6[%get3A_140, %get3A_141] {strides = array<i32>} : memref<82x128xi32, #tpu.memory_space<vmem>>, vector<1x16xi32>,
    %get3A_143 = vector.shape_cast %get3A_142 : vector<1x16xi32> to vector<16xi32>
    %and3A_144 = arith.constant 65535 : i32
    %and3A_145 = vector.broadcast %and3A_144 : i32 to vector<16xi32>
    %and3A_146 = arith.andi %get3A_143, %and3A_145 : vector<16xi32>
    %swap3A_147 = arith.constant 0 : i32
    %swap3A_148 = arith.index_cast %swap3A_147 : i32 to index
    %swap3A_149 = arith.constant 96 : index
    %swap3A_150 = tpu.vector_load %arg7[%swap3A_148, %swap3A_149] {strides = array<i32>} : memref<1x128xi32, #tpu.memory_space<vmem>>, vector<1x16xi32>,
    %swap3A_151 = vector.shape_cast %swap3A_150 : vector<1x16xi32> to vector<16xi32>
    %swap3A_152 = vector.shape_cast %and3A_146 : vector<16xi32> to vector<1x16xi32>
    tpu.vector_store %arg7[%swap3A_148, %swap3A_149], %swap3A_152 {strides = array<i32>} : memref<1x128xi32, #tpu.memory_space<vmem>>, vector<1x16xi32>,
    %shift_right_logical3A_153 = arith.constant 16 : i32
    %shift_right_logical3A_154 = vector.broadcast %shift_right_logical3A_153 : i32 to vector<16xi32>
    %shift_right_logical3A_155 = arith.shrui %get3A_143, %shift_right_logical3A_154 : vector<16xi32>
    %swap3A_156 = arith.constant 0 : i32
    %swap3A_157 = arith.index_cast %swap3A_156 : i32 to index
    %swap3A_158 = arith.constant 96 : index
    %swap3A_159 = tpu.vector_load %arg9[%swap3A_157, %swap3A_158] {strides = array<i32>} : memref<1x128xi32, #tpu.memory_space<vmem>>, vector<1x16xi32>,
    %swap3A_160 = vector.shape_cast %swap3A_159 : vector<1x16xi32> to vector<16xi32>
    %swap3A_161 = vector.shape_cast %shift_right_logical3A_155 : vector<16xi32> to vector<1x16xi32>
    tpu.vector_store %arg9[%swap3A_157, %swap3A_158], %swap3A_161 {strides = array<i32>} : memref<1x128xi32, #tpu.memory_space<vmem>>, vector<1x16xi32>,
    %get3A_162 = arith.constant 0 : i32
    %get3A_163 = arith.index_cast %get3A_162 : i32 to index
    %get3A_164 = arith.constant 112 : index
    %get3A_165 = tpu.vector_load %arg6[%get3A_163, %get3A_164] {strides = array<i32>} : memref<82x128xi32, #tpu.memory_space<vmem>>, vector<1x16xi32>,
    %get3A_166 = vector.shape_cast %get3A_165 : vector<1x16xi32> to vector<16xi32>
    %and3A_167 = arith.constant 65535 : i32
    %and3A_168 = vector.broadcast %and3A_167 : i32 to vector<16xi32>
    %and3A_169 = arith.andi %get3A_166, %and3A_168 : vector<16xi32>
    %swap3A_170 = arith.constant 0 : i32
    %swap3A_171 = arith.index_cast %swap3A_170 : i32 to index
    %swap3A_172 = arith.constant 112 : index
    %swap3A_173 = tpu.vector_load %arg7[%swap3A_171, %swap3A_172] {strides = array<i32>} : memref<1x128xi32, #tpu.memory_space<vmem>>, vector<1x16xi32>,
    %swap3A_174 = vector.shape_cast %swap3A_173 : vector<1x16xi32> to vector<16xi32>
    %swap3A_175 = vector.shape_cast %and3A_169 : vector<16xi32> to vector<1x16xi32>
    tpu.vector_store %arg7[%swap3A_171, %swap3A_172], %swap3A_175 {strides = array<i32>} : memref<1x128xi32, #tpu.memory_space<vmem>>, vector<1x16xi32>,
    %shift_right_logical3A_176 = arith.constant 16 : i32
    %shift_right_logical3A_177 = vector.broadcast %shift_right_logical3A_176 : i32 to vector<16xi32>
    %shift_right_logical3A_178 = arith.shrui %get3A_166, %shift_right_logical3A_177 : vector<16xi32>
    %swap3A_179 = arith.constant 0 : i32
    %swap3A_180 = arith.index_cast %swap3A_179 : i32 to index
    %swap3A_181 = arith.constant 112 : index
    %swap3A_182 = tpu.vector_load %arg9[%swap3A_180, %swap3A_181] {strides = array<i32>} : memref<1x128xi32, #tpu.memory_space<vmem>>, vector<1x16xi32>,
    %swap3A_183 = vector.shape_cast %swap3A_182 : vector<1x16xi32> to vector<16xi32>
    %swap3A_184 = vector.shape_cast %shift_right_logical3A_178 : vector<16xi32> to vector<1x16xi32>
    tpu.vector_store %arg9[%swap3A_180, %swap3A_181], %swap3A_184 {strides = array<i32>} : memref<1x128xi32, #tpu.memory_space<vmem>>, vector<1x16xi32>,
    %dma_start3A = arith.constant 0 : i32
    %dma_start3A_185 = arith.constant 0 : i32
    %dma_start3A_186 = tpu.memref_slice %arg7[%dma_start3A, %dma_start3A_185] : memref<1x128xi32, #tpu.memory_space<vmem>> -> memref<1x128xi32, #tpu.memory_space<vmem>>
    %dma_start3A_187 = tpu.memref_squeeze %dma_start3A_186 : memref<1x128xi32, #tpu.memory_space<vmem>> -> memref<128xi32, #tpu.memory_space<vmem>>
    %dma_start3A_188 = arith.constant 0 : i32
    %dma_start3A_189 = arith.constant 0 : i32
    %dma_start3A_190 = tpu.memref_slice %arg2[%dma_start3A_188, %dma_start3A_189] : memref<10000x128xf32, #tpu.memory_space<hbm>> -> memref<10000x128xf32, #tpu.memory_space<hbm>>
    tpu.enqueue_indirect_dma source(%dma_start3A_190 : memref<10000x128xf32, #tpu.memory_space<hbm>>) target(%arg11 : memref<128x128xf32, #tpu.memory_space<vmem>>) offsets(%dma_start3A_187 : memref<128xi32, #tpu.memory_space<vmem>>) semaphore(%arg14 : memref<!tpu.dma_semaphore, #tpu.memory_space<semaphore_mem>>)
    %scan3A = arith.constant 0 : i32
    %scan3A_191 = arith.constant 41 : i32
    %scan3A_192 = arith.addi %scan3A, %scan3A_191 : i32
    %scan3A_193 = arith.constant 1 : i32
    scf.for %scan3A_200 = %scan3A to %scan3A_192 step %scan3A_193  : i32 {
      %mul3A_201 = arith.constant 2 : i32
      %mul3A_202 = arith.muli %scan3A_200, %mul3A_201 : i32
      %add3A_203 = arith.constant 0 : i32
      %add3A_204 = arith.addi %add3A_203, %mul3A_202 : i32
      %add3A_205 = arith.constant 1 : i32
      %add3A_206 = arith.addi %add3A_204, %add3A_205 : i32
      %get3A_207 = arith.index_cast %add3A_206 : i32 to index
      %get3A_208 = arith.constant 0 : index
      %get3A_209 = tpu.vector_load %arg6[%get3A_207, %get3A_208] {strides = array<i32>} : memref<82x128xi32, #tpu.memory_space<vmem>>, vector<1x16xi32>,
      %get3A_210 = vector.shape_cast %get3A_209 : vector<1x16xi32> to vector<16xi32>
      %and3A_211 = arith.constant 65535 : i32
      %and3A_212 = vector.broadcast %and3A_211 : i32 to vector<16xi32>
      %and3A_213 = arith.andi %get3A_210, %and3A_212 : vector<16xi32>
      %swap3A_214 = arith.constant 0 : i32
      %swap3A_215 = arith.index_cast %swap3A_214 : i32 to index
      %swap3A_216 = arith.constant 0 : index
      %swap3A_217 = tpu.vector_load %arg8[%swap3A_215, %swap3A_216] {strides = array<i32>} : memref<1x128xi32, #tpu.memory_space<vmem>>, vector<1x16xi32>,
      %swap3A_218 = vector.shape_cast %swap3A_217 : vector<1x16xi32> to vector<16xi32>
      %swap3A_219 = vector.shape_cast %and3A_213 : vector<16xi32> to vector<1x16xi32>
      tpu.vector_store %arg8[%swap3A_215, %swap3A_216], %swap3A_219 {strides = array<i32>} : memref<1x128xi32, #tpu.memory_space<vmem>>, vector<1x16xi32>,
      %shift_right_logical3A_220 = arith.constant 16 : i32
      %shift_right_logical3A_221 = vector.broadcast %shift_right_logical3A_220 : i32 to vector<16xi32>
      %shift_right_logical3A_222 = arith.shrui %get3A_210, %shift_right_logical3A_221 : vector<16xi32>
      %swap3A_223 = arith.constant 0 : i32
      %swap3A_224 = arith.index_cast %swap3A_223 : i32 to index
      %swap3A_225 = arith.constant 0 : index
      %swap3A_226 = tpu.vector_load %arg10[%swap3A_224, %swap3A_225] {strides = array<i32>} : memref<1x128xi32, #tpu.memory_space<vmem>>, vector<1x16xi32>,
      %swap3A_227 = vector.shape_cast %swap3A_226 : vector<1x16xi32> to vector<16xi32>
      %swap3A_228 = vector.shape_cast %shift_right_logical3A_222 : vector<16xi32> to vector<1x16xi32>
      tpu.vector_store %arg10[%swap3A_224, %swap3A_225], %swap3A_228 {strides = array<i32>} : memref<1x128xi32, #tpu.memory_space<vmem>>, vector<1x16xi32>,
      %get3A_229 = arith.index_cast %add3A_206 : i32 to index
      %get3A_230 = arith.constant 16 : index
      %get3A_231 = tpu.vector_load %arg6[%get3A_229, %get3A_230] {strides = array<i32>} : memref<82x128xi32, #tpu.memory_space<vmem>>, vector<1x16xi32>,
      %get3A_232 = vector.shape_cast %get3A_231 : vector<1x16xi32> to vector<16xi32>
      %and3A_233 = arith.constant 65535 : i32
      %and3A_234 = vector.broadcast %and3A_233 : i32 to vector<16xi32>
      %and3A_235 = arith.andi %get3A_232, %and3A_234 : vector<16xi32>
      %swap3A_236 = arith.constant 0 : i32
      %swap3A_237 = arith.index_cast %swap3A_236 : i32 to index
      %swap3A_238 = arith.constant 16 : index
      %swap3A_239 = tpu.vector_load %arg8[%swap3A_237, %swap3A_238] {strides = array<i32>} : memref<1x128xi32, #tpu.memory_space<vmem>>, vector<1x16xi32>,
      %swap3A_240 = vector.shape_cast %swap3A_239 : vector<1x16xi32> to vector<16xi32>
      %swap3A_241 = vector.shape_cast %and3A_235 : vector<16xi32> to vector<1x16xi32>
      tpu.vector_store %arg8[%swap3A_237, %swap3A_238], %swap3A_241 {strides = array<i32>} : memref<1x128xi32, #tpu.memory_space<vmem>>, vector<1x16xi32>,
      %shift_right_logical3A_242 = arith.constant 16 : i32
      %shift_right_logical3A_243 = vector.broadcast %shift_right_logical3A_242 : i32 to vector<16xi32>
      %shift_right_logical3A_244 = arith.shrui %get3A_232, %shift_right_logical3A_243 : vector<16xi32>
      %swap3A_245 = arith.constant 0 : i32
      %swap3A_246 = arith.index_cast %swap3A_245 : i32 to index
      %swap3A_247 = arith.constant 16 : index
      %swap3A_248 = tpu.vector_load %arg10[%swap3A_246, %swap3A_247] {strides = array<i32>} : memref<1x128xi32, #tpu.memory_space<vmem>>, vector<1x16xi32>,
      %swap3A_249 = vector.shape_cast %swap3A_248 : vector<1x16xi32> to vector<16xi32>
      %swap3A_250 = vector.shape_cast %shift_right_logical3A_244 : vector<16xi32> to vector<1x16xi32>
      tpu.vector_store %arg10[%swap3A_246, %swap3A_247], %swap3A_250 {strides = array<i32>} : memref<1x128xi32, #tpu.memory_space<vmem>>, vector<1x16xi32>,
      %get3A_251 = arith.index_cast %add3A_206 : i32 to index
      %get3A_252 = arith.constant 32 : index
      %get3A_253 = tpu.vector_load %arg6[%get3A_251, %get3A_252] {strides = array<i32>} : memref<82x128xi32, #tpu.memory_space<vmem>>, vector<1x16xi32>,
      %get3A_254 = vector.shape_cast %get3A_253 : vector<1x16xi32> to vector<16xi32>
      %and3A_255 = arith.constant 65535 : i32
      %and3A_256 = vector.broadcast %and3A_255 : i32 to vector<16xi32>
      %and3A_257 = arith.andi %get3A_254, %and3A_256 : vector<16xi32>
      %swap3A_258 = arith.constant 0 : i32
      %swap3A_259 = arith.index_cast %swap3A_258 : i32 to index
      %swap3A_260 = arith.constant 32 : index
      %swap3A_261 = tpu.vector_load %arg8[%swap3A_259, %swap3A_260] {strides = array<i32>} : memref<1x128xi32, #tpu.memory_space<vmem>>, vector<1x16xi32>,
      %swap3A_262 = vector.shape_cast %swap3A_261 : vector<1x16xi32> to vector<16xi32>
      %swap3A_263 = vector.shape_cast %and3A_257 : vector<16xi32> to vector<1x16xi32>
      tpu.vector_store %arg8[%swap3A_259, %swap3A_260], %swap3A_263 {strides = array<i32>} : memref<1x128xi32, #tpu.memory_space<vmem>>, vector<1x16xi32>,
      %shift_right_logical3A_264 = arith.constant 16 : i32
      %shift_right_logical3A_265 = vector.broadcast %shift_right_logical3A_264 : i32 to vector<16xi32>
      %shift_right_logical3A_266 = arith.shrui %get3A_254, %shift_right_logical3A_265 : vector<16xi32>
      %swap3A_267 = arith.constant 0 : i32
      %swap3A_268 = arith.index_cast %swap3A_267 : i32 to index
      %swap3A_269 = arith.constant 32 : index
      %swap3A_270 = tpu.vector_load %arg10[%swap3A_268, %swap3A_269] {strides = array<i32>} : memref<1x128xi32, #tpu.memory_space<vmem>>, vector<1x16xi32>,
      %swap3A_271 = vector.shape_cast %swap3A_270 : vector<1x16xi32> to vector<16xi32>
      %swap3A_272 = vector.shape_cast %shift_right_logical3A_266 : vector<16xi32> to vector<1x16xi32>
      tpu.vector_store %arg10[%swap3A_268, %swap3A_269], %swap3A_272 {strides = array<i32>} : memref<1x128xi32, #tpu.memory_space<vmem>>, vector<1x16xi32>,
      %get3A_273 = arith.index_cast %add3A_206 : i32 to index
      %get3A_274 = arith.constant 48 : index
      %get3A_275 = tpu.vector_load %arg6[%get3A_273, %get3A_274] {strides = array<i32>} : memref<82x128xi32, #tpu.memory_space<vmem>>, vector<1x16xi32>,
      %get3A_276 = vector.shape_cast %get3A_275 : vector<1x16xi32> to vector<16xi32>
      %and3A_277 = arith.constant 65535 : i32
      %and3A_278 = vector.broadcast %and3A_277 : i32 to vector<16xi32>
      %and3A_279 = arith.andi %get3A_276, %and3A_278 : vector<16xi32>
      %swap3A_280 = arith.constant 0 : i32
      %swap3A_281 = arith.index_cast %swap3A_280 : i32 to index
      %swap3A_282 = arith.constant 48 : index
      %swap3A_283 = tpu.vector_load %arg8[%swap3A_281, %swap3A_282] {strides = array<i32>} : memref<1x128xi32, #tpu.memory_space<vmem>>, vector<1x16xi32>,
      %swap3A_284 = vector.shape_cast %swap3A_283 : vector<1x16xi32> to vector<16xi32>
      %swap3A_285 = vector.shape_cast %and3A_279 : vector<16xi32> to vector<1x16xi32>
      tpu.vector_store %arg8[%swap3A_281, %swap3A_282], %swap3A_285 {strides = array<i32>} : memref<1x128xi32, #tpu.memory_space<vmem>>, vector<1x16xi32>,
      %shift_right_logical3A_286 = arith.constant 16 : i32
      %shift_right_logical3A_287 = vector.broadcast %shift_right_logical3A_286 : i32 to vector<16xi32>
      %shift_right_logical3A_288 = arith.shrui %get3A_276, %shift_right_logical3A_287 : vector<16xi32>
      %swap3A_289 = arith.constant 0 : i32
      %swap3A_290 = arith.index_cast %swap3A_289 : i32 to index
      %swap3A_291 = arith.constant 48 : index
      %swap3A_292 = tpu.vector_load %arg10[%swap3A_290, %swap3A_291] {strides = array<i32>} : memref<1x128xi32, #tpu.memory_space<vmem>>, vector<1x16xi32>,
      %swap3A_293 = vector.shape_cast %swap3A_292 : vector<1x16xi32> to vector<16xi32>
      %swap3A_294 = vector.shape_cast %shift_right_logical3A_288 : vector<16xi32> to vector<1x16xi32>
      tpu.vector_store %arg10[%swap3A_290, %swap3A_291], %swap3A_294 {strides = array<i32>} : memref<1x128xi32, #tpu.memory_space<vmem>>, vector<1x16xi32>,
      %get3A_295 = arith.index_cast %add3A_206 : i32 to index
      %get3A_296 = arith.constant 64 : index
      %get3A_297 = tpu.vector_load %arg6[%get3A_295, %get3A_296] {strides = array<i32>} : memref<82x128xi32, #tpu.memory_space<vmem>>, vector<1x16xi32>,
      %get3A_298 = vector.shape_cast %get3A_297 : vector<1x16xi32> to vector<16xi32>
      %and3A_299 = arith.constant 65535 : i32
      %and3A_300 = vector.broadcast %and3A_299 : i32 to vector<16xi32>
      %and3A_301 = arith.andi %get3A_298, %and3A_300 : vector<16xi32>
      %swap3A_302 = arith.constant 0 : i32
      %swap3A_303 = arith.index_cast %swap3A_302 : i32 to index
      %swap3A_304 = arith.constant 64 : index
      %swap3A_305 = tpu.vector_load %arg8[%swap3A_303, %swap3A_304] {strides = array<i32>} : memref<1x128xi32, #tpu.memory_space<vmem>>, vector<1x16xi32>,
      %swap3A_306 = vector.shape_cast %swap3A_305 : vector<1x16xi32> to vector<16xi32>
      %swap3A_307 = vector.shape_cast %and3A_301 : vector<16xi32> to vector<1x16xi32>
      tpu.vector_store %arg8[%swap3A_303, %swap3A_304], %swap3A_307 {strides = array<i32>} : memref<1x128xi32, #tpu.memory_space<vmem>>, vector<1x16xi32>,
      %shift_right_logical3A_308 = arith.constant 16 : i32
      %shift_right_logical3A_309 = vector.broadcast %shift_right_logical3A_308 : i32 to vector<16xi32>
      %shift_right_logical3A_310 = arith.shrui %get3A_298, %shift_right_logical3A_309 : vector<16xi32>
      %swap3A_311 = arith.constant 0 : i32
      %swap3A_312 = arith.index_cast %swap3A_311 : i32 to index
      %swap3A_313 = arith.constant 64 : index
      %swap3A_314 = tpu.vector_load %arg10[%swap3A_312, %swap3A_313] {strides = array<i32>} : memref<1x128xi32, #tpu.memory_space<vmem>>, vector<1x16xi32>,
      %swap3A_315 = vector.shape_cast %swap3A_314 : vector<1x16xi32> to vector<16xi32>
      %swap3A_316 = vector.shape_cast %shift_right_logical3A_310 : vector<16xi32> to vector<1x16xi32>
      tpu.vector_store %arg10[%swap3A_312, %swap3A_313], %swap3A_316 {strides = array<i32>} : memref<1x128xi32, #tpu.memory_space<vmem>>, vector<1x16xi32>,
      %get3A_317 = arith.index_cast %add3A_206 : i32 to index
      %get3A_318 = arith.constant 80 : index
      %get3A_319 = tpu.vector_load %arg6[%get3A_317, %get3A_318] {strides = array<i32>} : memref<82x128xi32, #tpu.memory_space<vmem>>, vector<1x16xi32>,
      %get3A_320 = vector.shape_cast %get3A_319 : vector<1x16xi32> to vector<16xi32>
      %and3A_321 = arith.constant 65535 : i32
      %and3A_322 = vector.broadcast %and3A_321 : i32 to vector<16xi32>
      %and3A_323 = arith.andi %get3A_320, %and3A_322 : vector<16xi32>
      %swap3A_324 = arith.constant 0 : i32
      %swap3A_325 = arith.index_cast %swap3A_324 : i32 to index
      %swap3A_326 = arith.constant 80 : index
      %swap3A_327 = tpu.vector_load %arg8[%swap3A_325, %swap3A_326] {strides = array<i32>} : memref<1x128xi32, #tpu.memory_space<vmem>>, vector<1x16xi32>,
      %swap3A_328 = vector.shape_cast %swap3A_327 : vector<1x16xi32> to vector<16xi32>
      %swap3A_329 = vector.shape_cast %and3A_323 : vector<16xi32> to vector<1x16xi32>
      tpu.vector_store %arg8[%swap3A_325, %swap3A_326], %swap3A_329 {strides = array<i32>} : memref<1x128xi32, #tpu.memory_space<vmem>>, vector<1x16xi32>,
      %shift_right_logical3A_330 = arith.constant 16 : i32
      %shift_right_logical3A_331 = vector.broadcast %shift_right_logical3A_330 : i32 to vector<16xi32>
      %shift_right_logical3A_332 = arith.shrui %get3A_320, %shift_right_logical3A_331 : vector<16xi32>
      %swap3A_333 = arith.constant 0 : i32
      %swap3A_334 = arith.index_cast %swap3A_333 : i32 to index
      %swap3A_335 = arith.constant 80 : index
      %swap3A_336 = tpu.vector_load %arg10[%swap3A_334, %swap3A_335] {strides = array<i32>} : memref<1x128xi32, #tpu.memory_space<vmem>>, vector<1x16xi32>,
      %swap3A_337 = vector.shape_cast %swap3A_336 : vector<1x16xi32> to vector<16xi32>
      %swap3A_338 = vector.shape_cast %shift_right_logical3A_332 : vector<16xi32> to vector<1x16xi32>
      tpu.vector_store %arg10[%swap3A_334, %swap3A_335], %swap3A_338 {strides = array<i32>} : memref<1x128xi32, #tpu.memory_space<vmem>>, vector<1x16xi32>,
      %get3A_339 = arith.index_cast %add3A_206 : i32 to index
      %get3A_340 = arith.constant 96 : index
      %get3A_341 = tpu.vector_load %arg6[%get3A_339, %get3A_340] {strides = array<i32>} : memref<82x128xi32, #tpu.memory_space<vmem>>, vector<1x16xi32>,
      %get3A_342 = vector.shape_cast %get3A_341 : vector<1x16xi32> to vector<16xi32>
      %and3A_343 = arith.constant 65535 : i32
      %and3A_344 = vector.broadcast %and3A_343 : i32 to vector<16xi32>
      %and3A_345 = arith.andi %get3A_342, %and3A_344 : vector<16xi32>
      %swap3A_346 = arith.constant 0 : i32
      %swap3A_347 = arith.index_cast %swap3A_346 : i32 to index
      %swap3A_348 = arith.constant 96 : index
      %swap3A_349 = tpu.vector_load %arg8[%swap3A_347, %swap3A_348] {strides = array<i32>} : memref<1x128xi32, #tpu.memory_space<vmem>>, vector<1x16xi32>,
      %swap3A_350 = vector.shape_cast %swap3A_349 : vector<1x16xi32> to vector<16xi32>
      %swap3A_351 = vector.shape_cast %and3A_345 : vector<16xi32> to vector<1x16xi32>
      tpu.vector_store %arg8[%swap3A_347, %swap3A_348], %swap3A_351 {strides = array<i32>} : memref<1x128xi32, #tpu.memory_space<vmem>>, vector<1x16xi32>,
      %shift_right_logical3A_352 = arith.constant 16 : i32
      %shift_right_logical3A_353 = vector.broadcast %shift_right_logical3A_352 : i32 to vector<16xi32>
      %shift_right_logical3A_354 = arith.shrui %get3A_342, %shift_right_logical3A_353 : vector<16xi32>
      %swap3A_355 = arith.constant 0 : i32
      %swap3A_356 = arith.index_cast %swap3A_355 : i32 to index
      %swap3A_357 = arith.constant 96 : index
      %swap3A_358 = tpu.vector_load %arg10[%swap3A_356, %swap3A_357] {strides = array<i32>} : memref<1x128xi32, #tpu.memory_space<vmem>>, vector<1x16xi32>,
      %swap3A_359 = vector.shape_cast %swap3A_358 : vector<1x16xi32> to vector<16xi32>
      %swap3A_360 = vector.shape_cast %shift_right_logical3A_354 : vector<16xi32> to vector<1x16xi32>
      tpu.vector_store %arg10[%swap3A_356, %swap3A_357], %swap3A_360 {strides = array<i32>} : memref<1x128xi32, #tpu.memory_space<vmem>>, vector<1x16xi32>,
      %get3A_361 = arith.index_cast %add3A_206 : i32 to index
      %get3A_362 = arith.constant 112 : index
      %get3A_363 = tpu.vector_load %arg6[%get3A_361, %get3A_362] {strides = array<i32>} : memref<82x128xi32, #tpu.memory_space<vmem>>, vector<1x16xi32>,
      %get3A_364 = vector.shape_cast %get3A_363 : vector<1x16xi32> to vector<16xi32>
      %and3A_365 = arith.constant 65535 : i32
      %and3A_366 = vector.broadcast %and3A_365 : i32 to vector<16xi32>
      %and3A_367 = arith.andi %get3A_364, %and3A_366 : vector<16xi32>
      %swap3A_368 = arith.constant 0 : i32
      %swap3A_369 = arith.index_cast %swap3A_368 : i32 to index
      %swap3A_370 = arith.constant 112 : index
      %swap3A_371 = tpu.vector_load %arg8[%swap3A_369, %swap3A_370] {strides = array<i32>} : memref<1x128xi32, #tpu.memory_space<vmem>>, vector<1x16xi32>,
      %swap3A_372 = vector.shape_cast %swap3A_371 : vector<1x16xi32> to vector<16xi32>
      %swap3A_373 = vector.shape_cast %and3A_367 : vector<16xi32> to vector<1x16xi32>
      tpu.vector_store %arg8[%swap3A_369, %swap3A_370], %swap3A_373 {strides = array<i32>} : memref<1x128xi32, #tpu.memory_space<vmem>>, vector<1x16xi32>,
      %shift_right_logical3A_374 = arith.constant 16 : i32
      %shift_right_logical3A_375 = vector.broadcast %shift_right_logical3A_374 : i32 to vector<16xi32>
      %shift_right_logical3A_376 = arith.shrui %get3A_364, %shift_right_logical3A_375 : vector<16xi32>
      %swap3A_377 = arith.constant 0 : i32
      %swap3A_378 = arith.index_cast %swap3A_377 : i32 to index
      %swap3A_379 = arith.constant 112 : index
      %swap3A_380 = tpu.vector_load %arg10[%swap3A_378, %swap3A_379] {strides = array<i32>} : memref<1x128xi32, #tpu.memory_space<vmem>>, vector<1x16xi32>,
      %swap3A_381 = vector.shape_cast %swap3A_380 : vector<1x16xi32> to vector<16xi32>
      %swap3A_382 = vector.shape_cast %shift_right_logical3A_376 : vector<16xi32> to vector<1x16xi32>
      tpu.vector_store %arg10[%swap3A_378, %swap3A_379], %swap3A_382 {strides = array<i32>} : memref<1x128xi32, #tpu.memory_space<vmem>>, vector<1x16xi32>,
      %dma_start3A_383 = arith.constant 0 : i32
      %dma_start3A_384 = arith.constant 0 : i32
      %dma_start3A_385 = tpu.memref_slice %arg8[%dma_start3A_383, %dma_start3A_384] : memref<1x128xi32, #tpu.memory_space<vmem>> -> memref<1x128xi32, #tpu.memory_space<vmem>>
      %dma_start3A_386 = tpu.memref_squeeze %dma_start3A_385 : memref<1x128xi32, #tpu.memory_space<vmem>> -> memref<128xi32, #tpu.memory_space<vmem>>
      %dma_start3A_387 = arith.constant 0 : i32
      %dma_start3A_388 = arith.constant 0 : i32
      %dma_start3A_389 = tpu.memref_slice %arg2[%dma_start3A_387, %dma_start3A_388] : memref<10000x128xf32, #tpu.memory_space<hbm>> -> memref<10000x128xf32, #tpu.memory_space<hbm>>
      tpu.enqueue_indirect_dma source(%dma_start3A_389 : memref<10000x128xf32, #tpu.memory_space<hbm>>) target(%arg12 : memref<128x128xf32, #tpu.memory_space<vmem>>) offsets(%dma_start3A_386 : memref<128xi32, #tpu.memory_space<vmem>>) semaphore(%arg15 : memref<!tpu.dma_semaphore, #tpu.memory_space<semaphore_mem>>)
      %dma_wait3A = arith.constant 0 : i32
      %dma_wait3A_390 = arith.constant 0 : i32
      %dma_wait3A_391 = tpu.memref_slice %arg2[%dma_wait3A, %dma_wait3A_390] : memref<10000x128xf32, #tpu.memory_space<hbm>> -> memref<128x128xf32, #tpu.memory_space<hbm>>
      %dma_wait3A_392 = arith.constant 0 : i32
      %dma_wait3A_393 = arith.constant 0 : i32
      %dma_wait3A_394 = tpu.memref_slice %arg2[%dma_wait3A_392, %dma_wait3A_393] : memref<10000x128xf32, #tpu.memory_space<hbm>> -> memref<128x128xf32, #tpu.memory_space<hbm>>
      tpu.wait_dma2 semaphore(%arg14 : memref<!tpu.dma_semaphore, #tpu.memory_space<semaphore_mem>>) src(%dma_wait3A_394 : memref<128x128xf32, #tpu.memory_space<hbm>>) dst(%arg11 : memref<128x128xf32, #tpu.memory_space<vmem>>)
      %run_scoped3A = arith.constant 0 : i32
      "tpu.region"() ({
        %run_scoped3A_406 = tpu.sem_alloc : memref<!tpu.dma_semaphore, #tpu.memory_space<semaphore_mem>>
        %dma_start3A_407 = arith.constant 0 : i32
        %dma_start3A_408 = tpu.memref_slice %arg9[%run_scoped3A, %dma_start3A_407] : memref<1x128xi32, #tpu.memory_space<vmem>> -> memref<1x128xi32, #tpu.memory_space<vmem>>
        %dma_start3A_409 = tpu.memref_squeeze %dma_start3A_408 : memref<1x128xi32, #tpu.memory_space<vmem>> -> memref<128xi32, #tpu.memory_space<vmem>>
        %dma_start3A_410 = arith.constant 0 : i32
        %dma_start3A_411 = arith.constant 0 : i32
        %dma_start3A_412 = tpu.memref_slice %arg13[%dma_start3A_410, %dma_start3A_411] : memref<10112x128xf32, #tpu.memory_space<vmem_shared>> -> memref<10112x128xf32, #tpu.memory_space<vmem_shared>>
        tpu.enqueue_indirect_dma source(%arg11 : memref<128x128xf32, #tpu.memory_space<vmem>>) target(%dma_start3A_412 : memref<10112x128xf32, #tpu.memory_space<vmem_shared>>) offsets(%dma_start3A_409 : memref<128xi32, #tpu.memory_space<vmem>>) semaphore(%run_scoped3A_406 : memref<!tpu.dma_semaphore, #tpu.memory_space<semaphore_mem>>) {add = true}
        %dma_wait3A_413 = arith.constant 0 : i32
        %dma_wait3A_414 = tpu.memref_slice %arg9[%run_scoped3A, %dma_wait3A_413] : memref<1x128xi32, #tpu.memory_space<vmem>> -> memref<1x128xi32, #tpu.memory_space<vmem>>
        %dma_wait3A_415 = tpu.memref_squeeze %dma_wait3A_414 : memref<1x128xi32, #tpu.memory_space<vmem>> -> memref<128xi32, #tpu.memory_space<vmem>>
        %dma_wait3A_416 = arith.constant 0 : i32
        %dma_wait3A_417 = arith.constant 0 : i32
        %dma_wait3A_418 = tpu.memref_slice %arg13[%dma_wait3A_416, %dma_wait3A_417] : memref<10112x128xf32, #tpu.memory_space<vmem_shared>> -> memref<10112x128xf32, #tpu.memory_space<vmem_shared>>
        tpu.wait_indirect_dma semaphore(%run_scoped3A_406 : memref<!tpu.dma_semaphore, #tpu.memory_space<semaphore_mem>>) src(%arg11 : memref<128x128xf32, #tpu.memory_space<vmem>>) dst(%dma_wait3A_418 : memref<10112x128xf32, #tpu.memory_space<vmem_shared>>)
        tpu.yield
      }) : () -> ()
      %add3A_395 = arith.constant 2 : i32
      %add3A_396 = arith.addi %add3A_204, %add3A_395 : i32
      %lt3A = arith.constant 82 : i32
      %lt3A_397 = arith.cmpi slt, %add3A_396, %lt3A : i32
      %convert_element_type3A = arith.extui %lt3A_397 : i1 to i32
      %cond3A = arith.constant 0 : i32
      %cond3A_398 = arith.cmpi ne, %convert_element_type3A, %cond3A : i32
      scf.if %cond3A_398 {
        %add3A_406 = arith.constant 2 : i32
        %add3A_407 = arith.addi %add3A_204, %add3A_406 : i32
        %get3A_408 = arith.index_cast %add3A_407 : i32 to index
        %get3A_409 = arith.constant 0 : index
        %get3A_410 = tpu.vector_load %arg6[%get3A_408, %get3A_409] {strides = array<i32>} : memref<82x128xi32, #tpu.memory_space<vmem>>, vector<1x16xi32>,
        %get3A_411 = vector.shape_cast %get3A_410 : vector<1x16xi32> to vector<16xi32>
        %and3A_412 = arith.constant 65535 : i32
        %and3A_413 = vector.broadcast %and3A_412 : i32 to vector<16xi32>
        %and3A_414 = arith.andi %get3A_411, %and3A_413 : vector<16xi32>
        %swap3A_415 = arith.constant 0 : i32
        %swap3A_416 = arith.index_cast %swap3A_415 : i32 to index
        %swap3A_417 = arith.constant 0 : index
        %swap3A_418 = tpu.vector_load %arg7[%swap3A_416, %swap3A_417] {strides = array<i32>} : memref<1x128xi32, #tpu.memory_space<vmem>>, vector<1x16xi32>,
        %swap3A_419 = vector.shape_cast %swap3A_418 : vector<1x16xi32> to vector<16xi32>
        %swap3A_420 = vector.shape_cast %and3A_414 : vector<16xi32> to vector<1x16xi32>
        tpu.vector_store %arg7[%swap3A_416, %swap3A_417], %swap3A_420 {strides = array<i32>} : memref<1x128xi32, #tpu.memory_space<vmem>>, vector<1x16xi32>,
        %shift_right_logical3A_421 = arith.constant 16 : i32
        %shift_right_logical3A_422 = vector.broadcast %shift_right_logical3A_421 : i32 to vector<16xi32>
        %shift_right_logical3A_423 = arith.shrui %get3A_411, %shift_right_logical3A_422 : vector<16xi32>
        %swap3A_424 = arith.constant 0 : i32
        %swap3A_425 = arith.index_cast %swap3A_424 : i32 to index
        %swap3A_426 = arith.constant 0 : index
        %swap3A_427 = tpu.vector_load %arg9[%swap3A_425, %swap3A_426] {strides = array<i32>} : memref<1x128xi32, #tpu.memory_space<vmem>>, vector<1x16xi32>,
        %swap3A_428 = vector.shape_cast %swap3A_427 : vector<1x16xi32> to vector<16xi32>
        %swap3A_429 = vector.shape_cast %shift_right_logical3A_423 : vector<16xi32> to vector<1x16xi32>
        tpu.vector_store %arg9[%swap3A_425, %swap3A_426], %swap3A_429 {strides = array<i32>} : memref<1x128xi32, #tpu.memory_space<vmem>>, vector<1x16xi32>,
        %get3A_430 = arith.index_cast %add3A_407 : i32 to index
        %get3A_431 = arith.constant 16 : index
        %get3A_432 = tpu.vector_load %arg6[%get3A_430, %get3A_431] {strides = array<i32>} : memref<82x128xi32, #tpu.memory_space<vmem>>, vector<1x16xi32>,
        %get3A_433 = vector.shape_cast %get3A_432 : vector<1x16xi32> to vector<16xi32>
        %and3A_434 = arith.constant 65535 : i32
        %and3A_435 = vector.broadcast %and3A_434 : i32 to vector<16xi32>
        %and3A_436 = arith.andi %get3A_433, %and3A_435 : vector<16xi32>
        %swap3A_437 = arith.constant 0 : i32
        %swap3A_438 = arith.index_cast %swap3A_437 : i32 to index
        %swap3A_439 = arith.constant 16 : index
        %swap3A_440 = tpu.vector_load %arg7[%swap3A_438, %swap3A_439] {strides = array<i32>} : memref<1x128xi32, #tpu.memory_space<vmem>>, vector<1x16xi32>,
        %swap3A_441 = vector.shape_cast %swap3A_440 : vector<1x16xi32> to vector<16xi32>
        %swap3A_442 = vector.shape_cast %and3A_436 : vector<16xi32> to vector<1x16xi32>
        tpu.vector_store %arg7[%swap3A_438, %swap3A_439], %swap3A_442 {strides = array<i32>} : memref<1x128xi32, #tpu.memory_space<vmem>>, vector<1x16xi32>,
        %shift_right_logical3A_443 = arith.constant 16 : i32
        %shift_right_logical3A_444 = vector.broadcast %shift_right_logical3A_443 : i32 to vector<16xi32>
        %shift_right_logical3A_445 = arith.shrui %get3A_433, %shift_right_logical3A_444 : vector<16xi32>
        %swap3A_446 = arith.constant 0 : i32
        %swap3A_447 = arith.index_cast %swap3A_446 : i32 to index
        %swap3A_448 = arith.constant 16 : index
        %swap3A_449 = tpu.vector_load %arg9[%swap3A_447, %swap3A_448] {strides = array<i32>} : memref<1x128xi32, #tpu.memory_space<vmem>>, vector<1x16xi32>,
        %swap3A_450 = vector.shape_cast %swap3A_449 : vector<1x16xi32> to vector<16xi32>
        %swap3A_451 = vector.shape_cast %shift_right_logical3A_445 : vector<16xi32> to vector<1x16xi32>
        tpu.vector_store %arg9[%swap3A_447, %swap3A_448], %swap3A_451 {strides = array<i32>} : memref<1x128xi32, #tpu.memory_space<vmem>>, vector<1x16xi32>,
        %get3A_452 = arith.index_cast %add3A_407 : i32 to index
        %get3A_453 = arith.constant 32 : index
        %get3A_454 = tpu.vector_load %arg6[%get3A_452, %get3A_453] {strides = array<i32>} : memref<82x128xi32, #tpu.memory_space<vmem>>, vector<1x16xi32>,
        %get3A_455 = vector.shape_cast %get3A_454 : vector<1x16xi32> to vector<16xi32>
        %and3A_456 = arith.constant 65535 : i32
        %and3A_457 = vector.broadcast %and3A_456 : i32 to vector<16xi32>
        %and3A_458 = arith.andi %get3A_455, %and3A_457 : vector<16xi32>
        %swap3A_459 = arith.constant 0 : i32
        %swap3A_460 = arith.index_cast %swap3A_459 : i32 to index
        %swap3A_461 = arith.constant 32 : index
        %swap3A_462 = tpu.vector_load %arg7[%swap3A_460, %swap3A_461] {strides = array<i32>} : memref<1x128xi32, #tpu.memory_space<vmem>>, vector<1x16xi32>,
        %swap3A_463 = vector.shape_cast %swap3A_462 : vector<1x16xi32> to vector<16xi32>
        %swap3A_464 = vector.shape_cast %and3A_458 : vector<16xi32> to vector<1x16xi32>
        tpu.vector_store %arg7[%swap3A_460, %swap3A_461], %swap3A_464 {strides = array<i32>} : memref<1x128xi32, #tpu.memory_space<vmem>>, vector<1x16xi32>,
        %shift_right_logical3A_465 = arith.constant 16 : i32
        %shift_right_logical3A_466 = vector.broadcast %shift_right_logical3A_465 : i32 to vector<16xi32>
        %shift_right_logical3A_467 = arith.shrui %get3A_455, %shift_right_logical3A_466 : vector<16xi32>
        %swap3A_468 = arith.constant 0 : i32
        %swap3A_469 = arith.index_cast %swap3A_468 : i32 to index
        %swap3A_470 = arith.constant 32 : index
        %swap3A_471 = tpu.vector_load %arg9[%swap3A_469, %swap3A_470] {strides = array<i32>} : memref<1x128xi32, #tpu.memory_space<vmem>>, vector<1x16xi32>,
        %swap3A_472 = vector.shape_cast %swap3A_471 : vector<1x16xi32> to vector<16xi32>
        %swap3A_473 = vector.shape_cast %shift_right_logical3A_467 : vector<16xi32> to vector<1x16xi32>
        tpu.vector_store %arg9[%swap3A_469, %swap3A_470], %swap3A_473 {strides = array<i32>} : memref<1x128xi32, #tpu.memory_space<vmem>>, vector<1x16xi32>,
        %get3A_474 = arith.index_cast %add3A_407 : i32 to index
        %get3A_475 = arith.constant 48 : index
        %get3A_476 = tpu.vector_load %arg6[%get3A_474, %get3A_475] {strides = array<i32>} : memref<82x128xi32, #tpu.memory_space<vmem>>, vector<1x16xi32>,
        %get3A_477 = vector.shape_cast %get3A_476 : vector<1x16xi32> to vector<16xi32>
        %and3A_478 = arith.constant 65535 : i32
        %and3A_479 = vector.broadcast %and3A_478 : i32 to vector<16xi32>
        %and3A_480 = arith.andi %get3A_477, %and3A_479 : vector<16xi32>
        %swap3A_481 = arith.constant 0 : i32
        %swap3A_482 = arith.index_cast %swap3A_481 : i32 to index
        %swap3A_483 = arith.constant 48 : index
        %swap3A_484 = tpu.vector_load %arg7[%swap3A_482, %swap3A_483] {strides = array<i32>} : memref<1x128xi32, #tpu.memory_space<vmem>>, vector<1x16xi32>,
        %swap3A_485 = vector.shape_cast %swap3A_484 : vector<1x16xi32> to vector<16xi32>
        %swap3A_486 = vector.shape_cast %and3A_480 : vector<16xi32> to vector<1x16xi32>
        tpu.vector_store %arg7[%swap3A_482, %swap3A_483], %swap3A_486 {strides = array<i32>} : memref<1x128xi32, #tpu.memory_space<vmem>>, vector<1x16xi32>,
        %shift_right_logical3A_487 = arith.constant 16 : i32
        %shift_right_logical3A_488 = vector.broadcast %shift_right_logical3A_487 : i32 to vector<16xi32>
        %shift_right_logical3A_489 = arith.shrui %get3A_477, %shift_right_logical3A_488 : vector<16xi32>
        %swap3A_490 = arith.constant 0 : i32
        %swap3A_491 = arith.index_cast %swap3A_490 : i32 to index
        %swap3A_492 = arith.constant 48 : index
        %swap3A_493 = tpu.vector_load %arg9[%swap3A_491, %swap3A_492] {strides = array<i32>} : memref<1x128xi32, #tpu.memory_space<vmem>>, vector<1x16xi32>,
        %swap3A_494 = vector.shape_cast %swap3A_493 : vector<1x16xi32> to vector<16xi32>
        %swap3A_495 = vector.shape_cast %shift_right_logical3A_489 : vector<16xi32> to vector<1x16xi32>
        tpu.vector_store %arg9[%swap3A_491, %swap3A_492], %swap3A_495 {strides = array<i32>} : memref<1x128xi32, #tpu.memory_space<vmem>>, vector<1x16xi32>,
        %get3A_496 = arith.index_cast %add3A_407 : i32 to index
        %get3A_497 = arith.constant 64 : index
        %get3A_498 = tpu.vector_load %arg6[%get3A_496, %get3A_497] {strides = array<i32>} : memref<82x128xi32, #tpu.memory_space<vmem>>, vector<1x16xi32>,
        %get3A_499 = vector.shape_cast %get3A_498 : vector<1x16xi32> to vector<16xi32>
        %and3A_500 = arith.constant 65535 : i32
        %and3A_501 = vector.broadcast %and3A_500 : i32 to vector<16xi32>
        %and3A_502 = arith.andi %get3A_499, %and3A_501 : vector<16xi32>
        %swap3A_503 = arith.constant 0 : i32
        %swap3A_504 = arith.index_cast %swap3A_503 : i32 to index
        %swap3A_505 = arith.constant 64 : index
        %swap3A_506 = tpu.vector_load %arg7[%swap3A_504, %swap3A_505] {strides = array<i32>} : memref<1x128xi32, #tpu.memory_space<vmem>>, vector<1x16xi32>,
        %swap3A_507 = vector.shape_cast %swap3A_506 : vector<1x16xi32> to vector<16xi32>
        %swap3A_508 = vector.shape_cast %and3A_502 : vector<16xi32> to vector<1x16xi32>
        tpu.vector_store %arg7[%swap3A_504, %swap3A_505], %swap3A_508 {strides = array<i32>} : memref<1x128xi32, #tpu.memory_space<vmem>>, vector<1x16xi32>,
        %shift_right_logical3A_509 = arith.constant 16 : i32
        %shift_right_logical3A_510 = vector.broadcast %shift_right_logical3A_509 : i32 to vector<16xi32>
        %shift_right_logical3A_511 = arith.shrui %get3A_499, %shift_right_logical3A_510 : vector<16xi32>
        %swap3A_512 = arith.constant 0 : i32
        %swap3A_513 = arith.index_cast %swap3A_512 : i32 to index
        %swap3A_514 = arith.constant 64 : index
        %swap3A_515 = tpu.vector_load %arg9[%swap3A_513, %swap3A_514] {strides = array<i32>} : memref<1x128xi32, #tpu.memory_space<vmem>>, vector<1x16xi32>,
        %swap3A_516 = vector.shape_cast %swap3A_515 : vector<1x16xi32> to vector<16xi32>
        %swap3A_517 = vector.shape_cast %shift_right_logical3A_511 : vector<16xi32> to vector<1x16xi32>
        tpu.vector_store %arg9[%swap3A_513, %swap3A_514], %swap3A_517 {strides = array<i32>} : memref<1x128xi32, #tpu.memory_space<vmem>>, vector<1x16xi32>,
        %get3A_518 = arith.index_cast %add3A_407 : i32 to index
        %get3A_519 = arith.constant 80 : index
        %get3A_520 = tpu.vector_load %arg6[%get3A_518, %get3A_519] {strides = array<i32>} : memref<82x128xi32, #tpu.memory_space<vmem>>, vector<1x16xi32>,
        %get3A_521 = vector.shape_cast %get3A_520 : vector<1x16xi32> to vector<16xi32>
        %and3A_522 = arith.constant 65535 : i32
        %and3A_523 = vector.broadcast %and3A_522 : i32 to vector<16xi32>
        %and3A_524 = arith.andi %get3A_521, %and3A_523 : vector<16xi32>
        %swap3A_525 = arith.constant 0 : i32
        %swap3A_526 = arith.index_cast %swap3A_525 : i32 to index
        %swap3A_527 = arith.constant 80 : index
        %swap3A_528 = tpu.vector_load %arg7[%swap3A_526, %swap3A_527] {strides = array<i32>} : memref<1x128xi32, #tpu.memory_space<vmem>>, vector<1x16xi32>,
        %swap3A_529 = vector.shape_cast %swap3A_528 : vector<1x16xi32> to vector<16xi32>
        %swap3A_530 = vector.shape_cast %and3A_524 : vector<16xi32> to vector<1x16xi32>
        tpu.vector_store %arg7[%swap3A_526, %swap3A_527], %swap3A_530 {strides = array<i32>} : memref<1x128xi32, #tpu.memory_space<vmem>>, vector<1x16xi32>,
        %shift_right_logical3A_531 = arith.constant 16 : i32
        %shift_right_logical3A_532 = vector.broadcast %shift_right_logical3A_531 : i32 to vector<16xi32>
        %shift_right_logical3A_533 = arith.shrui %get3A_521, %shift_right_logical3A_532 : vector<16xi32>
        %swap3A_534 = arith.constant 0 : i32
        %swap3A_535 = arith.index_cast %swap3A_534 : i32 to index
        %swap3A_536 = arith.constant 80 : index
        %swap3A_537 = tpu.vector_load %arg9[%swap3A_535, %swap3A_536] {strides = array<i32>} : memref<1x128xi32, #tpu.memory_space<vmem>>, vector<1x16xi32>,
        %swap3A_538 = vector.shape_cast %swap3A_537 : vector<1x16xi32> to vector<16xi32>
        %swap3A_539 = vector.shape_cast %shift_right_logical3A_533 : vector<16xi32> to vector<1x16xi32>
        tpu.vector_store %arg9[%swap3A_535, %swap3A_536], %swap3A_539 {strides = array<i32>} : memref<1x128xi32, #tpu.memory_space<vmem>>, vector<1x16xi32>,
        %get3A_540 = arith.index_cast %add3A_407 : i32 to index
        %get3A_541 = arith.constant 96 : index
        %get3A_542 = tpu.vector_load %arg6[%get3A_540, %get3A_541] {strides = array<i32>} : memref<82x128xi32, #tpu.memory_space<vmem>>, vector<1x16xi32>,
        %get3A_543 = vector.shape_cast %get3A_542 : vector<1x16xi32> to vector<16xi32>
        %and3A_544 = arith.constant 65535 : i32
        %and3A_545 = vector.broadcast %and3A_544 : i32 to vector<16xi32>
        %and3A_546 = arith.andi %get3A_543, %and3A_545 : vector<16xi32>
        %swap3A_547 = arith.constant 0 : i32
        %swap3A_548 = arith.index_cast %swap3A_547 : i32 to index
        %swap3A_549 = arith.constant 96 : index
        %swap3A_550 = tpu.vector_load %arg7[%swap3A_548, %swap3A_549] {strides = array<i32>} : memref<1x128xi32, #tpu.memory_space<vmem>>, vector<1x16xi32>,
        %swap3A_551 = vector.shape_cast %swap3A_550 : vector<1x16xi32> to vector<16xi32>
        %swap3A_552 = vector.shape_cast %and3A_546 : vector<16xi32> to vector<1x16xi32>
        tpu.vector_store %arg7[%swap3A_548, %swap3A_549], %swap3A_552 {strides = array<i32>} : memref<1x128xi32, #tpu.memory_space<vmem>>, vector<1x16xi32>,
        %shift_right_logical3A_553 = arith.constant 16 : i32
        %shift_right_logical3A_554 = vector.broadcast %shift_right_logical3A_553 : i32 to vector<16xi32>
        %shift_right_logical3A_555 = arith.shrui %get3A_543, %shift_right_logical3A_554 : vector<16xi32>
        %swap3A_556 = arith.constant 0 : i32
        %swap3A_557 = arith.index_cast %swap3A_556 : i32 to index
        %swap3A_558 = arith.constant 96 : index
        %swap3A_559 = tpu.vector_load %arg9[%swap3A_557, %swap3A_558] {strides = array<i32>} : memref<1x128xi32, #tpu.memory_space<vmem>>, vector<1x16xi32>,
        %swap3A_560 = vector.shape_cast %swap3A_559 : vector<1x16xi32> to vector<16xi32>
        %swap3A_561 = vector.shape_cast %shift_right_logical3A_555 : vector<16xi32> to vector<1x16xi32>
        tpu.vector_store %arg9[%swap3A_557, %swap3A_558], %swap3A_561 {strides = array<i32>} : memref<1x128xi32, #tpu.memory_space<vmem>>, vector<1x16xi32>,
        %get3A_562 = arith.index_cast %add3A_407 : i32 to index
        %get3A_563 = arith.constant 112 : index
        %get3A_564 = tpu.vector_load %arg6[%get3A_562, %get3A_563] {strides = array<i32>} : memref<82x128xi32, #tpu.memory_space<vmem>>, vector<1x16xi32>,
        %get3A_565 = vector.shape_cast %get3A_564 : vector<1x16xi32> to vector<16xi32>
        %and3A_566 = arith.constant 65535 : i32
        %and3A_567 = vector.broadcast %and3A_566 : i32 to vector<16xi32>
        %and3A_568 = arith.andi %get3A_565, %and3A_567 : vector<16xi32>
        %swap3A_569 = arith.constant 0 : i32
        %swap3A_570 = arith.index_cast %swap3A_569 : i32 to index
        %swap3A_571 = arith.constant 112 : index
        %swap3A_572 = tpu.vector_load %arg7[%swap3A_570, %swap3A_571] {strides = array<i32>} : memref<1x128xi32, #tpu.memory_space<vmem>>, vector<1x16xi32>,
        %swap3A_573 = vector.shape_cast %swap3A_572 : vector<1x16xi32> to vector<16xi32>
        %swap3A_574 = vector.shape_cast %and3A_568 : vector<16xi32> to vector<1x16xi32>
        tpu.vector_store %arg7[%swap3A_570, %swap3A_571], %swap3A_574 {strides = array<i32>} : memref<1x128xi32, #tpu.memory_space<vmem>>, vector<1x16xi32>,
        %shift_right_logical3A_575 = arith.constant 16 : i32
        %shift_right_logical3A_576 = vector.broadcast %shift_right_logical3A_575 : i32 to vector<16xi32>
        %shift_right_logical3A_577 = arith.shrui %get3A_565, %shift_right_logical3A_576 : vector<16xi32>
        %swap3A_578 = arith.constant 0 : i32
        %swap3A_579 = arith.index_cast %swap3A_578 : i32 to index
        %swap3A_580 = arith.constant 112 : index
        %swap3A_581 = tpu.vector_load %arg9[%swap3A_579, %swap3A_580] {strides = array<i32>} : memref<1x128xi32, #tpu.memory_space<vmem>>, vector<1x16xi32>,
        %swap3A_582 = vector.shape_cast %swap3A_581 : vector<1x16xi32> to vector<16xi32>
        %swap3A_583 = vector.shape_cast %shift_right_logical3A_577 : vector<16xi32> to vector<1x16xi32>
        tpu.vector_store %arg9[%swap3A_579, %swap3A_580], %swap3A_583 {strides = array<i32>} : memref<1x128xi32, #tpu.memory_space<vmem>>, vector<1x16xi32>,
        %dma_start3A_584 = arith.constant 0 : i32
        %dma_start3A_585 = arith.constant 0 : i32
        %dma_start3A_586 = tpu.memref_slice %arg7[%dma_start3A_584, %dma_start3A_585] : memref<1x128xi32, #tpu.memory_space<vmem>> -> memref<1x128xi32, #tpu.memory_space<vmem>>
        %dma_start3A_587 = tpu.memref_squeeze %dma_start3A_586 : memref<1x128xi32, #tpu.memory_space<vmem>> -> memref<128xi32, #tpu.memory_space<vmem>>
        %dma_start3A_588 = arith.constant 0 : i32
        %dma_start3A_589 = arith.constant 0 : i32
        %dma_start3A_590 = tpu.memref_slice %arg2[%dma_start3A_588, %dma_start3A_589] : memref<10000x128xf32, #tpu.memory_space<hbm>> -> memref<10000x128xf32, #tpu.memory_space<hbm>>
        tpu.enqueue_indirect_dma source(%dma_start3A_590 : memref<10000x128xf32, #tpu.memory_space<hbm>>) target(%arg11 : memref<128x128xf32, #tpu.memory_space<vmem>>) offsets(%dma_start3A_587 : memref<128xi32, #tpu.memory_space<vmem>>) semaphore(%arg14 : memref<!tpu.dma_semaphore, #tpu.memory_space<semaphore_mem>>)
      } else {
      }
      %dma_wait3A_399 = arith.constant 0 : i32
      %dma_wait3A_400 = arith.constant 0 : i32
      %dma_wait3A_401 = tpu.memref_slice %arg2[%dma_wait3A_399, %dma_wait3A_400] : memref<10000x128xf32, #tpu.memory_space<hbm>> -> memref<128x128xf32, #tpu.memory_space<hbm>>
      %dma_wait3A_402 = arith.constant 0 : i32
      %dma_wait3A_403 = arith.constant 0 : i32
      %dma_wait3A_404 = tpu.memref_slice %arg2[%dma_wait3A_402, %dma_wait3A_403] : memref<10000x128xf32, #tpu.memory_space<hbm>> -> memref<128x128xf32, #tpu.memory_space<hbm>>
      tpu.wait_dma2 semaphore(%arg15 : memref<!tpu.dma_semaphore, #tpu.memory_space<semaphore_mem>>) src(%dma_wait3A_404 : memref<128x128xf32, #tpu.memory_space<hbm>>) dst(%arg12 : memref<128x128xf32, #tpu.memory_space<vmem>>)
      %run_scoped3A_405 = arith.constant 0 : i32
      "tpu.region"() ({
        %run_scoped3A_406 = tpu.sem_alloc : memref<!tpu.dma_semaphore, #tpu.memory_space<semaphore_mem>>
        %dma_start3A_407 = arith.constant 0 : i32
        %dma_start3A_408 = tpu.memref_slice %arg10[%run_scoped3A_405, %dma_start3A_407] : memref<1x128xi32, #tpu.memory_space<vmem>> -> memref<1x128xi32, #tpu.memory_space<vmem>>
        %dma_start3A_409 = tpu.memref_squeeze %dma_start3A_408 : memref<1x128xi32, #tpu.memory_space<vmem>> -> memref<128xi32, #tpu.memory_space<vmem>>
        %dma_start3A_410 = arith.constant 0 : i32
        %dma_start3A_411 = arith.constant 0 : i32
        %dma_start3A_412 = tpu.memref_slice %arg13[%dma_start3A_410, %dma_start3A_411] : memref<10112x128xf32, #tpu.memory_space<vmem_shared>> -> memref<10112x128xf32, #tpu.memory_space<vmem_shared>>
        tpu.enqueue_indirect_dma source(%arg12 : memref<128x128xf32, #tpu.memory_space<vmem>>) target(%dma_start3A_412 : memref<10112x128xf32, #tpu.memory_space<vmem_shared>>) offsets(%dma_start3A_409 : memref<128xi32, #tpu.memory_space<vmem>>) semaphore(%run_scoped3A_406 : memref<!tpu.dma_semaphore, #tpu.memory_space<semaphore_mem>>) {add = true}
        %dma_wait3A_413 = arith.constant 0 : i32
        %dma_wait3A_414 = tpu.memref_slice %arg10[%run_scoped3A_405, %dma_wait3A_413] : memref<1x128xi32, #tpu.memory_space<vmem>> -> memref<1x128xi32, #tpu.memory_space<vmem>>
        %dma_wait3A_415 = tpu.memref_squeeze %dma_wait3A_414 : memref<1x128xi32, #tpu.memory_space<vmem>> -> memref<128xi32, #tpu.memory_space<vmem>>
        %dma_wait3A_416 = arith.constant 0 : i32
        %dma_wait3A_417 = arith.constant 0 : i32
        %dma_wait3A_418 = tpu.memref_slice %arg13[%dma_wait3A_416, %dma_wait3A_417] : memref<10112x128xf32, #tpu.memory_space<vmem_shared>> -> memref<10112x128xf32, #tpu.memory_space<vmem_shared>>
        tpu.wait_indirect_dma semaphore(%run_scoped3A_406 : memref<!tpu.dma_semaphore, #tpu.memory_space<semaphore_mem>>) src(%arg12 : memref<128x128xf32, #tpu.memory_space<vmem>>) dst(%dma_wait3A_418 : memref<10112x128xf32, #tpu.memory_space<vmem_shared>>)
        tpu.yield
      }) : () -> ()
    }
    %scan3A_194 = arith.constant 41 : i32
    %barrier3A_195 = arith.constant 0 : index
    tpu.barrier barrier_id(%barrier3A_195)
    %mul3A_196 = arith.constant 632 : i32
    %mul3A_197 = arith.muli %arg1, %mul3A_196 : i32
    %mul3A_198 = arith.constant 632 : i32
    %mul3A_199 = arith.muli %arg1, %mul3A_198 : i32
    "tpu.region"() ({
      %run_scoped3A = tpu.sem_alloc : memref<!tpu.dma_semaphore, #tpu.memory_space<semaphore_mem>>
      %dma_start3A_200 = arith.constant 0 : i32
      %dma_start3A_201 = tpu.memref_slice %arg5[%arg0, %mul3A_199, %dma_start3A_200] : memref<2x10112x128xf32, #tpu.memory_space<hbm>> -> memref<1x632x128xf32, #tpu.memory_space<hbm>>
      %dma_start3A_202 = tpu.memref_squeeze %dma_start3A_201 : memref<1x632x128xf32, #tpu.memory_space<hbm>> -> memref<632x128xf32, #tpu.memory_space<hbm>>
      %dma_start3A_203 = arith.constant 0 : i32
      %dma_start3A_204 = tpu.memref_slice %arg13[%mul3A_197, %dma_start3A_203] : memref<10112x128xf32, #tpu.memory_space<vmem_shared>> -> memref<632x128xf32, #tpu.memory_space<vmem_shared>>
      tpu.enqueue_dma source(%dma_start3A_204 : memref<632x128xf32, #tpu.memory_space<vmem_shared>>) target(%dma_start3A_202 : memref<632x128xf32, #tpu.memory_space<hbm>>) target_semaphore(%run_scoped3A : memref<!tpu.dma_semaphore, #tpu.memory_space<semaphore_mem>>)
      %dma_wait3A = arith.constant 0 : i32
      %dma_wait3A_205 = tpu.memref_slice %arg5[%arg0, %mul3A_199, %dma_wait3A] : memref<2x10112x128xf32, #tpu.memory_space<hbm>> -> memref<1x632x128xf32, #tpu.memory_space<hbm>>
      %dma_wait3A_206 = tpu.memref_squeeze %dma_wait3A_205 : memref<1x632x128xf32, #tpu.memory_space<hbm>> -> memref<632x128xf32, #tpu.memory_space<hbm>>
      %dma_wait3A_207 = arith.constant 0 : i32
      %dma_wait3A_208 = tpu.memref_slice %arg13[%mul3A_197, %dma_wait3A_207] : memref<10112x128xf32, #tpu.memory_space<vmem_shared>> -> memref<632x128xf32, #tpu.memory_space<vmem_shared>>
      tpu.wait_dma2 semaphore(%run_scoped3A : memref<!tpu.dma_semaphore, #tpu.memory_space<semaphore_mem>>) src(%dma_wait3A_208 : memref<632x128xf32, #tpu.memory_space<vmem_shared>>) dst(%dma_wait3A_206 : memref<632x128xf32, #tpu.memory_space<hbm>>)
      tpu.yield
    }) : () -> ()
    return
  }
}

module attributes {stable_mosaic.version = 14 : i64} {
  func.func @body(%arg0: i32, %arg1: memref<2x1000x16xf32, #tpu.memory_space<vmem>>, %arg2: memref<1000x128xf32, #tpu.memory_space<vmem>>, %arg3: memref<1000x128xf32, #tpu.memory_space<vmem>>, %arg4: memref<1000x128xf32, #tpu.memory_space<vmem>>) attributes {dimension_semantics = [#tpu.dimension_semantics<arbitrary>], iteration_bounds = array<i64: 10>, scalar_prefetch = 0 : i64, scratch_operands = 0 : i64, tpu.core_type = #tpu.core_type<tc>, window_params = [{transform_indices = @transform_0, window_bounds = array<i64: 2, 1000, 16>}, {transform_indices = @transform_1, window_bounds = array<i64: 1000, 128>}, {transform_indices = @transform_2, window_bounds = array<i64: 1000, 128>}, {transform_indices = @transform_3, window_bounds = array<i64: 1000, 128>}]} {
    %get3A = arith.constant 0 : index
    %get3A_0 = arith.constant 0 : index
    %get3A_1 = arith.constant 0 : index
    %get3A_2 = vector.load %arg1[%get3A, %get3A_0, %get3A_1] : memref<2x1000x16xf32, #tpu.memory_space<vmem>>, vector<1x1000x16xf32>
    %get3A_3 = vector.shape_cast %get3A_2 : vector<1x1000x16xf32> to vector<1000x16xf32>
    %get3A_4 = arith.constant 1 : index
    %get3A_5 = arith.constant 0 : index
    %get3A_6 = arith.constant 0 : index
    %get3A_7 = vector.load %arg1[%get3A_4, %get3A_5, %get3A_6] : memref<2x1000x16xf32, #tpu.memory_space<vmem>>, vector<1x1000x16xf32>
    %get3A_8 = vector.shape_cast %get3A_7 : vector<1x1000x16xf32> to vector<1000x16xf32>
    %add3A = arith.addf %get3A_3, %get3A_8 : vector<1000x16xf32>
    %slice3A = vector.extract_strided_slice %add3A {offsets = [0, 0], sizes = [1000, 1], strides = [1, 1]} : vector<1000x16xf32> to vector<1000x1xf32>
    %rsqrt3A = math.rsqrt %slice3A : vector<1000x1xf32>
    %broadcast_in_dim3A = vector.shape_cast %rsqrt3A : vector<1000x1xf32> to vector<1000x1xf32>
    %broadcast_in_dim3A_9 = vector.broadcast %broadcast_in_dim3A : vector<1000x1xf32> to vector<1000x128xf32>
    %swap3A = arith.constant 0 : index
    %swap3A_10 = arith.constant 0 : index
    %swap3A_11 = vector.load %arg3[%swap3A, %swap3A_10] : memref<1000x128xf32, #tpu.memory_space<vmem>>, vector<1000x128xf32>
    tpu.vector_store %arg3[%swap3A, %swap3A_10], %broadcast_in_dim3A_9 {strides = array<i32>} : memref<1000x128xf32, #tpu.memory_space<vmem>>, vector<1000x128xf32>,
    %get3A_12 = arith.constant 0 : index
    %get3A_13 = arith.constant 0 : index
    %get3A_14 = vector.load %arg2[%get3A_12, %get3A_13] : memref<1000x128xf32, #tpu.memory_space<vmem>>, vector<1000x128xf32>
    %mul3A = vector.broadcast %rsqrt3A : vector<1000x1xf32> to vector<1000x128xf32>
    %mul3A_15 = arith.mulf %get3A_14, %mul3A : vector<1000x128xf32>
    %swap3A_16 = arith.constant 0 : index
    %swap3A_17 = arith.constant 0 : index
    %swap3A_18 = vector.load %arg4[%swap3A_16, %swap3A_17] : memref<1000x128xf32, #tpu.memory_space<vmem>>, vector<1000x128xf32>
    tpu.vector_store %arg4[%swap3A_16, %swap3A_17], %mul3A_15 {strides = array<i32>} : memref<1000x128xf32, #tpu.memory_space<vmem>>, vector<1000x128xf32>,
    return
  }
  func.func @transform_0(%arg0: i32) -> (i32, i32, i32) {
    %c0_i32 = arith.constant 0 : i32
    %c0_i32_0 = arith.constant 0 : i32
    %c0_i32_1 = arith.constant 0 : i32
    return %c0_i32, %arg0, %c0_i32_0 : i32, i32, i32
  }
  func.func @transform_1(%arg0: i32) -> (i32, i32) {
    %c0_i32 = arith.constant 0 : i32
    %c0_i32_0 = arith.constant 0 : i32
    return %arg0, %c0_i32 : i32, i32
  }
  func.func @transform_2(%arg0: i32) -> (i32, i32) {
    %c0_i32 = arith.constant 0 : i32
    %c0_i32_0 = arith.constant 0 : i32
    return %arg0, %c0_i32 : i32, i32
  }
  func.func @transform_3(%arg0: i32) -> (i32, i32) {
    %c0_i32 = arith.constant 0 : i32
    %c0_i32_0 = arith.constant 0 : i32
    return %arg0, %c0_i32 : i32, i32
  }
}

module attributes {stable_mosaic.version = 14 : i64} {
  func.func @body(%arg0: i32, %arg1: memref<2x1000x128xf32, #tpu.memory_space<vmem>>, %arg2: memref<1000x128xf32, #tpu.memory_space<vmem>>, %arg3: memref<128x256xf32, #tpu.memory_space<vmem>>, %arg4: memref<1x256xf32, #tpu.memory_space<vmem>>, %arg5: memref<256x128xf32, #tpu.memory_space<vmem>>, %arg6: memref<1000x128xf32, #tpu.memory_space<vmem>>) attributes {dimension_semantics = [#tpu.dimension_semantics<arbitrary>], iteration_bounds = array<i64: 10>, scalar_prefetch = 0 : i64, scratch_operands = 0 : i64, tpu.core_type = #tpu.core_type<tc>, window_params = [{transform_indices = @transform_0, window_bounds = array<i64: 2, 1000, 128>}, {transform_indices = @transform_1, window_bounds = array<i64: 1000, 128>}, {pipeline_mode = #tpu.pipeline_mode<synchronous>, transform_indices = @transform_2, window_bounds = array<i64: 128, 256>}, {pipeline_mode = #tpu.pipeline_mode<synchronous>, transform_indices = @transform_3, window_bounds = array<i64: 1, 256>}, {pipeline_mode = #tpu.pipeline_mode<synchronous>, transform_indices = @transform_4, window_bounds = array<i64: 256, 128>}, {transform_indices = @transform_5, window_bounds = array<i64: 1000, 128>}]} {
    %get3A = arith.constant 0 : index
    %get3A_0 = arith.constant 0 : index
    %get3A_1 = vector.load %arg2[%get3A, %get3A_0] : memref<1000x128xf32, #tpu.memory_space<vmem>>, vector<1000x128xf32>
    %get3A_2 = arith.constant 0 : index
    %get3A_3 = arith.constant 0 : index
    %get3A_4 = arith.constant 0 : index
    %get3A_5 = vector.load %arg1[%get3A_2, %get3A_3, %get3A_4] : memref<2x1000x128xf32, #tpu.memory_space<vmem>>, vector<1x1000x128xf32>
    %get3A_6 = vector.shape_cast %get3A_5 : vector<1x1000x128xf32> to vector<1000x128xf32>
    %get3A_7 = arith.constant 1 : index
    %get3A_8 = arith.constant 0 : index
    %get3A_9 = arith.constant 0 : index
    %get3A_10 = vector.load %arg1[%get3A_7, %get3A_8, %get3A_9] : memref<2x1000x128xf32, #tpu.memory_space<vmem>>, vector<1x1000x128xf32>
    %get3A_11 = vector.shape_cast %get3A_10 : vector<1x1000x128xf32> to vector<1000x128xf32>
    %add3A = arith.addf %get3A_6, %get3A_11 : vector<1000x128xf32>
    %mul3A = arith.mulf %add3A, %get3A_1 : vector<1000x128xf32>
    %get3A_12 = arith.constant 0 : index
    %get3A_13 = arith.constant 0 : index
    %get3A_14 = vector.load %arg3[%get3A_12, %get3A_13] : memref<128x256xf32, #tpu.memory_space<vmem>>, vector<128x256xf32>
    %dot_general3A = arith.constant dense<0.000000e+00> : vector<1000x256xf32>
    %dot_general3A_15 = tpu.matmul %mul3A, %get3A_14, %dot_general3A {dimension_numbers = #tpu.dot_dimension_numbers<[1], [0], [0], [1], [0, 0, 1, 1], [], []>, transpose_lhs_hint = false} : vector<1000x128xf32>, vector<128x256xf32>, vector<1000x256xf32> -> vector<1000x256xf32>
    %get3A_16 = arith.constant 0 : index
    %get3A_17 = arith.constant 0 : index
    %get3A_18 = vector.load %arg4[%get3A_16, %get3A_17] : memref<1x256xf32, #tpu.memory_space<vmem>>, vector<1x256xf32>
    %add3A_19 = vector.broadcast %get3A_18 : vector<1x256xf32> to vector<1000x256xf32>
    %add3A_20 = arith.addf %dot_general3A_15, %add3A_19 : vector<1000x256xf32>
    %max3A = arith.constant 0.000000e+00 : f32
    %max3A_21 = vector.broadcast %max3A : f32 to vector<1000x256xf32>
    %max3A_22 = arith.maximumf %add3A_20, %max3A_21 : vector<1000x256xf32>
    %get3A_23 = arith.constant 0 : index
    %get3A_24 = arith.constant 0 : index
    %get3A_25 = vector.load %arg5[%get3A_23, %get3A_24] : memref<256x128xf32, #tpu.memory_space<vmem>>, vector<256x128xf32>
    %dot_general3A_26 = arith.constant dense<0.000000e+00> : vector<1000x128xf32>
    %dot_general3A_27 = tpu.matmul %max3A_22, %get3A_25, %dot_general3A_26 {dimension_numbers = #tpu.dot_dimension_numbers<[1], [0], [0], [1], [0, 0, 1, 1], [], []>, transpose_lhs_hint = false} : vector<1000x256xf32>, vector<256x128xf32>, vector<1000x128xf32> -> vector<1000x128xf32>
    %mul3A_28 = arith.mulf %dot_general3A_27, %get3A_1 : vector<1000x128xf32>
    %swap3A = arith.constant 0 : index
    %swap3A_29 = arith.constant 0 : index
    %swap3A_30 = vector.load %arg6[%swap3A, %swap3A_29] : memref<1000x128xf32, #tpu.memory_space<vmem>>, vector<1000x128xf32>
    tpu.vector_store %arg6[%swap3A, %swap3A_29], %mul3A_28 {strides = array<i32>} : memref<1000x128xf32, #tpu.memory_space<vmem>>, vector<1000x128xf32>,
    return
  }
  func.func @transform_0(%arg0: i32) -> (i32, i32, i32) {
    %c0_i32 = arith.constant 0 : i32
    %c0_i32_0 = arith.constant 0 : i32
    %c0_i32_1 = arith.constant 0 : i32
    return %c0_i32, %arg0, %c0_i32_0 : i32, i32, i32
  }
  func.func @transform_1(%arg0: i32) -> (i32, i32) {
    %c0_i32 = arith.constant 0 : i32
    %c0_i32_0 = arith.constant 0 : i32
    return %arg0, %c0_i32 : i32, i32
  }
  func.func @transform_2(%arg0: i32) -> (i32, i32) {
    %c0_i32 = arith.constant 0 : i32
    %c0_i32_0 = arith.constant 0 : i32
    %c0_i32_1 = arith.constant 0 : i32
    return %c0_i32, %c0_i32_0 : i32, i32
  }
  func.func @transform_3(%arg0: i32) -> (i32, i32) {
    %c0_i32 = arith.constant 0 : i32
    %c0_i32_0 = arith.constant 0 : i32
    %c0_i32_1 = arith.constant 0 : i32
    return %c0_i32, %c0_i32_0 : i32, i32
  }
  func.func @transform_4(%arg0: i32) -> (i32, i32) {
    %c0_i32 = arith.constant 0 : i32
    %c0_i32_0 = arith.constant 0 : i32
    %c0_i32_1 = arith.constant 0 : i32
    return %c0_i32, %c0_i32_0 : i32, i32
  }
  func.func @transform_5(%arg0: i32) -> (i32, i32) {
    %c0_i32 = arith.constant 0 : i32
    %c0_i32_0 = arith.constant 0 : i32
    return %arg0, %c0_i32 : i32, i32
  }
}

module attributes {stable_mosaic.version = 14 : i64} {
  func.func @body(%arg0: i32, %arg1: memref<2x1000x128xf32, #tpu.memory_space<vmem>>, %arg2: memref<1000x128xf32, #tpu.memory_space<vmem>>, %arg3: memref<1x128xf32, #tpu.memory_space<vmem>>, %arg4: memref<128x128xf32, #tpu.memory_space<vmem>>, %arg5: memref<1000x128xf32, #tpu.memory_space<vmem>>) attributes {dimension_semantics = [#tpu.dimension_semantics<arbitrary>], iteration_bounds = array<i64: 10>, scalar_prefetch = 0 : i64, scratch_operands = 0 : i64, tpu.core_type = #tpu.core_type<tc>, window_params = [{transform_indices = @transform_0, window_bounds = array<i64: 2, 1000, 128>}, {transform_indices = @transform_1, window_bounds = array<i64: 1000, 128>}, {pipeline_mode = #tpu.pipeline_mode<synchronous>, transform_indices = @transform_2, window_bounds = array<i64: 1, 128>}, {pipeline_mode = #tpu.pipeline_mode<synchronous>, transform_indices = @transform_3, window_bounds = array<i64: 128, 128>}, {transform_indices = @transform_4, window_bounds = array<i64: 1000, 128>}]} {
    %get3A = arith.constant 0 : index
    %get3A_0 = arith.constant 0 : index
    %get3A_1 = vector.load %arg2[%get3A, %get3A_0] : memref<1000x128xf32, #tpu.memory_space<vmem>>, vector<1000x128xf32>
    %get3A_2 = arith.constant 0 : index
    %get3A_3 = arith.constant 0 : index
    %get3A_4 = arith.constant 0 : index
    %get3A_5 = vector.load %arg1[%get3A_2, %get3A_3, %get3A_4] : memref<2x1000x128xf32, #tpu.memory_space<vmem>>, vector<1x1000x128xf32>
    %get3A_6 = vector.shape_cast %get3A_5 : vector<1x1000x128xf32> to vector<1000x128xf32>
    %get3A_7 = arith.constant 1 : index
    %get3A_8 = arith.constant 0 : index
    %get3A_9 = arith.constant 0 : index
    %get3A_10 = vector.load %arg1[%get3A_7, %get3A_8, %get3A_9] : memref<2x1000x128xf32, #tpu.memory_space<vmem>>, vector<1x1000x128xf32>
    %get3A_11 = vector.shape_cast %get3A_10 : vector<1x1000x128xf32> to vector<1000x128xf32>
    %add3A = arith.addf %get3A_6, %get3A_11 : vector<1000x128xf32>
    %mul3A = arith.mulf %add3A, %get3A_1 : vector<1000x128xf32>
    %get3A_12 = arith.constant 0 : index
    %get3A_13 = arith.constant 0 : index
    %get3A_14 = vector.load %arg3[%get3A_12, %get3A_13] : memref<1x128xf32, #tpu.memory_space<vmem>>, vector<1x128xf32>
    %add3A_15 = vector.broadcast %get3A_14 : vector<1x128xf32> to vector<1000x128xf32>
    %add3A_16 = arith.addf %mul3A, %add3A_15 : vector<1000x128xf32>
    %max3A = arith.constant 0.000000e+00 : f32
    %max3A_17 = vector.broadcast %max3A : f32 to vector<1000x128xf32>
    %max3A_18 = arith.maximumf %add3A_16, %max3A_17 : vector<1000x128xf32>
    %get3A_19 = arith.constant 0 : index
    %get3A_20 = arith.constant 0 : index
    %get3A_21 = vector.load %arg4[%get3A_19, %get3A_20] : memref<128x128xf32, #tpu.memory_space<vmem>>, vector<128x128xf32>
    %dot_general3A = arith.constant dense<0.000000e+00> : vector<1000x128xf32>
    %dot_general3A_22 = tpu.matmul %max3A_18, %get3A_21, %dot_general3A {dimension_numbers = #tpu.dot_dimension_numbers<[1], [0], [0], [1], [0, 0, 1, 1], [], []>, transpose_lhs_hint = false} : vector<1000x128xf32>, vector<128x128xf32>, vector<1000x128xf32> -> vector<1000x128xf32>
    %mul3A_23 = arith.mulf %dot_general3A_22, %get3A_1 : vector<1000x128xf32>
    %swap3A = arith.constant 0 : index
    %swap3A_24 = arith.constant 0 : index
    %swap3A_25 = vector.load %arg5[%swap3A, %swap3A_24] : memref<1000x128xf32, #tpu.memory_space<vmem>>, vector<1000x128xf32>
    tpu.vector_store %arg5[%swap3A, %swap3A_24], %mul3A_23 {strides = array<i32>} : memref<1000x128xf32, #tpu.memory_space<vmem>>, vector<1000x128xf32>,
    return
  }
  func.func @transform_0(%arg0: i32) -> (i32, i32, i32) {
    %c0_i32 = arith.constant 0 : i32
    %c0_i32_0 = arith.constant 0 : i32
    %c0_i32_1 = arith.constant 0 : i32
    return %c0_i32, %arg0, %c0_i32_0 : i32, i32, i32
  }
  func.func @transform_1(%arg0: i32) -> (i32, i32) {
    %c0_i32 = arith.constant 0 : i32
    %c0_i32_0 = arith.constant 0 : i32
    return %arg0, %c0_i32 : i32, i32
  }
  func.func @transform_2(%arg0: i32) -> (i32, i32) {
    %c0_i32 = arith.constant 0 : i32
    %c0_i32_0 = arith.constant 0 : i32
    %c0_i32_1 = arith.constant 0 : i32
    return %c0_i32, %c0_i32_0 : i32, i32
  }
  func.func @transform_3(%arg0: i32) -> (i32, i32) {
    %c0_i32 = arith.constant 0 : i32
    %c0_i32_0 = arith.constant 0 : i32
    %c0_i32_1 = arith.constant 0 : i32
    return %c0_i32, %c0_i32_0 : i32, i32
  }
  func.func @transform_4(%arg0: i32) -> (i32, i32) {
    %c0_i32 = arith.constant 0 : i32
    %c0_i32_0 = arith.constant 0 : i32
    return %arg0, %c0_i32 : i32, i32
  }
}

module attributes {stable_mosaic.version = 14 : i64} {
  func.func @body(%arg0: i32, %arg1: memref<2x1000x128xf32, #tpu.memory_space<vmem>>, %arg2: memref<1000x128xf32, #tpu.memory_space<vmem>>, %arg3: memref<1x64xf32, #tpu.memory_space<vmem>>, %arg4: memref<1000x64xf32, #tpu.memory_space<vmem>>) attributes {dimension_semantics = [#tpu.dimension_semantics<arbitrary>], iteration_bounds = array<i64: 10>, scalar_prefetch = 0 : i64, scratch_operands = 0 : i64, tpu.core_type = #tpu.core_type<tc>, window_params = [{transform_indices = @transform_0, window_bounds = array<i64: 2, 1000, 128>}, {transform_indices = @transform_1, window_bounds = array<i64: 1000, 128>}, {pipeline_mode = #tpu.pipeline_mode<synchronous>, transform_indices = @transform_2, window_bounds = array<i64: 1, 64>}, {transform_indices = @transform_3, window_bounds = array<i64: 1000, 64>}]} {
    %get3A = arith.constant 0 : index
    %get3A_0 = arith.constant 0 : index
    %get3A_1 = arith.constant 0 : index
    %get3A_2 = vector.load %arg1[%get3A, %get3A_0, %get3A_1] : memref<2x1000x128xf32, #tpu.memory_space<vmem>>, vector<1x1000x128xf32>
    %get3A_3 = vector.shape_cast %get3A_2 : vector<1x1000x128xf32> to vector<1000x128xf32>
    %get3A_4 = arith.constant 1 : index
    %get3A_5 = arith.constant 0 : index
    %get3A_6 = arith.constant 0 : index
    %get3A_7 = vector.load %arg1[%get3A_4, %get3A_5, %get3A_6] : memref<2x1000x128xf32, #tpu.memory_space<vmem>>, vector<1x1000x128xf32>
    %get3A_8 = vector.shape_cast %get3A_7 : vector<1x1000x128xf32> to vector<1000x128xf32>
    %add3A = arith.addf %get3A_3, %get3A_8 : vector<1000x128xf32>
    %get3A_9 = arith.constant 0 : index
    %get3A_10 = arith.constant 0 : index
    %get3A_11 = vector.load %arg2[%get3A_9, %get3A_10] : memref<1000x128xf32, #tpu.memory_space<vmem>>, vector<1000x128xf32>
    %mul3A = arith.mulf %add3A, %get3A_11 : vector<1000x128xf32>
    %slice3A = vector.extract_strided_slice %mul3A {offsets = [0, 0], sizes = [1000, 64], strides = [1, 1]} : vector<1000x128xf32> to vector<1000x64xf32>
    %get3A_12 = arith.constant 0 : index
    %get3A_13 = arith.constant 0 : index
    %get3A_14 = vector.load %arg3[%get3A_12, %get3A_13] : memref<1x64xf32, #tpu.memory_space<vmem>>, vector<1x64xf32>
    %add3A_15 = vector.broadcast %get3A_14 : vector<1x64xf32> to vector<1000x64xf32>
    %add3A_16 = arith.addf %slice3A, %add3A_15 : vector<1000x64xf32>
    %reduce_max3A = arith.constant dense<0xFF800000> : vector<1000xf32>
    %reduce_max3A_17 = vector.multi_reduction <maximumf>, %add3A_16, %reduce_max3A [1] : vector<1000x64xf32> to vector<1000xf32>
    %broadcast_in_dim3A = vector.shape_cast %reduce_max3A_17 : vector<1000xf32> to vector<1000x1xf32>
    %sub3A = vector.broadcast %broadcast_in_dim3A : vector<1000x1xf32> to vector<1000x64xf32>
    %sub3A_18 = arith.subf %add3A_16, %sub3A : vector<1000x64xf32>
    %exp3A = math.exp %sub3A_18 : vector<1000x64xf32>
    %sub3A_19 = vector.broadcast %broadcast_in_dim3A : vector<1000x1xf32> to vector<1000x64xf32>
    %sub3A_20 = arith.subf %add3A_16, %sub3A_19 : vector<1000x64xf32>
    %reduce_sum3A = arith.constant dense<0.000000e+00> : vector<1000xf32>
    %reduce_sum3A_21 = vector.multi_reduction <add>, %exp3A, %reduce_sum3A [1] : vector<1000x64xf32> to vector<1000xf32>
    %broadcast_in_dim3A_22 = vector.shape_cast %reduce_sum3A_21 : vector<1000xf32> to vector<1000x1xf32>
    %log3A = math.log %broadcast_in_dim3A_22 : vector<1000x1xf32>
    %sub3A_23 = vector.broadcast %log3A : vector<1000x1xf32> to vector<1000x64xf32>
    %sub3A_24 = arith.subf %sub3A_20, %sub3A_23 : vector<1000x64xf32>
    %swap3A = arith.constant 0 : index
    %swap3A_25 = arith.constant 0 : index
    %swap3A_26 = vector.load %arg4[%swap3A, %swap3A_25] : memref<1000x64xf32, #tpu.memory_space<vmem>>, vector<1000x64xf32>
    tpu.vector_store %arg4[%swap3A, %swap3A_25], %sub3A_24 {strides = array<i32>} : memref<1000x64xf32, #tpu.memory_space<vmem>>, vector<1000x64xf32>,
    return
  }
  func.func @transform_0(%arg0: i32) -> (i32, i32, i32) {
    %c0_i32 = arith.constant 0 : i32
    %c0_i32_0 = arith.constant 0 : i32
    %c0_i32_1 = arith.constant 0 : i32
    return %c0_i32, %arg0, %c0_i32_0 : i32, i32, i32
  }
  func.func @transform_1(%arg0: i32) -> (i32, i32) {
    %c0_i32 = arith.constant 0 : i32
    %c0_i32_0 = arith.constant 0 : i32
    return %arg0, %c0_i32 : i32, i32
  }
  func.func @transform_2(%arg0: i32) -> (i32, i32) {
    %c0_i32 = arith.constant 0 : i32
    %c0_i32_0 = arith.constant 0 : i32
    %c0_i32_1 = arith.constant 0 : i32
    return %c0_i32, %c0_i32_0 : i32, i32
  }
  func.func @transform_3(%arg0: i32) -> (i32, i32) {
    %c0_i32 = arith.constant 0 : i32
    %c0_i32_0 = arith.constant 0 : i32
    return %arg0, %c0_i32 : i32, i32
  }
}

</mosaic_0001>

<sc_bundles>
// kernel: kernel.10.cloned.1.call-start
scs
__scs_entry_jumppad:
0x0: {  	(pc) =	sbr.rel $0x88, $3  }
0x1: {  	(tag) =	ssettag $0x0;
	lr =	simm.s32 $0x1  }
0x2: {  	[smem:$0x3F99] =	sst lr;
	_ =	strace $0xD0000000  }
0x3: {  	_ = 	snop  }
0x4: {  	_ = 	snop  }
0x5: {  	_ = 	snop  }
0x6: {  	_ = 	snop  }
0x7: {  	_ = 	snop  }
__scs_overlays_trampoline_lowered:
0x8: {  	[smem:$0x3FA8] =	sst s0  }
0x9: {  	[smem:$0x3FA9] =	sst s1  }
0xa: {  	[smem:$0x3FAA] =	sst s2  }
0xb: {  	[smem:$0x3FAB] =	sst s3  }
0xc: {  	[smem:$0x3FAC] =	sst s4  }
0xd: {  	[smem:$0x3FAD] =	sst s5  }
0xe: {  	[smem:$0x3FAE] =	sst s6  }
0xf: {  	[smem:$0x3FAF] =	sst s7  }
0x10: {  	[smem:$0x3FB0] =	sst s8  }
0x11: {  	[smem:$0x3FB1] =	sst s9;
	s0 =	simm.s32 @!p0 $0x0  }
0x12: {  	s1 =	sld [smem:$0x3F97];
	s0 =	simm.s32 @p0 $0x1  }
0x13: {  	[smem:$0x3FB2] =	sst s0;
	s0 =	simm.s32 @!p1 $0x0  }
0x14: {  	s2 =	sld [smem:$0x3F96];
	s0 =	simm.s32 @p1 $0x1  }
0x15: {  	[smem:$0x3FB3] =	sst s0;
	s0 =	simm.s32 @!p2 $0x0  }
0x16: {  	s3 =	sld [smem:$0x3FDB];
	s0 =	simm.s32 @p2 $0x1  }
0x17: {  	s4 =	simm.s32 $0x1BF5;
	[smem:$0x3FB5] =	sst s0  }
0x18: {  	s0 =	sld [smem:$0x3F98];
	_ =	swait.ge [sflag:s4], $0x0  }
0x19: {  	s7 =	sld [smem:$0x3F99]  }
0x1a: {  	s8 =	sadd.s32 $0xFFFFE003, lr  }
0x1b: {  	s9 =	sadd.s32 $0xFFFFFEF7, lr;
	s5 =	simm.s32 $0xFFFFFFFF;
	p2 =	slt.u32 s8, $0xFFFFF086  }
0x1c: {  	p1 =	slt.u32 s9, $0xF7A;
	s5 =	simm.s32 @!p2 $0x0  }
0x1d: {  	s5 =	simm.s32 @p1 $0x1;
	p0 =	seq.s32 s7, s2  }
0x1e: {  	s7 =	smul.u32 @!p0 $0xF7A, s2;
	p2 =	seq.s32 @!p0 s5, $0x0  }
0x1f: {  	s9 =	smul.u32 $0xF7A, s1;
	s8 =	simm.s32 @!p0 $0x1BF5;
	p2 =	por !p2, p0  }
0x20: {  	[sflag:s8] =	ssyncset.s32 @!p0 $0xFFFFF086;
	s6 =	sadd.s32 @!p0 s3, s7;
	s7 =	simm.s32 @!p0 $0x108  }
0x21: {  	s3 =	sadd.s32 s3, s9;
	s6 =	sadd.s32 @!p0 $0x88, s6;
	s7 =	simm.s32 @p2 $0x1082  }
0x22: {  	[simem:s7], [sflag:s8] =	dma.local @!p0 [hbm:s6], $0xF7A  }
0x23: {  	s9 =	sor.u32 $0xD0000000, s2;
	s6 =	simm.s32 $0x108;
	_ =	swait.ge @!p0 [sflag:s8], $0x0  }
0x24: {  	s3 =	sadd.s32 $0x88, s3;
	s6 =	simm.s32 @!p1 $0x1082;
	[sflag:s4] =	ssyncset.s32 $0xFFFFF086  }
0x25: {  	[simem:s6], [sflag:s4] =	dma.local [hbm:s3], $0xF7A  }
0x26: {  	[smem:$0x3F99] =	sst s1;
	(tag) =	ssettag s2;
	_ =	strace s9  }
0x27: {  	s1 =	sld [smem:$0x3FA9]  }
0x28: {  	s2 =	sld [smem:$0x3FAA]  }
0x29: {  	s4 =	sld [smem:$0x3FAC]  }
0x2a: {  	p0 =	seq.s32 s5, $0x0;
	s5 =	sld [smem:$0x3FAD]  }
0x2b: {  	s6 =	sld [smem:$0x3FAE]  }
0x2c: {  	s7 =	sld [smem:$0x3FAF]  }
0x2d: {  	s3 =	simm.s32 $0x108;
	s8 =	sld [smem:$0x3FB0]  }
0x2e: {  	s3 =	simm.s32 @!p0 $0x1082;
	s9 =	sld [smem:$0x3FB1]  }
0x2f: {  	lr =	sadd.s32 s0, s3;
	s0 =	sld [smem:$0x3FA8]  }
0x30: {  	s3 =	sld [smem:$0x3FAB]  }
0x31: {  	[smem:$0x3FB4] =	sst s10  }
0x32: {  	s10 =	sld [smem:$0x3FB2];
	_ =	sdelay $0x3  }
0x33: {  	p0 =	seq.s32 s10, $0x1;
	s10 =	sld [smem:$0x3FB4];
	_ =	sdelay $0x3  }
0x34: {  	[smem:$0x3FB4] =	sst s10  }
0x35: {  	s10 =	sld [smem:$0x3FB3];
	_ =	sdelay $0x3  }
0x36: {  	p1 =	seq.s32 s10, $0x1;
	s10 =	sld [smem:$0x3FB4];
	_ =	sdelay $0x3  }
0x37: {  	[smem:$0x3FB4] =	sst s10  }
0x38: {  	s10 =	sld [smem:$0x3FB5]  }
0x39: {  	_ = 	snop;
	(pc) =	sbr.ind lr, $3  }
0x3a: {  	_ = 	snop  }
0x3b: {  	_ = 	snop  }
0x3c: {  	p2 =	seq.s32 s10, $0x1;
	s10 =	sld [smem:$0x3FB4]  }
0x3d: {  	_ =	shalt  }
0x3e: {  	_ =	shalt  }
0x3f: {  	_ =	shalt  }
0x40: {  	_ =	shalt  }
0x41: {  	_ =	shalt  }
0x42: {  	_ =	shalt  }
0x43: {  	_ =	shalt  }
0x44: {  	_ =	shalt  }
0x45: {  	_ =	shalt  }
0x46: {  	_ =	shalt  }
0x47: {  	_ =	shalt  }
0x48: {  	_ =	shalt  }
0x49: {  	_ =	shalt  }
0x4a: {  	_ =	shalt  }
0x4b: {  	_ =	shalt  }
0x4c: {  	_ =	shalt  }
0x4d: {  	_ =	shalt  }
0x4e: {  	_ =	shalt  }
0x4f: {  	_ =	shalt  }
0x50: {  	_ =	shalt  }
0x51: {  	_ =	shalt  }
0x52: {  	_ =	shalt  }
0x53: {  	_ =	shalt  }
0x54: {  	_ =	shalt  }
0x55: {  	_ =	shalt  }
0x56: {  	_ =	shalt  }
0x57: {  	_ =	shalt  }
0x58: {  	_ =	shalt  }
0x59: {  	_ =	shalt  }
0x5a: {  	_ =	shalt  }
0x5b: {  	_ =	shalt  }
0x5c: {  	_ =	shalt  }
0x5d: {  	_ =	shalt  }
0x5e: {  	_ =	shalt  }
0x5f: {  	_ =	shalt  }
0x60: {  	_ =	shalt  }
0x61: {  	_ =	shalt  }
0x62: {  	_ =	shalt  }
0x63: {  	_ =	shalt  }
0x64: {  	_ =	shalt  }
0x65: {  	_ =	shalt  }
0x66: {  	_ =	shalt  }
0x67: {  	_ =	shalt  }
0x68: {  	_ =	shalt  }
0x69: {  	_ =	shalt  }
0x6a: {  	_ =	shalt  }
0x6b: {  	_ =	shalt  }
0x6c: {  	_ =	shalt  }
0x6d: {  	_ =	shalt  }
0x6e: {  	_ =	shalt  }
0x6f: {  	_ =	shalt  }
0x70: {  	_ =	shalt  }
0x71: {  	_ =	shalt  }
0x72: {  	_ =	shalt  }
0x73: {  	_ =	shalt  }
0x74: {  	_ =	shalt  }
0x75: {  	_ =	shalt  }
0x76: {  	_ =	shalt  }
0x77: {  	_ =	shalt  }
0x78: {  	_ =	shalt  }
0x79: {  	_ =	shalt  }
0x7a: {  	_ =	shalt  }
0x7b: {  	_ =	shalt  }
0x7c: {  	_ =	shalt  }
0x7d: {  	_ =	shalt  }
0x7e: {  	_ =	shalt  }
0x7f: {  	_ =	shalt  }
0x80: {  	_ =	shalt  }
0x81: {  	_ =	shalt  }
0x82: {  	_ =	shalt  }
0x83: {  	_ =	shalt  }
0x84: {  	_ =	shalt  }
0x85: {  	_ =	shalt  }
0x86: {  	_ =	shalt  }
0x87: {  	_ =	shalt  }
.Lfunc_end0:
.L_simem_size_0:
called_computation_lowered:
.L_overlay_start_0:
0x88: {  	s2 =	sld [smem:$0x3FD9]  }
0x89: {  	s3 =	sld [smem:$0x3FFE];
	_ =	sdelay $0x1  }
0x8a: {  	s1 =	srdreg.scid  }
0x8b: {  	s0 =	sand.u32 $0x1, s1  }
0x8c: {  	s17 =	sshll.u32 s0, $0xA;
	s2 =	sadd.s32 s3, s2  }
0x8d: {  	s2 =	sadd.s32 s2, s17  }
0x8e: {  	[smem:$0x3FC0] =	sst s2  }
0x8f: {  	_ = 	snop  }
0x90: {  	s2 =	sld [smem:$0x3FD0];
	(tm) =	ssettm $0x1  }
0x91: {  	s18 =	sld [smem:$0x3FFB];
	_ =	sdelay $0x3  }
0x92: {  	_ =	strace s18  }
0x93: {  	s3 =	sld [smem:$0x3FFC];
	_ =	sdelay $0x3  }
0x94: {  	_ =	strace s3  }
0x95: {  	s3 =	sld [smem:$0x3FFD];
	_ =	sdelay $0x3  }
0x96: {  	_ =	strace s3  }
0x97: {  	_ =	strace $0x8FFFFFFF  }
0x98: {  	s19 =	sld [smem:$0x3FDB];
	_ =	sdelay $0x1  }
0x99: {  	s4 =	simm.s32 $_scs_section_size  }
0x9a: {  	s5 =	simm.s32 $_size__tile_overlayer_lowered;
	s6 =	simm.s32 $_tile_overlayer_lowered  }
0x9b: {  	s22 =	simm.s32 $0x1BFF;
	s21 =	sshll.u32 s6, $0x1;
	s3 =	sadd.s32 s4, s19  }
0x9c: {  	s7 =	simm.s32 $0x0;
	s20 =	sshll.u32 s5, $0x1;
	s5 =	sadd.s32 s21, s3  }
0x9d: {  	[timem:s7], [sflag:s22] =	dma.local [hbm:s5], s20  }
0x9e: {  	_ =	swait.ge [sflag:s22], s20  }
0x9f: {  	s4 =	ssub.s32 $0x0, s20;
	[sflag:s22] =	ssyncset.done $0x0  }
0xa0: {  	[sflag:s22] =	ssyncadd.s32 s4;
	_ =	sdelay $0x1  }
0xa1: {  	s23 =	simm.s32 $0x1B8B  }
0xa2: {  	_ =	swait.ge [sflag:s23], $0x1  }
0xa3: {  	[sflag:s23] =	ssyncset.done $0x0  }
0xa4: {  	s25 =	simm.s32 $0x1B8E;
	s24 =	sld [smem:$0x3FFE];
	[sflag:s23] =	ssyncadd.s32 $0xFFFFFFFF  }
0xa5: {  	s26 =	simm.s32 $execute0_lowered;
	[smem:$0x3FD2] =	sst s25  }
0xa6: {  	s5 =	sshll.u32 s26, $0x1;
	_ =	strace $0x80000046;
	[dreg:$0x1] =	wrdreg $0xFFFFFFFF  }
0xa7: {  	s28 =	simm.s32 $_size_execute0_lowered;
	s3 =	sadd.s32 s3, s5;
	[dreg:$0x0] =	wrdreg $0x0  }
0xa8: {  	s5 =	sshll.u32 s28, $0x1;
	[dreg:$0x2] =	wrdreg s3  }
0xa9: {  	[dreg:$0x3] =	wrdreg s5  }
0xaa: {  	[dreg:$0x4] =	wrdreg $0xC0  }
0xab: {  	_ =	task [dreg:s7], $0x5FFFF  }
0xac: {  	[dreg:$0x1] =	wrdreg $0xFFFFFFFF  }
0xad: {  	[dreg:$0x0] =	wrdreg $0x60  }
0xae: {  	[dreg:$0x2] =	wrdreg s2  }
0xaf: {  	[dreg:$0x3] =	wrdreg s24  }
0xb0: {  	[dreg:$0x4] =	wrdreg $0x6C000  }
0xb1: {  	[dreg:$0x5] =	wrdreg $0x9  }
0xb2: {  	_ =	task.clear_ibuf [dreg:s7], $0x6FFFF;
	_ =	strace $0x90000046  }
0xb3: {  	s29 =	simm.s32 $0x9;
	_ =	strace $0x80000048  }
0xb4: {  	_ =	swait.ge [sflag:s29], $0x1  }
0xb5: {  	[sflag:s29] =	ssyncadd.s32 $0xFFFFFFFF  }
0xb6: {  	_ =	strace $0x90000048  }
0xb7: {  	_ =	sfence  }
0xb8: {  	s30 =	sld [smem:$0x0];
	_ =	sdelay $0x2  }
0xb9: {  	s31 =	sshll.u32 s1, $0xD;
	s1 =	sshrl.u32 s1, $0x2  }
0xba: {  	s3 =	sand.u32 $0x4000, s31;
	s1 =	sadd.s32 s1, s30  }
0xbb: {  	s0 =	sor.u32 s3, s0;
	s1 =	sshll.u32 s1, $0x11  }
0xbc: {  	s0 =	sor.u32 s1, s0  }
0xbd: {  	s0 =	sadd.s32 $0x8F2B, s0  }
0xbe: {  	[sflag:s0] =	ssyncadd.remote.s32 $0x1  }
0xbf: {  	_ =	sfence.sel $0xFFFF  }
0xc0: {  	[dreg:$0x0] =	wrdreg $0xFFFFFFFF;
	(pc) =	sbr.abs _section_cstart, $3  }
0xc1: {  	[dreg:$0x1] =	wrdreg $0xFFFFFFFF  }
0xc2: {  	_ =	task.clear_ibuf [dreg:s7], $0x2FFFF;
	_ =	strace $0x9FFFFFFF  }
0xc3: {  	(tm) =	ssettm $0x7FFFFFFF  }
tec
execute0_lowered:
.L_overlay_start_1:
0x0: {  	(tag) =	ssettag $0x1  }
0x1: {  	s5 =	rddreg [dreg:$0x0]  }
0x2: {  	s6 =	rddreg [dreg:$0x1]  }
0x3: {  	s2 =	rddreg [dreg:$0x2]  }
0x4: {  	s0 =	stileid.u32;
	s4 =	srdreg.scid  }
0x5: {  	s1 =	rddreg [dreg:$0x3];
	s3 =	simm.s32 $0x0;
	s13 =	simm.s32 $0x80  }
0x6: {  	s14 =	simm.s32 $0x0;
	s7 =	smul.u32 $0x13C00, s0;
	s8 =	sand.u32 $0x1, s4  }
0x7: {  	[smem:$0x7FF] =	sst s3;
	s4 =	sadd.s32 $0x2AA00, s6;
	s11 =	smul.u32 $0x4F000, s0  }
0x8: {  	s31 =	sshll.u32 s0, $0x6;
	s9 =	smul.u32 $0x13C000, s8;
	_ =	strace $0x80000047  }
0x9: {  	s28 =	sshll.u32 s8, $0x4;
	s8 =	ssub.s32 $0x2, s8;
	s26 =	sshrl.u32 s7, $0x3  }
0xa: {  	s12 =	sshrl.u32 s8, $0x1;
	s29 =	sshrl.u32 s11, $0x2;
	s11 =	sor.u32 $0x1C01, s31  }
0xb: {  	s10 =	sadd.s32 s26, s6;
	s7 =	sadd.s32 s7, s9;
	s9 =	sor.u32 s0, s28  }
0xc: {  	s8 =	ssub.s32 s8, s12;
	s30 =	sadd.s32 s29, s2;
	s7 =	sshrl.u32 s7, $0x3  }
0xd: {  	s9 =	smul.u32 $0x580, s9;
	s8 =	smax.u32 s8, $0x1;
	s12 =	sshrl.u32 s30, $0x3  }
0xe: {  	s7 =	sadd.s32 s7, s6;
	s6 =	sadd.s32 $0x3200, s10;
	s10 =	simm.s32 $0x2C00  }
0xf: {  	s5 =	sadd.s32 s5, s9;
	s7 =	sadd.s32 $0x2B200, s7;
	s9 =	simm.s32 $0x1  }
.LBB2_1:
0x10: {  	[tilespmem:s3], [sflag:$0x1] =	stream.linear.gather [hbm4b:s5+s3], $0x2900, $0x38;
	[tilespmem:$0x9380] =	vst v63  }
0x11: {  	_ =	swait.ge [sflag:s9], $0x2900  }
0x12: {  	[sflag:s9] =	ssyncset.done $0x0  }
0x13: {  	[sflag:s9] =	ssyncadd.s32 $0xFFFFD700  }
0x14: {  	[tilespmem:s10], [sflag:$0x1] =	stream.linear.gather [hbm4b:s4+s3], $0x4000, $0x38;
	[tilespmem:$0x9380] =	vst v63  }
0x15: {  	_ =	swait.ge [sflag:s9], $0x4000  }
0x16: {  	[sflag:s9] =	ssyncset.done $0x0  }
0x17: {  	[sflag:s9] =	ssyncadd.s32 $0xFFFFC000  }
0x18: {  	[spmem:s12], [sflag:s11] =	dma.local [hbm:s6], $0x2780  }
0x19: {  	_ =	swait.ge [sflag:s9], $0x2780  }
0x1a: {  	[sflag:s9] =	ssyncset.done $0x0  }
0x1b: {  	[sflag:s9] =	ssyncadd.s32 $0xFFFFD880  }
0x1c: {  	s15 =	simm.s32 $0x0;
	[bflag:$0x0] =	sbarrier.arrive $0xFFFF  }
0x1d: {  	[spmem:s2] =	stream.indirect.scatter.add.f32 [tilespmem:s10], [sflag:$0x1], $0x10, s15, s13, $0xb8;
	[tilespmem:$0x9380] =	vst v63  }
0x1e: {  	_ =	swait.ge [sflag:s9], $0x800  }
0x1f: {  	s15 =	simm.s32 $0x200;
	[sflag:s9] =	ssyncset.done $0x0  }
.LBB2_2:
0x20: {  	s16 =	sshra.s32 s15, $0x2;
	[sflag:s9] =	ssyncadd.s32 $0xFFFFF800;
	p0 =	sne.s32 s15, $0xA200  }
0x21: {  	[spmem:s2] =	stream.indirect.scatter.add.f32 [tilespmem:s10], [sflag:$0x1], $0x10, s16, s13, $0xb8;
	[tilespmem:$0x9380] =	vst v63  }
.Ltmp0:
0x22: {  	_ = 	snop;
	(pc) =	sbr.rel @p0 .LBB2_2-.Ltmp0, $4  }
0x23: {  	_ = 	snop  }
0x24: {  	s15 =	sadd.s32 $0x200, s15  }
0x25: {  	_ =	swait.ge [sflag:s9], $0x800  }
0x26: {  	[sflag:s9] =	ssyncset.done $0x0  }
0x27: {  	s14 =	sadd.s32 $0x1, s14  }
0x28: {  	[sflag:s9] =	ssyncadd.s32 $0xFFFFF800;
	p0 =	sne.s32 s14, s8  }
.Ltmp1:
0x29: {  	[bflag:$0x0] =	sbarrier.arrive $0xFFFF;
	(pc) =	sbr.rel @p0 .LBB2_1-.Ltmp1, $4  }
0x2a: {  	[hbm:s7], [sflag:s11] =	dma.local [spmem:s12], $0x2780  }
0x2b: {  	_ =	swait.ge [sflag:s9], $0x2780  }
0x2c: {  	[sflag:s9] =	ssyncset.done $0x0  }
0x2d: {  	[sflag:s9] =	ssyncadd.s32 $0xFFFFD880  }
0x2e: {  	_ =	sfence.sel $0x180000  }
0x2f: {  	[bflag:$0x0] =	sbarrier.arrive $0xFFFF  }
0x30: {  	p0 =	sne.s32 s0, $0x0;
	_ =	strace $0x90000047  }
0x31: {  	s0 =	sadd.s32 @!p0 $0x100000, s1;
	[bflag:$0x2] =	sbarrier.arrive $0xFFFF  }
0x32: {  	[sflag:s0] =	ssyncadd.tile.s32 @!p0 $0x1;
	_ =	shalt  }
.Lfunc_end2:
_tile_overlayer_lowered:
.L_overlay_start_2:
0x33: {  	(tag) =	ssettag $0x2  }
0x34: {  	s0 =	rddreg [dreg:$0x0];
	s2 =	stileid.u32  }
0x35: {  	s1 =	rddreg [dreg:$0x1];
	p0 =	sne.s32 s2, $0x0  }
0x36: {  	s3 =	rddreg [dreg:$0x2];
	[bflag:$0x3] =	sbarrier.arrive $0xFFFF;
	s2 =	simm.s32 @!p0 $0x1C01  }
0x37: {  	[timem:s3], [sflag:s2] =	dma.local @!p0 [hbm:s0], s1  }
0x38: {  	s0 =	simm.s32 @!p0 $0x1  }
0x39: {  	_ =	swait.ge @!p0 [sflag:s0], s1  }
0x3a: {  	s1 =	ssub.s32 @!p0 $0x0, s1;
	[sflag:s0] =	ssyncset.done @!p0 $0x0  }
0x3b: {  	[sflag:s0] =	ssyncadd.s32 @!p0 s1  }
0x3c: {  	[bflag:$0x3] =	sbarrier.arrive $0xFFFF  }
0x3d: {  	_ =	shalt  }

// kernel: kernel.13.cloned.1.call-start
scs
__scs_entry_jumppad:
0x0: {  	(pc) =	sbr.rel $0x88, $3  }
0x1: {  	(tag) =	ssettag $0x0;
	lr =	simm.s32 $0x1  }
0x2: {  	[smem:$0x3F99] =	sst lr;
	_ =	strace $0xD0000000  }
0x3: {  	_ = 	snop  }
0x4: {  	_ = 	snop  }
0x5: {  	_ = 	snop  }
0x6: {  	_ = 	snop  }
0x7: {  	_ = 	snop  }
__scs_overlays_trampoline_lowered:
0x8: {  	[smem:$0x3FA8] =	sst s0  }
0x9: {  	[smem:$0x3FA9] =	sst s1  }
0xa: {  	[smem:$0x3FAA] =	sst s2  }
0xb: {  	[smem:$0x3FAB] =	sst s3  }
0xc: {  	[smem:$0x3FAC] =	sst s4  }
0xd: {  	[smem:$0x3FAD] =	sst s5  }
0xe: {  	[smem:$0x3FAE] =	sst s6  }
0xf: {  	[smem:$0x3FAF] =	sst s7  }
0x10: {  	[smem:$0x3FB0] =	sst s8  }
0x11: {  	[smem:$0x3FB1] =	sst s9;
	s0 =	simm.s32 @!p0 $0x0  }
0x12: {  	s1 =	sld [smem:$0x3F97];
	s0 =	simm.s32 @p0 $0x1  }
0x13: {  	[smem:$0x3FB2] =	sst s0;
	s0 =	simm.s32 @!p1 $0x0  }
0x14: {  	s2 =	sld [smem:$0x3F96];
	s0 =	simm.s32 @p1 $0x1  }
0x15: {  	[smem:$0x3FB3] =	sst s0;
	s0 =	simm.s32 @!p2 $0x0  }
0x16: {  	s3 =	sld [smem:$0x3FDB];
	s0 =	simm.s32 @p2 $0x1  }
0x17: {  	s4 =	simm.s32 $0x1BF5;
	[smem:$0x3FB5] =	sst s0  }
0x18: {  	s0 =	sld [smem:$0x3F98];
	_ =	swait.ge [sflag:s4], $0x0  }
0x19: {  	s7 =	sld [smem:$0x3F99]  }
0x1a: {  	s8 =	sadd.s32 $0xFFFFE003, lr  }
0x1b: {  	s9 =	sadd.s32 $0xFFFFFEF7, lr;
	s5 =	simm.s32 $0xFFFFFFFF;
	p2 =	slt.u32 s8, $0xFFFFF086  }
0x1c: {  	p1 =	slt.u32 s9, $0xF7A;
	s5 =	simm.s32 @!p2 $0x0  }
0x1d: {  	s5 =	simm.s32 @p1 $0x1;
	p0 =	seq.s32 s7, s2  }
0x1e: {  	s7 =	smul.u32 @!p0 $0xF7A, s2;
	p2 =	seq.s32 @!p0 s5, $0x0  }
0x1f: {  	s9 =	smul.u32 $0xF7A, s1;
	s8 =	simm.s32 @!p0 $0x1BF5;
	p2 =	por !p2, p0  }
0x20: {  	[sflag:s8] =	ssyncset.s32 @!p0 $0xFFFFF086;
	s6 =	sadd.s32 @!p0 s3, s7;
	s7 =	simm.s32 @!p0 $0x108  }
0x21: {  	s3 =	sadd.s32 s3, s9;
	s6 =	sadd.s32 @!p0 $0x88, s6;
	s7 =	simm.s32 @p2 $0x1082  }
0x22: {  	[simem:s7], [sflag:s8] =	dma.local @!p0 [hbm:s6], $0xF7A  }
0x23: {  	s9 =	sor.u32 $0xD0000000, s2;
	s6 =	simm.s32 $0x108;
	_ =	swait.ge @!p0 [sflag:s8], $0x0  }
0x24: {  	s3 =	sadd.s32 $0x88, s3;
	s6 =	simm.s32 @!p1 $0x1082;
	[sflag:s4] =	ssyncset.s32 $0xFFFFF086  }
0x25: {  	[simem:s6], [sflag:s4] =	dma.local [hbm:s3], $0xF7A  }
0x26: {  	[smem:$0x3F99] =	sst s1;
	(tag) =	ssettag s2;
	_ =	strace s9  }
0x27: {  	s1 =	sld [smem:$0x3FA9]  }
0x28: {  	s2 =	sld [smem:$0x3FAA]  }
0x29: {  	s4 =	sld [smem:$0x3FAC]  }
0x2a: {  	p0 =	seq.s32 s5, $0x0;
	s5 =	sld [smem:$0x3FAD]  }
0x2b: {  	s6 =	sld [smem:$0x3FAE]  }
0x2c: {  	s7 =	sld [smem:$0x3FAF]  }
0x2d: {  	s3 =	simm.s32 $0x108;
	s8 =	sld [smem:$0x3FB0]  }
0x2e: {  	s3 =	simm.s32 @!p0 $0x1082;
	s9 =	sld [smem:$0x3FB1]  }
0x2f: {  	lr =	sadd.s32 s0, s3;
	s0 =	sld [smem:$0x3FA8]  }
0x30: {  	s3 =	sld [smem:$0x3FAB]  }
0x31: {  	[smem:$0x3FB4] =	sst s10  }
0x32: {  	s10 =	sld [smem:$0x3FB2];
	_ =	sdelay $0x3  }
0x33: {  	p0 =	seq.s32 s10, $0x1;
	s10 =	sld [smem:$0x3FB4];
	_ =	sdelay $0x3  }
0x34: {  	[smem:$0x3FB4] =	sst s10  }
0x35: {  	s10 =	sld [smem:$0x3FB3];
	_ =	sdelay $0x3  }
0x36: {  	p1 =	seq.s32 s10, $0x1;
	s10 =	sld [smem:$0x3FB4];
	_ =	sdelay $0x3  }
0x37: {  	[smem:$0x3FB4] =	sst s10  }
0x38: {  	s10 =	sld [smem:$0x3FB5]  }
0x39: {  	_ = 	snop;
	(pc) =	sbr.ind lr, $3  }
0x3a: {  	_ = 	snop  }
0x3b: {  	_ = 	snop  }
0x3c: {  	p2 =	seq.s32 s10, $0x1;
	s10 =	sld [smem:$0x3FB4]  }
0x3d: {  	_ =	shalt  }
0x3e: {  	_ =	shalt  }
0x3f: {  	_ =	shalt  }
0x40: {  	_ =	shalt  }
0x41: {  	_ =	shalt  }
0x42: {  	_ =	shalt  }
0x43: {  	_ =	shalt  }
0x44: {  	_ =	shalt  }
0x45: {  	_ =	shalt  }
0x46: {  	_ =	shalt  }
0x47: {  	_ =	shalt  }
0x48: {  	_ =	shalt  }
0x49: {  	_ =	shalt  }
0x4a: {  	_ =	shalt  }
0x4b: {  	_ =	shalt  }
0x4c: {  	_ =	shalt  }
0x4d: {  	_ =	shalt  }
0x4e: {  	_ =	shalt  }
0x4f: {  	_ =	shalt  }
0x50: {  	_ =	shalt  }
0x51: {  	_ =	shalt  }
0x52: {  	_ =	shalt  }
0x53: {  	_ =	shalt  }
0x54: {  	_ =	shalt  }
0x55: {  	_ =	shalt  }
0x56: {  	_ =	shalt  }
0x57: {  	_ =	shalt  }
0x58: {  	_ =	shalt  }
0x59: {  	_ =	shalt  }
0x5a: {  	_ =	shalt  }
0x5b: {  	_ =	shalt  }
0x5c: {  	_ =	shalt  }
0x5d: {  	_ =	shalt  }
0x5e: {  	_ =	shalt  }
0x5f: {  	_ =	shalt  }
0x60: {  	_ =	shalt  }
0x61: {  	_ =	shalt  }
0x62: {  	_ =	shalt  }
0x63: {  	_ =	shalt  }
0x64: {  	_ =	shalt  }
0x65: {  	_ =	shalt  }
0x66: {  	_ =	shalt  }
0x67: {  	_ =	shalt  }
0x68: {  	_ =	shalt  }
0x69: {  	_ =	shalt  }
0x6a: {  	_ =	shalt  }
0x6b: {  	_ =	shalt  }
0x6c: {  	_ =	shalt  }
0x6d: {  	_ =	shalt  }
0x6e: {  	_ =	shalt  }
0x6f: {  	_ =	shalt  }
0x70: {  	_ =	shalt  }
0x71: {  	_ =	shalt  }
0x72: {  	_ =	shalt  }
0x73: {  	_ =	shalt  }
0x74: {  	_ =	shalt  }
0x75: {  	_ =	shalt  }
0x76: {  	_ =	shalt  }
0x77: {  	_ =	shalt  }
0x78: {  	_ =	shalt  }
0x79: {  	_ =	shalt  }
0x7a: {  	_ =	shalt  }
0x7b: {  	_ =	shalt  }
0x7c: {  	_ =	shalt  }
0x7d: {  	_ =	shalt  }
0x7e: {  	_ =	shalt  }
0x7f: {  	_ =	shalt  }
0x80: {  	_ =	shalt  }
0x81: {  	_ =	shalt  }
0x82: {  	_ =	shalt  }
0x83: {  	_ =	shalt  }
0x84: {  	_ =	shalt  }
0x85: {  	_ =	shalt  }
0x86: {  	_ =	shalt  }
0x87: {  	_ =	shalt  }
.Lfunc_end0:
.L_simem_size_0:
called_computation.1_lowered:
.L_overlay_start_0:
0x88: {  	s2 =	sld [smem:$0x3FD9]  }
0x89: {  	s3 =	sld [smem:$0x3FFE];
	_ =	sdelay $0x1  }
0x8a: {  	s1 =	srdreg.scid  }
0x8b: {  	s0 =	sand.u32 $0x1, s1  }
0x8c: {  	s16 =	sshll.u32 s0, $0xA;
	s2 =	sadd.s32 s3, s2  }
0x8d: {  	s2 =	sadd.s32 s2, s16  }
0x8e: {  	[smem:$0x3FC0] =	sst s2  }
0x8f: {  	_ = 	snop  }
0x90: {  	(tm) =	ssettm $0x1  }
0x91: {  	s17 =	sld [smem:$0x3FFB];
	_ =	sdelay $0x3  }
0x92: {  	_ =	strace s17  }
0x93: {  	s2 =	sld [smem:$0x3FFC];
	_ =	sdelay $0x3  }
0x94: {  	_ =	strace s2  }
0x95: {  	s2 =	sld [smem:$0x3FFD];
	_ =	sdelay $0x3  }
0x96: {  	_ =	strace s2  }
0x97: {  	_ =	strace $0x8FFFFFFF  }
0x98: {  	s18 =	sld [smem:$0x3FDB];
	_ =	sdelay $0x1  }
0x99: {  	s19 =	simm.s32 $_scs_section_size  }
0x9a: {  	s4 =	simm.s32 $_size__tile_overlayer_lowered;
	s5 =	simm.s32 $_tile_overlayer_lowered  }
0x9b: {  	s22 =	simm.s32 $0x1BFF;
	s21 =	sshll.u32 s5, $0x1;
	s2 =	sadd.s32 s19, s18  }
0x9c: {  	s6 =	simm.s32 $0x0;
	s20 =	sshll.u32 s4, $0x1;
	s4 =	sadd.s32 s21, s2  }
0x9d: {  	[timem:s6], [sflag:s22] =	dma.local [hbm:s4], s20  }
0x9e: {  	_ =	swait.ge [sflag:s22], s20  }
0x9f: {  	s3 =	ssub.s32 $0x0, s20;
	[sflag:s22] =	ssyncset.done $0x0  }
0xa0: {  	[sflag:s22] =	ssyncadd.s32 s3;
	_ =	sdelay $0x1  }
0xa1: {  	s23 =	simm.s32 $0x1B8B  }
0xa2: {  	_ =	swait.ge [sflag:s23], $0x1  }
0xa3: {  	[sflag:s23] =	ssyncset.done $0x0  }
0xa4: {  	s25 =	simm.s32 $0x1B8E;
	s24 =	sld [smem:$0x3FFE];
	[sflag:s23] =	ssyncadd.s32 $0xFFFFFFFF  }
0xa5: {  	s26 =	simm.s32 $execute0_lowered;
	[smem:$0x3FD2] =	sst s25  }
0xa6: {  	s4 =	sshll.u32 s26, $0x1;
	_ =	strace $0x80000049;
	[dreg:$0x1] =	wrdreg $0xFFFFFFFF  }
0xa7: {  	s28 =	simm.s32 $_size_execute0_lowered;
	s2 =	sadd.s32 s2, s4;
	[dreg:$0x0] =	wrdreg $0x0  }
0xa8: {  	s4 =	sshll.u32 s28, $0x1;
	[dreg:$0x2] =	wrdreg s2  }
0xa9: {  	[dreg:$0x3] =	wrdreg s4  }
0xaa: {  	[dreg:$0x4] =	wrdreg $0xC0  }
0xab: {  	_ =	task [dreg:s6], $0x5FFFF  }
0xac: {  	[dreg:$0x1] =	wrdreg $0xFFFFFFFF  }
0xad: {  	[dreg:$0x0] =	wrdreg $0x60  }
0xae: {  	[dreg:$0x2] =	wrdreg s24  }
0xaf: {  	[dreg:$0x3] =	wrdreg $0xAE000  }
0xb0: {  	[dreg:$0x4] =	wrdreg $0x9  }
0xb1: {  	_ =	task.clear_ibuf [dreg:s6], $0x5FFFF;
	_ =	strace $0x90000049  }
0xb2: {  	s29 =	simm.s32 $0x9;
	_ =	strace $0x8000004B  }
0xb3: {  	_ =	swait.ge [sflag:s29], $0x1  }
0xb4: {  	[sflag:s29] =	ssyncadd.s32 $0xFFFFFFFF  }
0xb5: {  	_ =	strace $0x9000004B  }
0xb6: {  	_ =	sfence  }
0xb7: {  	s30 =	sld [smem:$0x0];
	_ =	sdelay $0x2  }
0xb8: {  	s31 =	sshll.u32 s1, $0xD;
	s1 =	sshrl.u32 s1, $0x2  }
0xb9: {  	s3 =	sand.u32 $0x4000, s31;
	s1 =	sadd.s32 s1, s30  }
0xba: {  	s0 =	sor.u32 s3, s0;
	s1 =	sshll.u32 s1, $0x11  }
0xbb: {  	s0 =	sor.u32 s1, s0  }
0xbc: {  	s0 =	sadd.s32 $0x8F2B, s0  }
0xbd: {  	[sflag:s0] =	ssyncadd.remote.s32 $0x1  }
0xbe: {  	_ =	sfence.sel $0xFFFF  }
0xbf: {  	[dreg:$0x0] =	wrdreg $0xFFFFFFFF;
	(pc) =	sbr.abs _section_cstart, $3  }
0xc0: {  	[dreg:$0x1] =	wrdreg $0xFFFFFFFF  }
0xc1: {  	_ =	task.clear_ibuf [dreg:s6], $0x2FFFF;
	_ =	strace $0x9FFFFFFF  }
0xc2: {  	(tm) =	ssettm $0x7FFFFFFF  }
0xc3: {  	_ =	shalt  }
tec
execute0_lowered:
.L_overlay_start_1:
0x0: {  	(tag) =	ssettag $0x1  }
0x1: {  	s6 =	rddreg [dreg:$0x0]  }
0x2: {  	s0 =	srdreg.scid;
	s2 =	rddreg [dreg:$0x1]  }
0x3: {  	s3 =	simm.s32 $0x0;
	s13 =	simm.s32 $0x2C00;
	s14 =	simm.s32 $0x2E00  }
0x4: {  	s15 =	simm.s32 $0x2C80;
	s16 =	simm.s32 $0x6E00;
	s17 =	simm.s32 $0x1  }
0x5: {  	s18 =	simm.s32 $0x2D00;
	s19 =	simm.s32 $0x2;
	s20 =	simm.s32 $0x2D80  }
0x6: {  	s21 =	simm.s32 $0x0;
	s5 =	sand.u32 $0x1, s0;
	s0 =	stileid.u32  }
0x7: {  	[smem:$0x7FF] =	sst s3;
	s4 =	sadd.s32 $0x3200, s6;
	s8 =	smul.u32 $0x13C00, s0  }
0x8: {  	s1 =	sshll.u32 s5, $0x4;
	s9 =	smul.u32 $0x13C000, s5;
	s5 =	ssub.s32 $0x2, s5  }
0x9: {  	s28 =	smul.u32 $0x4F000, s0;
	s31 =	sshll.u32 s0, $0x6;
	s1 =	sor.u32 s0, s1  }
0xa: {  	s29 =	sshrl.u32 s5, $0x1;
	s7 =	smul.u32 $0x580, s1;
	s1 =	rddreg [dreg:$0x2]  }
0xb: {  	_ =	strace $0x8000004A;
	s10 =	sshrl.u32 s8, $0x3;
	s8 =	sadd.s32 s8, s9  }
0xc: {  	s11 =	ssub.s32 s5, s29;
	s30 =	sshrl.u32 s28, $0x2;
	s9 =	simm.s32 $0x3  }
0xd: {  	s8 =	sshrl.u32 s8, $0x3;
	s10 =	sadd.s32 s10, s6;
	s12 =	sadd.s32 s30, s2  }
0xe: {  	s7 =	sadd.s32 s7, s6;
	s8 =	sadd.s32 s8, s6;
	s6 =	sadd.s32 $0x2A400, s10  }
0xf: {  	s10 =	sor.u32 $0x1C03, s31;
	s5 =	sadd.s32 $0x7A200, s7;
	s7 =	sadd.s32 $0x85200, s8  }
0x10: {  	s8 =	smax.u32 s11, $0x1;
	s11 =	sshrl.u32 s12, $0x3;
	s12 =	simm.s32 $0x80  }
.LBB2_1:
0x11: {  	[tilespmem:s3], [sflag:$0x3] =	stream.linear.gather [hbm4b:s5+s3], $0x2900, $0x38;
	[tilespmem:$0x1EA00] =	vst v63  }
0x12: {  	_ =	swait.ge [sflag:s9], $0x2900  }
0x13: {  	[sflag:s9] =	ssyncset.done $0x0  }
0x14: {  	[sflag:s9] =	ssyncadd.s32 $0xFFFFD700  }
0x15: {  	[spmem:s11], [sflag:s10] =	dma.local [hbm:s6], $0x2780  }
0x16: {  	_ =	swait.ge [sflag:s9], $0x2780  }
0x17: {  	[sflag:s9] =	ssyncset.done $0x0  }
0x18: {  	[sflag:s9] =	ssyncadd.s32 $0xFFFFD880  }
0x19: {  	[bflag:$0x0] =	sbarrier.arrive $0xFFFF  }
0x1a: {  	v0 =	vld [tilespmem:$0x0];
	_ =	sdelay $0x1  }
0x1b: {  	v1 =	vld [tilespmem:$0x10];
	_ =	sdelay $0x1  }
0x1c: {  	v2 =	vld [tilespmem:$0x20]  }
0x1d: {  	v3 =	vand.u32 $0xFFFF, v0  }
0x1e: {  	v0 =	vshrl.u32 v0, $0x10;
	[tilespmem:$0x2C00] =	vst v3;
	v3 =	vld [tilespmem:$0x30]  }
0x1f: {  	[tilespmem:$0x2D00] =	vst v0;
	v0 =	vand.u32 $0xFFFF, v1  }
0x20: {  	[tilespmem:$0x2C10] =	vst v0;
	v0 =	vshrl.u32 v1, $0x10;
	v1 =	vld [tilespmem:$0x40]  }
0x21: {  	[tilespmem:$0x2D10] =	vst v0;
	v0 =	vand.u32 $0xFFFF, v2  }
0x22: {  	[tilespmem:$0x2C20] =	vst v0;
	v0 =	vshrl.u32 v2, $0x10;
	v2 =	vld [tilespmem:$0x50]  }
0x23: {  	[tilespmem:$0x2D20] =	vst v0;
	v0 =	vand.u32 $0xFFFF, v3  }
0x24: {  	[tilespmem:$0x2C30] =	vst v0;
	v0 =	vshrl.u32 v3, $0x10;
	v3 =	vld [tilespmem:$0x60]  }
0x25: {  	[tilespmem:$0x2D30] =	vst v0;
	v0 =	vand.u32 $0xFFFF, v1  }
0x26: {  	[tilespmem:$0x2C40] =	vst v0;
	v0 =	vshrl.u32 v1, $0x10;
	v1 =	vld [tilespmem:$0x70]  }
0x27: {  	[tilespmem:$0x2D40] =	vst v0;
	v0 =	vand.u32 $0xFFFF, v2  }
0x28: {  	[tilespmem:$0x2C50] =	vst v0;
	v0 =	vshrl.u32 v2, $0x10  }
0x29: {  	[tilespmem:$0x2D50] =	vst v0;
	v0 =	vand.u32 $0xFFFF, v3  }
0x2a: {  	[tilespmem:$0x2C60] =	vst v0;
	v0 =	vshrl.u32 v3, $0x10  }
0x2b: {  	[tilespmem:$0x2D60] =	vst v0;
	v0 =	vand.u32 $0xFFFF, v1  }
0x2c: {  	[tilespmem:$0x2C70] =	vst v0;
	v0 =	vshrl.u32 v1, $0x10  }
0x2d: {  	s22 =	simm.s32 $0x0;
	[tilespmem:$0x2D70] =	vst v0  }
0x2e: {  	[tilespmem:s14], [sflag:$0x1] =	stream.indirect.gather [hbm4b:s4+s12], $0x80, s13, s12, $0xb8;
	[tilespmem:$0x1EA00] =	vst v63  }
0x2f: {  	v0 =	vld [tilespmem:s22+$0x80];
	_ =	sdelay $0x4  }
0x30: {  	v1 =	vand.u32 $0xFFFF, v0  }
0x31: {  	v0 =	vshrl.u32 v0, $0x10;
	[tilespmem:$0x2C80] =	vst v1  }
0x32: {  	[tilespmem:$0x2D80] =	vst v0  }
0x33: {  	v0 =	vld [tilespmem:s22+$0x90];
	_ =	sdelay $0x4  }
0x34: {  	v1 =	vand.u32 $0xFFFF, v0  }
0x35: {  	v0 =	vshrl.u32 v0, $0x10;
	[tilespmem:$0x2C90] =	vst v1  }
0x36: {  	[tilespmem:$0x2D90] =	vst v0  }
0x37: {  	v0 =	vld [tilespmem:s22+$0xA0];
	_ =	sdelay $0x4  }
0x38: {  	v1 =	vand.u32 $0xFFFF, v0  }
0x39: {  	v0 =	vshrl.u32 v0, $0x10;
	[tilespmem:$0x2CA0] =	vst v1  }
0x3a: {  	[tilespmem:$0x2DA0] =	vst v0  }
0x3b: {  	v0 =	vld [tilespmem:s22+$0xB0];
	_ =	sdelay $0x4  }
0x3c: {  	v1 =	vand.u32 $0xFFFF, v0  }
0x3d: {  	v0 =	vshrl.u32 v0, $0x10;
	[tilespmem:$0x2CB0] =	vst v1  }
0x3e: {  	[tilespmem:$0x2DB0] =	vst v0  }
0x3f: {  	v0 =	vld [tilespmem:s22+$0xC0];
	_ =	sdelay $0x4  }
0x40: {  	v1 =	vand.u32 $0xFFFF, v0  }
0x41: {  	v0 =	vshrl.u32 v0, $0x10;
	[tilespmem:$0x2CC0] =	vst v1  }
0x42: {  	[tilespmem:$0x2DC0] =	vst v0  }
0x43: {  	v0 =	vld [tilespmem:s22+$0xD0];
	_ =	sdelay $0x4  }
0x44: {  	v1 =	vand.u32 $0xFFFF, v0  }
0x45: {  	v0 =	vshrl.u32 v0, $0x10;
	[tilespmem:$0x2CD0] =	vst v1  }
0x46: {  	[tilespmem:$0x2DD0] =	vst v0  }
0x47: {  	v0 =	vld [tilespmem:s22+$0xE0];
	_ =	sdelay $0x4  }
0x48: {  	v1 =	vand.u32 $0xFFFF, v0  }
0x49: {  	v0 =	vshrl.u32 v0, $0x10;
	[tilespmem:$0x2CE0] =	vst v1  }
0x4a: {  	[tilespmem:$0x2DE0] =	vst v0  }
0x4b: {  	v0 =	vld [tilespmem:s22+$0xF0];
	_ =	sdelay $0x4  }
0x4c: {  	v1 =	vand.u32 $0xFFFF, v0  }
0x4d: {  	v0 =	vshrl.u32 v0, $0x10;
	[tilespmem:$0x2CF0] =	vst v1  }
0x4e: {  	[tilespmem:$0x2DF0] =	vst v0  }
0x4f: {  	[tilespmem:s16], [sflag:$0x2] =	stream.indirect.gather [hbm4b:s4+s12], $0x80, s15, s12, $0xb8;
	[tilespmem:$0x1EA00] =	vst v63  }
0x50: {  	_ =	swait.ge [sflag:s17], $0x4000  }
0x51: {  	[sflag:s17] =	ssyncset.done $0x0  }
0x52: {  	[sflag:s17] =	ssyncadd.s32 $0xFFFFC000  }
0x53: {  	[spmem:s2] =	stream.indirect.scatter.add.f32 [tilespmem:s14], [sflag:$0x3], $0x80, s18, s12, $0xb8;
	[tilespmem:$0x1EA00] =	vst v63  }
0x54: {  	_ =	swait.ge [sflag:s9], $0x4000  }
0x55: {  	p1 =	por $0x0, $0x0;
	[sflag:s9] =	ssyncset.done $0x0  }
0x56: {  	s23 =	simm.s32 @!p1 $0x0;
	[sflag:s9] =	ssyncadd.s32 $0xFFFFC000  }
0x57: {  	v0 =	vld @!p1 [tilespmem:s23+$0x100];
	_ =	sdelay $0x4  }
0x58: {  	v1 =	vand.u32 @!p1 $0xFFFF, v0  }
0x59: {  	v0 =	vshrl.u32 @!p1 v0, $0x10;
	[tilespmem:$0x2C00] =	vst @!p1 v1  }
0x5a: {  	[tilespmem:$0x2D00] =	vst @!p1 v0  }
0x5b: {  	v0 =	vld @!p1 [tilespmem:s23+$0x110];
	_ =	sdelay $0x4  }
0x5c: {  	v1 =	vand.u32 @!p1 $0xFFFF, v0  }
0x5d: {  	v0 =	vshrl.u32 @!p1 v0, $0x10;
	[tilespmem:$0x2C10] =	vst @!p1 v1  }
0x5e: {  	[tilespmem:$0x2D10] =	vst @!p1 v0  }
0x5f: {  	v0 =	vld @!p1 [tilespmem:s23+$0x120];
	_ =	sdelay $0x4  }
0x60: {  	v1 =	vand.u32 @!p1 $0xFFFF, v0  }
0x61: {  	v0 =	vshrl.u32 @!p1 v0, $0x10;
	[tilespmem:$0x2C20] =	vst @!p1 v1  }
0x62: {  	[tilespmem:$0x2D20] =	vst @!p1 v0  }
0x63: {  	v0 =	vld @!p1 [tilespmem:s23+$0x130];
	_ =	sdelay $0x4  }
0x64: {  	v1 =	vand.u32 @!p1 $0xFFFF, v0  }
0x65: {  	v0 =	vshrl.u32 @!p1 v0, $0x10;
	[tilespmem:$0x2C30] =	vst @!p1 v1  }
0x66: {  	[tilespmem:$0x2D30] =	vst @!p1 v0  }
0x67: {  	v0 =	vld @!p1 [tilespmem:s23+$0x140];
	_ =	sdelay $0x4  }
0x68: {  	v1 =	vand.u32 @!p1 $0xFFFF, v0  }
0x69: {  	v0 =	vshrl.u32 @!p1 v0, $0x10;
	[tilespmem:$0x2C40] =	vst @!p1 v1  }
0x6a: {  	[tilespmem:$0x2D40] =	vst @!p1 v0  }
0x6b: {  	v0 =	vld @!p1 [tilespmem:s23+$0x150];
	_ =	sdelay $0x4  }
0x6c: {  	v1 =	vand.u32 @!p1 $0xFFFF, v0  }
0x6d: {  	v0 =	vshrl.u32 @!p1 v0, $0x10;
	[tilespmem:$0x2C50] =	vst @!p1 v1  }
0x6e: {  	[tilespmem:$0x2D50] =	vst @!p1 v0  }
0x6f: {  	v0 =	vld @!p1 [tilespmem:s23+$0x160];
	_ =	sdelay $0x4  }
0x70: {  	s25 =	simm.s32 @!p1 $0x80;
	v1 =	vand.u32 @!p1 $0xFFFF, v0  }
0x71: {  	s26 =	simm.s32 @!p1 $0x2C00;
	s28 =	simm.s32 @!p1 $0x2E00;
	s22 =	simm.s32 $0x400;
	v0 =	vshrl.u32 @!p1 v0, $0x10;
	[tilespmem:$0x2C60] =	vst @!p1 v1  }
.LBB2_2:
0x72: {  	[tilespmem:$0x2D60] =	vst @!p1 v0;
	s24 =	smov.u32 s22;
	s22 =	sadd.s32 $0x400, s22  }
0x73: {  	p0 =	sne.s32 s22, $0xA400;
	v0 =	vld @!p1 [tilespmem:s23+$0x170];
	_ =	sdelay $0x4  }
0x74: {  	v1 =	vand.u32 @!p1 $0xFFFF, v0;
	v0 =	vshrl.u32 @!p1 v0, $0x10  }
0x75: {  	[tilespmem:$0x2C70] =	vst @!p1 v1  }
0x76: {  	[tilespmem:$0x2D70] =	vst @!p1 v0  }
0x77: {  	[tilespmem:s28], [sflag:$0x1] =	stream.indirect.gather @!p1 [hbm4b:s4+s25], $0x80, s26, s25, $0xb8;
	[tilespmem:$0x1EA00] =	vst v63  }
0x78: {  	_ =	swait.ge [sflag:s19], $0x4000  }
0x79: {  	[sflag:s19] =	ssyncset.done $0x0  }
0x7a: {  	[sflag:s19] =	ssyncadd.s32 $0xFFFFC000  }
0x7b: {  	[spmem:s2] =	stream.indirect.scatter.add.f32 [tilespmem:s16], [sflag:$0x3], $0x80, s20, s12, $0xb8;
	[tilespmem:$0x1EA00] =	vst v63  }
0x7c: {  	_ =	swait.ge [sflag:s9], $0x4000  }
0x7d: {  	[sflag:s9] =	ssyncset.done $0x0  }
0x7e: {  	s23 =	sshra.s32 s24, $0x2;
	[sflag:s9] =	ssyncadd.s32 $0xFFFFC000  }
0x7f: {  	v0 =	vld [tilespmem:s23+$0x80];
	_ =	sdelay $0x4  }
0x80: {  	v1 =	vand.u32 $0xFFFF, v0;
	v0 =	vshrl.u32 v0, $0x10  }
0x81: {  	[tilespmem:$0x2C80] =	vst v1  }
0x82: {  	[tilespmem:$0x2D80] =	vst v0  }
0x83: {  	v0 =	vld [tilespmem:s23+$0x90];
	_ =	sdelay $0x4  }
0x84: {  	v1 =	vand.u32 $0xFFFF, v0;
	v0 =	vshrl.u32 v0, $0x10  }
0x85: {  	[tilespmem:$0x2C90] =	vst v1  }
0x86: {  	[tilespmem:$0x2D90] =	vst v0  }
0x87: {  	v0 =	vld [tilespmem:s23+$0xA0];
	_ =	sdelay $0x4  }
0x88: {  	v1 =	vand.u32 $0xFFFF, v0;
	v0 =	vshrl.u32 v0, $0x10  }
0x89: {  	[tilespmem:$0x2CA0] =	vst v1  }
0x8a: {  	[tilespmem:$0x2DA0] =	vst v0  }
0x8b: {  	v0 =	vld [tilespmem:s23+$0xB0];
	_ =	sdelay $0x4  }
0x8c: {  	v1 =	vand.u32 $0xFFFF, v0;
	v0 =	vshrl.u32 v0, $0x10  }
0x8d: {  	[tilespmem:$0x2CB0] =	vst v1  }
0x8e: {  	[tilespmem:$0x2DB0] =	vst v0  }
0x8f: {  	v0 =	vld [tilespmem:s23+$0xC0];
	_ =	sdelay $0x4  }
0x90: {  	v1 =	vand.u32 $0xFFFF, v0;
	v0 =	vshrl.u32 v0, $0x10  }
0x91: {  	[tilespmem:$0x2CC0] =	vst v1  }
0x92: {  	[tilespmem:$0x2DC0] =	vst v0  }
0x93: {  	v0 =	vld [tilespmem:s23+$0xD0];
	_ =	sdelay $0x4  }
0x94: {  	v1 =	vand.u32 $0xFFFF, v0;
	v0 =	vshrl.u32 v0, $0x10  }
0x95: {  	[tilespmem:$0x2CD0] =	vst v1  }
0x96: {  	[tilespmem:$0x2DD0] =	vst v0  }
0x97: {  	v0 =	vld [tilespmem:s23+$0xE0];
	_ =	sdelay $0x4  }
0x98: {  	v1 =	vand.u32 $0xFFFF, v0;
	v0 =	vshrl.u32 v0, $0x10  }
0x99: {  	[tilespmem:$0x2CE0] =	vst v1  }
0x9a: {  	[tilespmem:$0x2DE0] =	vst v0  }
0x9b: {  	v0 =	vld [tilespmem:s23+$0xF0];
	_ =	sdelay $0x4  }
0x9c: {  	v1 =	vand.u32 $0xFFFF, v0;
	v0 =	vshrl.u32 v0, $0x10  }
0x9d: {  	p1 =	seq.s32 s24, $0xA000;
	[tilespmem:$0x2CF0] =	vst v1  }
0x9e: {  	s23 =	sshra.s32 @!p1 s24, $0x2;
	[tilespmem:$0x2DF0] =	vst v0  }
0x9f: {  	[tilespmem:s16], [sflag:$0x2] =	stream.indirect.gather [hbm4b:s4+s12], $0x80, s15, s12, $0xb8;
	[tilespmem:$0x1EA00] =	vst v63  }
0xa0: {  	_ =	swait.ge [sflag:s17], $0x4000  }
0xa1: {  	[sflag:s17] =	ssyncset.done $0x0  }
0xa2: {  	[sflag:s17] =	ssyncadd.s32 $0xFFFFC000  }
0xa3: {  	[spmem:s2] =	stream.indirect.scatter.add.f32 [tilespmem:s14], [sflag:$0x3], $0x80, s18, s12, $0xb8;
	[tilespmem:$0x1EA00] =	vst v63  }
0xa4: {  	_ =	swait.ge [sflag:s9], $0x4000  }
0xa5: {  	[sflag:s9] =	ssyncset.done $0x0  }
0xa6: {  	[sflag:s9] =	ssyncadd.s32 $0xFFFFC000  }
0xa7: {  	v0 =	vld @!p1 [tilespmem:s23+$0x100];
	_ =	sdelay $0x4  }
0xa8: {  	v1 =	vand.u32 @!p1 $0xFFFF, v0;
	v0 =	vshrl.u32 @!p1 v0, $0x10  }
0xa9: {  	[tilespmem:$0x2C00] =	vst @!p1 v1  }
0xaa: {  	[tilespmem:$0x2D00] =	vst @!p1 v0  }
0xab: {  	v0 =	vld @!p1 [tilespmem:s23+$0x110];
	_ =	sdelay $0x4  }
0xac: {  	v1 =	vand.u32 @!p1 $0xFFFF, v0;
	v0 =	vshrl.u32 @!p1 v0, $0x10  }
0xad: {  	[tilespmem:$0x2C10] =	vst @!p1 v1  }
0xae: {  	[tilespmem:$0x2D10] =	vst @!p1 v0  }
0xaf: {  	v0 =	vld @!p1 [tilespmem:s23+$0x120];
	_ =	sdelay $0x4  }
0xb0: {  	v1 =	vand.u32 @!p1 $0xFFFF, v0;
	v0 =	vshrl.u32 @!p1 v0, $0x10  }
0xb1: {  	[tilespmem:$0x2C20] =	vst @!p1 v1  }
0xb2: {  	[tilespmem:$0x2D20] =	vst @!p1 v0  }
0xb3: {  	v0 =	vld @!p1 [tilespmem:s23+$0x130];
	_ =	sdelay $0x4  }
0xb4: {  	v1 =	vand.u32 @!p1 $0xFFFF, v0;
	v0 =	vshrl.u32 @!p1 v0, $0x10  }
0xb5: {  	[tilespmem:$0x2C30] =	vst @!p1 v1  }
0xb6: {  	[tilespmem:$0x2D30] =	vst @!p1 v0  }
0xb7: {  	v0 =	vld @!p1 [tilespmem:s23+$0x140];
	_ =	sdelay $0x4  }
0xb8: {  	v1 =	vand.u32 @!p1 $0xFFFF, v0;
	v0 =	vshrl.u32 @!p1 v0, $0x10  }
0xb9: {  	[tilespmem:$0x2C40] =	vst @!p1 v1  }
0xba: {  	[tilespmem:$0x2D40] =	vst @!p1 v0  }
0xbb: {  	v0 =	vld @!p1 [tilespmem:s23+$0x150];
	_ =	sdelay $0x4  }
0xbc: {  	v1 =	vand.u32 @!p1 $0xFFFF, v0;
	v0 =	vshrl.u32 @!p1 v0, $0x10  }
0xbd: {  	[tilespmem:$0x2C50] =	vst @!p1 v1  }
0xbe: {  	s25 =	simm.s32 @!p1 $0x80;
	s26 =	simm.s32 @!p1 $0x2C00;
	s28 =	simm.s32 @!p1 $0x2E00;
	[tilespmem:$0x2D50] =	vst @!p1 v0  }
0xbf: {  	v0 =	vld @!p1 [tilespmem:s23+$0x160];
	_ =	sdelay $0x1  }
.Ltmp0:
0xc0: {  	(pc) =	sbr.rel @p0 .LBB2_2-.Ltmp0, $3  }
0xc1: {  	_ =	sdelay $0x1  }
0xc2: {  	v1 =	vand.u32 @!p1 $0xFFFF, v0;
	v0 =	vshrl.u32 @!p1 v0, $0x10  }
0xc3: {  	[tilespmem:$0x2C60] =	vst @!p1 v1  }
0xc4: {  	[tilespmem:$0x2D60] =	vst @!p1 v0  }
0xc5: {  	v0 =	vld @!p1 [tilespmem:s23+$0x170];
	_ =	sdelay $0x4  }
0xc6: {  	v1 =	vand.u32 @!p1 $0xFFFF, v0  }
0xc7: {  	v0 =	vshrl.u32 @!p1 v0, $0x10;
	[tilespmem:$0x2C70] =	vst @!p1 v1  }
0xc8: {  	[tilespmem:$0x2D70] =	vst @!p1 v0  }
0xc9: {  	[tilespmem:s28], [sflag:$0x1] =	stream.indirect.gather @!p1 [hbm4b:s4+s25], $0x80, s26, s25, $0xb8;
	[tilespmem:$0x1EA00] =	vst v63  }
0xca: {  	_ =	swait.ge [sflag:s19], $0x4000  }
0xcb: {  	[sflag:s19] =	ssyncset.done $0x0  }
0xcc: {  	[sflag:s19] =	ssyncadd.s32 $0xFFFFC000  }
0xcd: {  	[spmem:s2] =	stream.indirect.scatter.add.f32 [tilespmem:s16], [sflag:$0x3], $0x80, s20, s12, $0xb8;
	[tilespmem:$0x1EA00] =	vst v63  }
0xce: {  	_ =	swait.ge [sflag:s9], $0x4000  }
0xcf: {  	s21 =	sadd.s32 $0x1, s21;
	[sflag:s9] =	ssyncset.done $0x0  }
0xd0: {  	p0 =	sne.s32 s21, s8;
	[sflag:s9] =	ssyncadd.s32 $0xFFFFC000  }
.Ltmp1:
0xd1: {  	[bflag:$0x0] =	sbarrier.arrive $0xFFFF;
	(pc) =	sbr.rel @p0 .LBB2_1-.Ltmp1, $4  }
0xd2: {  	[hbm:s7], [sflag:s10] =	dma.local [spmem:s11], $0x2780  }
0xd3: {  	_ =	swait.ge [sflag:s9], $0x2780  }
0xd4: {  	[sflag:s9] =	ssyncset.done $0x0  }
0xd5: {  	[sflag:s9] =	ssyncadd.s32 $0xFFFFD880  }
0xd6: {  	_ =	sfence.sel $0x180000  }
0xd7: {  	[bflag:$0x0] =	sbarrier.arrive $0xFFFF  }
0xd8: {  	p0 =	sne.s32 s0, $0x0;
	_ =	strace $0x9000004A  }
0xd9: {  	s0 =	sadd.s32 @!p0 $0x100000, s1;
	[bflag:$0x2] =	sbarrier.arrive $0xFFFF  }
0xda: {  	[sflag:s0] =	ssyncadd.tile.s32 @!p0 $0x1;
	_ =	shalt  }
.Lfunc_end2:
_tile_overlayer_lowered:
.L_overlay_start_2:
0xdb: {  	(tag) =	ssettag $0x2  }
0xdc: {  	s0 =	rddreg [dreg:$0x0];
	s2 =	stileid.u32  }
0xdd: {  	s1 =	rddreg [dreg:$0x1];
	p0 =	sne.s32 s2, $0x0  }
0xde: {  	s3 =	rddreg [dreg:$0x2];
	[bflag:$0x3] =	sbarrier.arrive $0xFFFF;
	s2 =	simm.s32 @!p0 $0x1C03  }
0xdf: {  	[timem:s3], [sflag:s2] =	dma.local @!p0 [hbm:s0], s1  }
0xe0: {  	s0 =	simm.s32 @!p0 $0x3  }
0xe1: {  	_ =	swait.ge @!p0 [sflag:s0], s1  }
0xe2: {  	s1 =	ssub.s32 @!p0 $0x0, s1;
	[sflag:s0] =	ssyncset.done @!p0 $0x0  }
0xe3: {  	[sflag:s0] =	ssyncadd.s32 @!p0 s1  }
0xe4: {  	[bflag:$0x3] =	sbarrier.arrive $0xFFFF  }
0xe5: {  	_ =	shalt  }

// kernel: kernel.16.cloned.1.call-start
scs
__scs_entry_jumppad:
0x0: {  	(pc) =	sbr.rel $0x88, $3  }
0x1: {  	(tag) =	ssettag $0x0;
	lr =	simm.s32 $0x1  }
0x2: {  	[smem:$0x3F99] =	sst lr;
	_ =	strace $0xD0000000  }
0x3: {  	_ = 	snop  }
0x4: {  	_ = 	snop  }
0x5: {  	_ = 	snop  }
0x6: {  	_ = 	snop  }
0x7: {  	_ = 	snop  }
__scs_overlays_trampoline_lowered:
0x8: {  	[smem:$0x3FA8] =	sst s0  }
0x9: {  	[smem:$0x3FA9] =	sst s1  }
0xa: {  	[smem:$0x3FAA] =	sst s2  }
0xb: {  	[smem:$0x3FAB] =	sst s3  }
0xc: {  	[smem:$0x3FAC] =	sst s4  }
0xd: {  	[smem:$0x3FAD] =	sst s5  }
0xe: {  	[smem:$0x3FAE] =	sst s6  }
0xf: {  	[smem:$0x3FAF] =	sst s7  }
0x10: {  	[smem:$0x3FB0] =	sst s8  }
0x11: {  	[smem:$0x3FB1] =	sst s9;
	s0 =	simm.s32 @!p0 $0x0  }
0x12: {  	s1 =	sld [smem:$0x3F97];
	s0 =	simm.s32 @p0 $0x1  }
0x13: {  	[smem:$0x3FB2] =	sst s0;
	s0 =	simm.s32 @!p1 $0x0  }
0x14: {  	s2 =	sld [smem:$0x3F96];
	s0 =	simm.s32 @p1 $0x1  }
0x15: {  	[smem:$0x3FB3] =	sst s0;
	s0 =	simm.s32 @!p2 $0x0  }
0x16: {  	s3 =	sld [smem:$0x3FDB];
	s0 =	simm.s32 @p2 $0x1  }
0x17: {  	s4 =	simm.s32 $0x1BF5;
	[smem:$0x3FB5] =	sst s0  }
0x18: {  	s0 =	sld [smem:$0x3F98];
	_ =	swait.ge [sflag:s4], $0x0  }
0x19: {  	s7 =	sld [smem:$0x3F99]  }
0x1a: {  	s8 =	sadd.s32 $0xFFFFE003, lr  }
0x1b: {  	s9 =	sadd.s32 $0xFFFFFEF7, lr;
	s5 =	simm.s32 $0xFFFFFFFF;
	p2 =	slt.u32 s8, $0xFFFFF086  }
0x1c: {  	p1 =	slt.u32 s9, $0xF7A;
	s5 =	simm.s32 @!p2 $0x0  }
0x1d: {  	s5 =	simm.s32 @p1 $0x1;
	p0 =	seq.s32 s7, s2  }
0x1e: {  	s7 =	smul.u32 @!p0 $0xF7A, s2;
	p2 =	seq.s32 @!p0 s5, $0x0  }
0x1f: {  	s9 =	smul.u32 $0xF7A, s1;
	s8 =	simm.s32 @!p0 $0x1BF5;
	p2 =	por !p2, p0  }
0x20: {  	[sflag:s8] =	ssyncset.s32 @!p0 $0xFFFFF086;
	s6 =	sadd.s32 @!p0 s3, s7;
	s7 =	simm.s32 @!p0 $0x108  }
0x21: {  	s3 =	sadd.s32 s3, s9;
	s6 =	sadd.s32 @!p0 $0x88, s6;
	s7 =	simm.s32 @p2 $0x1082  }
0x22: {  	[simem:s7], [sflag:s8] =	dma.local @!p0 [hbm:s6], $0xF7A  }
0x23: {  	s9 =	sor.u32 $0xD0000000, s2;
	s6 =	simm.s32 $0x108;
	_ =	swait.ge @!p0 [sflag:s8], $0x0  }
0x24: {  	s3 =	sadd.s32 $0x88, s3;
	s6 =	simm.s32 @!p1 $0x1082;
	[sflag:s4] =	ssyncset.s32 $0xFFFFF086  }
0x25: {  	[simem:s6], [sflag:s4] =	dma.local [hbm:s3], $0xF7A  }
0x26: {  	[smem:$0x3F99] =	sst s1;
	(tag) =	ssettag s2;
	_ =	strace s9  }
0x27: {  	s1 =	sld [smem:$0x3FA9]  }
0x28: {  	s2 =	sld [smem:$0x3FAA]  }
0x29: {  	s4 =	sld [smem:$0x3FAC]  }
0x2a: {  	p0 =	seq.s32 s5, $0x0;
	s5 =	sld [smem:$0x3FAD]  }
0x2b: {  	s6 =	sld [smem:$0x3FAE]  }
0x2c: {  	s7 =	sld [smem:$0x3FAF]  }
0x2d: {  	s3 =	simm.s32 $0x108;
	s8 =	sld [smem:$0x3FB0]  }
0x2e: {  	s3 =	simm.s32 @!p0 $0x1082;
	s9 =	sld [smem:$0x3FB1]  }
0x2f: {  	lr =	sadd.s32 s0, s3;
	s0 =	sld [smem:$0x3FA8]  }
0x30: {  	s3 =	sld [smem:$0x3FAB]  }
0x31: {  	[smem:$0x3FB4] =	sst s10  }
0x32: {  	s10 =	sld [smem:$0x3FB2];
	_ =	sdelay $0x3  }
0x33: {  	p0 =	seq.s32 s10, $0x1;
	s10 =	sld [smem:$0x3FB4];
	_ =	sdelay $0x3  }
0x34: {  	[smem:$0x3FB4] =	sst s10  }
0x35: {  	s10 =	sld [smem:$0x3FB3];
	_ =	sdelay $0x3  }
0x36: {  	p1 =	seq.s32 s10, $0x1;
	s10 =	sld [smem:$0x3FB4];
	_ =	sdelay $0x3  }
0x37: {  	[smem:$0x3FB4] =	sst s10  }
0x38: {  	s10 =	sld [smem:$0x3FB5]  }
0x39: {  	_ = 	snop;
	(pc) =	sbr.ind lr, $3  }
0x3a: {  	_ = 	snop  }
0x3b: {  	_ = 	snop  }
0x3c: {  	p2 =	seq.s32 s10, $0x1;
	s10 =	sld [smem:$0x3FB4]  }
0x3d: {  	_ =	shalt  }
0x3e: {  	_ =	shalt  }
0x3f: {  	_ =	shalt  }
0x40: {  	_ =	shalt  }
0x41: {  	_ =	shalt  }
0x42: {  	_ =	shalt  }
0x43: {  	_ =	shalt  }
0x44: {  	_ =	shalt  }
0x45: {  	_ =	shalt  }
0x46: {  	_ =	shalt  }
0x47: {  	_ =	shalt  }
0x48: {  	_ =	shalt  }
0x49: {  	_ =	shalt  }
0x4a: {  	_ =	shalt  }
0x4b: {  	_ =	shalt  }
0x4c: {  	_ =	shalt  }
0x4d: {  	_ =	shalt  }
0x4e: {  	_ =	shalt  }
0x4f: {  	_ =	shalt  }
0x50: {  	_ =	shalt  }
0x51: {  	_ =	shalt  }
0x52: {  	_ =	shalt  }
0x53: {  	_ =	shalt  }
0x54: {  	_ =	shalt  }
0x55: {  	_ =	shalt  }
0x56: {  	_ =	shalt  }
0x57: {  	_ =	shalt  }
0x58: {  	_ =	shalt  }
0x59: {  	_ =	shalt  }
0x5a: {  	_ =	shalt  }
0x5b: {  	_ =	shalt  }
0x5c: {  	_ =	shalt  }
0x5d: {  	_ =	shalt  }
0x5e: {  	_ =	shalt  }
0x5f: {  	_ =	shalt  }
0x60: {  	_ =	shalt  }
0x61: {  	_ =	shalt  }
0x62: {  	_ =	shalt  }
0x63: {  	_ =	shalt  }
0x64: {  	_ =	shalt  }
0x65: {  	_ =	shalt  }
0x66: {  	_ =	shalt  }
0x67: {  	_ =	shalt  }
0x68: {  	_ =	shalt  }
0x69: {  	_ =	shalt  }
0x6a: {  	_ =	shalt  }
0x6b: {  	_ =	shalt  }
0x6c: {  	_ =	shalt  }
0x6d: {  	_ =	shalt  }
0x6e: {  	_ =	shalt  }
0x6f: {  	_ =	shalt  }
0x70: {  	_ =	shalt  }
0x71: {  	_ =	shalt  }
0x72: {  	_ =	shalt  }
0x73: {  	_ =	shalt  }
0x74: {  	_ =	shalt  }
0x75: {  	_ =	shalt  }
0x76: {  	_ =	shalt  }
0x77: {  	_ =	shalt  }
0x78: {  	_ =	shalt  }
0x79: {  	_ =	shalt  }
0x7a: {  	_ =	shalt  }
0x7b: {  	_ =	shalt  }
0x7c: {  	_ =	shalt  }
0x7d: {  	_ =	shalt  }
0x7e: {  	_ =	shalt  }
0x7f: {  	_ =	shalt  }
0x80: {  	_ =	shalt  }
0x81: {  	_ =	shalt  }
0x82: {  	_ =	shalt  }
0x83: {  	_ =	shalt  }
0x84: {  	_ =	shalt  }
0x85: {  	_ =	shalt  }
0x86: {  	_ =	shalt  }
0x87: {  	_ =	shalt  }
.Lfunc_end0:
.L_simem_size_0:
called_computation.2_lowered:
.L_overlay_start_0:
0x88: {  	s2 =	sld [smem:$0x3FD9]  }
0x89: {  	s3 =	sld [smem:$0x3FFE];
	_ =	sdelay $0x1  }
0x8a: {  	s1 =	srdreg.scid  }
0x8b: {  	s0 =	sand.u32 $0x1, s1  }
0x8c: {  	s16 =	sshll.u32 s0, $0xA;
	s2 =	sadd.s32 s3, s2  }
0x8d: {  	s2 =	sadd.s32 s2, s16  }
0x8e: {  	[smem:$0x3FC0] =	sst s2  }
0x8f: {  	_ = 	snop  }
0x90: {  	(tm) =	ssettm $0x1  }
0x91: {  	s17 =	sld [smem:$0x3FFB];
	_ =	sdelay $0x3  }
0x92: {  	_ =	strace s17  }
0x93: {  	s2 =	sld [smem:$0x3FFC];
	_ =	sdelay $0x3  }
0x94: {  	_ =	strace s2  }
0x95: {  	s2 =	sld [smem:$0x3FFD];
	_ =	sdelay $0x3  }
0x96: {  	_ =	strace s2  }
0x97: {  	_ =	strace $0x8FFFFFFF  }
0x98: {  	s18 =	sld [smem:$0x3FDB];
	_ =	sdelay $0x1  }
0x99: {  	s19 =	simm.s32 $_scs_section_size  }
0x9a: {  	s4 =	simm.s32 $_size__tile_overlayer_lowered;
	s5 =	simm.s32 $_tile_overlayer_lowered  }
0x9b: {  	s22 =	simm.s32 $0x1BFF;
	s21 =	sshll.u32 s5, $0x1;
	s2 =	sadd.s32 s19, s18  }
0x9c: {  	s6 =	simm.s32 $0x0;
	s20 =	sshll.u32 s4, $0x1;
	s4 =	sadd.s32 s21, s2  }
0x9d: {  	[timem:s6], [sflag:s22] =	dma.local [hbm:s4], s20  }
0x9e: {  	_ =	swait.ge [sflag:s22], s20  }
0x9f: {  	s3 =	ssub.s32 $0x0, s20;
	[sflag:s22] =	ssyncset.done $0x0  }
0xa0: {  	[sflag:s22] =	ssyncadd.s32 s3;
	_ =	sdelay $0x1  }
0xa1: {  	s23 =	simm.s32 $0x1B8B  }
0xa2: {  	_ =	swait.ge [sflag:s23], $0x1  }
0xa3: {  	[sflag:s23] =	ssyncset.done $0x0  }
0xa4: {  	s25 =	simm.s32 $0x1B8E;
	s24 =	sld [smem:$0x3FFE];
	[sflag:s23] =	ssyncadd.s32 $0xFFFFFFFF  }
0xa5: {  	s26 =	simm.s32 $execute0_lowered;
	[smem:$0x3FD2] =	sst s25  }
0xa6: {  	s4 =	sshll.u32 s26, $0x1;
	_ =	strace $0x8000004C;
	[dreg:$0x1] =	wrdreg $0xFFFFFFFF  }
0xa7: {  	s28 =	simm.s32 $_size_execute0_lowered;
	s2 =	sadd.s32 s2, s4;
	[dreg:$0x0] =	wrdreg $0x0  }
0xa8: {  	s4 =	sshll.u32 s28, $0x1;
	[dreg:$0x2] =	wrdreg s2  }
0xa9: {  	[dreg:$0x3] =	wrdreg s4  }
0xaa: {  	[dreg:$0x4] =	wrdreg $0xC0  }
0xab: {  	_ =	task [dreg:s6], $0x5FFFF  }
0xac: {  	[dreg:$0x1] =	wrdreg $0xFFFFFFFF  }
0xad: {  	[dreg:$0x0] =	wrdreg $0x60  }
0xae: {  	[dreg:$0x2] =	wrdreg s24  }
0xaf: {  	[dreg:$0x3] =	wrdreg $0xAE000  }
0xb0: {  	[dreg:$0x4] =	wrdreg $0x9  }
0xb1: {  	_ =	task.clear_ibuf [dreg:s6], $0x5FFFF;
	_ =	strace $0x9000004C  }
0xb2: {  	s29 =	simm.s32 $0x9;
	_ =	strace $0x8000004E  }
0xb3: {  	_ =	swait.ge [sflag:s29], $0x1  }
0xb4: {  	[sflag:s29] =	ssyncadd.s32 $0xFFFFFFFF  }
0xb5: {  	_ =	strace $0x9000004E  }
0xb6: {  	_ =	sfence  }
0xb7: {  	s30 =	sld [smem:$0x0];
	_ =	sdelay $0x2  }
0xb8: {  	s31 =	sshll.u32 s1, $0xD;
	s1 =	sshrl.u32 s1, $0x2  }
0xb9: {  	s3 =	sand.u32 $0x4000, s31;
	s1 =	sadd.s32 s1, s30  }
0xba: {  	s0 =	sor.u32 s3, s0;
	s1 =	sshll.u32 s1, $0x11  }
0xbb: {  	s0 =	sor.u32 s1, s0  }
0xbc: {  	s0 =	sadd.s32 $0x8F2B, s0  }
0xbd: {  	[sflag:s0] =	ssyncadd.remote.s32 $0x1  }
0xbe: {  	_ =	sfence.sel $0xFFFF  }
0xbf: {  	[dreg:$0x0] =	wrdreg $0xFFFFFFFF;
	(pc) =	sbr.abs _section_cstart, $3  }
0xc0: {  	[dreg:$0x1] =	wrdreg $0xFFFFFFFF  }
0xc1: {  	_ =	task.clear_ibuf [dreg:s6], $0x2FFFF;
	_ =	strace $0x9FFFFFFF  }
0xc2: {  	(tm) =	ssettm $0x7FFFFFFF  }
0xc3: {  	_ =	shalt  }
tec
execute0_lowered:
.L_overlay_start_1:
0x0: {  	(tag) =	ssettag $0x1  }
0x1: {  	s6 =	rddreg [dreg:$0x0]  }
0x2: {  	s0 =	srdreg.scid;
	s2 =	rddreg [dreg:$0x1]  }
0x3: {  	s3 =	simm.s32 $0x0;
	s13 =	simm.s32 $0x2C00;
	s14 =	simm.s32 $0x2E00  }
0x4: {  	s15 =	simm.s32 $0x2C80;
	s16 =	simm.s32 $0x6E00;
	s17 =	simm.s32 $0x1  }
0x5: {  	s18 =	simm.s32 $0x2D00;
	s19 =	simm.s32 $0x2;
	s20 =	simm.s32 $0x2D80  }
0x6: {  	s21 =	simm.s32 $0x0;
	s5 =	sand.u32 $0x1, s0;
	s0 =	stileid.u32  }
0x7: {  	[smem:$0x7FF] =	sst s3;
	s4 =	sadd.s32 $0x3200, s6;
	s8 =	smul.u32 $0x13C00, s0  }
0x8: {  	s1 =	sshll.u32 s5, $0x4;
	s9 =	smul.u32 $0x13C000, s5;
	s5 =	ssub.s32 $0x2, s5  }
0x9: {  	s28 =	smul.u32 $0x4F000, s0;
	s31 =	sshll.u32 s0, $0x6;
	s1 =	sor.u32 s0, s1  }
0xa: {  	s29 =	sshrl.u32 s5, $0x1;
	s7 =	smul.u32 $0x580, s1;
	s1 =	rddreg [dreg:$0x2]  }
0xb: {  	_ =	strace $0x8000004D;
	s10 =	sshrl.u32 s8, $0x3;
	s8 =	sadd.s32 s8, s9  }
0xc: {  	s11 =	ssub.s32 s5, s29;
	s30 =	sshrl.u32 s28, $0x2;
	s9 =	simm.s32 $0x3  }
0xd: {  	s8 =	sshrl.u32 s8, $0x3;
	s10 =	sadd.s32 s10, s6;
	s12 =	sadd.s32 s30, s2  }
0xe: {  	s7 =	sadd.s32 s7, s6;
	s8 =	sadd.s32 s8, s6;
	s6 =	sadd.s32 $0x2A400, s10  }
0xf: {  	s10 =	sor.u32 $0x1C03, s31;
	s5 =	sadd.s32 $0x7A200, s7;
	s7 =	sadd.s32 $0x85200, s8  }
0x10: {  	s8 =	smax.u32 s11, $0x1;
	s11 =	sshrl.u32 s12, $0x3;
	s12 =	simm.s32 $0x80  }
.LBB2_1:
0x11: {  	[tilespmem:s3], [sflag:$0x3] =	stream.linear.gather [hbm4b:s5+s3], $0x2900, $0x38;
	[tilespmem:$0x1EA00] =	vst v63  }
0x12: {  	_ =	swait.ge [sflag:s9], $0x2900  }
0x13: {  	[sflag:s9] =	ssyncset.done $0x0  }
0x14: {  	[sflag:s9] =	ssyncadd.s32 $0xFFFFD700  }
0x15: {  	[spmem:s11], [sflag:s10] =	dma.local [hbm:s6], $0x2780  }
0x16: {  	_ =	swait.ge [sflag:s9], $0x2780  }
0x17: {  	[sflag:s9] =	ssyncset.done $0x0  }
0x18: {  	[sflag:s9] =	ssyncadd.s32 $0xFFFFD880  }
0x19: {  	[bflag:$0x0] =	sbarrier.arrive $0xFFFF  }
0x1a: {  	v0 =	vld [tilespmem:$0x0];
	_ =	sdelay $0x1  }
0x1b: {  	v1 =	vld [tilespmem:$0x10];
	_ =	sdelay $0x1  }
0x1c: {  	v2 =	vld [tilespmem:$0x20]  }
0x1d: {  	v3 =	vand.u32 $0xFFFF, v0  }
0x1e: {  	v0 =	vshrl.u32 v0, $0x10;
	[tilespmem:$0x2C00] =	vst v3;
	v3 =	vld [tilespmem:$0x30]  }
0x1f: {  	[tilespmem:$0x2D00] =	vst v0;
	v0 =	vand.u32 $0xFFFF, v1  }
0x20: {  	[tilespmem:$0x2C10] =	vst v0;
	v0 =	vshrl.u32 v1, $0x10;
	v1 =	vld [tilespmem:$0x40]  }
0x21: {  	[tilespmem:$0x2D10] =	vst v0;
	v0 =	vand.u32 $0xFFFF, v2  }
0x22: {  	[tilespmem:$0x2C20] =	vst v0;
	v0 =	vshrl.u32 v2, $0x10;
	v2 =	vld [tilespmem:$0x50]  }
0x23: {  	[tilespmem:$0x2D20] =	vst v0;
	v0 =	vand.u32 $0xFFFF, v3  }
0x24: {  	[tilespmem:$0x2C30] =	vst v0;
	v0 =	vshrl.u32 v3, $0x10;
	v3 =	vld [tilespmem:$0x60]  }
0x25: {  	[tilespmem:$0x2D30] =	vst v0;
	v0 =	vand.u32 $0xFFFF, v1  }
0x26: {  	[tilespmem:$0x2C40] =	vst v0;
	v0 =	vshrl.u32 v1, $0x10;
	v1 =	vld [tilespmem:$0x70]  }
0x27: {  	[tilespmem:$0x2D40] =	vst v0;
	v0 =	vand.u32 $0xFFFF, v2  }
0x28: {  	[tilespmem:$0x2C50] =	vst v0;
	v0 =	vshrl.u32 v2, $0x10  }
0x29: {  	[tilespmem:$0x2D50] =	vst v0;
	v0 =	vand.u32 $0xFFFF, v3  }
0x2a: {  	[tilespmem:$0x2C60] =	vst v0;
	v0 =	vshrl.u32 v3, $0x10  }
0x2b: {  	[tilespmem:$0x2D60] =	vst v0;
	v0 =	vand.u32 $0xFFFF, v1  }
0x2c: {  	[tilespmem:$0x2C70] =	vst v0;
	v0 =	vshrl.u32 v1, $0x10  }
0x2d: {  	s22 =	simm.s32 $0x0;
	[tilespmem:$0x2D70] =	vst v0  }
0x2e: {  	[tilespmem:s14], [sflag:$0x1] =	stream.indirect.gather [hbm4b:s4+s12], $0x80, s13, s12, $0xb8;
	[tilespmem:$0x1EA00] =	vst v63  }
0x2f: {  	v0 =	vld [tilespmem:s22+$0x80];
	_ =	sdelay $0x4  }
0x30: {  	v1 =	vand.u32 $0xFFFF, v0  }
0x31: {  	v0 =	vshrl.u32 v0, $0x10;
	[tilespmem:$0x2C80] =	vst v1  }
0x32: {  	[tilespmem:$0x2D80] =	vst v0  }
0x33: {  	v0 =	vld [tilespmem:s22+$0x90];
	_ =	sdelay $0x4  }
0x34: {  	v1 =	vand.u32 $0xFFFF, v0  }
0x35: {  	v0 =	vshrl.u32 v0, $0x10;
	[tilespmem:$0x2C90] =	vst v1  }
0x36: {  	[tilespmem:$0x2D90] =	vst v0  }
0x37: {  	v0 =	vld [tilespmem:s22+$0xA0];
	_ =	sdelay $0x4  }
0x38: {  	v1 =	vand.u32 $0xFFFF, v0  }
0x39: {  	v0 =	vshrl.u32 v0, $0x10;
	[tilespmem:$0x2CA0] =	vst v1  }
0x3a: {  	[tilespmem:$0x2DA0] =	vst v0  }
0x3b: {  	v0 =	vld [tilespmem:s22+$0xB0];
	_ =	sdelay $0x4  }
0x3c: {  	v1 =	vand.u32 $0xFFFF, v0  }
0x3d: {  	v0 =	vshrl.u32 v0, $0x10;
	[tilespmem:$0x2CB0] =	vst v1  }
0x3e: {  	[tilespmem:$0x2DB0] =	vst v0  }
0x3f: {  	v0 =	vld [tilespmem:s22+$0xC0];
	_ =	sdelay $0x4  }
0x40: {  	v1 =	vand.u32 $0xFFFF, v0  }
0x41: {  	v0 =	vshrl.u32 v0, $0x10;
	[tilespmem:$0x2CC0] =	vst v1  }
0x42: {  	[tilespmem:$0x2DC0] =	vst v0  }
0x43: {  	v0 =	vld [tilespmem:s22+$0xD0];
	_ =	sdelay $0x4  }
0x44: {  	v1 =	vand.u32 $0xFFFF, v0  }
0x45: {  	v0 =	vshrl.u32 v0, $0x10;
	[tilespmem:$0x2CD0] =	vst v1  }
0x46: {  	[tilespmem:$0x2DD0] =	vst v0  }
0x47: {  	v0 =	vld [tilespmem:s22+$0xE0];
	_ =	sdelay $0x4  }
0x48: {  	v1 =	vand.u32 $0xFFFF, v0  }
0x49: {  	v0 =	vshrl.u32 v0, $0x10;
	[tilespmem:$0x2CE0] =	vst v1  }
0x4a: {  	[tilespmem:$0x2DE0] =	vst v0  }
0x4b: {  	v0 =	vld [tilespmem:s22+$0xF0];
	_ =	sdelay $0x4  }
0x4c: {  	v1 =	vand.u32 $0xFFFF, v0  }
0x4d: {  	v0 =	vshrl.u32 v0, $0x10;
	[tilespmem:$0x2CF0] =	vst v1  }
0x4e: {  	[tilespmem:$0x2DF0] =	vst v0  }
0x4f: {  	[tilespmem:s16], [sflag:$0x2] =	stream.indirect.gather [hbm4b:s4+s12], $0x80, s15, s12, $0xb8;
	[tilespmem:$0x1EA00] =	vst v63  }
0x50: {  	_ =	swait.ge [sflag:s17], $0x4000  }
0x51: {  	[sflag:s17] =	ssyncset.done $0x0  }
0x52: {  	[sflag:s17] =	ssyncadd.s32 $0xFFFFC000  }
0x53: {  	[spmem:s2] =	stream.indirect.scatter.add.f32 [tilespmem:s14], [sflag:$0x3], $0x80, s18, s12, $0xb8;
	[tilespmem:$0x1EA00] =	vst v63  }
0x54: {  	_ =	swait.ge [sflag:s9], $0x4000  }
0x55: {  	p1 =	por $0x0, $0x0;
	[sflag:s9] =	ssyncset.done $0x0  }
0x56: {  	s23 =	simm.s32 @!p1 $0x0;
	[sflag:s9] =	ssyncadd.s32 $0xFFFFC000  }
0x57: {  	v0 =	vld @!p1 [tilespmem:s23+$0x100];
	_ =	sdelay $0x4  }
0x58: {  	v1 =	vand.u32 @!p1 $0xFFFF, v0  }
0x59: {  	v0 =	vshrl.u32 @!p1 v0, $0x10;
	[tilespmem:$0x2C00] =	vst @!p1 v1  }
0x5a: {  	[tilespmem:$0x2D00] =	vst @!p1 v0  }
0x5b: {  	v0 =	vld @!p1 [tilespmem:s23+$0x110];
	_ =	sdelay $0x4  }
0x5c: {  	v1 =	vand.u32 @!p1 $0xFFFF, v0  }
0x5d: {  	v0 =	vshrl.u32 @!p1 v0, $0x10;
	[tilespmem:$0x2C10] =	vst @!p1 v1  }
0x5e: {  	[tilespmem:$0x2D10] =	vst @!p1 v0  }
0x5f: {  	v0 =	vld @!p1 [tilespmem:s23+$0x120];
	_ =	sdelay $0x4  }
0x60: {  	v1 =	vand.u32 @!p1 $0xFFFF, v0  }
0x61: {  	v0 =	vshrl.u32 @!p1 v0, $0x10;
	[tilespmem:$0x2C20] =	vst @!p1 v1  }
0x62: {  	[tilespmem:$0x2D20] =	vst @!p1 v0  }
0x63: {  	v0 =	vld @!p1 [tilespmem:s23+$0x130];
	_ =	sdelay $0x4  }
0x64: {  	v1 =	vand.u32 @!p1 $0xFFFF, v0  }
0x65: {  	v0 =	vshrl.u32 @!p1 v0, $0x10;
	[tilespmem:$0x2C30] =	vst @!p1 v1  }
0x66: {  	[tilespmem:$0x2D30] =	vst @!p1 v0  }
0x67: {  	v0 =	vld @!p1 [tilespmem:s23+$0x140];
	_ =	sdelay $0x4  }
0x68: {  	v1 =	vand.u32 @!p1 $0xFFFF, v0  }
0x69: {  	v0 =	vshrl.u32 @!p1 v0, $0x10;
	[tilespmem:$0x2C40] =	vst @!p1 v1  }
0x6a: {  	[tilespmem:$0x2D40] =	vst @!p1 v0  }
0x6b: {  	v0 =	vld @!p1 [tilespmem:s23+$0x150];
	_ =	sdelay $0x4  }
0x6c: {  	v1 =	vand.u32 @!p1 $0xFFFF, v0  }
0x6d: {  	v0 =	vshrl.u32 @!p1 v0, $0x10;
	[tilespmem:$0x2C50] =	vst @!p1 v1  }
0x6e: {  	[tilespmem:$0x2D50] =	vst @!p1 v0  }
0x6f: {  	v0 =	vld @!p1 [tilespmem:s23+$0x160];
	_ =	sdelay $0x4  }
0x70: {  	s25 =	simm.s32 @!p1 $0x80;
	v1 =	vand.u32 @!p1 $0xFFFF, v0  }
0x71: {  	s26 =	simm.s32 @!p1 $0x2C00;
	s28 =	simm.s32 @!p1 $0x2E00;
	s22 =	simm.s32 $0x400;
	v0 =	vshrl.u32 @!p1 v0, $0x10;
	[tilespmem:$0x2C60] =	vst @!p1 v1  }
.LBB2_2:
0x72: {  	[tilespmem:$0x2D60] =	vst @!p1 v0;
	s24 =	smov.u32 s22;
	s22 =	sadd.s32 $0x400, s22  }
0x73: {  	p0 =	sne.s32 s22, $0xA400;
	v0 =	vld @!p1 [tilespmem:s23+$0x170];
	_ =	sdelay $0x4  }
0x74: {  	v1 =	vand.u32 @!p1 $0xFFFF, v0;
	v0 =	vshrl.u32 @!p1 v0, $0x10  }
0x75: {  	[tilespmem:$0x2C70] =	vst @!p1 v1  }
0x76: {  	[tilespmem:$0x2D70] =	vst @!p1 v0  }
0x77: {  	[tilespmem:s28], [sflag:$0x1] =	stream.indirect.gather @!p1 [hbm4b:s4+s25], $0x80, s26, s25, $0xb8;
	[tilespmem:$0x1EA00] =	vst v63  }
0x78: {  	_ =	swait.ge [sflag:s19], $0x4000  }
0x79: {  	[sflag:s19] =	ssyncset.done $0x0  }
0x7a: {  	[sflag:s19] =	ssyncadd.s32 $0xFFFFC000  }
0x7b: {  	[spmem:s2] =	stream.indirect.scatter.add.f32 [tilespmem:s16], [sflag:$0x3], $0x80, s20, s12, $0xb8;
	[tilespmem:$0x1EA00] =	vst v63  }
0x7c: {  	_ =	swait.ge [sflag:s9], $0x4000  }
0x7d: {  	[sflag:s9] =	ssyncset.done $0x0  }
0x7e: {  	s23 =	sshra.s32 s24, $0x2;
	[sflag:s9] =	ssyncadd.s32 $0xFFFFC000  }
0x7f: {  	v0 =	vld [tilespmem:s23+$0x80];
	_ =	sdelay $0x4  }
0x80: {  	v1 =	vand.u32 $0xFFFF, v0;
	v0 =	vshrl.u32 v0, $0x10  }
0x81: {  	[tilespmem:$0x2C80] =	vst v1  }
0x82: {  	[tilespmem:$0x2D80] =	vst v0  }
0x83: {  	v0 =	vld [tilespmem:s23+$0x90];
	_ =	sdelay $0x4  }
0x84: {  	v1 =	vand.u32 $0xFFFF, v0;
	v0 =	vshrl.u32 v0, $0x10  }
0x85: {  	[tilespmem:$0x2C90] =	vst v1  }
0x86: {  	[tilespmem:$0x2D90] =	vst v0  }
0x87: {  	v0 =	vld [tilespmem:s23+$0xA0];
	_ =	sdelay $0x4  }
0x88: {  	v1 =	vand.u32 $0xFFFF, v0;
	v0 =	vshrl.u32 v0, $0x10  }
0x89: {  	[tilespmem:$0x2CA0] =	vst v1  }
0x8a: {  	[tilespmem:$0x2DA0] =	vst v0  }
0x8b: {  	v0 =	vld [tilespmem:s23+$0xB0];
	_ =	sdelay $0x4  }
0x8c: {  	v1 =	vand.u32 $0xFFFF, v0;
	v0 =	vshrl.u32 v0, $0x10  }
0x8d: {  	[tilespmem:$0x2CB0] =	vst v1  }
0x8e: {  	[tilespmem:$0x2DB0] =	vst v0  }
0x8f: {  	v0 =	vld [tilespmem:s23+$0xC0];
	_ =	sdelay $0x4  }
0x90: {  	v1 =	vand.u32 $0xFFFF, v0;
	v0 =	vshrl.u32 v0, $0x10  }
0x91: {  	[tilespmem:$0x2CC0] =	vst v1  }
0x92: {  	[tilespmem:$0x2DC0] =	vst v0  }
0x93: {  	v0 =	vld [tilespmem:s23+$0xD0];
	_ =	sdelay $0x4  }
0x94: {  	v1 =	vand.u32 $0xFFFF, v0;
	v0 =	vshrl.u32 v0, $0x10  }
0x95: {  	[tilespmem:$0x2CD0] =	vst v1  }
0x96: {  	[tilespmem:$0x2DD0] =	vst v0  }
0x97: {  	v0 =	vld [tilespmem:s23+$0xE0];
	_ =	sdelay $0x4  }
0x98: {  	v1 =	vand.u32 $0xFFFF, v0;
	v0 =	vshrl.u32 v0, $0x10  }
0x99: {  	[tilespmem:$0x2CE0] =	vst v1  }
0x9a: {  	[tilespmem:$0x2DE0] =	vst v0  }
0x9b: {  	v0 =	vld [tilespmem:s23+$0xF0];
	_ =	sdelay $0x4  }
0x9c: {  	v1 =	vand.u32 $0xFFFF, v0;
	v0 =	vshrl.u32 v0, $0x10  }
0x9d: {  	p1 =	seq.s32 s24, $0xA000;
	[tilespmem:$0x2CF0] =	vst v1  }
0x9e: {  	s23 =	sshra.s32 @!p1 s24, $0x2;
	[tilespmem:$0x2DF0] =	vst v0  }
0x9f: {  	[tilespmem:s16], [sflag:$0x2] =	stream.indirect.gather [hbm4b:s4+s12], $0x80, s15, s12, $0xb8;
	[tilespmem:$0x1EA00] =	vst v63  }
0xa0: {  	_ =	swait.ge [sflag:s17], $0x4000  }
0xa1: {  	[sflag:s17] =	ssyncset.done $0x0  }
0xa2: {  	[sflag:s17] =	ssyncadd.s32 $0xFFFFC000  }
0xa3: {  	[spmem:s2] =	stream.indirect.scatter.add.f32 [tilespmem:s14], [sflag:$0x3], $0x80, s18, s12, $0xb8;
	[tilespmem:$0x1EA00] =	vst v63  }
0xa4: {  	_ =	swait.ge [sflag:s9], $0x4000  }
0xa5: {  	[sflag:s9] =	ssyncset.done $0x0  }
0xa6: {  	[sflag:s9] =	ssyncadd.s32 $0xFFFFC000  }
0xa7: {  	v0 =	vld @!p1 [tilespmem:s23+$0x100];
	_ =	sdelay $0x4  }
0xa8: {  	v1 =	vand.u32 @!p1 $0xFFFF, v0;
	v0 =	vshrl.u32 @!p1 v0, $0x10  }
0xa9: {  	[tilespmem:$0x2C00] =	vst @!p1 v1  }
0xaa: {  	[tilespmem:$0x2D00] =	vst @!p1 v0  }
0xab: {  	v0 =	vld @!p1 [tilespmem:s23+$0x110];
	_ =	sdelay $0x4  }
0xac: {  	v1 =	vand.u32 @!p1 $0xFFFF, v0;
	v0 =	vshrl.u32 @!p1 v0, $0x10  }
0xad: {  	[tilespmem:$0x2C10] =	vst @!p1 v1  }
0xae: {  	[tilespmem:$0x2D10] =	vst @!p1 v0  }
0xaf: {  	v0 =	vld @!p1 [tilespmem:s23+$0x120];
	_ =	sdelay $0x4  }
0xb0: {  	v1 =	vand.u32 @!p1 $0xFFFF, v0;
	v0 =	vshrl.u32 @!p1 v0, $0x10  }
0xb1: {  	[tilespmem:$0x2C20] =	vst @!p1 v1  }
0xb2: {  	[tilespmem:$0x2D20] =	vst @!p1 v0  }
0xb3: {  	v0 =	vld @!p1 [tilespmem:s23+$0x130];
	_ =	sdelay $0x4  }
0xb4: {  	v1 =	vand.u32 @!p1 $0xFFFF, v0;
	v0 =	vshrl.u32 @!p1 v0, $0x10  }
0xb5: {  	[tilespmem:$0x2C30] =	vst @!p1 v1  }
0xb6: {  	[tilespmem:$0x2D30] =	vst @!p1 v0  }
0xb7: {  	v0 =	vld @!p1 [tilespmem:s23+$0x140];
	_ =	sdelay $0x4  }
0xb8: {  	v1 =	vand.u32 @!p1 $0xFFFF, v0;
	v0 =	vshrl.u32 @!p1 v0, $0x10  }
0xb9: {  	[tilespmem:$0x2C40] =	vst @!p1 v1  }
0xba: {  	[tilespmem:$0x2D40] =	vst @!p1 v0  }
0xbb: {  	v0 =	vld @!p1 [tilespmem:s23+$0x150];
	_ =	sdelay $0x4  }
0xbc: {  	v1 =	vand.u32 @!p1 $0xFFFF, v0;
	v0 =	vshrl.u32 @!p1 v0, $0x10  }
0xbd: {  	[tilespmem:$0x2C50] =	vst @!p1 v1  }
0xbe: {  	s25 =	simm.s32 @!p1 $0x80;
	s26 =	simm.s32 @!p1 $0x2C00;
	s28 =	simm.s32 @!p1 $0x2E00;
	[tilespmem:$0x2D50] =	vst @!p1 v0  }
0xbf: {  	v0 =	vld @!p1 [tilespmem:s23+$0x160];
	_ =	sdelay $0x1  }
.Ltmp0:
0xc0: {  	(pc) =	sbr.rel @p0 .LBB2_2-.Ltmp0, $3  }
0xc1: {  	_ =	sdelay $0x1  }
0xc2: {  	v1 =	vand.u32 @!p1 $0xFFFF, v0;
	v0 =	vshrl.u32 @!p1 v0, $0x10  }
0xc3: {  	[tilespmem:$0x2C60] =	vst @!p1 v1  }
0xc4: {  	[tilespmem:$0x2D60] =	vst @!p1 v0  }
0xc5: {  	v0 =	vld @!p1 [tilespmem:s23+$0x170];
	_ =	sdelay $0x4  }
0xc6: {  	v1 =	vand.u32 @!p1 $0xFFFF, v0  }
0xc7: {  	v0 =	vshrl.u32 @!p1 v0, $0x10;
	[tilespmem:$0x2C70] =	vst @!p1 v1  }
0xc8: {  	[tilespmem:$0x2D70] =	vst @!p1 v0  }
0xc9: {  	[tilespmem:s28], [sflag:$0x1] =	stream.indirect.gather @!p1 [hbm4b:s4+s25], $0x80, s26, s25, $0xb8;
	[tilespmem:$0x1EA00] =	vst v63  }
0xca: {  	_ =	swait.ge [sflag:s19], $0x4000  }
0xcb: {  	[sflag:s19] =	ssyncset.done $0x0  }
0xcc: {  	[sflag:s19] =	ssyncadd.s32 $0xFFFFC000  }
0xcd: {  	[spmem:s2] =	stream.indirect.scatter.add.f32 [tilespmem:s16], [sflag:$0x3], $0x80, s20, s12, $0xb8;
	[tilespmem:$0x1EA00] =	vst v63  }
0xce: {  	_ =	swait.ge [sflag:s9], $0x4000  }
0xcf: {  	s21 =	sadd.s32 $0x1, s21;
	[sflag:s9] =	ssyncset.done $0x0  }
0xd0: {  	p0 =	sne.s32 s21, s8;
	[sflag:s9] =	ssyncadd.s32 $0xFFFFC000  }
.Ltmp1:
0xd1: {  	[bflag:$0x0] =	sbarrier.arrive $0xFFFF;
	(pc) =	sbr.rel @p0 .LBB2_1-.Ltmp1, $4  }
0xd2: {  	[hbm:s7], [sflag:s10] =	dma.local [spmem:s11], $0x2780  }
0xd3: {  	_ =	swait.ge [sflag:s9], $0x2780  }
0xd4: {  	[sflag:s9] =	ssyncset.done $0x0  }
0xd5: {  	[sflag:s9] =	ssyncadd.s32 $0xFFFFD880  }
0xd6: {  	_ =	sfence.sel $0x180000  }
0xd7: {  	[bflag:$0x0] =	sbarrier.arrive $0xFFFF  }
0xd8: {  	p0 =	sne.s32 s0, $0x0;
	_ =	strace $0x9000004D  }
0xd9: {  	s0 =	sadd.s32 @!p0 $0x100000, s1;
	[bflag:$0x2] =	sbarrier.arrive $0xFFFF  }
0xda: {  	[sflag:s0] =	ssyncadd.tile.s32 @!p0 $0x1;
	_ =	shalt  }
.Lfunc_end2:
_tile_overlayer_lowered:
.L_overlay_start_2:
0xdb: {  	(tag) =	ssettag $0x2  }
0xdc: {  	s0 =	rddreg [dreg:$0x0];
	s2 =	stileid.u32  }
0xdd: {  	s1 =	rddreg [dreg:$0x1];
	p0 =	sne.s32 s2, $0x0  }
0xde: {  	s3 =	rddreg [dreg:$0x2];
	[bflag:$0x3] =	sbarrier.arrive $0xFFFF;
	s2 =	simm.s32 @!p0 $0x1C03  }
0xdf: {  	[timem:s3], [sflag:s2] =	dma.local @!p0 [hbm:s0], s1  }
0xe0: {  	s0 =	simm.s32 @!p0 $0x3  }
0xe1: {  	_ =	swait.ge @!p0 [sflag:s0], s1  }
0xe2: {  	s1 =	ssub.s32 @!p0 $0x0, s1;
	[sflag:s0] =	ssyncset.done @!p0 $0x0  }
0xe3: {  	[sflag:s0] =	ssyncadd.s32 @!p0 s1  }
0xe4: {  	[bflag:$0x3] =	sbarrier.arrive $0xFFFF  }
0xe5: {  	_ =	shalt  }

// kernel: kernel.19.cloned.1.call-start
scs
__scs_entry_jumppad:
0x0: {  	(pc) =	sbr.rel $0x88, $3  }
0x1: {  	(tag) =	ssettag $0x0;
	lr =	simm.s32 $0x1  }
0x2: {  	[smem:$0x3F99] =	sst lr;
	_ =	strace $0xD0000000  }
0x3: {  	_ = 	snop  }
0x4: {  	_ = 	snop  }
0x5: {  	_ = 	snop  }
0x6: {  	_ = 	snop  }
0x7: {  	_ = 	snop  }
__scs_overlays_trampoline_lowered:
0x8: {  	[smem:$0x3FA8] =	sst s0  }
0x9: {  	[smem:$0x3FA9] =	sst s1  }
0xa: {  	[smem:$0x3FAA] =	sst s2  }
0xb: {  	[smem:$0x3FAB] =	sst s3  }
0xc: {  	[smem:$0x3FAC] =	sst s4  }
0xd: {  	[smem:$0x3FAD] =	sst s5  }
0xe: {  	[smem:$0x3FAE] =	sst s6  }
0xf: {  	[smem:$0x3FAF] =	sst s7  }
0x10: {  	[smem:$0x3FB0] =	sst s8  }
0x11: {  	[smem:$0x3FB1] =	sst s9;
	s0 =	simm.s32 @!p0 $0x0  }
0x12: {  	s1 =	sld [smem:$0x3F97];
	s0 =	simm.s32 @p0 $0x1  }
0x13: {  	[smem:$0x3FB2] =	sst s0;
	s0 =	simm.s32 @!p1 $0x0  }
0x14: {  	s2 =	sld [smem:$0x3F96];
	s0 =	simm.s32 @p1 $0x1  }
0x15: {  	[smem:$0x3FB3] =	sst s0;
	s0 =	simm.s32 @!p2 $0x0  }
0x16: {  	s3 =	sld [smem:$0x3FDB];
	s0 =	simm.s32 @p2 $0x1  }
0x17: {  	s4 =	simm.s32 $0x1BF5;
	[smem:$0x3FB5] =	sst s0  }
0x18: {  	s0 =	sld [smem:$0x3F98];
	_ =	swait.ge [sflag:s4], $0x0  }
0x19: {  	s7 =	sld [smem:$0x3F99]  }
0x1a: {  	s8 =	sadd.s32 $0xFFFFE003, lr  }
0x1b: {  	s9 =	sadd.s32 $0xFFFFFEF7, lr;
	s5 =	simm.s32 $0xFFFFFFFF;
	p2 =	slt.u32 s8, $0xFFFFF086  }
0x1c: {  	p1 =	slt.u32 s9, $0xF7A;
	s5 =	simm.s32 @!p2 $0x0  }
0x1d: {  	s5 =	simm.s32 @p1 $0x1;
	p0 =	seq.s32 s7, s2  }
0x1e: {  	s7 =	smul.u32 @!p0 $0xF7A, s2;
	p2 =	seq.s32 @!p0 s5, $0x0  }
0x1f: {  	s9 =	smul.u32 $0xF7A, s1;
	s8 =	simm.s32 @!p0 $0x1BF5;
	p2 =	por !p2, p0  }
0x20: {  	[sflag:s8] =	ssyncset.s32 @!p0 $0xFFFFF086;
	s6 =	sadd.s32 @!p0 s3, s7;
	s7 =	simm.s32 @!p0 $0x108  }
0x21: {  	s3 =	sadd.s32 s3, s9;
	s6 =	sadd.s32 @!p0 $0x88, s6;
	s7 =	simm.s32 @p2 $0x1082  }
0x22: {  	[simem:s7], [sflag:s8] =	dma.local @!p0 [hbm:s6], $0xF7A  }
0x23: {  	s9 =	sor.u32 $0xD0000000, s2;
	s6 =	simm.s32 $0x108;
	_ =	swait.ge @!p0 [sflag:s8], $0x0  }
0x24: {  	s3 =	sadd.s32 $0x88, s3;
	s6 =	simm.s32 @!p1 $0x1082;
	[sflag:s4] =	ssyncset.s32 $0xFFFFF086  }
0x25: {  	[simem:s6], [sflag:s4] =	dma.local [hbm:s3], $0xF7A  }
0x26: {  	[smem:$0x3F99] =	sst s1;
	(tag) =	ssettag s2;
	_ =	strace s9  }
0x27: {  	s1 =	sld [smem:$0x3FA9]  }
0x28: {  	s2 =	sld [smem:$0x3FAA]  }
0x29: {  	s4 =	sld [smem:$0x3FAC]  }
0x2a: {  	p0 =	seq.s32 s5, $0x0;
	s5 =	sld [smem:$0x3FAD]  }
0x2b: {  	s6 =	sld [smem:$0x3FAE]  }
0x2c: {  	s7 =	sld [smem:$0x3FAF]  }
0x2d: {  	s3 =	simm.s32 $0x108;
	s8 =	sld [smem:$0x3FB0]  }
0x2e: {  	s3 =	simm.s32 @!p0 $0x1082;
	s9 =	sld [smem:$0x3FB1]  }
0x2f: {  	lr =	sadd.s32 s0, s3;
	s0 =	sld [smem:$0x3FA8]  }
0x30: {  	s3 =	sld [smem:$0x3FAB]  }
0x31: {  	[smem:$0x3FB4] =	sst s10  }
0x32: {  	s10 =	sld [smem:$0x3FB2];
	_ =	sdelay $0x3  }
0x33: {  	p0 =	seq.s32 s10, $0x1;
	s10 =	sld [smem:$0x3FB4];
	_ =	sdelay $0x3  }
0x34: {  	[smem:$0x3FB4] =	sst s10  }
0x35: {  	s10 =	sld [smem:$0x3FB3];
	_ =	sdelay $0x3  }
0x36: {  	p1 =	seq.s32 s10, $0x1;
	s10 =	sld [smem:$0x3FB4];
	_ =	sdelay $0x3  }
0x37: {  	[smem:$0x3FB4] =	sst s10  }
0x38: {  	s10 =	sld [smem:$0x3FB5]  }
0x39: {  	_ = 	snop;
	(pc) =	sbr.ind lr, $3  }
0x3a: {  	_ = 	snop  }
0x3b: {  	_ = 	snop  }
0x3c: {  	p2 =	seq.s32 s10, $0x1;
	s10 =	sld [smem:$0x3FB4]  }
0x3d: {  	_ =	shalt  }
0x3e: {  	_ =	shalt  }
0x3f: {  	_ =	shalt  }
0x40: {  	_ =	shalt  }
0x41: {  	_ =	shalt  }
0x42: {  	_ =	shalt  }
0x43: {  	_ =	shalt  }
0x44: {  	_ =	shalt  }
0x45: {  	_ =	shalt  }
0x46: {  	_ =	shalt  }
0x47: {  	_ =	shalt  }
0x48: {  	_ =	shalt  }
0x49: {  	_ =	shalt  }
0x4a: {  	_ =	shalt  }
0x4b: {  	_ =	shalt  }
0x4c: {  	_ =	shalt  }
0x4d: {  	_ =	shalt  }
0x4e: {  	_ =	shalt  }
0x4f: {  	_ =	shalt  }
0x50: {  	_ =	shalt  }
0x51: {  	_ =	shalt  }
0x52: {  	_ =	shalt  }
0x53: {  	_ =	shalt  }
0x54: {  	_ =	shalt  }
0x55: {  	_ =	shalt  }
0x56: {  	_ =	shalt  }
0x57: {  	_ =	shalt  }
0x58: {  	_ =	shalt  }
0x59: {  	_ =	shalt  }
0x5a: {  	_ =	shalt  }
0x5b: {  	_ =	shalt  }
0x5c: {  	_ =	shalt  }
0x5d: {  	_ =	shalt  }
0x5e: {  	_ =	shalt  }
0x5f: {  	_ =	shalt  }
0x60: {  	_ =	shalt  }
0x61: {  	_ =	shalt  }
0x62: {  	_ =	shalt  }
0x63: {  	_ =	shalt  }
0x64: {  	_ =	shalt  }
0x65: {  	_ =	shalt  }
0x66: {  	_ =	shalt  }
0x67: {  	_ =	shalt  }
0x68: {  	_ =	shalt  }
0x69: {  	_ =	shalt  }
0x6a: {  	_ =	shalt  }
0x6b: {  	_ =	shalt  }
0x6c: {  	_ =	shalt  }
0x6d: {  	_ =	shalt  }
0x6e: {  	_ =	shalt  }
0x6f: {  	_ =	shalt  }
0x70: {  	_ =	shalt  }
0x71: {  	_ =	shalt  }
0x72: {  	_ =	shalt  }
0x73: {  	_ =	shalt  }
0x74: {  	_ =	shalt  }
0x75: {  	_ =	shalt  }
0x76: {  	_ =	shalt  }
0x77: {  	_ =	shalt  }
0x78: {  	_ =	shalt  }
0x79: {  	_ =	shalt  }
0x7a: {  	_ =	shalt  }
0x7b: {  	_ =	shalt  }
0x7c: {  	_ =	shalt  }
0x7d: {  	_ =	shalt  }
0x7e: {  	_ =	shalt  }
0x7f: {  	_ =	shalt  }
0x80: {  	_ =	shalt  }
0x81: {  	_ =	shalt  }
0x82: {  	_ =	shalt  }
0x83: {  	_ =	shalt  }
0x84: {  	_ =	shalt  }
0x85: {  	_ =	shalt  }
0x86: {  	_ =	shalt  }
0x87: {  	_ =	shalt  }
.Lfunc_end0:
.L_simem_size_0:
called_computation.3_lowered:
.L_overlay_start_0:
0x88: {  	s2 =	sld [smem:$0x3FD9]  }
0x89: {  	s3 =	sld [smem:$0x3FFE];
	_ =	sdelay $0x1  }
0x8a: {  	s1 =	srdreg.scid  }
0x8b: {  	s0 =	sand.u32 $0x1, s1  }
0x8c: {  	s16 =	sshll.u32 s0, $0xA;
	s2 =	sadd.s32 s3, s2  }
0x8d: {  	s2 =	sadd.s32 s2, s16  }
0x8e: {  	[smem:$0x3FC0] =	sst s2  }
0x8f: {  	_ = 	snop  }
0x90: {  	(tm) =	ssettm $0x1  }
0x91: {  	s17 =	sld [smem:$0x3FFB];
	_ =	sdelay $0x3  }
0x92: {  	_ =	strace s17  }
0x93: {  	s2 =	sld [smem:$0x3FFC];
	_ =	sdelay $0x3  }
0x94: {  	_ =	strace s2  }
0x95: {  	s2 =	sld [smem:$0x3FFD];
	_ =	sdelay $0x3  }
0x96: {  	_ =	strace s2  }
0x97: {  	_ =	strace $0x8FFFFFFF  }
0x98: {  	s18 =	sld [smem:$0x3FDB];
	_ =	sdelay $0x1  }
0x99: {  	s19 =	simm.s32 $_scs_section_size  }
0x9a: {  	s4 =	simm.s32 $_size__tile_overlayer_lowered;
	s5 =	simm.s32 $_tile_overlayer_lowered  }
0x9b: {  	s22 =	simm.s32 $0x1BFF;
	s21 =	sshll.u32 s5, $0x1;
	s2 =	sadd.s32 s19, s18  }
0x9c: {  	s6 =	simm.s32 $0x0;
	s20 =	sshll.u32 s4, $0x1;
	s4 =	sadd.s32 s21, s2  }
0x9d: {  	[timem:s6], [sflag:s22] =	dma.local [hbm:s4], s20  }
0x9e: {  	_ =	swait.ge [sflag:s22], s20  }
0x9f: {  	s3 =	ssub.s32 $0x0, s20;
	[sflag:s22] =	ssyncset.done $0x0  }
0xa0: {  	[sflag:s22] =	ssyncadd.s32 s3;
	_ =	sdelay $0x1  }
0xa1: {  	s23 =	simm.s32 $0x1B8B  }
0xa2: {  	_ =	swait.ge [sflag:s23], $0x1  }
0xa3: {  	[sflag:s23] =	ssyncset.done $0x0  }
0xa4: {  	s25 =	simm.s32 $0x1B8E;
	s24 =	sld [smem:$0x3FFE];
	[sflag:s23] =	ssyncadd.s32 $0xFFFFFFFF  }
0xa5: {  	s26 =	simm.s32 $execute0_lowered;
	[smem:$0x3FD2] =	sst s25  }
0xa6: {  	s4 =	sshll.u32 s26, $0x1;
	_ =	strace $0x8000004F;
	[dreg:$0x1] =	wrdreg $0xFFFFFFFF  }
0xa7: {  	s28 =	simm.s32 $_size_execute0_lowered;
	s2 =	sadd.s32 s2, s4;
	[dreg:$0x0] =	wrdreg $0x0  }
0xa8: {  	s4 =	sshll.u32 s28, $0x1;
	[dreg:$0x2] =	wrdreg s2  }
0xa9: {  	[dreg:$0x3] =	wrdreg s4  }
0xaa: {  	[dreg:$0x4] =	wrdreg $0xC0  }
0xab: {  	_ =	task [dreg:s6], $0x5FFFF  }
0xac: {  	[dreg:$0x1] =	wrdreg $0xFFFFFFFF  }
0xad: {  	[dreg:$0x0] =	wrdreg $0x60  }
0xae: {  	[dreg:$0x2] =	wrdreg s24  }
0xaf: {  	[dreg:$0x3] =	wrdreg $0xAE000  }
0xb0: {  	[dreg:$0x4] =	wrdreg $0x9  }
0xb1: {  	_ =	task.clear_ibuf [dreg:s6], $0x5FFFF;
	_ =	strace $0x9000004F  }
0xb2: {  	s29 =	simm.s32 $0x9;
	_ =	strace $0x80000051  }
0xb3: {  	_ =	swait.ge [sflag:s29], $0x1  }
0xb4: {  	[sflag:s29] =	ssyncadd.s32 $0xFFFFFFFF  }
0xb5: {  	_ =	strace $0x90000051  }
0xb6: {  	_ =	sfence  }
0xb7: {  	s30 =	sld [smem:$0x0];
	_ =	sdelay $0x2  }
0xb8: {  	s31 =	sshll.u32 s1, $0xD;
	s1 =	sshrl.u32 s1, $0x2  }
0xb9: {  	s3 =	sand.u32 $0x4000, s31;
	s1 =	sadd.s32 s1, s30  }
0xba: {  	s0 =	sor.u32 s3, s0;
	s1 =	sshll.u32 s1, $0x11  }
0xbb: {  	s0 =	sor.u32 s1, s0  }
0xbc: {  	s0 =	sadd.s32 $0x8F2B, s0  }
0xbd: {  	[sflag:s0] =	ssyncadd.remote.s32 $0x1  }
0xbe: {  	_ =	sfence.sel $0xFFFF  }
0xbf: {  	[dreg:$0x0] =	wrdreg $0xFFFFFFFF;
	(pc) =	sbr.abs _section_cstart, $3  }
0xc0: {  	[dreg:$0x1] =	wrdreg $0xFFFFFFFF  }
0xc1: {  	_ =	task.clear_ibuf [dreg:s6], $0x2FFFF;
	_ =	strace $0x9FFFFFFF  }
0xc2: {  	(tm) =	ssettm $0x7FFFFFFF  }
0xc3: {  	_ =	shalt  }
tec
execute0_lowered:
.L_overlay_start_1:
0x0: {  	(tag) =	ssettag $0x1  }
0x1: {  	s6 =	rddreg [dreg:$0x0]  }
0x2: {  	s0 =	srdreg.scid;
	s2 =	rddreg [dreg:$0x1]  }
0x3: {  	s3 =	simm.s32 $0x0;
	s13 =	simm.s32 $0x2C00;
	s14 =	simm.s32 $0x2E00  }
0x4: {  	s15 =	simm.s32 $0x2C80;
	s16 =	simm.s32 $0x6E00;
	s17 =	simm.s32 $0x1  }
0x5: {  	s18 =	simm.s32 $0x2D00;
	s19 =	simm.s32 $0x2;
	s20 =	simm.s32 $0x2D80  }
0x6: {  	s21 =	simm.s32 $0x0;
	s5 =	sand.u32 $0x1, s0;
	s0 =	stileid.u32  }
0x7: {  	[smem:$0x7FF] =	sst s3;
	s4 =	sadd.s32 $0x3200, s6;
	s8 =	smul.u32 $0x13C00, s0  }
0x8: {  	s1 =	sshll.u32 s5, $0x4;
	s9 =	smul.u32 $0x13C000, s5;
	s5 =	ssub.s32 $0x2, s5  }
0x9: {  	s28 =	smul.u32 $0x4F000, s0;
	s31 =	sshll.u32 s0, $0x6;
	s1 =	sor.u32 s0, s1  }
0xa: {  	s29 =	sshrl.u32 s5, $0x1;
	s7 =	smul.u32 $0x580, s1;
	s1 =	rddreg [dreg:$0x2]  }
0xb: {  	_ =	strace $0x80000050;
	s10 =	sshrl.u32 s8, $0x3;
	s8 =	sadd.s32 s8, s9  }
0xc: {  	s11 =	ssub.s32 s5, s29;
	s30 =	sshrl.u32 s28, $0x2;
	s9 =	simm.s32 $0x3  }
0xd: {  	s8 =	sshrl.u32 s8, $0x3;
	s10 =	sadd.s32 s10, s6;
	s12 =	sadd.s32 s30, s2  }
0xe: {  	s7 =	sadd.s32 s7, s6;
	s8 =	sadd.s32 s8, s6;
	s6 =	sadd.s32 $0x2A400, s10  }
0xf: {  	s10 =	sor.u32 $0x1C03, s31;
	s5 =	sadd.s32 $0x7A200, s7;
	s7 =	sadd.s32 $0x85200, s8  }
0x10: {  	s8 =	smax.u32 s11, $0x1;
	s11 =	sshrl.u32 s12, $0x3;
	s12 =	simm.s32 $0x80  }
.LBB2_1:
0x11: {  	[tilespmem:s3], [sflag:$0x3] =	stream.linear.gather [hbm4b:s5+s3], $0x2900, $0x38;
	[tilespmem:$0x1EA00] =	vst v63  }
0x12: {  	_ =	swait.ge [sflag:s9], $0x2900  }
0x13: {  	[sflag:s9] =	ssyncset.done $0x0  }
0x14: {  	[sflag:s9] =	ssyncadd.s32 $0xFFFFD700  }
0x15: {  	[spmem:s11], [sflag:s10] =	dma.local [hbm:s6], $0x2780  }
0x16: {  	_ =	swait.ge [sflag:s9], $0x2780  }
0x17: {  	[sflag:s9] =	ssyncset.done $0x0  }
0x18: {  	[sflag:s9] =	ssyncadd.s32 $0xFFFFD880  }
0x19: {  	[bflag:$0x0] =	sbarrier.arrive $0xFFFF  }
0x1a: {  	v0 =	vld [tilespmem:$0x0];
	_ =	sdelay $0x1  }
0x1b: {  	v1 =	vld [tilespmem:$0x10];
	_ =	sdelay $0x1  }
0x1c: {  	v2 =	vld [tilespmem:$0x20]  }
0x1d: {  	v3 =	vand.u32 $0xFFFF, v0  }
0x1e: {  	v0 =	vshrl.u32 v0, $0x10;
	[tilespmem:$0x2C00] =	vst v3;
	v3 =	vld [tilespmem:$0x30]  }
0x1f: {  	[tilespmem:$0x2D00] =	vst v0;
	v0 =	vand.u32 $0xFFFF, v1  }
0x20: {  	[tilespmem:$0x2C10] =	vst v0;
	v0 =	vshrl.u32 v1, $0x10;
	v1 =	vld [tilespmem:$0x40]  }
0x21: {  	[tilespmem:$0x2D10] =	vst v0;
	v0 =	vand.u32 $0xFFFF, v2  }
0x22: {  	[tilespmem:$0x2C20] =	vst v0;
	v0 =	vshrl.u32 v2, $0x10;
	v2 =	vld [tilespmem:$0x50]  }
0x23: {  	[tilespmem:$0x2D20] =	vst v0;
	v0 =	vand.u32 $0xFFFF, v3  }
0x24: {  	[tilespmem:$0x2C30] =	vst v0;
	v0 =	vshrl.u32 v3, $0x10;
	v3 =	vld [tilespmem:$0x60]  }
0x25: {  	[tilespmem:$0x2D30] =	vst v0;
	v0 =	vand.u32 $0xFFFF, v1  }
0x26: {  	[tilespmem:$0x2C40] =	vst v0;
	v0 =	vshrl.u32 v1, $0x10;
	v1 =	vld [tilespmem:$0x70]  }
0x27: {  	[tilespmem:$0x2D40] =	vst v0;
	v0 =	vand.u32 $0xFFFF, v2  }
0x28: {  	[tilespmem:$0x2C50] =	vst v0;
	v0 =	vshrl.u32 v2, $0x10  }
0x29: {  	[tilespmem:$0x2D50] =	vst v0;
	v0 =	vand.u32 $0xFFFF, v3  }
0x2a: {  	[tilespmem:$0x2C60] =	vst v0;
	v0 =	vshrl.u32 v3, $0x10  }
0x2b: {  	[tilespmem:$0x2D60] =	vst v0;
	v0 =	vand.u32 $0xFFFF, v1  }
0x2c: {  	[tilespmem:$0x2C70] =	vst v0;
	v0 =	vshrl.u32 v1, $0x10  }
0x2d: {  	s22 =	simm.s32 $0x0;
	[tilespmem:$0x2D70] =	vst v0  }
0x2e: {  	[tilespmem:s14], [sflag:$0x1] =	stream.indirect.gather [hbm4b:s4+s12], $0x80, s13, s12, $0xb8;
	[tilespmem:$0x1EA00] =	vst v63  }
0x2f: {  	v0 =	vld [tilespmem:s22+$0x80];
	_ =	sdelay $0x4  }
0x30: {  	v1 =	vand.u32 $0xFFFF, v0  }
0x31: {  	v0 =	vshrl.u32 v0, $0x10;
	[tilespmem:$0x2C80] =	vst v1  }
0x32: {  	[tilespmem:$0x2D80] =	vst v0  }
0x33: {  	v0 =	vld [tilespmem:s22+$0x90];
	_ =	sdelay $0x4  }
0x34: {  	v1 =	vand.u32 $0xFFFF, v0  }
0x35: {  	v0 =	vshrl.u32 v0, $0x10;
	[tilespmem:$0x2C90] =	vst v1  }
0x36: {  	[tilespmem:$0x2D90] =	vst v0  }
0x37: {  	v0 =	vld [tilespmem:s22+$0xA0];
	_ =	sdelay $0x4  }
0x38: {  	v1 =	vand.u32 $0xFFFF, v0  }
0x39: {  	v0 =	vshrl.u32 v0, $0x10;
	[tilespmem:$0x2CA0] =	vst v1  }
0x3a: {  	[tilespmem:$0x2DA0] =	vst v0  }
0x3b: {  	v0 =	vld [tilespmem:s22+$0xB0];
	_ =	sdelay $0x4  }
0x3c: {  	v1 =	vand.u32 $0xFFFF, v0  }
0x3d: {  	v0 =	vshrl.u32 v0, $0x10;
	[tilespmem:$0x2CB0] =	vst v1  }
0x3e: {  	[tilespmem:$0x2DB0] =	vst v0  }
0x3f: {  	v0 =	vld [tilespmem:s22+$0xC0];
	_ =	sdelay $0x4  }
0x40: {  	v1 =	vand.u32 $0xFFFF, v0  }
0x41: {  	v0 =	vshrl.u32 v0, $0x10;
	[tilespmem:$0x2CC0] =	vst v1  }
0x42: {  	[tilespmem:$0x2DC0] =	vst v0  }
0x43: {  	v0 =	vld [tilespmem:s22+$0xD0];
	_ =	sdelay $0x4  }
0x44: {  	v1 =	vand.u32 $0xFFFF, v0  }
0x45: {  	v0 =	vshrl.u32 v0, $0x10;
	[tilespmem:$0x2CD0] =	vst v1  }
0x46: {  	[tilespmem:$0x2DD0] =	vst v0  }
0x47: {  	v0 =	vld [tilespmem:s22+$0xE0];
	_ =	sdelay $0x4  }
0x48: {  	v1 =	vand.u32 $0xFFFF, v0  }
0x49: {  	v0 =	vshrl.u32 v0, $0x10;
	[tilespmem:$0x2CE0] =	vst v1  }
0x4a: {  	[tilespmem:$0x2DE0] =	vst v0  }
0x4b: {  	v0 =	vld [tilespmem:s22+$0xF0];
	_ =	sdelay $0x4  }
0x4c: {  	v1 =	vand.u32 $0xFFFF, v0  }
0x4d: {  	v0 =	vshrl.u32 v0, $0x10;
	[tilespmem:$0x2CF0] =	vst v1  }
0x4e: {  	[tilespmem:$0x2DF0] =	vst v0  }
0x4f: {  	[tilespmem:s16], [sflag:$0x2] =	stream.indirect.gather [hbm4b:s4+s12], $0x80, s15, s12, $0xb8;
	[tilespmem:$0x1EA00] =	vst v63  }
0x50: {  	_ =	swait.ge [sflag:s17], $0x4000  }
0x51: {  	[sflag:s17] =	ssyncset.done $0x0  }
0x52: {  	[sflag:s17] =	ssyncadd.s32 $0xFFFFC000  }
0x53: {  	[spmem:s2] =	stream.indirect.scatter.add.f32 [tilespmem:s14], [sflag:$0x3], $0x80, s18, s12, $0xb8;
	[tilespmem:$0x1EA00] =	vst v63  }
0x54: {  	_ =	swait.ge [sflag:s9], $0x4000  }
0x55: {  	p1 =	por $0x0, $0x0;
	[sflag:s9] =	ssyncset.done $0x0  }
0x56: {  	s23 =	simm.s32 @!p1 $0x0;
	[sflag:s9] =	ssyncadd.s32 $0xFFFFC000  }
0x57: {  	v0 =	vld @!p1 [tilespmem:s23+$0x100];
	_ =	sdelay $0x4  }
0x58: {  	v1 =	vand.u32 @!p1 $0xFFFF, v0  }
0x59: {  	v0 =	vshrl.u32 @!p1 v0, $0x10;
	[tilespmem:$0x2C00] =	vst @!p1 v1  }
0x5a: {  	[tilespmem:$0x2D00] =	vst @!p1 v0  }
0x5b: {  	v0 =	vld @!p1 [tilespmem:s23+$0x110];
	_ =	sdelay $0x4  }
0x5c: {  	v1 =	vand.u32 @!p1 $0xFFFF, v0  }
0x5d: {  	v0 =	vshrl.u32 @!p1 v0, $0x10;
	[tilespmem:$0x2C10] =	vst @!p1 v1  }
0x5e: {  	[tilespmem:$0x2D10] =	vst @!p1 v0  }
0x5f: {  	v0 =	vld @!p1 [tilespmem:s23+$0x120];
	_ =	sdelay $0x4  }
0x60: {  	v1 =	vand.u32 @!p1 $0xFFFF, v0  }
0x61: {  	v0 =	vshrl.u32 @!p1 v0, $0x10;
	[tilespmem:$0x2C20] =	vst @!p1 v1  }
0x62: {  	[tilespmem:$0x2D20] =	vst @!p1 v0  }
0x63: {  	v0 =	vld @!p1 [tilespmem:s23+$0x130];
	_ =	sdelay $0x4  }
0x64: {  	v1 =	vand.u32 @!p1 $0xFFFF, v0  }
0x65: {  	v0 =	vshrl.u32 @!p1 v0, $0x10;
	[tilespmem:$0x2C30] =	vst @!p1 v1  }
0x66: {  	[tilespmem:$0x2D30] =	vst @!p1 v0  }
0x67: {  	v0 =	vld @!p1 [tilespmem:s23+$0x140];
	_ =	sdelay $0x4  }
0x68: {  	v1 =	vand.u32 @!p1 $0xFFFF, v0  }
0x69: {  	v0 =	vshrl.u32 @!p1 v0, $0x10;
	[tilespmem:$0x2C40] =	vst @!p1 v1  }
0x6a: {  	[tilespmem:$0x2D40] =	vst @!p1 v0  }
0x6b: {  	v0 =	vld @!p1 [tilespmem:s23+$0x150];
	_ =	sdelay $0x4  }
0x6c: {  	v1 =	vand.u32 @!p1 $0xFFFF, v0  }
0x6d: {  	v0 =	vshrl.u32 @!p1 v0, $0x10;
	[tilespmem:$0x2C50] =	vst @!p1 v1  }
0x6e: {  	[tilespmem:$0x2D50] =	vst @!p1 v0  }
0x6f: {  	v0 =	vld @!p1 [tilespmem:s23+$0x160];
	_ =	sdelay $0x4  }
0x70: {  	s25 =	simm.s32 @!p1 $0x80;
	v1 =	vand.u32 @!p1 $0xFFFF, v0  }
0x71: {  	s26 =	simm.s32 @!p1 $0x2C00;
	s28 =	simm.s32 @!p1 $0x2E00;
	s22 =	simm.s32 $0x400;
	v0 =	vshrl.u32 @!p1 v0, $0x10;
	[tilespmem:$0x2C60] =	vst @!p1 v1  }
.LBB2_2:
0x72: {  	[tilespmem:$0x2D60] =	vst @!p1 v0;
	s24 =	smov.u32 s22;
	s22 =	sadd.s32 $0x400, s22  }
0x73: {  	p0 =	sne.s32 s22, $0xA400;
	v0 =	vld @!p1 [tilespmem:s23+$0x170];
	_ =	sdelay $0x4  }
0x74: {  	v1 =	vand.u32 @!p1 $0xFFFF, v0;
	v0 =	vshrl.u32 @!p1 v0, $0x10  }
0x75: {  	[tilespmem:$0x2C70] =	vst @!p1 v1  }
0x76: {  	[tilespmem:$0x2D70] =	vst @!p1 v0  }
0x77: {  	[tilespmem:s28], [sflag:$0x1] =	stream.indirect.gather @!p1 [hbm4b:s4+s25], $0x80, s26, s25, $0xb8;
	[tilespmem:$0x1EA00] =	vst v63  }
0x78: {  	_ =	swait.ge [sflag:s19], $0x4000  }
0x79: {  	[sflag:s19] =	ssyncset.done $0x0  }
0x7a: {  	[sflag:s19] =	ssyncadd.s32 $0xFFFFC000  }
0x7b: {  	[spmem:s2] =	stream.indirect.scatter.add.f32 [tilespmem:s16], [sflag:$0x3], $0x80, s20, s12, $0xb8;
	[tilespmem:$0x1EA00] =	vst v63  }
0x7c: {  	_ =	swait.ge [sflag:s9], $0x4000  }
0x7d: {  	[sflag:s9] =	ssyncset.done $0x0  }
0x7e: {  	s23 =	sshra.s32 s24, $0x2;
	[sflag:s9] =	ssyncadd.s32 $0xFFFFC000  }
0x7f: {  	v0 =	vld [tilespmem:s23+$0x80];
	_ =	sdelay $0x4  }
0x80: {  	v1 =	vand.u32 $0xFFFF, v0;
	v0 =	vshrl.u32 v0, $0x10  }
0x81: {  	[tilespmem:$0x2C80] =	vst v1  }
0x82: {  	[tilespmem:$0x2D80] =	vst v0  }
0x83: {  	v0 =	vld [tilespmem:s23+$0x90];
	_ =	sdelay $0x4  }
0x84: {  	v1 =	vand.u32 $0xFFFF, v0;
	v0 =	vshrl.u32 v0, $0x10  }
0x85: {  	[tilespmem:$0x2C90] =	vst v1  }
0x86: {  	[tilespmem:$0x2D90] =	vst v0  }
0x87: {  	v0 =	vld [tilespmem:s23+$0xA0];
	_ =	sdelay $0x4  }
0x88: {  	v1 =	vand.u32 $0xFFFF, v0;
	v0 =	vshrl.u32 v0, $0x10  }
0x89: {  	[tilespmem:$0x2CA0] =	vst v1  }
0x8a: {  	[tilespmem:$0x2DA0] =	vst v0  }
0x8b: {  	v0 =	vld [tilespmem:s23+$0xB0];
	_ =	sdelay $0x4  }
0x8c: {  	v1 =	vand.u32 $0xFFFF, v0;
	v0 =	vshrl.u32 v0, $0x10  }
0x8d: {  	[tilespmem:$0x2CB0] =	vst v1  }
0x8e: {  	[tilespmem:$0x2DB0] =	vst v0  }
0x8f: {  	v0 =	vld [tilespmem:s23+$0xC0];
	_ =	sdelay $0x4  }
0x90: {  	v1 =	vand.u32 $0xFFFF, v0;
	v0 =	vshrl.u32 v0, $0x10  }
0x91: {  	[tilespmem:$0x2CC0] =	vst v1  }
0x92: {  	[tilespmem:$0x2DC0] =	vst v0  }
0x93: {  	v0 =	vld [tilespmem:s23+$0xD0];
	_ =	sdelay $0x4  }
0x94: {  	v1 =	vand.u32 $0xFFFF, v0;
	v0 =	vshrl.u32 v0, $0x10  }
0x95: {  	[tilespmem:$0x2CD0] =	vst v1  }
0x96: {  	[tilespmem:$0x2DD0] =	vst v0  }
0x97: {  	v0 =	vld [tilespmem:s23+$0xE0];
	_ =	sdelay $0x4  }
0x98: {  	v1 =	vand.u32 $0xFFFF, v0;
	v0 =	vshrl.u32 v0, $0x10  }
0x99: {  	[tilespmem:$0x2CE0] =	vst v1  }
0x9a: {  	[tilespmem:$0x2DE0] =	vst v0  }
0x9b: {  	v0 =	vld [tilespmem:s23+$0xF0];
	_ =	sdelay $0x4  }
0x9c: {  	v1 =	vand.u32 $0xFFFF, v0;
	v0 =	vshrl.u32 v0, $0x10  }
0x9d: {  	p1 =	seq.s32 s24, $0xA000;
	[tilespmem:$0x2CF0] =	vst v1  }
0x9e: {  	s23 =	sshra.s32 @!p1 s24, $0x2;
	[tilespmem:$0x2DF0] =	vst v0  }
0x9f: {  	[tilespmem:s16], [sflag:$0x2] =	stream.indirect.gather [hbm4b:s4+s12], $0x80, s15, s12, $0xb8;
	[tilespmem:$0x1EA00] =	vst v63  }
0xa0: {  	_ =	swait.ge [sflag:s17], $0x4000  }
0xa1: {  	[sflag:s17] =	ssyncset.done $0x0  }
0xa2: {  	[sflag:s17] =	ssyncadd.s32 $0xFFFFC000  }
0xa3: {  	[spmem:s2] =	stream.indirect.scatter.add.f32 [tilespmem:s14], [sflag:$0x3], $0x80, s18, s12, $0xb8;
	[tilespmem:$0x1EA00] =	vst v63  }
0xa4: {  	_ =	swait.ge [sflag:s9], $0x4000  }
0xa5: {  	[sflag:s9] =	ssyncset.done $0x0  }
0xa6: {  	[sflag:s9] =	ssyncadd.s32 $0xFFFFC000  }
0xa7: {  	v0 =	vld @!p1 [tilespmem:s23+$0x100];
	_ =	sdelay $0x4  }
0xa8: {  	v1 =	vand.u32 @!p1 $0xFFFF, v0;
	v0 =	vshrl.u32 @!p1 v0, $0x10  }
0xa9: {  	[tilespmem:$0x2C00] =	vst @!p1 v1  }
0xaa: {  	[tilespmem:$0x2D00] =	vst @!p1 v0  }
0xab: {  	v0 =	vld @!p1 [tilespmem:s23+$0x110];
	_ =	sdelay $0x4  }
0xac: {  	v1 =	vand.u32 @!p1 $0xFFFF, v0;
	v0 =	vshrl.u32 @!p1 v0, $0x10  }
0xad: {  	[tilespmem:$0x2C10] =	vst @!p1 v1  }
0xae: {  	[tilespmem:$0x2D10] =	vst @!p1 v0  }
0xaf: {  	v0 =	vld @!p1 [tilespmem:s23+$0x120];
	_ =	sdelay $0x4  }
0xb0: {  	v1 =	vand.u32 @!p1 $0xFFFF, v0;
	v0 =	vshrl.u32 @!p1 v0, $0x10  }
0xb1: {  	[tilespmem:$0x2C20] =	vst @!p1 v1  }
0xb2: {  	[tilespmem:$0x2D20] =	vst @!p1 v0  }
0xb3: {  	v0 =	vld @!p1 [tilespmem:s23+$0x130];
	_ =	sdelay $0x4  }
0xb4: {  	v1 =	vand.u32 @!p1 $0xFFFF, v0;
	v0 =	vshrl.u32 @!p1 v0, $0x10  }
0xb5: {  	[tilespmem:$0x2C30] =	vst @!p1 v1  }
0xb6: {  	[tilespmem:$0x2D30] =	vst @!p1 v0  }
0xb7: {  	v0 =	vld @!p1 [tilespmem:s23+$0x140];
	_ =	sdelay $0x4  }
0xb8: {  	v1 =	vand.u32 @!p1 $0xFFFF, v0;
	v0 =	vshrl.u32 @!p1 v0, $0x10  }
0xb9: {  	[tilespmem:$0x2C40] =	vst @!p1 v1  }
0xba: {  	[tilespmem:$0x2D40] =	vst @!p1 v0  }
0xbb: {  	v0 =	vld @!p1 [tilespmem:s23+$0x150];
	_ =	sdelay $0x4  }
0xbc: {  	v1 =	vand.u32 @!p1 $0xFFFF, v0;
	v0 =	vshrl.u32 @!p1 v0, $0x10  }
0xbd: {  	[tilespmem:$0x2C50] =	vst @!p1 v1  }
0xbe: {  	s25 =	simm.s32 @!p1 $0x80;
	s26 =	simm.s32 @!p1 $0x2C00;
	s28 =	simm.s32 @!p1 $0x2E00;
	[tilespmem:$0x2D50] =	vst @!p1 v0  }
0xbf: {  	v0 =	vld @!p1 [tilespmem:s23+$0x160];
	_ =	sdelay $0x1  }
.Ltmp0:
0xc0: {  	(pc) =	sbr.rel @p0 .LBB2_2-.Ltmp0, $3  }
0xc1: {  	_ =	sdelay $0x1  }
0xc2: {  	v1 =	vand.u32 @!p1 $0xFFFF, v0;
	v0 =	vshrl.u32 @!p1 v0, $0x10  }
0xc3: {  	[tilespmem:$0x2C60] =	vst @!p1 v1  }
0xc4: {  	[tilespmem:$0x2D60] =	vst @!p1 v0  }
0xc5: {  	v0 =	vld @!p1 [tilespmem:s23+$0x170];
	_ =	sdelay $0x4  }
0xc6: {  	v1 =	vand.u32 @!p1 $0xFFFF, v0  }
0xc7: {  	v0 =	vshrl.u32 @!p1 v0, $0x10;
	[tilespmem:$0x2C70] =	vst @!p1 v1  }
0xc8: {  	[tilespmem:$0x2D70] =	vst @!p1 v0  }
0xc9: {  	[tilespmem:s28], [sflag:$0x1] =	stream.indirect.gather @!p1 [hbm4b:s4+s25], $0x80, s26, s25, $0xb8;
	[tilespmem:$0x1EA00] =	vst v63  }
0xca: {  	_ =	swait.ge [sflag:s19], $0x4000  }
0xcb: {  	[sflag:s19] =	ssyncset.done $0x0  }
0xcc: {  	[sflag:s19] =	ssyncadd.s32 $0xFFFFC000  }
0xcd: {  	[spmem:s2] =	stream.indirect.scatter.add.f32 [tilespmem:s16], [sflag:$0x3], $0x80, s20, s12, $0xb8;
	[tilespmem:$0x1EA00] =	vst v63  }
0xce: {  	_ =	swait.ge [sflag:s9], $0x4000  }
0xcf: {  	s21 =	sadd.s32 $0x1, s21;
	[sflag:s9] =	ssyncset.done $0x0  }
0xd0: {  	p0 =	sne.s32 s21, s8;
	[sflag:s9] =	ssyncadd.s32 $0xFFFFC000  }
.Ltmp1:
0xd1: {  	[bflag:$0x0] =	sbarrier.arrive $0xFFFF;
	(pc) =	sbr.rel @p0 .LBB2_1-.Ltmp1, $4  }
0xd2: {  	[hbm:s7], [sflag:s10] =	dma.local [spmem:s11], $0x2780  }
0xd3: {  	_ =	swait.ge [sflag:s9], $0x2780  }
0xd4: {  	[sflag:s9] =	ssyncset.done $0x0  }
0xd5: {  	[sflag:s9] =	ssyncadd.s32 $0xFFFFD880  }
0xd6: {  	_ =	sfence.sel $0x180000  }
0xd7: {  	[bflag:$0x0] =	sbarrier.arrive $0xFFFF  }
0xd8: {  	p0 =	sne.s32 s0, $0x0;
	_ =	strace $0x90000050  }
0xd9: {  	s0 =	sadd.s32 @!p0 $0x100000, s1;
	[bflag:$0x2] =	sbarrier.arrive $0xFFFF  }
0xda: {  	[sflag:s0] =	ssyncadd.tile.s32 @!p0 $0x1;
	_ =	shalt  }
.Lfunc_end2:
_tile_overlayer_lowered:
.L_overlay_start_2:
0xdb: {  	(tag) =	ssettag $0x2  }
0xdc: {  	s0 =	rddreg [dreg:$0x0];
	s2 =	stileid.u32  }
0xdd: {  	s1 =	rddreg [dreg:$0x1];
	p0 =	sne.s32 s2, $0x0  }
0xde: {  	s3 =	rddreg [dreg:$0x2];
	[bflag:$0x3] =	sbarrier.arrive $0xFFFF;
	s2 =	simm.s32 @!p0 $0x1C03  }
0xdf: {  	[timem:s3], [sflag:s2] =	dma.local @!p0 [hbm:s0], s1  }
0xe0: {  	s0 =	simm.s32 @!p0 $0x3  }
0xe1: {  	_ =	swait.ge @!p0 [sflag:s0], s1  }
0xe2: {  	s1 =	ssub.s32 @!p0 $0x0, s1;
	[sflag:s0] =	ssyncset.done @!p0 $0x0  }
0xe3: {  	[sflag:s0] =	ssyncadd.s32 @!p0 s1  }
0xe4: {  	[bflag:$0x3] =	sbarrier.arrive $0xFFFF  }
0xe5: {  	_ =	shalt  }

</sc_bundles>
